<compile_context>
chip_gen: v7x
topology: tpu7x:2x2x1
jax: 0.10.2.dev20260603
libtpu: 0.0.44.dev20260713+nightly
codegen_flags: <defaults>
</compile_context>

<pallas_src>
import functools

import jax
import jax.numpy as jnp
from jax import lax
from jax.experimental import pallas as pl
from jax.experimental.pallas import tpu as pltpu
from jax.experimental.pallas import tpu_sc as plsc

N = 10000
D = 128
E = 320000
NC, NS = 2, 16
NW = NC * NS
EPW = E // NW
CHUNK = 80
NCHUNK = EPW // CHUNK
NT = N // CHUNK
DW = 16




@functools.lru_cache(maxsize=None)
def _sc_kernels():
    mesh = plsc.VectorSubcoreMesh(core_axis_name="c", subcore_axis_name="s")

    @functools.partial(
        pl.kernel, mesh=mesh,
        out_type=(jax.ShapeDtypeStruct((N, DW), jnp.float32),
                  jax.ShapeDtypeStruct((N, DW), jnp.float32)),
        scratch_types=[pltpu.VMEM((NCHUNK, CHUNK), jnp.int32),
                       pltpu.VMEM((CHUNK, DW), jnp.float32),
                       pltpu.VMEM((CHUNK, DW), jnp.float32),
                       pltpu.VMEM_SHARED((N, DW), jnp.float32)],
    )
    def deg_kernel(dst_hbm, out0, out1, idx_v, ones_v, zbuf, acc_sh):
        c = lax.axis_index("c")
        s = lax.axis_index("s")
        wid = c * NS + s

        def _fill(r, _):
            ones_v[r, pl.ds(0, 16)] = jnp.full((16,), 1.0, jnp.float32)
            zbuf[r, pl.ds(0, 16)] = jnp.zeros((16,), jnp.float32)
            return 0
        lax.fori_loop(0, CHUNK, _fill, 0)

        for k in range((NT + NS - 1) // NS):
            t = s + NS * k

            @pl.when(t < NT)
            def _():
                pltpu.sync_copy(zbuf, acc_sh.at[pl.ds(t * CHUNK, CHUNK)])
        pltpu.sync_copy(dst_hbm.at[wid], idx_v)
        plsc.subcore_barrier()

        def _body(i, _):
            pltpu.sync_copy(ones_v, acc_sh.at[idx_v.at[i]], add=True)
            return 0
        lax.fori_loop(0, NCHUNK, _body, 0)
        plsc.subcore_barrier()

        for k in range((NT + NS - 1) // NS):
            t = s + NS * k

            @pl.when((t < NT) & (c == 0))
            def _():
                pltpu.sync_copy(acc_sh.at[pl.ds(t * CHUNK, CHUNK)],
                                out0.at[pl.ds(t * CHUNK, CHUNK)])

            @pl.when((t < NT) & (c == 1))
            def _():
                pltpu.sync_copy(acc_sh.at[pl.ds(t * CHUNK, CHUNK)],
                                out1.at[pl.ds(t * CHUNK, CHUNK)])

    @functools.partial(
        pl.kernel, mesh=mesh,
        out_type=(jax.ShapeDtypeStruct((N, D), jnp.float32),
                  jax.ShapeDtypeStruct((N, D), jnp.float32)),
        scratch_types=[pltpu.VMEM((NCHUNK, CHUNK), jnp.int32),
                       pltpu.VMEM((NCHUNK, CHUNK), jnp.int32),
                       pltpu.VMEM((CHUNK, D), jnp.float32),
                       pltpu.VMEM_SHARED((N, D), jnp.float32),
                       pltpu.SemaphoreType.DMA],
    )
    def agg_kernel(src_hbm, dst_hbm, y_hbm, out0, out1,
                   sidx, didx, rows0, acc_sh, sem0):
        c = lax.axis_index("c")
        s = lax.axis_index("s")
        wid = c * NS + s

        def _fill(r, _):
            for k in range(D // 16):
                rows0[r, pl.ds(k * 16, 16)] = jnp.zeros((16,), jnp.float32)
            return 0
        lax.fori_loop(0, CHUNK, _fill, 0)

        for k in range((NT + NS - 1) // NS):
            t = s + NS * k

            @pl.when(t < NT)
            def _():
                pltpu.sync_copy(rows0, acc_sh.at[pl.ds(t * CHUNK, CHUNK)])
        plsc.subcore_barrier()

        pltpu.sync_copy(src_hbm.at[wid], sidx)
        pltpu.sync_copy(dst_hbm.at[wid], didx)

        def _chunk(j, _):
            pltpu.async_copy(y_hbm.at[sidx.at[j]], rows0, sem0).wait()
            pltpu.sync_copy(rows0, acc_sh.at[didx.at[j]], add=True)
            return 0
        lax.fori_loop(0, NCHUNK, _chunk, 0)
        plsc.subcore_barrier()

        for k in range((NT + NS - 1) // NS):
            t = s + NS * k

            @pl.when((t < NT) & (c == 0))
            def _():
                pltpu.sync_copy(acc_sh.at[pl.ds(t * CHUNK, CHUNK)],
                                out0.at[pl.ds(t * CHUNK, CHUNK)])

            @pl.when((t < NT) & (c == 1))
            def _():
                pltpu.sync_copy(acc_sh.at[pl.ds(t * CHUNK, CHUNK)],
                                out1.at[pl.ds(t * CHUNK, CHUNK)])

    return deg_kernel, agg_kernel



BLK = 1000


def _elu(v):
    return jnp.where(v > 0, v, jnp.exp(v) - 1.0)


def _prep0_body(x_ref, w_ref, d0_ref, d1_ref, dis_ref, y_ref):
    deg = 1.0 + d0_ref[:, :1] + d1_ref[:, :1]
    dis = lax.rsqrt(deg)
    xw = jnp.dot(x_ref[...], w_ref[...], preferred_element_type=jnp.float32)
    dis_ref[...] = jnp.broadcast_to(dis, (BLK, D))
    y_ref[...] = dis * xw


def _prep_body(a0_ref, a1_ref, y_ref, dis_ref, h_ref, b_ref, w_ref,
               h_out, y_out):
    dis = dis_ref[...]
    conv = dis * (a0_ref[...] + a1_ref[...] + y_ref[...]) + b_ref[...]
    h = _elu(conv) + h_ref[...]
    h_out[...] = h
    y_out[...] = dis * jnp.dot(h, w_ref[...], preferred_element_type=jnp.float32)


def _final_body(a0_ref, a1_ref, y_ref, dis_ref, h_ref, b_ref,
                x_ref, h1_ref, wl_ref, bl_ref, out_ref):
    conv = dis_ref[...] * (a0_ref[...] + a1_ref[...] + y_ref[...]) + b_ref[...]
    h3 = _elu(conv) + h_ref[...]
    acc = jnp.dot(x_ref[...], wl_ref[0:D, :], preferred_element_type=jnp.float32)
    acc += jnp.dot(h1_ref[...], wl_ref[D:2 * D, :], preferred_element_type=jnp.float32)
    acc += jnp.dot(h_ref[...], wl_ref[2 * D:3 * D, :], preferred_element_type=jnp.float32)
    acc += jnp.dot(h3, wl_ref[3 * D:4 * D, :], preferred_element_type=jnp.float32)
    out_ref[...] = acc + bl_ref[...]


def _row_spec(w):
    return pl.BlockSpec((BLK, w), lambda i: (i, 0))


def _full_spec(h, w):
    return pl.BlockSpec((h, w), lambda i: (0, 0))


_GRID = (N // BLK,)
_f32 = jnp.float32

_prep0_call = pl.pallas_call(
    _prep0_body,
    grid=_GRID,
    in_specs=[_row_spec(D), _full_spec(D, D), _row_spec(DW), _row_spec(DW)],
    out_specs=[_row_spec(D), _row_spec(D)],
    out_shape=[jax.ShapeDtypeStruct((N, D), _f32)] * 2,
)

_prep_call = pl.pallas_call(
    _prep_body,
    grid=_GRID,
    in_specs=[_row_spec(D)] * 5 + [_full_spec(1, D), _full_spec(D, D)],
    out_specs=[_row_spec(D), _row_spec(D)],
    out_shape=[jax.ShapeDtypeStruct((N, D), _f32)] * 2,
)

_final_call = pl.pallas_call(
    _final_body,
    grid=_GRID,
    in_specs=[_row_spec(D)] * 5 + [_full_spec(1, D)] + [_row_spec(D)] * 2
             + [_full_spec(4 * D, D), _full_spec(1, D)],
    out_specs=_row_spec(D),
    out_shape=jax.ShapeDtypeStruct((N, D), _f32),
)


def kernel(x, edge_index, W0, b0, W1, b1, W2, b2, W_lin, b_lin):
    deg_kernel, agg_kernel = _sc_kernels()
    ei = edge_index.astype(jnp.int32)
    dst = ei[1].reshape(NW, NCHUNK, CHUNK)
    srcp = ei[0].reshape(NW, NCHUNK, CHUNK)
    dstp = dst
    b0r = b0.reshape(1, D)
    b1r = b1.reshape(1, D)
    b2r = b2.reshape(1, D)
    blr = b_lin.reshape(1, D)

    d0, d1 = deg_kernel(dst)
    dis, y1 = _prep0_call(x, W0, d0, d1)
    a0, a1 = agg_kernel(srcp, dstp, y1)
    h1, y2 = _prep_call(a0, a1, y1, dis, x, b0r, W1)
    a0, a1 = agg_kernel(srcp, dstp, y2)
    h2, y3 = _prep_call(a0, a1, y2, dis, h1, b1r, W2)
    a0, a1 = agg_kernel(srcp, dstp, y3)
    out = _final_call(a0, a1, y3, dis, h2, b2r, x, h1, W_lin, blr)
    return out

# --- scband reference (transcript-rebuilt; emitter-appended) ---
"""Pipeline reference for scband-gcn-21827023798811 (READ-ONLY COPY).

The authoritative reference and input builder live on the scoring server;
editing this copy changes nothing except your own understanding.
"""

import jax, jax.numpy as jnp
import numpy as np

N_NODES = 10000
D = 128
N_EDGES = 320000
N_LAYERS = 3


def gcn_conv(x, edge_index, W, b):
    n = x.shape[0]
    src = edge_index[0]
    dst = edge_index[1]
    loop = jnp.arange(n, dtype=src.dtype)
    src = jnp.concatenate([src, loop])
    dst = jnp.concatenate([dst, loop])
    ew = jnp.ones(src.shape[0], dtype=x.dtype)
    deg = jnp.zeros(n, dtype=x.dtype).at[dst].add(ew)
    deg_inv_sqrt = jnp.where(deg > 0, 1.0 / jnp.sqrt(deg), 0.0)
    norm = deg_inv_sqrt[src] * deg_inv_sqrt[dst]
    xw = x @ W
    msg = norm[:, None] * jnp.take(xw, src, axis=0)
    out = jnp.zeros((n, W.shape[1]), dtype=x.dtype).at[dst].add(msg)
    return out + b


def setup_inputs(seed: int = 0) -> dict:
    key = jax.random.key(seed)
    ks = jax.random.split(key, 12)
    x = jax.random.normal(ks[0], (N_NODES, D), dtype=jnp.float32)
    edge_index = jax.random.randint(ks[1], (2, N_EDGES), 0, N_NODES)
    scale = 1.0 / np.sqrt(D)
    inp = {"x": x, "edge_index": edge_index}
    for i in range(N_LAYERS):
        inp[f"W{i}"] = jax.random.normal(ks[2 + 2 * i], (D, D), dtype=jnp.float32) * scale
        inp[f"b{i}"] = jax.random.normal(ks[3 + 2 * i], (D,), dtype=jnp.float32) * 0.01
    inp["W_lin"] = jax.random.normal(ks[10], (D * (N_LAYERS + 1), D), dtype=jnp.float32) * (1.0 / np.sqrt(D * (N_LAYERS + 1)))
    inp["b_lin"] = jax.random.normal(ks[11], (D,), dtype=jnp.float32) * 0.01
    return inp


def reference(x, edge_index, W0, b0, W1, b1, W2, b2, W_lin, b_lin):
    # node_input_dim == node_hidden_dim, so lin_ih is skipped; bns are unused in forward
    h_list = [x]
    Ws = [W0, W1, W2]
    bs = [b0, b1, b2]
    for layer in range(N_LAYERS):
        h = jax.nn.elu(gcn_conv(h_list[layer], edge_index, Ws[layer], bs[layer]))
        h = h + h_list[layer]
        h_list.append(h)
    node_representation = jnp.concatenate(h_list, axis=1)
    output = node_representation @ W_lin + b_lin
    return output

if __name__ == "__main__":
    import jax
    _d = setup_inputs()
    print(jax.jit(kernel)(*tuple(_d.values())))

</pallas_src>

<mosaic_0001>
#map = affine_map<(d0, d1) -> (0, 0, 0)>
#map1 = affine_map<(d0, d1) -> (0, 0)>
module attributes {stable_mosaic.version = 14 : i64} {
  func.func @deg_kernel(%arg0: i32, %arg1: i32, %arg2: memref<32x125x80xi32, #tpu.memory_space<hbm>>, %arg3: memref<10000x16xf32, #tpu.memory_space<hbm>>, %arg4: memref<10000x16xf32, #tpu.memory_space<hbm>>, %arg5: memref<125x80xi32, #tpu.memory_space<vmem>>, %arg6: memref<80x16xf32, #tpu.memory_space<vmem>>, %arg7: memref<80x16xf32, #tpu.memory_space<vmem>>, %arg8: memref<10000x16xf32, #tpu.memory_space<vmem_shared>>) attributes {dimension_semantics = [#tpu.dimension_semantics<core_parallel>, #tpu.dimension_semantics<subcore_parallel>], iteration_bounds = array<i64: 2, 16>, scalar_prefetch = 0 : i64, scratch_operands = 4 : i64, tpu.core_type = #tpu.core_type<sc_vector_subcore>, window_params = [{transform_indices = #map}, {transform_indices = #map1}, {transform_indices = #map1}]} {
    %mul3A = arith.constant 16 : i32
    %mul3A_0 = arith.muli %arg0, %mul3A : i32
    %add3A = arith.addi %mul3A_0, %arg1 : i32
    %scan3A = arith.constant 0 : i32
    %scan3A_1 = arith.constant 0 : i32
    %scan3A_2 = arith.constant 80 : i32
    %scan3A_3 = arith.addi %scan3A_1, %scan3A_2 : i32
    %scan3A_4 = arith.constant 1 : i32
    %scan3A_5 = scf.for %scan3A_210 = %scan3A_1 to %scan3A_3 step %scan3A_4 iter_args(%scan3A_211 = %scan3A) -> (i32)  : i32 {
      %broadcast_in_dim3A = arith.constant 1.000000e+00 : f32
      %broadcast_in_dim3A_212 = vector.broadcast %broadcast_in_dim3A : f32 to vector<16xf32>
      %swap3A = arith.index_cast %scan3A_210 : i32 to index
      %swap3A_213 = arith.constant 0 : index
      %swap3A_214 = tpu.vector_load %arg6[%swap3A, %swap3A_213] {strides = array<i32>} : memref<80x16xf32, #tpu.memory_space<vmem>>, vector<1x16xf32>,
      %swap3A_215 = vector.shape_cast %swap3A_214 : vector<1x16xf32> to vector<16xf32>
      %swap3A_216 = vector.shape_cast %broadcast_in_dim3A_212 : vector<16xf32> to vector<1x16xf32>
      tpu.vector_store %arg6[%swap3A, %swap3A_213], %swap3A_216 {strides = array<i32>} : memref<80x16xf32, #tpu.memory_space<vmem>>, vector<1x16xf32>,
      %broadcast_in_dim3A_217 = arith.constant 0.000000e+00 : f32
      %broadcast_in_dim3A_218 = vector.broadcast %broadcast_in_dim3A_217 : f32 to vector<16xf32>
      %swap3A_219 = arith.index_cast %scan3A_210 : i32 to index
      %swap3A_220 = arith.constant 0 : index
      %swap3A_221 = tpu.vector_load %arg7[%swap3A_219, %swap3A_220] {strides = array<i32>} : memref<80x16xf32, #tpu.memory_space<vmem>>, vector<1x16xf32>,
      %swap3A_222 = vector.shape_cast %swap3A_221 : vector<1x16xf32> to vector<16xf32>
      %swap3A_223 = vector.shape_cast %broadcast_in_dim3A_218 : vector<16xf32> to vector<1x16xf32>
      tpu.vector_store %arg7[%swap3A_219, %swap3A_220], %swap3A_223 {strides = array<i32>} : memref<80x16xf32, #tpu.memory_space<vmem>>, vector<1x16xf32>,
      %scan3A_224 = arith.constant 0 : i32
      scf.yield %scan3A_224 : i32
    }
    %scan3A_6 = arith.constant 80 : i32
    %add3A_7 = arith.constant 0 : i32
    %add3A_8 = arith.addi %arg1, %add3A_7 : i32
    %lt3A = arith.constant 125 : i32
    %lt3A_9 = arith.cmpi slt, %add3A_8, %lt3A : i32
    %convert_element_type3A = arith.extui %lt3A_9 : i1 to i32
    %cond3A = arith.constant 0 : i32
    %cond3A_10 = arith.cmpi ne, %convert_element_type3A, %cond3A : i32
    scf.if %cond3A_10 {
      %mul3A_210 = arith.constant 80 : i32
      %mul3A_211 = arith.muli %add3A_8, %mul3A_210 : i32
      "tpu.region"() ({
        %run_scoped3A = tpu.sem_alloc : memref<!tpu.dma_semaphore, #tpu.memory_space<semaphore_mem>>
        %dma_start3A = arith.constant 0 : i32
        %dma_start3A_212 = tpu.memref_slice %arg8[%mul3A_211, %dma_start3A] : memref<10000x16xf32, #tpu.memory_space<vmem_shared>> -> memref<80x16xf32, #tpu.memory_space<vmem_shared>>
        %dma_start3A_213 = arith.constant 0 : i32
        %dma_start3A_214 = tpu.memref_slice %arg8[%mul3A_211, %dma_start3A_213] : memref<10000x16xf32, #tpu.memory_space<vmem_shared>> -> memref<80x16xf32, #tpu.memory_space<vmem_shared>>
        tpu.enqueue_dma source(%arg7 : memref<80x16xf32, #tpu.memory_space<vmem>>) target(%dma_start3A_214 : memref<80x16xf32, #tpu.memory_space<vmem_shared>>) target_semaphore(%run_scoped3A : memref<!tpu.dma_semaphore, #tpu.memory_space<semaphore_mem>>)
        %dma_wait3A = arith.constant 0 : i32
        %dma_wait3A_215 = tpu.memref_slice %arg8[%mul3A_211, %dma_wait3A] : memref<10000x16xf32, #tpu.memory_space<vmem_shared>> -> memref<80x16xf32, #tpu.memory_space<vmem_shared>>
        %dma_wait3A_216 = arith.constant 0 : i32
        %dma_wait3A_217 = tpu.memref_slice %arg8[%mul3A_211, %dma_wait3A_216] : memref<10000x16xf32, #tpu.memory_space<vmem_shared>> -> memref<80x16xf32, #tpu.memory_space<vmem_shared>>
        tpu.wait_dma2 semaphore(%run_scoped3A : memref<!tpu.dma_semaphore, #tpu.memory_space<semaphore_mem>>) src(%arg7 : memref<80x16xf32, #tpu.memory_space<vmem>>) dst(%dma_wait3A_217 : memref<80x16xf32, #tpu.memory_space<vmem_shared>>)
        tpu.yield
      }) : () -> ()
    } else {
    }
    %add3A_11 = arith.constant 16 : i32
    %add3A_12 = arith.addi %arg1, %add3A_11 : i32
    %lt3A_13 = arith.constant 125 : i32
    %lt3A_14 = arith.cmpi slt, %add3A_12, %lt3A_13 : i32
    %convert_element_type3A_15 = arith.extui %lt3A_14 : i1 to i32
    %cond3A_16 = arith.constant 0 : i32
    %cond3A_17 = arith.cmpi ne, %convert_element_type3A_15, %cond3A_16 : i32
    scf.if %cond3A_17 {
      %mul3A_210 = arith.constant 80 : i32
      %mul3A_211 = arith.muli %add3A_12, %mul3A_210 : i32
      "tpu.region"() ({
        %run_scoped3A = tpu.sem_alloc : memref<!tpu.dma_semaphore, #tpu.memory_space<semaphore_mem>>
        %dma_start3A = arith.constant 0 : i32
        %dma_start3A_212 = tpu.memref_slice %arg8[%mul3A_211, %dma_start3A] : memref<10000x16xf32, #tpu.memory_space<vmem_shared>> -> memref<80x16xf32, #tpu.memory_space<vmem_shared>>
        %dma_start3A_213 = arith.constant 0 : i32
        %dma_start3A_214 = tpu.memref_slice %arg8[%mul3A_211, %dma_start3A_213] : memref<10000x16xf32, #tpu.memory_space<vmem_shared>> -> memref<80x16xf32, #tpu.memory_space<vmem_shared>>
        tpu.enqueue_dma source(%arg7 : memref<80x16xf32, #tpu.memory_space<vmem>>) target(%dma_start3A_214 : memref<80x16xf32, #tpu.memory_space<vmem_shared>>) target_semaphore(%run_scoped3A : memref<!tpu.dma_semaphore, #tpu.memory_space<semaphore_mem>>)
        %dma_wait3A = arith.constant 0 : i32
        %dma_wait3A_215 = tpu.memref_slice %arg8[%mul3A_211, %dma_wait3A] : memref<10000x16xf32, #tpu.memory_space<vmem_shared>> -> memref<80x16xf32, #tpu.memory_space<vmem_shared>>
        %dma_wait3A_216 = arith.constant 0 : i32
        %dma_wait3A_217 = tpu.memref_slice %arg8[%mul3A_211, %dma_wait3A_216] : memref<10000x16xf32, #tpu.memory_space<vmem_shared>> -> memref<80x16xf32, #tpu.memory_space<vmem_shared>>
        tpu.wait_dma2 semaphore(%run_scoped3A : memref<!tpu.dma_semaphore, #tpu.memory_space<semaphore_mem>>) src(%arg7 : memref<80x16xf32, #tpu.memory_space<vmem>>) dst(%dma_wait3A_217 : memref<80x16xf32, #tpu.memory_space<vmem_shared>>)
        tpu.yield
      }) : () -> ()
    } else {
    }
    %add3A_18 = arith.constant 32 : i32
    %add3A_19 = arith.addi %arg1, %add3A_18 : i32
    %lt3A_20 = arith.constant 125 : i32
    %lt3A_21 = arith.cmpi slt, %add3A_19, %lt3A_20 : i32
    %convert_element_type3A_22 = arith.extui %lt3A_21 : i1 to i32
    %cond3A_23 = arith.constant 0 : i32
    %cond3A_24 = arith.cmpi ne, %convert_element_type3A_22, %cond3A_23 : i32
    scf.if %cond3A_24 {
      %mul3A_210 = arith.constant 80 : i32
      %mul3A_211 = arith.muli %add3A_19, %mul3A_210 : i32
      "tpu.region"() ({
        %run_scoped3A = tpu.sem_alloc : memref<!tpu.dma_semaphore, #tpu.memory_space<semaphore_mem>>
        %dma_start3A = arith.constant 0 : i32
        %dma_start3A_212 = tpu.memref_slice %arg8[%mul3A_211, %dma_start3A] : memref<10000x16xf32, #tpu.memory_space<vmem_shared>> -> memref<80x16xf32, #tpu.memory_space<vmem_shared>>
        %dma_start3A_213 = arith.constant 0 : i32
        %dma_start3A_214 = tpu.memref_slice %arg8[%mul3A_211, %dma_start3A_213] : memref<10000x16xf32, #tpu.memory_space<vmem_shared>> -> memref<80x16xf32, #tpu.memory_space<vmem_shared>>
        tpu.enqueue_dma source(%arg7 : memref<80x16xf32, #tpu.memory_space<vmem>>) target(%dma_start3A_214 : memref<80x16xf32, #tpu.memory_space<vmem_shared>>) target_semaphore(%run_scoped3A : memref<!tpu.dma_semaphore, #tpu.memory_space<semaphore_mem>>)
        %dma_wait3A = arith.constant 0 : i32
        %dma_wait3A_215 = tpu.memref_slice %arg8[%mul3A_211, %dma_wait3A] : memref<10000x16xf32, #tpu.memory_space<vmem_shared>> -> memref<80x16xf32, #tpu.memory_space<vmem_shared>>
        %dma_wait3A_216 = arith.constant 0 : i32
        %dma_wait3A_217 = tpu.memref_slice %arg8[%mul3A_211, %dma_wait3A_216] : memref<10000x16xf32, #tpu.memory_space<vmem_shared>> -> memref<80x16xf32, #tpu.memory_space<vmem_shared>>
        tpu.wait_dma2 semaphore(%run_scoped3A : memref<!tpu.dma_semaphore, #tpu.memory_space<semaphore_mem>>) src(%arg7 : memref<80x16xf32, #tpu.memory_space<vmem>>) dst(%dma_wait3A_217 : memref<80x16xf32, #tpu.memory_space<vmem_shared>>)
        tpu.yield
      }) : () -> ()
    } else {
    }
    %add3A_25 = arith.constant 48 : i32
    %add3A_26 = arith.addi %arg1, %add3A_25 : i32
    %lt3A_27 = arith.constant 125 : i32
    %lt3A_28 = arith.cmpi slt, %add3A_26, %lt3A_27 : i32
    %convert_element_type3A_29 = arith.extui %lt3A_28 : i1 to i32
    %cond3A_30 = arith.constant 0 : i32
    %cond3A_31 = arith.cmpi ne, %convert_element_type3A_29, %cond3A_30 : i32
    scf.if %cond3A_31 {
      %mul3A_210 = arith.constant 80 : i32
      %mul3A_211 = arith.muli %add3A_26, %mul3A_210 : i32
      "tpu.region"() ({
        %run_scoped3A = tpu.sem_alloc : memref<!tpu.dma_semaphore, #tpu.memory_space<semaphore_mem>>
        %dma_start3A = arith.constant 0 : i32
        %dma_start3A_212 = tpu.memref_slice %arg8[%mul3A_211, %dma_start3A] : memref<10000x16xf32, #tpu.memory_space<vmem_shared>> -> memref<80x16xf32, #tpu.memory_space<vmem_shared>>
        %dma_start3A_213 = arith.constant 0 : i32
        %dma_start3A_214 = tpu.memref_slice %arg8[%mul3A_211, %dma_start3A_213] : memref<10000x16xf32, #tpu.memory_space<vmem_shared>> -> memref<80x16xf32, #tpu.memory_space<vmem_shared>>
        tpu.enqueue_dma source(%arg7 : memref<80x16xf32, #tpu.memory_space<vmem>>) target(%dma_start3A_214 : memref<80x16xf32, #tpu.memory_space<vmem_shared>>) target_semaphore(%run_scoped3A : memref<!tpu.dma_semaphore, #tpu.memory_space<semaphore_mem>>)
        %dma_wait3A = arith.constant 0 : i32
        %dma_wait3A_215 = tpu.memref_slice %arg8[%mul3A_211, %dma_wait3A] : memref<10000x16xf32, #tpu.memory_space<vmem_shared>> -> memref<80x16xf32, #tpu.memory_space<vmem_shared>>
        %dma_wait3A_216 = arith.constant 0 : i32
        %dma_wait3A_217 = tpu.memref_slice %arg8[%mul3A_211, %dma_wait3A_216] : memref<10000x16xf32, #tpu.memory_space<vmem_shared>> -> memref<80x16xf32, #tpu.memory_space<vmem_shared>>
        tpu.wait_dma2 semaphore(%run_scoped3A : memref<!tpu.dma_semaphore, #tpu.memory_space<semaphore_mem>>) src(%arg7 : memref<80x16xf32, #tpu.memory_space<vmem>>) dst(%dma_wait3A_217 : memref<80x16xf32, #tpu.memory_space<vmem_shared>>)
        tpu.yield
      }) : () -> ()
    } else {
    }
    %add3A_32 = arith.constant 64 : i32
    %add3A_33 = arith.addi %arg1, %add3A_32 : i32
    %lt3A_34 = arith.constant 125 : i32
    %lt3A_35 = arith.cmpi slt, %add3A_33, %lt3A_34 : i32
    %convert_element_type3A_36 = arith.extui %lt3A_35 : i1 to i32
    %cond3A_37 = arith.constant 0 : i32
    %cond3A_38 = arith.cmpi ne, %convert_element_type3A_36, %cond3A_37 : i32
    scf.if %cond3A_38 {
      %mul3A_210 = arith.constant 80 : i32
      %mul3A_211 = arith.muli %add3A_33, %mul3A_210 : i32
      "tpu.region"() ({
        %run_scoped3A = tpu.sem_alloc : memref<!tpu.dma_semaphore, #tpu.memory_space<semaphore_mem>>
        %dma_start3A = arith.constant 0 : i32
        %dma_start3A_212 = tpu.memref_slice %arg8[%mul3A_211, %dma_start3A] : memref<10000x16xf32, #tpu.memory_space<vmem_shared>> -> memref<80x16xf32, #tpu.memory_space<vmem_shared>>
        %dma_start3A_213 = arith.constant 0 : i32
        %dma_start3A_214 = tpu.memref_slice %arg8[%mul3A_211, %dma_start3A_213] : memref<10000x16xf32, #tpu.memory_space<vmem_shared>> -> memref<80x16xf32, #tpu.memory_space<vmem_shared>>
        tpu.enqueue_dma source(%arg7 : memref<80x16xf32, #tpu.memory_space<vmem>>) target(%dma_start3A_214 : memref<80x16xf32, #tpu.memory_space<vmem_shared>>) target_semaphore(%run_scoped3A : memref<!tpu.dma_semaphore, #tpu.memory_space<semaphore_mem>>)
        %dma_wait3A = arith.constant 0 : i32
        %dma_wait3A_215 = tpu.memref_slice %arg8[%mul3A_211, %dma_wait3A] : memref<10000x16xf32, #tpu.memory_space<vmem_shared>> -> memref<80x16xf32, #tpu.memory_space<vmem_shared>>
        %dma_wait3A_216 = arith.constant 0 : i32
        %dma_wait3A_217 = tpu.memref_slice %arg8[%mul3A_211, %dma_wait3A_216] : memref<10000x16xf32, #tpu.memory_space<vmem_shared>> -> memref<80x16xf32, #tpu.memory_space<vmem_shared>>
        tpu.wait_dma2 semaphore(%run_scoped3A : memref<!tpu.dma_semaphore, #tpu.memory_space<semaphore_mem>>) src(%arg7 : memref<80x16xf32, #tpu.memory_space<vmem>>) dst(%dma_wait3A_217 : memref<80x16xf32, #tpu.memory_space<vmem_shared>>)
        tpu.yield
      }) : () -> ()
    } else {
    }
    %add3A_39 = arith.constant 80 : i32
    %add3A_40 = arith.addi %arg1, %add3A_39 : i32
    %lt3A_41 = arith.constant 125 : i32
    %lt3A_42 = arith.cmpi slt, %add3A_40, %lt3A_41 : i32
    %convert_element_type3A_43 = arith.extui %lt3A_42 : i1 to i32
    %cond3A_44 = arith.constant 0 : i32
    %cond3A_45 = arith.cmpi ne, %convert_element_type3A_43, %cond3A_44 : i32
    scf.if %cond3A_45 {
      %mul3A_210 = arith.constant 80 : i32
      %mul3A_211 = arith.muli %add3A_40, %mul3A_210 : i32
      "tpu.region"() ({
        %run_scoped3A = tpu.sem_alloc : memref<!tpu.dma_semaphore, #tpu.memory_space<semaphore_mem>>
        %dma_start3A = arith.constant 0 : i32
        %dma_start3A_212 = tpu.memref_slice %arg8[%mul3A_211, %dma_start3A] : memref<10000x16xf32, #tpu.memory_space<vmem_shared>> -> memref<80x16xf32, #tpu.memory_space<vmem_shared>>
        %dma_start3A_213 = arith.constant 0 : i32
        %dma_start3A_214 = tpu.memref_slice %arg8[%mul3A_211, %dma_start3A_213] : memref<10000x16xf32, #tpu.memory_space<vmem_shared>> -> memref<80x16xf32, #tpu.memory_space<vmem_shared>>
        tpu.enqueue_dma source(%arg7 : memref<80x16xf32, #tpu.memory_space<vmem>>) target(%dma_start3A_214 : memref<80x16xf32, #tpu.memory_space<vmem_shared>>) target_semaphore(%run_scoped3A : memref<!tpu.dma_semaphore, #tpu.memory_space<semaphore_mem>>)
        %dma_wait3A = arith.constant 0 : i32
        %dma_wait3A_215 = tpu.memref_slice %arg8[%mul3A_211, %dma_wait3A] : memref<10000x16xf32, #tpu.memory_space<vmem_shared>> -> memref<80x16xf32, #tpu.memory_space<vmem_shared>>
        %dma_wait3A_216 = arith.constant 0 : i32
        %dma_wait3A_217 = tpu.memref_slice %arg8[%mul3A_211, %dma_wait3A_216] : memref<10000x16xf32, #tpu.memory_space<vmem_shared>> -> memref<80x16xf32, #tpu.memory_space<vmem_shared>>
        tpu.wait_dma2 semaphore(%run_scoped3A : memref<!tpu.dma_semaphore, #tpu.memory_space<semaphore_mem>>) src(%arg7 : memref<80x16xf32, #tpu.memory_space<vmem>>) dst(%dma_wait3A_217 : memref<80x16xf32, #tpu.memory_space<vmem_shared>>)
        tpu.yield
      }) : () -> ()
    } else {
    }
    %add3A_46 = arith.constant 96 : i32
    %add3A_47 = arith.addi %arg1, %add3A_46 : i32
    %lt3A_48 = arith.constant 125 : i32
    %lt3A_49 = arith.cmpi slt, %add3A_47, %lt3A_48 : i32
    %convert_element_type3A_50 = arith.extui %lt3A_49 : i1 to i32
    %cond3A_51 = arith.constant 0 : i32
    %cond3A_52 = arith.cmpi ne, %convert_element_type3A_50, %cond3A_51 : i32
    scf.if %cond3A_52 {
      %mul3A_210 = arith.constant 80 : i32
      %mul3A_211 = arith.muli %add3A_47, %mul3A_210 : i32
      "tpu.region"() ({
        %run_scoped3A = tpu.sem_alloc : memref<!tpu.dma_semaphore, #tpu.memory_space<semaphore_mem>>
        %dma_start3A = arith.constant 0 : i32
        %dma_start3A_212 = tpu.memref_slice %arg8[%mul3A_211, %dma_start3A] : memref<10000x16xf32, #tpu.memory_space<vmem_shared>> -> memref<80x16xf32, #tpu.memory_space<vmem_shared>>
        %dma_start3A_213 = arith.constant 0 : i32
        %dma_start3A_214 = tpu.memref_slice %arg8[%mul3A_211, %dma_start3A_213] : memref<10000x16xf32, #tpu.memory_space<vmem_shared>> -> memref<80x16xf32, #tpu.memory_space<vmem_shared>>
        tpu.enqueue_dma source(%arg7 : memref<80x16xf32, #tpu.memory_space<vmem>>) target(%dma_start3A_214 : memref<80x16xf32, #tpu.memory_space<vmem_shared>>) target_semaphore(%run_scoped3A : memref<!tpu.dma_semaphore, #tpu.memory_space<semaphore_mem>>)
        %dma_wait3A = arith.constant 0 : i32
        %dma_wait3A_215 = tpu.memref_slice %arg8[%mul3A_211, %dma_wait3A] : memref<10000x16xf32, #tpu.memory_space<vmem_shared>> -> memref<80x16xf32, #tpu.memory_space<vmem_shared>>
        %dma_wait3A_216 = arith.constant 0 : i32
        %dma_wait3A_217 = tpu.memref_slice %arg8[%mul3A_211, %dma_wait3A_216] : memref<10000x16xf32, #tpu.memory_space<vmem_shared>> -> memref<80x16xf32, #tpu.memory_space<vmem_shared>>
        tpu.wait_dma2 semaphore(%run_scoped3A : memref<!tpu.dma_semaphore, #tpu.memory_space<semaphore_mem>>) src(%arg7 : memref<80x16xf32, #tpu.memory_space<vmem>>) dst(%dma_wait3A_217 : memref<80x16xf32, #tpu.memory_space<vmem_shared>>)
        tpu.yield
      }) : () -> ()
    } else {
    }
    %add3A_53 = arith.constant 112 : i32
    %add3A_54 = arith.addi %arg1, %add3A_53 : i32
    %lt3A_55 = arith.constant 125 : i32
    %lt3A_56 = arith.cmpi slt, %add3A_54, %lt3A_55 : i32
    %convert_element_type3A_57 = arith.extui %lt3A_56 : i1 to i32
    %cond3A_58 = arith.constant 0 : i32
    %cond3A_59 = arith.cmpi ne, %convert_element_type3A_57, %cond3A_58 : i32
    scf.if %cond3A_59 {
      %mul3A_210 = arith.constant 80 : i32
      %mul3A_211 = arith.muli %add3A_54, %mul3A_210 : i32
      "tpu.region"() ({
        %run_scoped3A = tpu.sem_alloc : memref<!tpu.dma_semaphore, #tpu.memory_space<semaphore_mem>>
        %dma_start3A = arith.constant 0 : i32
        %dma_start3A_212 = tpu.memref_slice %arg8[%mul3A_211, %dma_start3A] : memref<10000x16xf32, #tpu.memory_space<vmem_shared>> -> memref<80x16xf32, #tpu.memory_space<vmem_shared>>
        %dma_start3A_213 = arith.constant 0 : i32
        %dma_start3A_214 = tpu.memref_slice %arg8[%mul3A_211, %dma_start3A_213] : memref<10000x16xf32, #tpu.memory_space<vmem_shared>> -> memref<80x16xf32, #tpu.memory_space<vmem_shared>>
        tpu.enqueue_dma source(%arg7 : memref<80x16xf32, #tpu.memory_space<vmem>>) target(%dma_start3A_214 : memref<80x16xf32, #tpu.memory_space<vmem_shared>>) target_semaphore(%run_scoped3A : memref<!tpu.dma_semaphore, #tpu.memory_space<semaphore_mem>>)
        %dma_wait3A = arith.constant 0 : i32
        %dma_wait3A_215 = tpu.memref_slice %arg8[%mul3A_211, %dma_wait3A] : memref<10000x16xf32, #tpu.memory_space<vmem_shared>> -> memref<80x16xf32, #tpu.memory_space<vmem_shared>>
        %dma_wait3A_216 = arith.constant 0 : i32
        %dma_wait3A_217 = tpu.memref_slice %arg8[%mul3A_211, %dma_wait3A_216] : memref<10000x16xf32, #tpu.memory_space<vmem_shared>> -> memref<80x16xf32, #tpu.memory_space<vmem_shared>>
        tpu.wait_dma2 semaphore(%run_scoped3A : memref<!tpu.dma_semaphore, #tpu.memory_space<semaphore_mem>>) src(%arg7 : memref<80x16xf32, #tpu.memory_space<vmem>>) dst(%dma_wait3A_217 : memref<80x16xf32, #tpu.memory_space<vmem_shared>>)
        tpu.yield
      }) : () -> ()
    } else {
    }
    "tpu.region"() ({
      %run_scoped3A = tpu.sem_alloc : memref<!tpu.dma_semaphore, #tpu.memory_space<semaphore_mem>>
      %dma_start3A = arith.constant 0 : i32
      %dma_start3A_210 = arith.constant 0 : i32
      %dma_start3A_211 = tpu.memref_slice %arg2[%add3A, %dma_start3A, %dma_start3A_210] : memref<32x125x80xi32, #tpu.memory_space<hbm>> -> memref<1x125x80xi32, #tpu.memory_space<hbm>>
      %dma_start3A_212 = tpu.memref_squeeze %dma_start3A_211 : memref<1x125x80xi32, #tpu.memory_space<hbm>> -> memref<125x80xi32, #tpu.memory_space<hbm>>
      %dma_start3A_213 = arith.constant 0 : i32
      %dma_start3A_214 = arith.constant 0 : i32
      %dma_start3A_215 = tpu.memref_slice %arg2[%add3A, %dma_start3A_213, %dma_start3A_214] : memref<32x125x80xi32, #tpu.memory_space<hbm>> -> memref<1x125x80xi32, #tpu.memory_space<hbm>>
      %dma_start3A_216 = tpu.memref_squeeze %dma_start3A_215 : memref<1x125x80xi32, #tpu.memory_space<hbm>> -> memref<125x80xi32, #tpu.memory_space<hbm>>
      tpu.enqueue_dma source(%dma_start3A_216 : memref<125x80xi32, #tpu.memory_space<hbm>>) target(%arg5 : memref<125x80xi32, #tpu.memory_space<vmem>>) target_semaphore(%run_scoped3A : memref<!tpu.dma_semaphore, #tpu.memory_space<semaphore_mem>>)
      %dma_wait3A = arith.constant 0 : i32
      %dma_wait3A_217 = arith.constant 0 : i32
      %dma_wait3A_218 = tpu.memref_slice %arg2[%add3A, %dma_wait3A, %dma_wait3A_217] : memref<32x125x80xi32, #tpu.memory_space<hbm>> -> memref<1x125x80xi32, #tpu.memory_space<hbm>>
      %dma_wait3A_219 = tpu.memref_squeeze %dma_wait3A_218 : memref<1x125x80xi32, #tpu.memory_space<hbm>> -> memref<125x80xi32, #tpu.memory_space<hbm>>
      %dma_wait3A_220 = arith.constant 0 : i32
      %dma_wait3A_221 = arith.constant 0 : i32
      %dma_wait3A_222 = tpu.memref_slice %arg2[%add3A, %dma_wait3A_220, %dma_wait3A_221] : memref<32x125x80xi32, #tpu.memory_space<hbm>> -> memref<1x125x80xi32, #tpu.memory_space<hbm>>
      %dma_wait3A_223 = tpu.memref_squeeze %dma_wait3A_222 : memref<1x125x80xi32, #tpu.memory_space<hbm>> -> memref<125x80xi32, #tpu.memory_space<hbm>>
      tpu.wait_dma2 semaphore(%run_scoped3A : memref<!tpu.dma_semaphore, #tpu.memory_space<semaphore_mem>>) src(%dma_wait3A_223 : memref<125x80xi32, #tpu.memory_space<hbm>>) dst(%arg5 : memref<125x80xi32, #tpu.memory_space<vmem>>)
      tpu.yield
    }) : () -> ()
    %barrier3A = arith.constant 0 : index
    tpu.barrier barrier_id(%barrier3A)
    %scan3A_60 = arith.constant 0 : i32
    %scan3A_61 = arith.constant 0 : i32
    %scan3A_62 = arith.constant 125 : i32
    %scan3A_63 = arith.addi %scan3A_61, %scan3A_62 : i32
    %scan3A_64 = arith.constant 1 : i32
    %scan3A_65 = scf.for %scan3A_210 = %scan3A_61 to %scan3A_63 step %scan3A_64 iter_args(%scan3A_211 = %scan3A_60) -> (i32)  : i32 {
      "tpu.region"() ({
        %run_scoped3A = tpu.sem_alloc : memref<!tpu.dma_semaphore, #tpu.memory_space<semaphore_mem>>
        %dma_start3A = arith.constant 0 : i32
        %dma_start3A_213 = tpu.memref_slice %arg5[%scan3A_210, %dma_start3A] : memref<125x80xi32, #tpu.memory_space<vmem>> -> memref<1x80xi32, #tpu.memory_space<vmem>>
        %dma_start3A_214 = tpu.memref_squeeze %dma_start3A_213 : memref<1x80xi32, #tpu.memory_space<vmem>> -> memref<80xi32, #tpu.memory_space<vmem>>
        %dma_start3A_215 = arith.constant 0 : i32
        %dma_start3A_216 = arith.constant 0 : i32
        %dma_start3A_217 = tpu.memref_slice %arg8[%dma_start3A_215, %dma_start3A_216] : memref<10000x16xf32, #tpu.memory_space<vmem_shared>> -> memref<10000x16xf32, #tpu.memory_space<vmem_shared>>
        tpu.enqueue_indirect_dma source(%arg6 : memref<80x16xf32, #tpu.memory_space<vmem>>) target(%dma_start3A_217 : memref<10000x16xf32, #tpu.memory_space<vmem_shared>>) offsets(%dma_start3A_214 : memref<80xi32, #tpu.memory_space<vmem>>) semaphore(%run_scoped3A : memref<!tpu.dma_semaphore, #tpu.memory_space<semaphore_mem>>) {add = true}
        %dma_wait3A = arith.constant 0 : i32
        %dma_wait3A_218 = tpu.memref_slice %arg5[%scan3A_210, %dma_wait3A] : memref<125x80xi32, #tpu.memory_space<vmem>> -> memref<1x80xi32, #tpu.memory_space<vmem>>
        %dma_wait3A_219 = tpu.memref_squeeze %dma_wait3A_218 : memref<1x80xi32, #tpu.memory_space<vmem>> -> memref<80xi32, #tpu.memory_space<vmem>>
        %dma_wait3A_220 = arith.constant 0 : i32
        %dma_wait3A_221 = arith.constant 0 : i32
        %dma_wait3A_222 = tpu.memref_slice %arg8[%dma_wait3A_220, %dma_wait3A_221] : memref<10000x16xf32, #tpu.memory_space<vmem_shared>> -> memref<10000x16xf32, #tpu.memory_space<vmem_shared>>
        tpu.wait_indirect_dma semaphore(%run_scoped3A : memref<!tpu.dma_semaphore, #tpu.memory_space<semaphore_mem>>) src(%arg6 : memref<80x16xf32, #tpu.memory_space<vmem>>) dst(%dma_wait3A_222 : memref<10000x16xf32, #tpu.memory_space<vmem_shared>>)
        tpu.yield
      }) : () -> ()
      %scan3A_212 = arith.constant 0 : i32
      scf.yield %scan3A_212 : i32
    }
    %scan3A_66 = arith.constant 125 : i32
    %barrier3A_67 = arith.constant 0 : index
    tpu.barrier barrier_id(%barrier3A_67)
    %add3A_68 = arith.constant 0 : i32
    %add3A_69 = arith.addi %arg1, %add3A_68 : i32
    %lt3A_70 = arith.constant 125 : i32
    %lt3A_71 = arith.cmpi slt, %add3A_69, %lt3A_70 : i32
    %eq3A = arith.constant 0 : i32
    %eq3A_72 = arith.cmpi eq, %arg0, %eq3A : i32
    %and3A = arith.andi %lt3A_71, %eq3A_72 : i1
    %convert_element_type3A_73 = arith.extui %and3A : i1 to i32
    %cond3A_74 = arith.constant 0 : i32
    %cond3A_75 = arith.cmpi ne, %convert_element_type3A_73, %cond3A_74 : i32
    scf.if %cond3A_75 {
      %mul3A_210 = arith.constant 80 : i32
      %mul3A_211 = arith.muli %add3A_69, %mul3A_210 : i32
      %mul3A_212 = arith.constant 80 : i32
      %mul3A_213 = arith.muli %add3A_69, %mul3A_212 : i32
      "tpu.region"() ({
        %run_scoped3A = tpu.sem_alloc : memref<!tpu.dma_semaphore, #tpu.memory_space<semaphore_mem>>
        %dma_start3A = arith.constant 0 : i32
        %dma_start3A_214 = tpu.memref_slice %arg3[%mul3A_213, %dma_start3A] : memref<10000x16xf32, #tpu.memory_space<hbm>> -> memref<80x16xf32, #tpu.memory_space<hbm>>
        %dma_start3A_215 = arith.constant 0 : i32
        %dma_start3A_216 = tpu.memref_slice %arg8[%mul3A_211, %dma_start3A_215] : memref<10000x16xf32, #tpu.memory_space<vmem_shared>> -> memref<80x16xf32, #tpu.memory_space<vmem_shared>>
        tpu.enqueue_dma source(%dma_start3A_216 : memref<80x16xf32, #tpu.memory_space<vmem_shared>>) target(%dma_start3A_214 : memref<80x16xf32, #tpu.memory_space<hbm>>) target_semaphore(%run_scoped3A : memref<!tpu.dma_semaphore, #tpu.memory_space<semaphore_mem>>)
        %dma_wait3A = arith.constant 0 : i32
        %dma_wait3A_217 = tpu.memref_slice %arg3[%mul3A_213, %dma_wait3A] : memref<10000x16xf32, #tpu.memory_space<hbm>> -> memref<80x16xf32, #tpu.memory_space<hbm>>
        %dma_wait3A_218 = arith.constant 0 : i32
        %dma_wait3A_219 = tpu.memref_slice %arg8[%mul3A_211, %dma_wait3A_218] : memref<10000x16xf32, #tpu.memory_space<vmem_shared>> -> memref<80x16xf32, #tpu.memory_space<vmem_shared>>
        tpu.wait_dma2 semaphore(%run_scoped3A : memref<!tpu.dma_semaphore, #tpu.memory_space<semaphore_mem>>) src(%dma_wait3A_219 : memref<80x16xf32, #tpu.memory_space<vmem_shared>>) dst(%dma_wait3A_217 : memref<80x16xf32, #tpu.memory_space<hbm>>)
        tpu.yield
      }) : () -> ()
    } else {
    }
    %lt3A_76 = arith.constant 125 : i32
    %lt3A_77 = arith.cmpi slt, %add3A_69, %lt3A_76 : i32
    %eq3A_78 = arith.constant 1 : i32
    %eq3A_79 = arith.cmpi eq, %arg0, %eq3A_78 : i32
    %and3A_80 = arith.andi %lt3A_77, %eq3A_79 : i1
    %convert_element_type3A_81 = arith.extui %and3A_80 : i1 to i32
    %cond3A_82 = arith.constant 0 : i32
    %cond3A_83 = arith.cmpi ne, %convert_element_type3A_81, %cond3A_82 : i32
    scf.if %cond3A_83 {
      %mul3A_210 = arith.constant 80 : i32
      %mul3A_211 = arith.muli %add3A_69, %mul3A_210 : i32
      %mul3A_212 = arith.constant 80 : i32
      %mul3A_213 = arith.muli %add3A_69, %mul3A_212 : i32
      "tpu.region"() ({
        %run_scoped3A = tpu.sem_alloc : memref<!tpu.dma_semaphore, #tpu.memory_space<semaphore_mem>>
        %dma_start3A = arith.constant 0 : i32
        %dma_start3A_214 = tpu.memref_slice %arg4[%mul3A_213, %dma_start3A] : memref<10000x16xf32, #tpu.memory_space<hbm>> -> memref<80x16xf32, #tpu.memory_space<hbm>>
        %dma_start3A_215 = arith.constant 0 : i32
        %dma_start3A_216 = tpu.memref_slice %arg8[%mul3A_211, %dma_start3A_215] : memref<10000x16xf32, #tpu.memory_space<vmem_shared>> -> memref<80x16xf32, #tpu.memory_space<vmem_shared>>
        tpu.enqueue_dma source(%dma_start3A_216 : memref<80x16xf32, #tpu.memory_space<vmem_shared>>) target(%dma_start3A_214 : memref<80x16xf32, #tpu.memory_space<hbm>>) target_semaphore(%run_scoped3A : memref<!tpu.dma_semaphore, #tpu.memory_space<semaphore_mem>>)
        %dma_wait3A = arith.constant 0 : i32
        %dma_wait3A_217 = tpu.memref_slice %arg4[%mul3A_213, %dma_wait3A] : memref<10000x16xf32, #tpu.memory_space<hbm>> -> memref<80x16xf32, #tpu.memory_space<hbm>>
        %dma_wait3A_218 = arith.constant 0 : i32
        %dma_wait3A_219 = tpu.memref_slice %arg8[%mul3A_211, %dma_wait3A_218] : memref<10000x16xf32, #tpu.memory_space<vmem_shared>> -> memref<80x16xf32, #tpu.memory_space<vmem_shared>>
        tpu.wait_dma2 semaphore(%run_scoped3A : memref<!tpu.dma_semaphore, #tpu.memory_space<semaphore_mem>>) src(%dma_wait3A_219 : memref<80x16xf32, #tpu.memory_space<vmem_shared>>) dst(%dma_wait3A_217 : memref<80x16xf32, #tpu.memory_space<hbm>>)
        tpu.yield
      }) : () -> ()
    } else {
    }
    %add3A_84 = arith.constant 16 : i32
    %add3A_85 = arith.addi %arg1, %add3A_84 : i32
    %lt3A_86 = arith.constant 125 : i32
    %lt3A_87 = arith.cmpi slt, %add3A_85, %lt3A_86 : i32
    %eq3A_88 = arith.constant 0 : i32
    %eq3A_89 = arith.cmpi eq, %arg0, %eq3A_88 : i32
    %and3A_90 = arith.andi %lt3A_87, %eq3A_89 : i1
    %convert_element_type3A_91 = arith.extui %and3A_90 : i1 to i32
    %cond3A_92 = arith.constant 0 : i32
    %cond3A_93 = arith.cmpi ne, %convert_element_type3A_91, %cond3A_92 : i32
    scf.if %cond3A_93 {
      %mul3A_210 = arith.constant 80 : i32
      %mul3A_211 = arith.muli %add3A_85, %mul3A_210 : i32
      %mul3A_212 = arith.constant 80 : i32
      %mul3A_213 = arith.muli %add3A_85, %mul3A_212 : i32
      "tpu.region"() ({
        %run_scoped3A = tpu.sem_alloc : memref<!tpu.dma_semaphore, #tpu.memory_space<semaphore_mem>>
        %dma_start3A = arith.constant 0 : i32
        %dma_start3A_214 = tpu.memref_slice %arg3[%mul3A_213, %dma_start3A] : memref<10000x16xf32, #tpu.memory_space<hbm>> -> memref<80x16xf32, #tpu.memory_space<hbm>>
        %dma_start3A_215 = arith.constant 0 : i32
        %dma_start3A_216 = tpu.memref_slice %arg8[%mul3A_211, %dma_start3A_215] : memref<10000x16xf32, #tpu.memory_space<vmem_shared>> -> memref<80x16xf32, #tpu.memory_space<vmem_shared>>
        tpu.enqueue_dma source(%dma_start3A_216 : memref<80x16xf32, #tpu.memory_space<vmem_shared>>) target(%dma_start3A_214 : memref<80x16xf32, #tpu.memory_space<hbm>>) target_semaphore(%run_scoped3A : memref<!tpu.dma_semaphore, #tpu.memory_space<semaphore_mem>>)
        %dma_wait3A = arith.constant 0 : i32
        %dma_wait3A_217 = tpu.memref_slice %arg3[%mul3A_213, %dma_wait3A] : memref<10000x16xf32, #tpu.memory_space<hbm>> -> memref<80x16xf32, #tpu.memory_space<hbm>>
        %dma_wait3A_218 = arith.constant 0 : i32
        %dma_wait3A_219 = tpu.memref_slice %arg8[%mul3A_211, %dma_wait3A_218] : memref<10000x16xf32, #tpu.memory_space<vmem_shared>> -> memref<80x16xf32, #tpu.memory_space<vmem_shared>>
        tpu.wait_dma2 semaphore(%run_scoped3A : memref<!tpu.dma_semaphore, #tpu.memory_space<semaphore_mem>>) src(%dma_wait3A_219 : memref<80x16xf32, #tpu.memory_space<vmem_shared>>) dst(%dma_wait3A_217 : memref<80x16xf32, #tpu.memory_space<hbm>>)
        tpu.yield
      }) : () -> ()
    } else {
    }
    %lt3A_94 = arith.constant 125 : i32
    %lt3A_95 = arith.cmpi slt, %add3A_85, %lt3A_94 : i32
    %eq3A_96 = arith.constant 1 : i32
    %eq3A_97 = arith.cmpi eq, %arg0, %eq3A_96 : i32
    %and3A_98 = arith.andi %lt3A_95, %eq3A_97 : i1
    %convert_element_type3A_99 = arith.extui %and3A_98 : i1 to i32
    %cond3A_100 = arith.constant 0 : i32
    %cond3A_101 = arith.cmpi ne, %convert_element_type3A_99, %cond3A_100 : i32
    scf.if %cond3A_101 {
      %mul3A_210 = arith.constant 80 : i32
      %mul3A_211 = arith.muli %add3A_85, %mul3A_210 : i32
      %mul3A_212 = arith.constant 80 : i32
      %mul3A_213 = arith.muli %add3A_85, %mul3A_212 : i32
      "tpu.region"() ({
        %run_scoped3A = tpu.sem_alloc : memref<!tpu.dma_semaphore, #tpu.memory_space<semaphore_mem>>
        %dma_start3A = arith.constant 0 : i32
        %dma_start3A_214 = tpu.memref_slice %arg4[%mul3A_213, %dma_start3A] : memref<10000x16xf32, #tpu.memory_space<hbm>> -> memref<80x16xf32, #tpu.memory_space<hbm>>
        %dma_start3A_215 = arith.constant 0 : i32
        %dma_start3A_216 = tpu.memref_slice %arg8[%mul3A_211, %dma_start3A_215] : memref<10000x16xf32, #tpu.memory_space<vmem_shared>> -> memref<80x16xf32, #tpu.memory_space<vmem_shared>>
        tpu.enqueue_dma source(%dma_start3A_216 : memref<80x16xf32, #tpu.memory_space<vmem_shared>>) target(%dma_start3A_214 : memref<80x16xf32, #tpu.memory_space<hbm>>) target_semaphore(%run_scoped3A : memref<!tpu.dma_semaphore, #tpu.memory_space<semaphore_mem>>)
        %dma_wait3A = arith.constant 0 : i32
        %dma_wait3A_217 = tpu.memref_slice %arg4[%mul3A_213, %dma_wait3A] : memref<10000x16xf32, #tpu.memory_space<hbm>> -> memref<80x16xf32, #tpu.memory_space<hbm>>
        %dma_wait3A_218 = arith.constant 0 : i32
        %dma_wait3A_219 = tpu.memref_slice %arg8[%mul3A_211, %dma_wait3A_218] : memref<10000x16xf32, #tpu.memory_space<vmem_shared>> -> memref<80x16xf32, #tpu.memory_space<vmem_shared>>
        tpu.wait_dma2 semaphore(%run_scoped3A : memref<!tpu.dma_semaphore, #tpu.memory_space<semaphore_mem>>) src(%dma_wait3A_219 : memref<80x16xf32, #tpu.memory_space<vmem_shared>>) dst(%dma_wait3A_217 : memref<80x16xf32, #tpu.memory_space<hbm>>)
        tpu.yield
      }) : () -> ()
    } else {
    }
    %add3A_102 = arith.constant 32 : i32
    %add3A_103 = arith.addi %arg1, %add3A_102 : i32
    %lt3A_104 = arith.constant 125 : i32
    %lt3A_105 = arith.cmpi slt, %add3A_103, %lt3A_104 : i32
    %eq3A_106 = arith.constant 0 : i32
    %eq3A_107 = arith.cmpi eq, %arg0, %eq3A_106 : i32
    %and3A_108 = arith.andi %lt3A_105, %eq3A_107 : i1
    %convert_element_type3A_109 = arith.extui %and3A_108 : i1 to i32
    %cond3A_110 = arith.constant 0 : i32
    %cond3A_111 = arith.cmpi ne, %convert_element_type3A_109, %cond3A_110 : i32
    scf.if %cond3A_111 {
      %mul3A_210 = arith.constant 80 : i32
      %mul3A_211 = arith.muli %add3A_103, %mul3A_210 : i32
      %mul3A_212 = arith.constant 80 : i32
      %mul3A_213 = arith.muli %add3A_103, %mul3A_212 : i32
      "tpu.region"() ({
        %run_scoped3A = tpu.sem_alloc : memref<!tpu.dma_semaphore, #tpu.memory_space<semaphore_mem>>
        %dma_start3A = arith.constant 0 : i32
        %dma_start3A_214 = tpu.memref_slice %arg3[%mul3A_213, %dma_start3A] : memref<10000x16xf32, #tpu.memory_space<hbm>> -> memref<80x16xf32, #tpu.memory_space<hbm>>
        %dma_start3A_215 = arith.constant 0 : i32
        %dma_start3A_216 = tpu.memref_slice %arg8[%mul3A_211, %dma_start3A_215] : memref<10000x16xf32, #tpu.memory_space<vmem_shared>> -> memref<80x16xf32, #tpu.memory_space<vmem_shared>>
        tpu.enqueue_dma source(%dma_start3A_216 : memref<80x16xf32, #tpu.memory_space<vmem_shared>>) target(%dma_start3A_214 : memref<80x16xf32, #tpu.memory_space<hbm>>) target_semaphore(%run_scoped3A : memref<!tpu.dma_semaphore, #tpu.memory_space<semaphore_mem>>)
        %dma_wait3A = arith.constant 0 : i32
        %dma_wait3A_217 = tpu.memref_slice %arg3[%mul3A_213, %dma_wait3A] : memref<10000x16xf32, #tpu.memory_space<hbm>> -> memref<80x16xf32, #tpu.memory_space<hbm>>
        %dma_wait3A_218 = arith.constant 0 : i32
        %dma_wait3A_219 = tpu.memref_slice %arg8[%mul3A_211, %dma_wait3A_218] : memref<10000x16xf32, #tpu.memory_space<vmem_shared>> -> memref<80x16xf32, #tpu.memory_space<vmem_shared>>
        tpu.wait_dma2 semaphore(%run_scoped3A : memref<!tpu.dma_semaphore, #tpu.memory_space<semaphore_mem>>) src(%dma_wait3A_219 : memref<80x16xf32, #tpu.memory_space<vmem_shared>>) dst(%dma_wait3A_217 : memref<80x16xf32, #tpu.memory_space<hbm>>)
        tpu.yield
      }) : () -> ()
    } else {
    }
    %lt3A_112 = arith.constant 125 : i32
    %lt3A_113 = arith.cmpi slt, %add3A_103, %lt3A_112 : i32
    %eq3A_114 = arith.constant 1 : i32
    %eq3A_115 = arith.cmpi eq, %arg0, %eq3A_114 : i32
    %and3A_116 = arith.andi %lt3A_113, %eq3A_115 : i1
    %convert_element_type3A_117 = arith.extui %and3A_116 : i1 to i32
    %cond3A_118 = arith.constant 0 : i32
    %cond3A_119 = arith.cmpi ne, %convert_element_type3A_117, %cond3A_118 : i32
    scf.if %cond3A_119 {
      %mul3A_210 = arith.constant 80 : i32
      %mul3A_211 = arith.muli %add3A_103, %mul3A_210 : i32
      %mul3A_212 = arith.constant 80 : i32
      %mul3A_213 = arith.muli %add3A_103, %mul3A_212 : i32
      "tpu.region"() ({
        %run_scoped3A = tpu.sem_alloc : memref<!tpu.dma_semaphore, #tpu.memory_space<semaphore_mem>>
        %dma_start3A = arith.constant 0 : i32
        %dma_start3A_214 = tpu.memref_slice %arg4[%mul3A_213, %dma_start3A] : memref<10000x16xf32, #tpu.memory_space<hbm>> -> memref<80x16xf32, #tpu.memory_space<hbm>>
        %dma_start3A_215 = arith.constant 0 : i32
        %dma_start3A_216 = tpu.memref_slice %arg8[%mul3A_211, %dma_start3A_215] : memref<10000x16xf32, #tpu.memory_space<vmem_shared>> -> memref<80x16xf32, #tpu.memory_space<vmem_shared>>
        tpu.enqueue_dma source(%dma_start3A_216 : memref<80x16xf32, #tpu.memory_space<vmem_shared>>) target(%dma_start3A_214 : memref<80x16xf32, #tpu.memory_space<hbm>>) target_semaphore(%run_scoped3A : memref<!tpu.dma_semaphore, #tpu.memory_space<semaphore_mem>>)
        %dma_wait3A = arith.constant 0 : i32
        %dma_wait3A_217 = tpu.memref_slice %arg4[%mul3A_213, %dma_wait3A] : memref<10000x16xf32, #tpu.memory_space<hbm>> -> memref<80x16xf32, #tpu.memory_space<hbm>>
        %dma_wait3A_218 = arith.constant 0 : i32
        %dma_wait3A_219 = tpu.memref_slice %arg8[%mul3A_211, %dma_wait3A_218] : memref<10000x16xf32, #tpu.memory_space<vmem_shared>> -> memref<80x16xf32, #tpu.memory_space<vmem_shared>>
        tpu.wait_dma2 semaphore(%run_scoped3A : memref<!tpu.dma_semaphore, #tpu.memory_space<semaphore_mem>>) src(%dma_wait3A_219 : memref<80x16xf32, #tpu.memory_space<vmem_shared>>) dst(%dma_wait3A_217 : memref<80x16xf32, #tpu.memory_space<hbm>>)
        tpu.yield
      }) : () -> ()
    } else {
    }
    %add3A_120 = arith.constant 48 : i32
    %add3A_121 = arith.addi %arg1, %add3A_120 : i32
    %lt3A_122 = arith.constant 125 : i32
    %lt3A_123 = arith.cmpi slt, %add3A_121, %lt3A_122 : i32
    %eq3A_124 = arith.constant 0 : i32
    %eq3A_125 = arith.cmpi eq, %arg0, %eq3A_124 : i32
    %and3A_126 = arith.andi %lt3A_123, %eq3A_125 : i1
    %convert_element_type3A_127 = arith.extui %and3A_126 : i1 to i32
    %cond3A_128 = arith.constant 0 : i32
    %cond3A_129 = arith.cmpi ne, %convert_element_type3A_127, %cond3A_128 : i32
    scf.if %cond3A_129 {
      %mul3A_210 = arith.constant 80 : i32
      %mul3A_211 = arith.muli %add3A_121, %mul3A_210 : i32
      %mul3A_212 = arith.constant 80 : i32
      %mul3A_213 = arith.muli %add3A_121, %mul3A_212 : i32
      "tpu.region"() ({
        %run_scoped3A = tpu.sem_alloc : memref<!tpu.dma_semaphore, #tpu.memory_space<semaphore_mem>>
        %dma_start3A = arith.constant 0 : i32
        %dma_start3A_214 = tpu.memref_slice %arg3[%mul3A_213, %dma_start3A] : memref<10000x16xf32, #tpu.memory_space<hbm>> -> memref<80x16xf32, #tpu.memory_space<hbm>>
        %dma_start3A_215 = arith.constant 0 : i32
        %dma_start3A_216 = tpu.memref_slice %arg8[%mul3A_211, %dma_start3A_215] : memref<10000x16xf32, #tpu.memory_space<vmem_shared>> -> memref<80x16xf32, #tpu.memory_space<vmem_shared>>
        tpu.enqueue_dma source(%dma_start3A_216 : memref<80x16xf32, #tpu.memory_space<vmem_shared>>) target(%dma_start3A_214 : memref<80x16xf32, #tpu.memory_space<hbm>>) target_semaphore(%run_scoped3A : memref<!tpu.dma_semaphore, #tpu.memory_space<semaphore_mem>>)
        %dma_wait3A = arith.constant 0 : i32
        %dma_wait3A_217 = tpu.memref_slice %arg3[%mul3A_213, %dma_wait3A] : memref<10000x16xf32, #tpu.memory_space<hbm>> -> memref<80x16xf32, #tpu.memory_space<hbm>>
        %dma_wait3A_218 = arith.constant 0 : i32
        %dma_wait3A_219 = tpu.memref_slice %arg8[%mul3A_211, %dma_wait3A_218] : memref<10000x16xf32, #tpu.memory_space<vmem_shared>> -> memref<80x16xf32, #tpu.memory_space<vmem_shared>>
        tpu.wait_dma2 semaphore(%run_scoped3A : memref<!tpu.dma_semaphore, #tpu.memory_space<semaphore_mem>>) src(%dma_wait3A_219 : memref<80x16xf32, #tpu.memory_space<vmem_shared>>) dst(%dma_wait3A_217 : memref<80x16xf32, #tpu.memory_space<hbm>>)
        tpu.yield
      }) : () -> ()
    } else {
    }
    %lt3A_130 = arith.constant 125 : i32
    %lt3A_131 = arith.cmpi slt, %add3A_121, %lt3A_130 : i32
    %eq3A_132 = arith.constant 1 : i32
    %eq3A_133 = arith.cmpi eq, %arg0, %eq3A_132 : i32
    %and3A_134 = arith.andi %lt3A_131, %eq3A_133 : i1
    %convert_element_type3A_135 = arith.extui %and3A_134 : i1 to i32
    %cond3A_136 = arith.constant 0 : i32
    %cond3A_137 = arith.cmpi ne, %convert_element_type3A_135, %cond3A_136 : i32
    scf.if %cond3A_137 {
      %mul3A_210 = arith.constant 80 : i32
      %mul3A_211 = arith.muli %add3A_121, %mul3A_210 : i32
      %mul3A_212 = arith.constant 80 : i32
      %mul3A_213 = arith.muli %add3A_121, %mul3A_212 : i32
      "tpu.region"() ({
        %run_scoped3A = tpu.sem_alloc : memref<!tpu.dma_semaphore, #tpu.memory_space<semaphore_mem>>
        %dma_start3A = arith.constant 0 : i32
        %dma_start3A_214 = tpu.memref_slice %arg4[%mul3A_213, %dma_start3A] : memref<10000x16xf32, #tpu.memory_space<hbm>> -> memref<80x16xf32, #tpu.memory_space<hbm>>
        %dma_start3A_215 = arith.constant 0 : i32
        %dma_start3A_216 = tpu.memref_slice %arg8[%mul3A_211, %dma_start3A_215] : memref<10000x16xf32, #tpu.memory_space<vmem_shared>> -> memref<80x16xf32, #tpu.memory_space<vmem_shared>>
        tpu.enqueue_dma source(%dma_start3A_216 : memref<80x16xf32, #tpu.memory_space<vmem_shared>>) target(%dma_start3A_214 : memref<80x16xf32, #tpu.memory_space<hbm>>) target_semaphore(%run_scoped3A : memref<!tpu.dma_semaphore, #tpu.memory_space<semaphore_mem>>)
        %dma_wait3A = arith.constant 0 : i32
        %dma_wait3A_217 = tpu.memref_slice %arg4[%mul3A_213, %dma_wait3A] : memref<10000x16xf32, #tpu.memory_space<hbm>> -> memref<80x16xf32, #tpu.memory_space<hbm>>
        %dma_wait3A_218 = arith.constant 0 : i32
        %dma_wait3A_219 = tpu.memref_slice %arg8[%mul3A_211, %dma_wait3A_218] : memref<10000x16xf32, #tpu.memory_space<vmem_shared>> -> memref<80x16xf32, #tpu.memory_space<vmem_shared>>
        tpu.wait_dma2 semaphore(%run_scoped3A : memref<!tpu.dma_semaphore, #tpu.memory_space<semaphore_mem>>) src(%dma_wait3A_219 : memref<80x16xf32, #tpu.memory_space<vmem_shared>>) dst(%dma_wait3A_217 : memref<80x16xf32, #tpu.memory_space<hbm>>)
        tpu.yield
      }) : () -> ()
    } else {
    }
    %add3A_138 = arith.constant 64 : i32
    %add3A_139 = arith.addi %arg1, %add3A_138 : i32
    %lt3A_140 = arith.constant 125 : i32
    %lt3A_141 = arith.cmpi slt, %add3A_139, %lt3A_140 : i32
    %eq3A_142 = arith.constant 0 : i32
    %eq3A_143 = arith.cmpi eq, %arg0, %eq3A_142 : i32
    %and3A_144 = arith.andi %lt3A_141, %eq3A_143 : i1
    %convert_element_type3A_145 = arith.extui %and3A_144 : i1 to i32
    %cond3A_146 = arith.constant 0 : i32
    %cond3A_147 = arith.cmpi ne, %convert_element_type3A_145, %cond3A_146 : i32
    scf.if %cond3A_147 {
      %mul3A_210 = arith.constant 80 : i32
      %mul3A_211 = arith.muli %add3A_139, %mul3A_210 : i32
      %mul3A_212 = arith.constant 80 : i32
      %mul3A_213 = arith.muli %add3A_139, %mul3A_212 : i32
      "tpu.region"() ({
        %run_scoped3A = tpu.sem_alloc : memref<!tpu.dma_semaphore, #tpu.memory_space<semaphore_mem>>
        %dma_start3A = arith.constant 0 : i32
        %dma_start3A_214 = tpu.memref_slice %arg3[%mul3A_213, %dma_start3A] : memref<10000x16xf32, #tpu.memory_space<hbm>> -> memref<80x16xf32, #tpu.memory_space<hbm>>
        %dma_start3A_215 = arith.constant 0 : i32
        %dma_start3A_216 = tpu.memref_slice %arg8[%mul3A_211, %dma_start3A_215] : memref<10000x16xf32, #tpu.memory_space<vmem_shared>> -> memref<80x16xf32, #tpu.memory_space<vmem_shared>>
        tpu.enqueue_dma source(%dma_start3A_216 : memref<80x16xf32, #tpu.memory_space<vmem_shared>>) target(%dma_start3A_214 : memref<80x16xf32, #tpu.memory_space<hbm>>) target_semaphore(%run_scoped3A : memref<!tpu.dma_semaphore, #tpu.memory_space<semaphore_mem>>)
        %dma_wait3A = arith.constant 0 : i32
        %dma_wait3A_217 = tpu.memref_slice %arg3[%mul3A_213, %dma_wait3A] : memref<10000x16xf32, #tpu.memory_space<hbm>> -> memref<80x16xf32, #tpu.memory_space<hbm>>
        %dma_wait3A_218 = arith.constant 0 : i32
        %dma_wait3A_219 = tpu.memref_slice %arg8[%mul3A_211, %dma_wait3A_218] : memref<10000x16xf32, #tpu.memory_space<vmem_shared>> -> memref<80x16xf32, #tpu.memory_space<vmem_shared>>
        tpu.wait_dma2 semaphore(%run_scoped3A : memref<!tpu.dma_semaphore, #tpu.memory_space<semaphore_mem>>) src(%dma_wait3A_219 : memref<80x16xf32, #tpu.memory_space<vmem_shared>>) dst(%dma_wait3A_217 : memref<80x16xf32, #tpu.memory_space<hbm>>)
        tpu.yield
      }) : () -> ()
    } else {
    }
    %lt3A_148 = arith.constant 125 : i32
    %lt3A_149 = arith.cmpi slt, %add3A_139, %lt3A_148 : i32
    %eq3A_150 = arith.constant 1 : i32
    %eq3A_151 = arith.cmpi eq, %arg0, %eq3A_150 : i32
    %and3A_152 = arith.andi %lt3A_149, %eq3A_151 : i1
    %convert_element_type3A_153 = arith.extui %and3A_152 : i1 to i32
    %cond3A_154 = arith.constant 0 : i32
    %cond3A_155 = arith.cmpi ne, %convert_element_type3A_153, %cond3A_154 : i32
    scf.if %cond3A_155 {
      %mul3A_210 = arith.constant 80 : i32
      %mul3A_211 = arith.muli %add3A_139, %mul3A_210 : i32
      %mul3A_212 = arith.constant 80 : i32
      %mul3A_213 = arith.muli %add3A_139, %mul3A_212 : i32
      "tpu.region"() ({
        %run_scoped3A = tpu.sem_alloc : memref<!tpu.dma_semaphore, #tpu.memory_space<semaphore_mem>>
        %dma_start3A = arith.constant 0 : i32
        %dma_start3A_214 = tpu.memref_slice %arg4[%mul3A_213, %dma_start3A] : memref<10000x16xf32, #tpu.memory_space<hbm>> -> memref<80x16xf32, #tpu.memory_space<hbm>>
        %dma_start3A_215 = arith.constant 0 : i32
        %dma_start3A_216 = tpu.memref_slice %arg8[%mul3A_211, %dma_start3A_215] : memref<10000x16xf32, #tpu.memory_space<vmem_shared>> -> memref<80x16xf32, #tpu.memory_space<vmem_shared>>
        tpu.enqueue_dma source(%dma_start3A_216 : memref<80x16xf32, #tpu.memory_space<vmem_shared>>) target(%dma_start3A_214 : memref<80x16xf32, #tpu.memory_space<hbm>>) target_semaphore(%run_scoped3A : memref<!tpu.dma_semaphore, #tpu.memory_space<semaphore_mem>>)
        %dma_wait3A = arith.constant 0 : i32
        %dma_wait3A_217 = tpu.memref_slice %arg4[%mul3A_213, %dma_wait3A] : memref<10000x16xf32, #tpu.memory_space<hbm>> -> memref<80x16xf32, #tpu.memory_space<hbm>>
        %dma_wait3A_218 = arith.constant 0 : i32
        %dma_wait3A_219 = tpu.memref_slice %arg8[%mul3A_211, %dma_wait3A_218] : memref<10000x16xf32, #tpu.memory_space<vmem_shared>> -> memref<80x16xf32, #tpu.memory_space<vmem_shared>>
        tpu.wait_dma2 semaphore(%run_scoped3A : memref<!tpu.dma_semaphore, #tpu.memory_space<semaphore_mem>>) src(%dma_wait3A_219 : memref<80x16xf32, #tpu.memory_space<vmem_shared>>) dst(%dma_wait3A_217 : memref<80x16xf32, #tpu.memory_space<hbm>>)
        tpu.yield
      }) : () -> ()
    } else {
    }
    %add3A_156 = arith.constant 80 : i32
    %add3A_157 = arith.addi %arg1, %add3A_156 : i32
    %lt3A_158 = arith.constant 125 : i32
    %lt3A_159 = arith.cmpi slt, %add3A_157, %lt3A_158 : i32
    %eq3A_160 = arith.constant 0 : i32
    %eq3A_161 = arith.cmpi eq, %arg0, %eq3A_160 : i32
    %and3A_162 = arith.andi %lt3A_159, %eq3A_161 : i1
    %convert_element_type3A_163 = arith.extui %and3A_162 : i1 to i32
    %cond3A_164 = arith.constant 0 : i32
    %cond3A_165 = arith.cmpi ne, %convert_element_type3A_163, %cond3A_164 : i32
    scf.if %cond3A_165 {
      %mul3A_210 = arith.constant 80 : i32
      %mul3A_211 = arith.muli %add3A_157, %mul3A_210 : i32
      %mul3A_212 = arith.constant 80 : i32
      %mul3A_213 = arith.muli %add3A_157, %mul3A_212 : i32
      "tpu.region"() ({
        %run_scoped3A = tpu.sem_alloc : memref<!tpu.dma_semaphore, #tpu.memory_space<semaphore_mem>>
        %dma_start3A = arith.constant 0 : i32
        %dma_start3A_214 = tpu.memref_slice %arg3[%mul3A_213, %dma_start3A] : memref<10000x16xf32, #tpu.memory_space<hbm>> -> memref<80x16xf32, #tpu.memory_space<hbm>>
        %dma_start3A_215 = arith.constant 0 : i32
        %dma_start3A_216 = tpu.memref_slice %arg8[%mul3A_211, %dma_start3A_215] : memref<10000x16xf32, #tpu.memory_space<vmem_shared>> -> memref<80x16xf32, #tpu.memory_space<vmem_shared>>
        tpu.enqueue_dma source(%dma_start3A_216 : memref<80x16xf32, #tpu.memory_space<vmem_shared>>) target(%dma_start3A_214 : memref<80x16xf32, #tpu.memory_space<hbm>>) target_semaphore(%run_scoped3A : memref<!tpu.dma_semaphore, #tpu.memory_space<semaphore_mem>>)
        %dma_wait3A = arith.constant 0 : i32
        %dma_wait3A_217 = tpu.memref_slice %arg3[%mul3A_213, %dma_wait3A] : memref<10000x16xf32, #tpu.memory_space<hbm>> -> memref<80x16xf32, #tpu.memory_space<hbm>>
        %dma_wait3A_218 = arith.constant 0 : i32
        %dma_wait3A_219 = tpu.memref_slice %arg8[%mul3A_211, %dma_wait3A_218] : memref<10000x16xf32, #tpu.memory_space<vmem_shared>> -> memref<80x16xf32, #tpu.memory_space<vmem_shared>>
        tpu.wait_dma2 semaphore(%run_scoped3A : memref<!tpu.dma_semaphore, #tpu.memory_space<semaphore_mem>>) src(%dma_wait3A_219 : memref<80x16xf32, #tpu.memory_space<vmem_shared>>) dst(%dma_wait3A_217 : memref<80x16xf32, #tpu.memory_space<hbm>>)
        tpu.yield
      }) : () -> ()
    } else {
    }
    %lt3A_166 = arith.constant 125 : i32
    %lt3A_167 = arith.cmpi slt, %add3A_157, %lt3A_166 : i32
    %eq3A_168 = arith.constant 1 : i32
    %eq3A_169 = arith.cmpi eq, %arg0, %eq3A_168 : i32
    %and3A_170 = arith.andi %lt3A_167, %eq3A_169 : i1
    %convert_element_type3A_171 = arith.extui %and3A_170 : i1 to i32
    %cond3A_172 = arith.constant 0 : i32
    %cond3A_173 = arith.cmpi ne, %convert_element_type3A_171, %cond3A_172 : i32
    scf.if %cond3A_173 {
      %mul3A_210 = arith.constant 80 : i32
      %mul3A_211 = arith.muli %add3A_157, %mul3A_210 : i32
      %mul3A_212 = arith.constant 80 : i32
      %mul3A_213 = arith.muli %add3A_157, %mul3A_212 : i32
      "tpu.region"() ({
        %run_scoped3A = tpu.sem_alloc : memref<!tpu.dma_semaphore, #tpu.memory_space<semaphore_mem>>
        %dma_start3A = arith.constant 0 : i32
        %dma_start3A_214 = tpu.memref_slice %arg4[%mul3A_213, %dma_start3A] : memref<10000x16xf32, #tpu.memory_space<hbm>> -> memref<80x16xf32, #tpu.memory_space<hbm>>
        %dma_start3A_215 = arith.constant 0 : i32
        %dma_start3A_216 = tpu.memref_slice %arg8[%mul3A_211, %dma_start3A_215] : memref<10000x16xf32, #tpu.memory_space<vmem_shared>> -> memref<80x16xf32, #tpu.memory_space<vmem_shared>>
        tpu.enqueue_dma source(%dma_start3A_216 : memref<80x16xf32, #tpu.memory_space<vmem_shared>>) target(%dma_start3A_214 : memref<80x16xf32, #tpu.memory_space<hbm>>) target_semaphore(%run_scoped3A : memref<!tpu.dma_semaphore, #tpu.memory_space<semaphore_mem>>)
        %dma_wait3A = arith.constant 0 : i32
        %dma_wait3A_217 = tpu.memref_slice %arg4[%mul3A_213, %dma_wait3A] : memref<10000x16xf32, #tpu.memory_space<hbm>> -> memref<80x16xf32, #tpu.memory_space<hbm>>
        %dma_wait3A_218 = arith.constant 0 : i32
        %dma_wait3A_219 = tpu.memref_slice %arg8[%mul3A_211, %dma_wait3A_218] : memref<10000x16xf32, #tpu.memory_space<vmem_shared>> -> memref<80x16xf32, #tpu.memory_space<vmem_shared>>
        tpu.wait_dma2 semaphore(%run_scoped3A : memref<!tpu.dma_semaphore, #tpu.memory_space<semaphore_mem>>) src(%dma_wait3A_219 : memref<80x16xf32, #tpu.memory_space<vmem_shared>>) dst(%dma_wait3A_217 : memref<80x16xf32, #tpu.memory_space<hbm>>)
        tpu.yield
      }) : () -> ()
    } else {
    }
    %add3A_174 = arith.constant 96 : i32
    %add3A_175 = arith.addi %arg1, %add3A_174 : i32
    %lt3A_176 = arith.constant 125 : i32
    %lt3A_177 = arith.cmpi slt, %add3A_175, %lt3A_176 : i32
    %eq3A_178 = arith.constant 0 : i32
    %eq3A_179 = arith.cmpi eq, %arg0, %eq3A_178 : i32
    %and3A_180 = arith.andi %lt3A_177, %eq3A_179 : i1
    %convert_element_type3A_181 = arith.extui %and3A_180 : i1 to i32
    %cond3A_182 = arith.constant 0 : i32
    %cond3A_183 = arith.cmpi ne, %convert_element_type3A_181, %cond3A_182 : i32
    scf.if %cond3A_183 {
      %mul3A_210 = arith.constant 80 : i32
      %mul3A_211 = arith.muli %add3A_175, %mul3A_210 : i32
      %mul3A_212 = arith.constant 80 : i32
      %mul3A_213 = arith.muli %add3A_175, %mul3A_212 : i32
      "tpu.region"() ({
        %run_scoped3A = tpu.sem_alloc : memref<!tpu.dma_semaphore, #tpu.memory_space<semaphore_mem>>
        %dma_start3A = arith.constant 0 : i32
        %dma_start3A_214 = tpu.memref_slice %arg3[%mul3A_213, %dma_start3A] : memref<10000x16xf32, #tpu.memory_space<hbm>> -> memref<80x16xf32, #tpu.memory_space<hbm>>
        %dma_start3A_215 = arith.constant 0 : i32
        %dma_start3A_216 = tpu.memref_slice %arg8[%mul3A_211, %dma_start3A_215] : memref<10000x16xf32, #tpu.memory_space<vmem_shared>> -> memref<80x16xf32, #tpu.memory_space<vmem_shared>>
        tpu.enqueue_dma source(%dma_start3A_216 : memref<80x16xf32, #tpu.memory_space<vmem_shared>>) target(%dma_start3A_214 : memref<80x16xf32, #tpu.memory_space<hbm>>) target_semaphore(%run_scoped3A : memref<!tpu.dma_semaphore, #tpu.memory_space<semaphore_mem>>)
        %dma_wait3A = arith.constant 0 : i32
        %dma_wait3A_217 = tpu.memref_slice %arg3[%mul3A_213, %dma_wait3A] : memref<10000x16xf32, #tpu.memory_space<hbm>> -> memref<80x16xf32, #tpu.memory_space<hbm>>
        %dma_wait3A_218 = arith.constant 0 : i32
        %dma_wait3A_219 = tpu.memref_slice %arg8[%mul3A_211, %dma_wait3A_218] : memref<10000x16xf32, #tpu.memory_space<vmem_shared>> -> memref<80x16xf32, #tpu.memory_space<vmem_shared>>
        tpu.wait_dma2 semaphore(%run_scoped3A : memref<!tpu.dma_semaphore, #tpu.memory_space<semaphore_mem>>) src(%dma_wait3A_219 : memref<80x16xf32, #tpu.memory_space<vmem_shared>>) dst(%dma_wait3A_217 : memref<80x16xf32, #tpu.memory_space<hbm>>)
        tpu.yield
      }) : () -> ()
    } else {
    }
    %lt3A_184 = arith.constant 125 : i32
    %lt3A_185 = arith.cmpi slt, %add3A_175, %lt3A_184 : i32
    %eq3A_186 = arith.constant 1 : i32
    %eq3A_187 = arith.cmpi eq, %arg0, %eq3A_186 : i32
    %and3A_188 = arith.andi %lt3A_185, %eq3A_187 : i1
    %convert_element_type3A_189 = arith.extui %and3A_188 : i1 to i32
    %cond3A_190 = arith.constant 0 : i32
    %cond3A_191 = arith.cmpi ne, %convert_element_type3A_189, %cond3A_190 : i32
    scf.if %cond3A_191 {
      %mul3A_210 = arith.constant 80 : i32
      %mul3A_211 = arith.muli %add3A_175, %mul3A_210 : i32
      %mul3A_212 = arith.constant 80 : i32
      %mul3A_213 = arith.muli %add3A_175, %mul3A_212 : i32
      "tpu.region"() ({
        %run_scoped3A = tpu.sem_alloc : memref<!tpu.dma_semaphore, #tpu.memory_space<semaphore_mem>>
        %dma_start3A = arith.constant 0 : i32
        %dma_start3A_214 = tpu.memref_slice %arg4[%mul3A_213, %dma_start3A] : memref<10000x16xf32, #tpu.memory_space<hbm>> -> memref<80x16xf32, #tpu.memory_space<hbm>>
        %dma_start3A_215 = arith.constant 0 : i32
        %dma_start3A_216 = tpu.memref_slice %arg8[%mul3A_211, %dma_start3A_215] : memref<10000x16xf32, #tpu.memory_space<vmem_shared>> -> memref<80x16xf32, #tpu.memory_space<vmem_shared>>
        tpu.enqueue_dma source(%dma_start3A_216 : memref<80x16xf32, #tpu.memory_space<vmem_shared>>) target(%dma_start3A_214 : memref<80x16xf32, #tpu.memory_space<hbm>>) target_semaphore(%run_scoped3A : memref<!tpu.dma_semaphore, #tpu.memory_space<semaphore_mem>>)
        %dma_wait3A = arith.constant 0 : i32
        %dma_wait3A_217 = tpu.memref_slice %arg4[%mul3A_213, %dma_wait3A] : memref<10000x16xf32, #tpu.memory_space<hbm>> -> memref<80x16xf32, #tpu.memory_space<hbm>>
        %dma_wait3A_218 = arith.constant 0 : i32
        %dma_wait3A_219 = tpu.memref_slice %arg8[%mul3A_211, %dma_wait3A_218] : memref<10000x16xf32, #tpu.memory_space<vmem_shared>> -> memref<80x16xf32, #tpu.memory_space<vmem_shared>>
        tpu.wait_dma2 semaphore(%run_scoped3A : memref<!tpu.dma_semaphore, #tpu.memory_space<semaphore_mem>>) src(%dma_wait3A_219 : memref<80x16xf32, #tpu.memory_space<vmem_shared>>) dst(%dma_wait3A_217 : memref<80x16xf32, #tpu.memory_space<hbm>>)
        tpu.yield
      }) : () -> ()
    } else {
    }
    %add3A_192 = arith.constant 112 : i32
    %add3A_193 = arith.addi %arg1, %add3A_192 : i32
    %lt3A_194 = arith.constant 125 : i32
    %lt3A_195 = arith.cmpi slt, %add3A_193, %lt3A_194 : i32
    %eq3A_196 = arith.constant 0 : i32
    %eq3A_197 = arith.cmpi eq, %arg0, %eq3A_196 : i32
    %and3A_198 = arith.andi %lt3A_195, %eq3A_197 : i1
    %convert_element_type3A_199 = arith.extui %and3A_198 : i1 to i32
    %cond3A_200 = arith.constant 0 : i32
    %cond3A_201 = arith.cmpi ne, %convert_element_type3A_199, %cond3A_200 : i32
    scf.if %cond3A_201 {
      %mul3A_210 = arith.constant 80 : i32
      %mul3A_211 = arith.muli %add3A_193, %mul3A_210 : i32
      %mul3A_212 = arith.constant 80 : i32
      %mul3A_213 = arith.muli %add3A_193, %mul3A_212 : i32
      "tpu.region"() ({
        %run_scoped3A = tpu.sem_alloc : memref<!tpu.dma_semaphore, #tpu.memory_space<semaphore_mem>>
        %dma_start3A = arith.constant 0 : i32
        %dma_start3A_214 = tpu.memref_slice %arg3[%mul3A_213, %dma_start3A] : memref<10000x16xf32, #tpu.memory_space<hbm>> -> memref<80x16xf32, #tpu.memory_space<hbm>>
        %dma_start3A_215 = arith.constant 0 : i32
        %dma_start3A_216 = tpu.memref_slice %arg8[%mul3A_211, %dma_start3A_215] : memref<10000x16xf32, #tpu.memory_space<vmem_shared>> -> memref<80x16xf32, #tpu.memory_space<vmem_shared>>
        tpu.enqueue_dma source(%dma_start3A_216 : memref<80x16xf32, #tpu.memory_space<vmem_shared>>) target(%dma_start3A_214 : memref<80x16xf32, #tpu.memory_space<hbm>>) target_semaphore(%run_scoped3A : memref<!tpu.dma_semaphore, #tpu.memory_space<semaphore_mem>>)
        %dma_wait3A = arith.constant 0 : i32
        %dma_wait3A_217 = tpu.memref_slice %arg3[%mul3A_213, %dma_wait3A] : memref<10000x16xf32, #tpu.memory_space<hbm>> -> memref<80x16xf32, #tpu.memory_space<hbm>>
        %dma_wait3A_218 = arith.constant 0 : i32
        %dma_wait3A_219 = tpu.memref_slice %arg8[%mul3A_211, %dma_wait3A_218] : memref<10000x16xf32, #tpu.memory_space<vmem_shared>> -> memref<80x16xf32, #tpu.memory_space<vmem_shared>>
        tpu.wait_dma2 semaphore(%run_scoped3A : memref<!tpu.dma_semaphore, #tpu.memory_space<semaphore_mem>>) src(%dma_wait3A_219 : memref<80x16xf32, #tpu.memory_space<vmem_shared>>) dst(%dma_wait3A_217 : memref<80x16xf32, #tpu.memory_space<hbm>>)
        tpu.yield
      }) : () -> ()
    } else {
    }
    %lt3A_202 = arith.constant 125 : i32
    %lt3A_203 = arith.cmpi slt, %add3A_193, %lt3A_202 : i32
    %eq3A_204 = arith.constant 1 : i32
    %eq3A_205 = arith.cmpi eq, %arg0, %eq3A_204 : i32
    %and3A_206 = arith.andi %lt3A_203, %eq3A_205 : i1
    %convert_element_type3A_207 = arith.extui %and3A_206 : i1 to i32
    %cond3A_208 = arith.constant 0 : i32
    %cond3A_209 = arith.cmpi ne, %convert_element_type3A_207, %cond3A_208 : i32
    scf.if %cond3A_209 {
      %mul3A_210 = arith.constant 80 : i32
      %mul3A_211 = arith.muli %add3A_193, %mul3A_210 : i32
      %mul3A_212 = arith.constant 80 : i32
      %mul3A_213 = arith.muli %add3A_193, %mul3A_212 : i32
      "tpu.region"() ({
        %run_scoped3A = tpu.sem_alloc : memref<!tpu.dma_semaphore, #tpu.memory_space<semaphore_mem>>
        %dma_start3A = arith.constant 0 : i32
        %dma_start3A_214 = tpu.memref_slice %arg4[%mul3A_213, %dma_start3A] : memref<10000x16xf32, #tpu.memory_space<hbm>> -> memref<80x16xf32, #tpu.memory_space<hbm>>
        %dma_start3A_215 = arith.constant 0 : i32
        %dma_start3A_216 = tpu.memref_slice %arg8[%mul3A_211, %dma_start3A_215] : memref<10000x16xf32, #tpu.memory_space<vmem_shared>> -> memref<80x16xf32, #tpu.memory_space<vmem_shared>>
        tpu.enqueue_dma source(%dma_start3A_216 : memref<80x16xf32, #tpu.memory_space<vmem_shared>>) target(%dma_start3A_214 : memref<80x16xf32, #tpu.memory_space<hbm>>) target_semaphore(%run_scoped3A : memref<!tpu.dma_semaphore, #tpu.memory_space<semaphore_mem>>)
        %dma_wait3A = arith.constant 0 : i32
        %dma_wait3A_217 = tpu.memref_slice %arg4[%mul3A_213, %dma_wait3A] : memref<10000x16xf32, #tpu.memory_space<hbm>> -> memref<80x16xf32, #tpu.memory_space<hbm>>
        %dma_wait3A_218 = arith.constant 0 : i32
        %dma_wait3A_219 = tpu.memref_slice %arg8[%mul3A_211, %dma_wait3A_218] : memref<10000x16xf32, #tpu.memory_space<vmem_shared>> -> memref<80x16xf32, #tpu.memory_space<vmem_shared>>
        tpu.wait_dma2 semaphore(%run_scoped3A : memref<!tpu.dma_semaphore, #tpu.memory_space<semaphore_mem>>) src(%dma_wait3A_219 : memref<80x16xf32, #tpu.memory_space<vmem_shared>>) dst(%dma_wait3A_217 : memref<80x16xf32, #tpu.memory_space<hbm>>)
        tpu.yield
      }) : () -> ()
    } else {
    }
    return
  }
}

#map = affine_map<(d0, d1) -> (0, 0, 0)>
#map1 = affine_map<(d0, d1) -> (0, 0)>
module attributes {stable_mosaic.version = 14 : i64} {
  func.func @agg_kernel(%arg0: i32, %arg1: i32, %arg2: memref<32x125x80xi32, #tpu.memory_space<hbm>>, %arg3: memref<32x125x80xi32, #tpu.memory_space<hbm>>, %arg4: memref<10000x128xf32, #tpu.memory_space<hbm>>, %arg5: memref<10000x128xf32, #tpu.memory_space<hbm>>, %arg6: memref<10000x128xf32, #tpu.memory_space<hbm>>, %arg7: memref<125x80xi32, #tpu.memory_space<vmem>>, %arg8: memref<125x80xi32, #tpu.memory_space<vmem>>, %arg9: memref<80x128xf32, #tpu.memory_space<vmem>>, %arg10: memref<10000x128xf32, #tpu.memory_space<vmem_shared>>, %arg11: memref<!tpu.dma_semaphore, #tpu.memory_space<semaphore_mem>>) attributes {dimension_semantics = [#tpu.dimension_semantics<core_parallel>, #tpu.dimension_semantics<subcore_parallel>], iteration_bounds = array<i64: 2, 16>, scalar_prefetch = 0 : i64, scratch_operands = 5 : i64, tpu.core_type = #tpu.core_type<sc_vector_subcore>, window_params = [{transform_indices = #map}, {transform_indices = #map}, {transform_indices = #map1}, {transform_indices = #map1}, {transform_indices = #map1}]} {
    %mul3A = arith.constant 16 : i32
    %mul3A_0 = arith.muli %arg0, %mul3A : i32
    %add3A = arith.addi %mul3A_0, %arg1 : i32
    %scan3A = arith.constant 0 : i32
    %scan3A_1 = arith.constant 0 : i32
    %scan3A_2 = arith.constant 80 : i32
    %scan3A_3 = arith.addi %scan3A_1, %scan3A_2 : i32
    %scan3A_4 = arith.constant 1 : i32
    %scan3A_5 = scf.for %scan3A_210 = %scan3A_1 to %scan3A_3 step %scan3A_4 iter_args(%scan3A_211 = %scan3A) -> (i32)  : i32 {
      %broadcast_in_dim3A = arith.constant 0.000000e+00 : f32
      %broadcast_in_dim3A_212 = vector.broadcast %broadcast_in_dim3A : f32 to vector<16xf32>
      %swap3A = arith.index_cast %scan3A_210 : i32 to index
      %swap3A_213 = arith.constant 0 : index
      %swap3A_214 = tpu.vector_load %arg9[%swap3A, %swap3A_213] {strides = array<i32>} : memref<80x128xf32, #tpu.memory_space<vmem>>, vector<1x16xf32>,
      %swap3A_215 = vector.shape_cast %swap3A_214 : vector<1x16xf32> to vector<16xf32>
      %swap3A_216 = vector.shape_cast %broadcast_in_dim3A_212 : vector<16xf32> to vector<1x16xf32>
      tpu.vector_store %arg9[%swap3A, %swap3A_213], %swap3A_216 {strides = array<i32>} : memref<80x128xf32, #tpu.memory_space<vmem>>, vector<1x16xf32>,
      %broadcast_in_dim3A_217 = arith.constant 0.000000e+00 : f32
      %broadcast_in_dim3A_218 = vector.broadcast %broadcast_in_dim3A_217 : f32 to vector<16xf32>
      %swap3A_219 = arith.index_cast %scan3A_210 : i32 to index
      %swap3A_220 = arith.constant 16 : index
      %swap3A_221 = tpu.vector_load %arg9[%swap3A_219, %swap3A_220] {strides = array<i32>} : memref<80x128xf32, #tpu.memory_space<vmem>>, vector<1x16xf32>,
      %swap3A_222 = vector.shape_cast %swap3A_221 : vector<1x16xf32> to vector<16xf32>
      %swap3A_223 = vector.shape_cast %broadcast_in_dim3A_218 : vector<16xf32> to vector<1x16xf32>
      tpu.vector_store %arg9[%swap3A_219, %swap3A_220], %swap3A_223 {strides = array<i32>} : memref<80x128xf32, #tpu.memory_space<vmem>>, vector<1x16xf32>,
      %broadcast_in_dim3A_224 = arith.constant 0.000000e+00 : f32
      %broadcast_in_dim3A_225 = vector.broadcast %broadcast_in_dim3A_224 : f32 to vector<16xf32>
      %swap3A_226 = arith.index_cast %scan3A_210 : i32 to index
      %swap3A_227 = arith.constant 32 : index
      %swap3A_228 = tpu.vector_load %arg9[%swap3A_226, %swap3A_227] {strides = array<i32>} : memref<80x128xf32, #tpu.memory_space<vmem>>, vector<1x16xf32>,
      %swap3A_229 = vector.shape_cast %swap3A_228 : vector<1x16xf32> to vector<16xf32>
      %swap3A_230 = vector.shape_cast %broadcast_in_dim3A_225 : vector<16xf32> to vector<1x16xf32>
      tpu.vector_store %arg9[%swap3A_226, %swap3A_227], %swap3A_230 {strides = array<i32>} : memref<80x128xf32, #tpu.memory_space<vmem>>, vector<1x16xf32>,
      %broadcast_in_dim3A_231 = arith.constant 0.000000e+00 : f32
      %broadcast_in_dim3A_232 = vector.broadcast %broadcast_in_dim3A_231 : f32 to vector<16xf32>
      %swap3A_233 = arith.index_cast %scan3A_210 : i32 to index
      %swap3A_234 = arith.constant 48 : index
      %swap3A_235 = tpu.vector_load %arg9[%swap3A_233, %swap3A_234] {strides = array<i32>} : memref<80x128xf32, #tpu.memory_space<vmem>>, vector<1x16xf32>,
      %swap3A_236 = vector.shape_cast %swap3A_235 : vector<1x16xf32> to vector<16xf32>
      %swap3A_237 = vector.shape_cast %broadcast_in_dim3A_232 : vector<16xf32> to vector<1x16xf32>
      tpu.vector_store %arg9[%swap3A_233, %swap3A_234], %swap3A_237 {strides = array<i32>} : memref<80x128xf32, #tpu.memory_space<vmem>>, vector<1x16xf32>,
      %broadcast_in_dim3A_238 = arith.constant 0.000000e+00 : f32
      %broadcast_in_dim3A_239 = vector.broadcast %broadcast_in_dim3A_238 : f32 to vector<16xf32>
      %swap3A_240 = arith.index_cast %scan3A_210 : i32 to index
      %swap3A_241 = arith.constant 64 : index
      %swap3A_242 = tpu.vector_load %arg9[%swap3A_240, %swap3A_241] {strides = array<i32>} : memref<80x128xf32, #tpu.memory_space<vmem>>, vector<1x16xf32>,
      %swap3A_243 = vector.shape_cast %swap3A_242 : vector<1x16xf32> to vector<16xf32>
      %swap3A_244 = vector.shape_cast %broadcast_in_dim3A_239 : vector<16xf32> to vector<1x16xf32>
      tpu.vector_store %arg9[%swap3A_240, %swap3A_241], %swap3A_244 {strides = array<i32>} : memref<80x128xf32, #tpu.memory_space<vmem>>, vector<1x16xf32>,
      %broadcast_in_dim3A_245 = arith.constant 0.000000e+00 : f32
      %broadcast_in_dim3A_246 = vector.broadcast %broadcast_in_dim3A_245 : f32 to vector<16xf32>
      %swap3A_247 = arith.index_cast %scan3A_210 : i32 to index
      %swap3A_248 = arith.constant 80 : index
      %swap3A_249 = tpu.vector_load %arg9[%swap3A_247, %swap3A_248] {strides = array<i32>} : memref<80x128xf32, #tpu.memory_space<vmem>>, vector<1x16xf32>,
      %swap3A_250 = vector.shape_cast %swap3A_249 : vector<1x16xf32> to vector<16xf32>
      %swap3A_251 = vector.shape_cast %broadcast_in_dim3A_246 : vector<16xf32> to vector<1x16xf32>
      tpu.vector_store %arg9[%swap3A_247, %swap3A_248], %swap3A_251 {strides = array<i32>} : memref<80x128xf32, #tpu.memory_space<vmem>>, vector<1x16xf32>,
      %broadcast_in_dim3A_252 = arith.constant 0.000000e+00 : f32
      %broadcast_in_dim3A_253 = vector.broadcast %broadcast_in_dim3A_252 : f32 to vector<16xf32>
      %swap3A_254 = arith.index_cast %scan3A_210 : i32 to index
      %swap3A_255 = arith.constant 96 : index
      %swap3A_256 = tpu.vector_load %arg9[%swap3A_254, %swap3A_255] {strides = array<i32>} : memref<80x128xf32, #tpu.memory_space<vmem>>, vector<1x16xf32>,
      %swap3A_257 = vector.shape_cast %swap3A_256 : vector<1x16xf32> to vector<16xf32>
      %swap3A_258 = vector.shape_cast %broadcast_in_dim3A_253 : vector<16xf32> to vector<1x16xf32>
      tpu.vector_store %arg9[%swap3A_254, %swap3A_255], %swap3A_258 {strides = array<i32>} : memref<80x128xf32, #tpu.memory_space<vmem>>, vector<1x16xf32>,
      %broadcast_in_dim3A_259 = arith.constant 0.000000e+00 : f32
      %broadcast_in_dim3A_260 = vector.broadcast %broadcast_in_dim3A_259 : f32 to vector<16xf32>
      %swap3A_261 = arith.index_cast %scan3A_210 : i32 to index
      %swap3A_262 = arith.constant 112 : index
      %swap3A_263 = tpu.vector_load %arg9[%swap3A_261, %swap3A_262] {strides = array<i32>} : memref<80x128xf32, #tpu.memory_space<vmem>>, vector<1x16xf32>,
      %swap3A_264 = vector.shape_cast %swap3A_263 : vector<1x16xf32> to vector<16xf32>
      %swap3A_265 = vector.shape_cast %broadcast_in_dim3A_260 : vector<16xf32> to vector<1x16xf32>
      tpu.vector_store %arg9[%swap3A_261, %swap3A_262], %swap3A_265 {strides = array<i32>} : memref<80x128xf32, #tpu.memory_space<vmem>>, vector<1x16xf32>,
      %scan3A_266 = arith.constant 0 : i32
      scf.yield %scan3A_266 : i32
    }
    %scan3A_6 = arith.constant 80 : i32
    %add3A_7 = arith.constant 0 : i32
    %add3A_8 = arith.addi %arg1, %add3A_7 : i32
    %lt3A = arith.constant 125 : i32
    %lt3A_9 = arith.cmpi slt, %add3A_8, %lt3A : i32
    %convert_element_type3A = arith.extui %lt3A_9 : i1 to i32
    %cond3A = arith.constant 0 : i32
    %cond3A_10 = arith.cmpi ne, %convert_element_type3A, %cond3A : i32
    scf.if %cond3A_10 {
      %mul3A_210 = arith.constant 80 : i32
      %mul3A_211 = arith.muli %add3A_8, %mul3A_210 : i32
      "tpu.region"() ({
        %run_scoped3A = tpu.sem_alloc : memref<!tpu.dma_semaphore, #tpu.memory_space<semaphore_mem>>
        %dma_start3A = arith.constant 0 : i32
        %dma_start3A_212 = tpu.memref_slice %arg10[%mul3A_211, %dma_start3A] : memref<10000x128xf32, #tpu.memory_space<vmem_shared>> -> memref<80x128xf32, #tpu.memory_space<vmem_shared>>
        %dma_start3A_213 = arith.constant 0 : i32
        %dma_start3A_214 = tpu.memref_slice %arg10[%mul3A_211, %dma_start3A_213] : memref<10000x128xf32, #tpu.memory_space<vmem_shared>> -> memref<80x128xf32, #tpu.memory_space<vmem_shared>>
        tpu.enqueue_dma source(%arg9 : memref<80x128xf32, #tpu.memory_space<vmem>>) target(%dma_start3A_214 : memref<80x128xf32, #tpu.memory_space<vmem_shared>>) target_semaphore(%run_scoped3A : memref<!tpu.dma_semaphore, #tpu.memory_space<semaphore_mem>>)
        %dma_wait3A = arith.constant 0 : i32
        %dma_wait3A_215 = tpu.memref_slice %arg10[%mul3A_211, %dma_wait3A] : memref<10000x128xf32, #tpu.memory_space<vmem_shared>> -> memref<80x128xf32, #tpu.memory_space<vmem_shared>>
        %dma_wait3A_216 = arith.constant 0 : i32
        %dma_wait3A_217 = tpu.memref_slice %arg10[%mul3A_211, %dma_wait3A_216] : memref<10000x128xf32, #tpu.memory_space<vmem_shared>> -> memref<80x128xf32, #tpu.memory_space<vmem_shared>>
        tpu.wait_dma2 semaphore(%run_scoped3A : memref<!tpu.dma_semaphore, #tpu.memory_space<semaphore_mem>>) src(%arg9 : memref<80x128xf32, #tpu.memory_space<vmem>>) dst(%dma_wait3A_217 : memref<80x128xf32, #tpu.memory_space<vmem_shared>>)
        tpu.yield
      }) : () -> ()
    } else {
    }
    %add3A_11 = arith.constant 16 : i32
    %add3A_12 = arith.addi %arg1, %add3A_11 : i32
    %lt3A_13 = arith.constant 125 : i32
    %lt3A_14 = arith.cmpi slt, %add3A_12, %lt3A_13 : i32
    %convert_element_type3A_15 = arith.extui %lt3A_14 : i1 to i32
    %cond3A_16 = arith.constant 0 : i32
    %cond3A_17 = arith.cmpi ne, %convert_element_type3A_15, %cond3A_16 : i32
    scf.if %cond3A_17 {
      %mul3A_210 = arith.constant 80 : i32
      %mul3A_211 = arith.muli %add3A_12, %mul3A_210 : i32
      "tpu.region"() ({
        %run_scoped3A = tpu.sem_alloc : memref<!tpu.dma_semaphore, #tpu.memory_space<semaphore_mem>>
        %dma_start3A = arith.constant 0 : i32
        %dma_start3A_212 = tpu.memref_slice %arg10[%mul3A_211, %dma_start3A] : memref<10000x128xf32, #tpu.memory_space<vmem_shared>> -> memref<80x128xf32, #tpu.memory_space<vmem_shared>>
        %dma_start3A_213 = arith.constant 0 : i32
        %dma_start3A_214 = tpu.memref_slice %arg10[%mul3A_211, %dma_start3A_213] : memref<10000x128xf32, #tpu.memory_space<vmem_shared>> -> memref<80x128xf32, #tpu.memory_space<vmem_shared>>
        tpu.enqueue_dma source(%arg9 : memref<80x128xf32, #tpu.memory_space<vmem>>) target(%dma_start3A_214 : memref<80x128xf32, #tpu.memory_space<vmem_shared>>) target_semaphore(%run_scoped3A : memref<!tpu.dma_semaphore, #tpu.memory_space<semaphore_mem>>)
        %dma_wait3A = arith.constant 0 : i32
        %dma_wait3A_215 = tpu.memref_slice %arg10[%mul3A_211, %dma_wait3A] : memref<10000x128xf32, #tpu.memory_space<vmem_shared>> -> memref<80x128xf32, #tpu.memory_space<vmem_shared>>
        %dma_wait3A_216 = arith.constant 0 : i32
        %dma_wait3A_217 = tpu.memref_slice %arg10[%mul3A_211, %dma_wait3A_216] : memref<10000x128xf32, #tpu.memory_space<vmem_shared>> -> memref<80x128xf32, #tpu.memory_space<vmem_shared>>
        tpu.wait_dma2 semaphore(%run_scoped3A : memref<!tpu.dma_semaphore, #tpu.memory_space<semaphore_mem>>) src(%arg9 : memref<80x128xf32, #tpu.memory_space<vmem>>) dst(%dma_wait3A_217 : memref<80x128xf32, #tpu.memory_space<vmem_shared>>)
        tpu.yield
      }) : () -> ()
    } else {
    }
    %add3A_18 = arith.constant 32 : i32
    %add3A_19 = arith.addi %arg1, %add3A_18 : i32
    %lt3A_20 = arith.constant 125 : i32
    %lt3A_21 = arith.cmpi slt, %add3A_19, %lt3A_20 : i32
    %convert_element_type3A_22 = arith.extui %lt3A_21 : i1 to i32
    %cond3A_23 = arith.constant 0 : i32
    %cond3A_24 = arith.cmpi ne, %convert_element_type3A_22, %cond3A_23 : i32
    scf.if %cond3A_24 {
      %mul3A_210 = arith.constant 80 : i32
      %mul3A_211 = arith.muli %add3A_19, %mul3A_210 : i32
      "tpu.region"() ({
        %run_scoped3A = tpu.sem_alloc : memref<!tpu.dma_semaphore, #tpu.memory_space<semaphore_mem>>
        %dma_start3A = arith.constant 0 : i32
        %dma_start3A_212 = tpu.memref_slice %arg10[%mul3A_211, %dma_start3A] : memref<10000x128xf32, #tpu.memory_space<vmem_shared>> -> memref<80x128xf32, #tpu.memory_space<vmem_shared>>
        %dma_start3A_213 = arith.constant 0 : i32
        %dma_start3A_214 = tpu.memref_slice %arg10[%mul3A_211, %dma_start3A_213] : memref<10000x128xf32, #tpu.memory_space<vmem_shared>> -> memref<80x128xf32, #tpu.memory_space<vmem_shared>>
        tpu.enqueue_dma source(%arg9 : memref<80x128xf32, #tpu.memory_space<vmem>>) target(%dma_start3A_214 : memref<80x128xf32, #tpu.memory_space<vmem_shared>>) target_semaphore(%run_scoped3A : memref<!tpu.dma_semaphore, #tpu.memory_space<semaphore_mem>>)
        %dma_wait3A = arith.constant 0 : i32
        %dma_wait3A_215 = tpu.memref_slice %arg10[%mul3A_211, %dma_wait3A] : memref<10000x128xf32, #tpu.memory_space<vmem_shared>> -> memref<80x128xf32, #tpu.memory_space<vmem_shared>>
        %dma_wait3A_216 = arith.constant 0 : i32
        %dma_wait3A_217 = tpu.memref_slice %arg10[%mul3A_211, %dma_wait3A_216] : memref<10000x128xf32, #tpu.memory_space<vmem_shared>> -> memref<80x128xf32, #tpu.memory_space<vmem_shared>>
        tpu.wait_dma2 semaphore(%run_scoped3A : memref<!tpu.dma_semaphore, #tpu.memory_space<semaphore_mem>>) src(%arg9 : memref<80x128xf32, #tpu.memory_space<vmem>>) dst(%dma_wait3A_217 : memref<80x128xf32, #tpu.memory_space<vmem_shared>>)
        tpu.yield
      }) : () -> ()
    } else {
    }
    %add3A_25 = arith.constant 48 : i32
    %add3A_26 = arith.addi %arg1, %add3A_25 : i32
    %lt3A_27 = arith.constant 125 : i32
    %lt3A_28 = arith.cmpi slt, %add3A_26, %lt3A_27 : i32
    %convert_element_type3A_29 = arith.extui %lt3A_28 : i1 to i32
    %cond3A_30 = arith.constant 0 : i32
    %cond3A_31 = arith.cmpi ne, %convert_element_type3A_29, %cond3A_30 : i32
    scf.if %cond3A_31 {
      %mul3A_210 = arith.constant 80 : i32
      %mul3A_211 = arith.muli %add3A_26, %mul3A_210 : i32
      "tpu.region"() ({
        %run_scoped3A = tpu.sem_alloc : memref<!tpu.dma_semaphore, #tpu.memory_space<semaphore_mem>>
        %dma_start3A = arith.constant 0 : i32
        %dma_start3A_212 = tpu.memref_slice %arg10[%mul3A_211, %dma_start3A] : memref<10000x128xf32, #tpu.memory_space<vmem_shared>> -> memref<80x128xf32, #tpu.memory_space<vmem_shared>>
        %dma_start3A_213 = arith.constant 0 : i32
        %dma_start3A_214 = tpu.memref_slice %arg10[%mul3A_211, %dma_start3A_213] : memref<10000x128xf32, #tpu.memory_space<vmem_shared>> -> memref<80x128xf32, #tpu.memory_space<vmem_shared>>
        tpu.enqueue_dma source(%arg9 : memref<80x128xf32, #tpu.memory_space<vmem>>) target(%dma_start3A_214 : memref<80x128xf32, #tpu.memory_space<vmem_shared>>) target_semaphore(%run_scoped3A : memref<!tpu.dma_semaphore, #tpu.memory_space<semaphore_mem>>)
        %dma_wait3A = arith.constant 0 : i32
        %dma_wait3A_215 = tpu.memref_slice %arg10[%mul3A_211, %dma_wait3A] : memref<10000x128xf32, #tpu.memory_space<vmem_shared>> -> memref<80x128xf32, #tpu.memory_space<vmem_shared>>
        %dma_wait3A_216 = arith.constant 0 : i32
        %dma_wait3A_217 = tpu.memref_slice %arg10[%mul3A_211, %dma_wait3A_216] : memref<10000x128xf32, #tpu.memory_space<vmem_shared>> -> memref<80x128xf32, #tpu.memory_space<vmem_shared>>
        tpu.wait_dma2 semaphore(%run_scoped3A : memref<!tpu.dma_semaphore, #tpu.memory_space<semaphore_mem>>) src(%arg9 : memref<80x128xf32, #tpu.memory_space<vmem>>) dst(%dma_wait3A_217 : memref<80x128xf32, #tpu.memory_space<vmem_shared>>)
        tpu.yield
      }) : () -> ()
    } else {
    }
    %add3A_32 = arith.constant 64 : i32
    %add3A_33 = arith.addi %arg1, %add3A_32 : i32
    %lt3A_34 = arith.constant 125 : i32
    %lt3A_35 = arith.cmpi slt, %add3A_33, %lt3A_34 : i32
    %convert_element_type3A_36 = arith.extui %lt3A_35 : i1 to i32
    %cond3A_37 = arith.constant 0 : i32
    %cond3A_38 = arith.cmpi ne, %convert_element_type3A_36, %cond3A_37 : i32
    scf.if %cond3A_38 {
      %mul3A_210 = arith.constant 80 : i32
      %mul3A_211 = arith.muli %add3A_33, %mul3A_210 : i32
      "tpu.region"() ({
        %run_scoped3A = tpu.sem_alloc : memref<!tpu.dma_semaphore, #tpu.memory_space<semaphore_mem>>
        %dma_start3A = arith.constant 0 : i32
        %dma_start3A_212 = tpu.memref_slice %arg10[%mul3A_211, %dma_start3A] : memref<10000x128xf32, #tpu.memory_space<vmem_shared>> -> memref<80x128xf32, #tpu.memory_space<vmem_shared>>
        %dma_start3A_213 = arith.constant 0 : i32
        %dma_start3A_214 = tpu.memref_slice %arg10[%mul3A_211, %dma_start3A_213] : memref<10000x128xf32, #tpu.memory_space<vmem_shared>> -> memref<80x128xf32, #tpu.memory_space<vmem_shared>>
        tpu.enqueue_dma source(%arg9 : memref<80x128xf32, #tpu.memory_space<vmem>>) target(%dma_start3A_214 : memref<80x128xf32, #tpu.memory_space<vmem_shared>>) target_semaphore(%run_scoped3A : memref<!tpu.dma_semaphore, #tpu.memory_space<semaphore_mem>>)
        %dma_wait3A = arith.constant 0 : i32
        %dma_wait3A_215 = tpu.memref_slice %arg10[%mul3A_211, %dma_wait3A] : memref<10000x128xf32, #tpu.memory_space<vmem_shared>> -> memref<80x128xf32, #tpu.memory_space<vmem_shared>>
        %dma_wait3A_216 = arith.constant 0 : i32
        %dma_wait3A_217 = tpu.memref_slice %arg10[%mul3A_211, %dma_wait3A_216] : memref<10000x128xf32, #tpu.memory_space<vmem_shared>> -> memref<80x128xf32, #tpu.memory_space<vmem_shared>>
        tpu.wait_dma2 semaphore(%run_scoped3A : memref<!tpu.dma_semaphore, #tpu.memory_space<semaphore_mem>>) src(%arg9 : memref<80x128xf32, #tpu.memory_space<vmem>>) dst(%dma_wait3A_217 : memref<80x128xf32, #tpu.memory_space<vmem_shared>>)
        tpu.yield
      }) : () -> ()
    } else {
    }
    %add3A_39 = arith.constant 80 : i32
    %add3A_40 = arith.addi %arg1, %add3A_39 : i32
    %lt3A_41 = arith.constant 125 : i32
    %lt3A_42 = arith.cmpi slt, %add3A_40, %lt3A_41 : i32
    %convert_element_type3A_43 = arith.extui %lt3A_42 : i1 to i32
    %cond3A_44 = arith.constant 0 : i32
    %cond3A_45 = arith.cmpi ne, %convert_element_type3A_43, %cond3A_44 : i32
    scf.if %cond3A_45 {
      %mul3A_210 = arith.constant 80 : i32
      %mul3A_211 = arith.muli %add3A_40, %mul3A_210 : i32
      "tpu.region"() ({
        %run_scoped3A = tpu.sem_alloc : memref<!tpu.dma_semaphore, #tpu.memory_space<semaphore_mem>>
        %dma_start3A = arith.constant 0 : i32
        %dma_start3A_212 = tpu.memref_slice %arg10[%mul3A_211, %dma_start3A] : memref<10000x128xf32, #tpu.memory_space<vmem_shared>> -> memref<80x128xf32, #tpu.memory_space<vmem_shared>>
        %dma_start3A_213 = arith.constant 0 : i32
        %dma_start3A_214 = tpu.memref_slice %arg10[%mul3A_211, %dma_start3A_213] : memref<10000x128xf32, #tpu.memory_space<vmem_shared>> -> memref<80x128xf32, #tpu.memory_space<vmem_shared>>
        tpu.enqueue_dma source(%arg9 : memref<80x128xf32, #tpu.memory_space<vmem>>) target(%dma_start3A_214 : memref<80x128xf32, #tpu.memory_space<vmem_shared>>) target_semaphore(%run_scoped3A : memref<!tpu.dma_semaphore, #tpu.memory_space<semaphore_mem>>)
        %dma_wait3A = arith.constant 0 : i32
        %dma_wait3A_215 = tpu.memref_slice %arg10[%mul3A_211, %dma_wait3A] : memref<10000x128xf32, #tpu.memory_space<vmem_shared>> -> memref<80x128xf32, #tpu.memory_space<vmem_shared>>
        %dma_wait3A_216 = arith.constant 0 : i32
        %dma_wait3A_217 = tpu.memref_slice %arg10[%mul3A_211, %dma_wait3A_216] : memref<10000x128xf32, #tpu.memory_space<vmem_shared>> -> memref<80x128xf32, #tpu.memory_space<vmem_shared>>
        tpu.wait_dma2 semaphore(%run_scoped3A : memref<!tpu.dma_semaphore, #tpu.memory_space<semaphore_mem>>) src(%arg9 : memref<80x128xf32, #tpu.memory_space<vmem>>) dst(%dma_wait3A_217 : memref<80x128xf32, #tpu.memory_space<vmem_shared>>)
        tpu.yield
      }) : () -> ()
    } else {
    }
    %add3A_46 = arith.constant 96 : i32
    %add3A_47 = arith.addi %arg1, %add3A_46 : i32
    %lt3A_48 = arith.constant 125 : i32
    %lt3A_49 = arith.cmpi slt, %add3A_47, %lt3A_48 : i32
    %convert_element_type3A_50 = arith.extui %lt3A_49 : i1 to i32
    %cond3A_51 = arith.constant 0 : i32
    %cond3A_52 = arith.cmpi ne, %convert_element_type3A_50, %cond3A_51 : i32
    scf.if %cond3A_52 {
      %mul3A_210 = arith.constant 80 : i32
      %mul3A_211 = arith.muli %add3A_47, %mul3A_210 : i32
      "tpu.region"() ({
        %run_scoped3A = tpu.sem_alloc : memref<!tpu.dma_semaphore, #tpu.memory_space<semaphore_mem>>
        %dma_start3A = arith.constant 0 : i32
        %dma_start3A_212 = tpu.memref_slice %arg10[%mul3A_211, %dma_start3A] : memref<10000x128xf32, #tpu.memory_space<vmem_shared>> -> memref<80x128xf32, #tpu.memory_space<vmem_shared>>
        %dma_start3A_213 = arith.constant 0 : i32
        %dma_start3A_214 = tpu.memref_slice %arg10[%mul3A_211, %dma_start3A_213] : memref<10000x128xf32, #tpu.memory_space<vmem_shared>> -> memref<80x128xf32, #tpu.memory_space<vmem_shared>>
        tpu.enqueue_dma source(%arg9 : memref<80x128xf32, #tpu.memory_space<vmem>>) target(%dma_start3A_214 : memref<80x128xf32, #tpu.memory_space<vmem_shared>>) target_semaphore(%run_scoped3A : memref<!tpu.dma_semaphore, #tpu.memory_space<semaphore_mem>>)
        %dma_wait3A = arith.constant 0 : i32
        %dma_wait3A_215 = tpu.memref_slice %arg10[%mul3A_211, %dma_wait3A] : memref<10000x128xf32, #tpu.memory_space<vmem_shared>> -> memref<80x128xf32, #tpu.memory_space<vmem_shared>>
        %dma_wait3A_216 = arith.constant 0 : i32
        %dma_wait3A_217 = tpu.memref_slice %arg10[%mul3A_211, %dma_wait3A_216] : memref<10000x128xf32, #tpu.memory_space<vmem_shared>> -> memref<80x128xf32, #tpu.memory_space<vmem_shared>>
        tpu.wait_dma2 semaphore(%run_scoped3A : memref<!tpu.dma_semaphore, #tpu.memory_space<semaphore_mem>>) src(%arg9 : memref<80x128xf32, #tpu.memory_space<vmem>>) dst(%dma_wait3A_217 : memref<80x128xf32, #tpu.memory_space<vmem_shared>>)
        tpu.yield
      }) : () -> ()
    } else {
    }
    %add3A_53 = arith.constant 112 : i32
    %add3A_54 = arith.addi %arg1, %add3A_53 : i32
    %lt3A_55 = arith.constant 125 : i32
    %lt3A_56 = arith.cmpi slt, %add3A_54, %lt3A_55 : i32
    %convert_element_type3A_57 = arith.extui %lt3A_56 : i1 to i32
    %cond3A_58 = arith.constant 0 : i32
    %cond3A_59 = arith.cmpi ne, %convert_element_type3A_57, %cond3A_58 : i32
    scf.if %cond3A_59 {
      %mul3A_210 = arith.constant 80 : i32
      %mul3A_211 = arith.muli %add3A_54, %mul3A_210 : i32
      "tpu.region"() ({
        %run_scoped3A = tpu.sem_alloc : memref<!tpu.dma_semaphore, #tpu.memory_space<semaphore_mem>>
        %dma_start3A = arith.constant 0 : i32
        %dma_start3A_212 = tpu.memref_slice %arg10[%mul3A_211, %dma_start3A] : memref<10000x128xf32, #tpu.memory_space<vmem_shared>> -> memref<80x128xf32, #tpu.memory_space<vmem_shared>>
        %dma_start3A_213 = arith.constant 0 : i32
        %dma_start3A_214 = tpu.memref_slice %arg10[%mul3A_211, %dma_start3A_213] : memref<10000x128xf32, #tpu.memory_space<vmem_shared>> -> memref<80x128xf32, #tpu.memory_space<vmem_shared>>
        tpu.enqueue_dma source(%arg9 : memref<80x128xf32, #tpu.memory_space<vmem>>) target(%dma_start3A_214 : memref<80x128xf32, #tpu.memory_space<vmem_shared>>) target_semaphore(%run_scoped3A : memref<!tpu.dma_semaphore, #tpu.memory_space<semaphore_mem>>)
        %dma_wait3A = arith.constant 0 : i32
        %dma_wait3A_215 = tpu.memref_slice %arg10[%mul3A_211, %dma_wait3A] : memref<10000x128xf32, #tpu.memory_space<vmem_shared>> -> memref<80x128xf32, #tpu.memory_space<vmem_shared>>
        %dma_wait3A_216 = arith.constant 0 : i32
        %dma_wait3A_217 = tpu.memref_slice %arg10[%mul3A_211, %dma_wait3A_216] : memref<10000x128xf32, #tpu.memory_space<vmem_shared>> -> memref<80x128xf32, #tpu.memory_space<vmem_shared>>
        tpu.wait_dma2 semaphore(%run_scoped3A : memref<!tpu.dma_semaphore, #tpu.memory_space<semaphore_mem>>) src(%arg9 : memref<80x128xf32, #tpu.memory_space<vmem>>) dst(%dma_wait3A_217 : memref<80x128xf32, #tpu.memory_space<vmem_shared>>)
        tpu.yield
      }) : () -> ()
    } else {
    }
    %barrier3A = arith.constant 0 : index
    tpu.barrier barrier_id(%barrier3A)
    "tpu.region"() ({
      %run_scoped3A = tpu.sem_alloc : memref<!tpu.dma_semaphore, #tpu.memory_space<semaphore_mem>>
      %dma_start3A = arith.constant 0 : i32
      %dma_start3A_210 = arith.constant 0 : i32
      %dma_start3A_211 = tpu.memref_slice %arg2[%add3A, %dma_start3A, %dma_start3A_210] : memref<32x125x80xi32, #tpu.memory_space<hbm>> -> memref<1x125x80xi32, #tpu.memory_space<hbm>>
      %dma_start3A_212 = tpu.memref_squeeze %dma_start3A_211 : memref<1x125x80xi32, #tpu.memory_space<hbm>> -> memref<125x80xi32, #tpu.memory_space<hbm>>
      %dma_start3A_213 = arith.constant 0 : i32
      %dma_start3A_214 = arith.constant 0 : i32
      %dma_start3A_215 = tpu.memref_slice %arg2[%add3A, %dma_start3A_213, %dma_start3A_214] : memref<32x125x80xi32, #tpu.memory_space<hbm>> -> memref<1x125x80xi32, #tpu.memory_space<hbm>>
      %dma_start3A_216 = tpu.memref_squeeze %dma_start3A_215 : memref<1x125x80xi32, #tpu.memory_space<hbm>> -> memref<125x80xi32, #tpu.memory_space<hbm>>
      tpu.enqueue_dma source(%dma_start3A_216 : memref<125x80xi32, #tpu.memory_space<hbm>>) target(%arg7 : memref<125x80xi32, #tpu.memory_space<vmem>>) target_semaphore(%run_scoped3A : memref<!tpu.dma_semaphore, #tpu.memory_space<semaphore_mem>>)
      %dma_wait3A = arith.constant 0 : i32
      %dma_wait3A_217 = arith.constant 0 : i32
      %dma_wait3A_218 = tpu.memref_slice %arg2[%add3A, %dma_wait3A, %dma_wait3A_217] : memref<32x125x80xi32, #tpu.memory_space<hbm>> -> memref<1x125x80xi32, #tpu.memory_space<hbm>>
      %dma_wait3A_219 = tpu.memref_squeeze %dma_wait3A_218 : memref<1x125x80xi32, #tpu.memory_space<hbm>> -> memref<125x80xi32, #tpu.memory_space<hbm>>
      %dma_wait3A_220 = arith.constant 0 : i32
      %dma_wait3A_221 = arith.constant 0 : i32
      %dma_wait3A_222 = tpu.memref_slice %arg2[%add3A, %dma_wait3A_220, %dma_wait3A_221] : memref<32x125x80xi32, #tpu.memory_space<hbm>> -> memref<1x125x80xi32, #tpu.memory_space<hbm>>
      %dma_wait3A_223 = tpu.memref_squeeze %dma_wait3A_222 : memref<1x125x80xi32, #tpu.memory_space<hbm>> -> memref<125x80xi32, #tpu.memory_space<hbm>>
      tpu.wait_dma2 semaphore(%run_scoped3A : memref<!tpu.dma_semaphore, #tpu.memory_space<semaphore_mem>>) src(%dma_wait3A_223 : memref<125x80xi32, #tpu.memory_space<hbm>>) dst(%arg7 : memref<125x80xi32, #tpu.memory_space<vmem>>)
      tpu.yield
    }) : () -> ()
    "tpu.region"() ({
      %run_scoped3A = tpu.sem_alloc : memref<!tpu.dma_semaphore, #tpu.memory_space<semaphore_mem>>
      %dma_start3A = arith.constant 0 : i32
      %dma_start3A_210 = arith.constant 0 : i32
      %dma_start3A_211 = tpu.memref_slice %arg3[%add3A, %dma_start3A, %dma_start3A_210] : memref<32x125x80xi32, #tpu.memory_space<hbm>> -> memref<1x125x80xi32, #tpu.memory_space<hbm>>
      %dma_start3A_212 = tpu.memref_squeeze %dma_start3A_211 : memref<1x125x80xi32, #tpu.memory_space<hbm>> -> memref<125x80xi32, #tpu.memory_space<hbm>>
      %dma_start3A_213 = arith.constant 0 : i32
      %dma_start3A_214 = arith.constant 0 : i32
      %dma_start3A_215 = tpu.memref_slice %arg3[%add3A, %dma_start3A_213, %dma_start3A_214] : memref<32x125x80xi32, #tpu.memory_space<hbm>> -> memref<1x125x80xi32, #tpu.memory_space<hbm>>
      %dma_start3A_216 = tpu.memref_squeeze %dma_start3A_215 : memref<1x125x80xi32, #tpu.memory_space<hbm>> -> memref<125x80xi32, #tpu.memory_space<hbm>>
      tpu.enqueue_dma source(%dma_start3A_216 : memref<125x80xi32, #tpu.memory_space<hbm>>) target(%arg8 : memref<125x80xi32, #tpu.memory_space<vmem>>) target_semaphore(%run_scoped3A : memref<!tpu.dma_semaphore, #tpu.memory_space<semaphore_mem>>)
      %dma_wait3A = arith.constant 0 : i32
      %dma_wait3A_217 = arith.constant 0 : i32
      %dma_wait3A_218 = tpu.memref_slice %arg3[%add3A, %dma_wait3A, %dma_wait3A_217] : memref<32x125x80xi32, #tpu.memory_space<hbm>> -> memref<1x125x80xi32, #tpu.memory_space<hbm>>
      %dma_wait3A_219 = tpu.memref_squeeze %dma_wait3A_218 : memref<1x125x80xi32, #tpu.memory_space<hbm>> -> memref<125x80xi32, #tpu.memory_space<hbm>>
      %dma_wait3A_220 = arith.constant 0 : i32
      %dma_wait3A_221 = arith.constant 0 : i32
      %dma_wait3A_222 = tpu.memref_slice %arg3[%add3A, %dma_wait3A_220, %dma_wait3A_221] : memref<32x125x80xi32, #tpu.memory_space<hbm>> -> memref<1x125x80xi32, #tpu.memory_space<hbm>>
      %dma_wait3A_223 = tpu.memref_squeeze %dma_wait3A_222 : memref<1x125x80xi32, #tpu.memory_space<hbm>> -> memref<125x80xi32, #tpu.memory_space<hbm>>
      tpu.wait_dma2 semaphore(%run_scoped3A : memref<!tpu.dma_semaphore, #tpu.memory_space<semaphore_mem>>) src(%dma_wait3A_223 : memref<125x80xi32, #tpu.memory_space<hbm>>) dst(%arg8 : memref<125x80xi32, #tpu.memory_space<vmem>>)
      tpu.yield
    }) : () -> ()
    %scan3A_60 = arith.constant 0 : i32
    %scan3A_61 = arith.constant 0 : i32
    %scan3A_62 = arith.constant 125 : i32
    %scan3A_63 = arith.addi %scan3A_61, %scan3A_62 : i32
    %scan3A_64 = arith.constant 1 : i32
    %scan3A_65 = scf.for %scan3A_210 = %scan3A_61 to %scan3A_63 step %scan3A_64 iter_args(%scan3A_211 = %scan3A_60) -> (i32)  : i32 {
      %dma_start3A = arith.constant 0 : i32
      %dma_start3A_212 = tpu.memref_slice %arg7[%scan3A_210, %dma_start3A] : memref<125x80xi32, #tpu.memory_space<vmem>> -> memref<1x80xi32, #tpu.memory_space<vmem>>
      %dma_start3A_213 = tpu.memref_squeeze %dma_start3A_212 : memref<1x80xi32, #tpu.memory_space<vmem>> -> memref<80xi32, #tpu.memory_space<vmem>>
      %dma_start3A_214 = arith.constant 0 : i32
      %dma_start3A_215 = arith.constant 0 : i32
      %dma_start3A_216 = tpu.memref_slice %arg4[%dma_start3A_214, %dma_start3A_215] : memref<10000x128xf32, #tpu.memory_space<hbm>> -> memref<10000x128xf32, #tpu.memory_space<hbm>>
      tpu.enqueue_indirect_dma source(%dma_start3A_216 : memref<10000x128xf32, #tpu.memory_space<hbm>>) target(%arg9 : memref<80x128xf32, #tpu.memory_space<vmem>>) offsets(%dma_start3A_213 : memref<80xi32, #tpu.memory_space<vmem>>) semaphore(%arg11 : memref<!tpu.dma_semaphore, #tpu.memory_space<semaphore_mem>>)
      %dma_wait3A = arith.constant 0 : i32
      %dma_wait3A_217 = tpu.memref_slice %arg7[%scan3A_210, %dma_wait3A] : memref<125x80xi32, #tpu.memory_space<vmem>> -> memref<1x80xi32, #tpu.memory_space<vmem>>
      %dma_wait3A_218 = tpu.memref_squeeze %dma_wait3A_217 : memref<1x80xi32, #tpu.memory_space<vmem>> -> memref<80xi32, #tpu.memory_space<vmem>>
      %dma_wait3A_219 = arith.constant 0 : i32
      %dma_wait3A_220 = arith.constant 0 : i32
      %dma_wait3A_221 = tpu.memref_slice %arg4[%dma_wait3A_219, %dma_wait3A_220] : memref<10000x128xf32, #tpu.memory_space<hbm>> -> memref<10000x128xf32, #tpu.memory_space<hbm>>
      tpu.wait_indirect_dma semaphore(%arg11 : memref<!tpu.dma_semaphore, #tpu.memory_space<semaphore_mem>>) src(%dma_wait3A_221 : memref<10000x128xf32, #tpu.memory_space<hbm>>) dst(%arg9 : memref<80x128xf32, #tpu.memory_space<vmem>>)
      "tpu.region"() ({
        %run_scoped3A = tpu.sem_alloc : memref<!tpu.dma_semaphore, #tpu.memory_space<semaphore_mem>>
        %dma_start3A_223 = arith.constant 0 : i32
        %dma_start3A_224 = tpu.memref_slice %arg8[%scan3A_210, %dma_start3A_223] : memref<125x80xi32, #tpu.memory_space<vmem>> -> memref<1x80xi32, #tpu.memory_space<vmem>>
        %dma_start3A_225 = tpu.memref_squeeze %dma_start3A_224 : memref<1x80xi32, #tpu.memory_space<vmem>> -> memref<80xi32, #tpu.memory_space<vmem>>
        %dma_start3A_226 = arith.constant 0 : i32
        %dma_start3A_227 = arith.constant 0 : i32
        %dma_start3A_228 = tpu.memref_slice %arg10[%dma_start3A_226, %dma_start3A_227] : memref<10000x128xf32, #tpu.memory_space<vmem_shared>> -> memref<10000x128xf32, #tpu.memory_space<vmem_shared>>
        tpu.enqueue_indirect_dma source(%arg9 : memref<80x128xf32, #tpu.memory_space<vmem>>) target(%dma_start3A_228 : memref<10000x128xf32, #tpu.memory_space<vmem_shared>>) offsets(%dma_start3A_225 : memref<80xi32, #tpu.memory_space<vmem>>) semaphore(%run_scoped3A : memref<!tpu.dma_semaphore, #tpu.memory_space<semaphore_mem>>) {add = true}
        %dma_wait3A_229 = arith.constant 0 : i32
        %dma_wait3A_230 = tpu.memref_slice %arg8[%scan3A_210, %dma_wait3A_229] : memref<125x80xi32, #tpu.memory_space<vmem>> -> memref<1x80xi32, #tpu.memory_space<vmem>>
        %dma_wait3A_231 = tpu.memref_squeeze %dma_wait3A_230 : memref<1x80xi32, #tpu.memory_space<vmem>> -> memref<80xi32, #tpu.memory_space<vmem>>
        %dma_wait3A_232 = arith.constant 0 : i32
        %dma_wait3A_233 = arith.constant 0 : i32
        %dma_wait3A_234 = tpu.memref_slice %arg10[%dma_wait3A_232, %dma_wait3A_233] : memref<10000x128xf32, #tpu.memory_space<vmem_shared>> -> memref<10000x128xf32, #tpu.memory_space<vmem_shared>>
        tpu.wait_indirect_dma semaphore(%run_scoped3A : memref<!tpu.dma_semaphore, #tpu.memory_space<semaphore_mem>>) src(%arg9 : memref<80x128xf32, #tpu.memory_space<vmem>>) dst(%dma_wait3A_234 : memref<10000x128xf32, #tpu.memory_space<vmem_shared>>)
        tpu.yield
      }) : () -> ()
      %scan3A_222 = arith.constant 0 : i32
      scf.yield %scan3A_222 : i32
    }
    %scan3A_66 = arith.constant 125 : i32
    %barrier3A_67 = arith.constant 0 : index
    tpu.barrier barrier_id(%barrier3A_67)
    %add3A_68 = arith.constant 0 : i32
    %add3A_69 = arith.addi %arg1, %add3A_68 : i32
    %lt3A_70 = arith.constant 125 : i32
    %lt3A_71 = arith.cmpi slt, %add3A_69, %lt3A_70 : i32
    %eq3A = arith.constant 0 : i32
    %eq3A_72 = arith.cmpi eq, %arg0, %eq3A : i32
    %and3A = arith.andi %lt3A_71, %eq3A_72 : i1
    %convert_element_type3A_73 = arith.extui %and3A : i1 to i32
    %cond3A_74 = arith.constant 0 : i32
    %cond3A_75 = arith.cmpi ne, %convert_element_type3A_73, %cond3A_74 : i32
    scf.if %cond3A_75 {
      %mul3A_210 = arith.constant 80 : i32
      %mul3A_211 = arith.muli %add3A_69, %mul3A_210 : i32
      %mul3A_212 = arith.constant 80 : i32
      %mul3A_213 = arith.muli %add3A_69, %mul3A_212 : i32
      "tpu.region"() ({
        %run_scoped3A = tpu.sem_alloc : memref<!tpu.dma_semaphore, #tpu.memory_space<semaphore_mem>>
        %dma_start3A = arith.constant 0 : i32
        %dma_start3A_214 = tpu.memref_slice %arg5[%mul3A_213, %dma_start3A] : memref<10000x128xf32, #tpu.memory_space<hbm>> -> memref<80x128xf32, #tpu.memory_space<hbm>>
        %dma_start3A_215 = arith.constant 0 : i32
        %dma_start3A_216 = tpu.memref_slice %arg10[%mul3A_211, %dma_start3A_215] : memref<10000x128xf32, #tpu.memory_space<vmem_shared>> -> memref<80x128xf32, #tpu.memory_space<vmem_shared>>
        tpu.enqueue_dma source(%dma_start3A_216 : memref<80x128xf32, #tpu.memory_space<vmem_shared>>) target(%dma_start3A_214 : memref<80x128xf32, #tpu.memory_space<hbm>>) target_semaphore(%run_scoped3A : memref<!tpu.dma_semaphore, #tpu.memory_space<semaphore_mem>>)
        %dma_wait3A = arith.constant 0 : i32
        %dma_wait3A_217 = tpu.memref_slice %arg5[%mul3A_213, %dma_wait3A] : memref<10000x128xf32, #tpu.memory_space<hbm>> -> memref<80x128xf32, #tpu.memory_space<hbm>>
        %dma_wait3A_218 = arith.constant 0 : i32
        %dma_wait3A_219 = tpu.memref_slice %arg10[%mul3A_211, %dma_wait3A_218] : memref<10000x128xf32, #tpu.memory_space<vmem_shared>> -> memref<80x128xf32, #tpu.memory_space<vmem_shared>>
        tpu.wait_dma2 semaphore(%run_scoped3A : memref<!tpu.dma_semaphore, #tpu.memory_space<semaphore_mem>>) src(%dma_wait3A_219 : memref<80x128xf32, #tpu.memory_space<vmem_shared>>) dst(%dma_wait3A_217 : memref<80x128xf32, #tpu.memory_space<hbm>>)
        tpu.yield
      }) : () -> ()
    } else {
    }
    %lt3A_76 = arith.constant 125 : i32
    %lt3A_77 = arith.cmpi slt, %add3A_69, %lt3A_76 : i32
    %eq3A_78 = arith.constant 1 : i32
    %eq3A_79 = arith.cmpi eq, %arg0, %eq3A_78 : i32
    %and3A_80 = arith.andi %lt3A_77, %eq3A_79 : i1
    %convert_element_type3A_81 = arith.extui %and3A_80 : i1 to i32
    %cond3A_82 = arith.constant 0 : i32
    %cond3A_83 = arith.cmpi ne, %convert_element_type3A_81, %cond3A_82 : i32
    scf.if %cond3A_83 {
      %mul3A_210 = arith.constant 80 : i32
      %mul3A_211 = arith.muli %add3A_69, %mul3A_210 : i32
      %mul3A_212 = arith.constant 80 : i32
      %mul3A_213 = arith.muli %add3A_69, %mul3A_212 : i32
      "tpu.region"() ({
        %run_scoped3A = tpu.sem_alloc : memref<!tpu.dma_semaphore, #tpu.memory_space<semaphore_mem>>
        %dma_start3A = arith.constant 0 : i32
        %dma_start3A_214 = tpu.memref_slice %arg6[%mul3A_213, %dma_start3A] : memref<10000x128xf32, #tpu.memory_space<hbm>> -> memref<80x128xf32, #tpu.memory_space<hbm>>
        %dma_start3A_215 = arith.constant 0 : i32
        %dma_start3A_216 = tpu.memref_slice %arg10[%mul3A_211, %dma_start3A_215] : memref<10000x128xf32, #tpu.memory_space<vmem_shared>> -> memref<80x128xf32, #tpu.memory_space<vmem_shared>>
        tpu.enqueue_dma source(%dma_start3A_216 : memref<80x128xf32, #tpu.memory_space<vmem_shared>>) target(%dma_start3A_214 : memref<80x128xf32, #tpu.memory_space<hbm>>) target_semaphore(%run_scoped3A : memref<!tpu.dma_semaphore, #tpu.memory_space<semaphore_mem>>)
        %dma_wait3A = arith.constant 0 : i32
        %dma_wait3A_217 = tpu.memref_slice %arg6[%mul3A_213, %dma_wait3A] : memref<10000x128xf32, #tpu.memory_space<hbm>> -> memref<80x128xf32, #tpu.memory_space<hbm>>
        %dma_wait3A_218 = arith.constant 0 : i32
        %dma_wait3A_219 = tpu.memref_slice %arg10[%mul3A_211, %dma_wait3A_218] : memref<10000x128xf32, #tpu.memory_space<vmem_shared>> -> memref<80x128xf32, #tpu.memory_space<vmem_shared>>
        tpu.wait_dma2 semaphore(%run_scoped3A : memref<!tpu.dma_semaphore, #tpu.memory_space<semaphore_mem>>) src(%dma_wait3A_219 : memref<80x128xf32, #tpu.memory_space<vmem_shared>>) dst(%dma_wait3A_217 : memref<80x128xf32, #tpu.memory_space<hbm>>)
        tpu.yield
      }) : () -> ()
    } else {
    }
    %add3A_84 = arith.constant 16 : i32
    %add3A_85 = arith.addi %arg1, %add3A_84 : i32
    %lt3A_86 = arith.constant 125 : i32
    %lt3A_87 = arith.cmpi slt, %add3A_85, %lt3A_86 : i32
    %eq3A_88 = arith.constant 0 : i32
    %eq3A_89 = arith.cmpi eq, %arg0, %eq3A_88 : i32
    %and3A_90 = arith.andi %lt3A_87, %eq3A_89 : i1
    %convert_element_type3A_91 = arith.extui %and3A_90 : i1 to i32
    %cond3A_92 = arith.constant 0 : i32
    %cond3A_93 = arith.cmpi ne, %convert_element_type3A_91, %cond3A_92 : i32
    scf.if %cond3A_93 {
      %mul3A_210 = arith.constant 80 : i32
      %mul3A_211 = arith.muli %add3A_85, %mul3A_210 : i32
      %mul3A_212 = arith.constant 80 : i32
      %mul3A_213 = arith.muli %add3A_85, %mul3A_212 : i32
      "tpu.region"() ({
        %run_scoped3A = tpu.sem_alloc : memref<!tpu.dma_semaphore, #tpu.memory_space<semaphore_mem>>
        %dma_start3A = arith.constant 0 : i32
        %dma_start3A_214 = tpu.memref_slice %arg5[%mul3A_213, %dma_start3A] : memref<10000x128xf32, #tpu.memory_space<hbm>> -> memref<80x128xf32, #tpu.memory_space<hbm>>
        %dma_start3A_215 = arith.constant 0 : i32
        %dma_start3A_216 = tpu.memref_slice %arg10[%mul3A_211, %dma_start3A_215] : memref<10000x128xf32, #tpu.memory_space<vmem_shared>> -> memref<80x128xf32, #tpu.memory_space<vmem_shared>>
        tpu.enqueue_dma source(%dma_start3A_216 : memref<80x128xf32, #tpu.memory_space<vmem_shared>>) target(%dma_start3A_214 : memref<80x128xf32, #tpu.memory_space<hbm>>) target_semaphore(%run_scoped3A : memref<!tpu.dma_semaphore, #tpu.memory_space<semaphore_mem>>)
        %dma_wait3A = arith.constant 0 : i32
        %dma_wait3A_217 = tpu.memref_slice %arg5[%mul3A_213, %dma_wait3A] : memref<10000x128xf32, #tpu.memory_space<hbm>> -> memref<80x128xf32, #tpu.memory_space<hbm>>
        %dma_wait3A_218 = arith.constant 0 : i32
        %dma_wait3A_219 = tpu.memref_slice %arg10[%mul3A_211, %dma_wait3A_218] : memref<10000x128xf32, #tpu.memory_space<vmem_shared>> -> memref<80x128xf32, #tpu.memory_space<vmem_shared>>
        tpu.wait_dma2 semaphore(%run_scoped3A : memref<!tpu.dma_semaphore, #tpu.memory_space<semaphore_mem>>) src(%dma_wait3A_219 : memref<80x128xf32, #tpu.memory_space<vmem_shared>>) dst(%dma_wait3A_217 : memref<80x128xf32, #tpu.memory_space<hbm>>)
        tpu.yield
      }) : () -> ()
    } else {
    }
    %lt3A_94 = arith.constant 125 : i32
    %lt3A_95 = arith.cmpi slt, %add3A_85, %lt3A_94 : i32
    %eq3A_96 = arith.constant 1 : i32
    %eq3A_97 = arith.cmpi eq, %arg0, %eq3A_96 : i32
    %and3A_98 = arith.andi %lt3A_95, %eq3A_97 : i1
    %convert_element_type3A_99 = arith.extui %and3A_98 : i1 to i32
    %cond3A_100 = arith.constant 0 : i32
    %cond3A_101 = arith.cmpi ne, %convert_element_type3A_99, %cond3A_100 : i32
    scf.if %cond3A_101 {
      %mul3A_210 = arith.constant 80 : i32
      %mul3A_211 = arith.muli %add3A_85, %mul3A_210 : i32
      %mul3A_212 = arith.constant 80 : i32
      %mul3A_213 = arith.muli %add3A_85, %mul3A_212 : i32
      "tpu.region"() ({
        %run_scoped3A = tpu.sem_alloc : memref<!tpu.dma_semaphore, #tpu.memory_space<semaphore_mem>>
        %dma_start3A = arith.constant 0 : i32
        %dma_start3A_214 = tpu.memref_slice %arg6[%mul3A_213, %dma_start3A] : memref<10000x128xf32, #tpu.memory_space<hbm>> -> memref<80x128xf32, #tpu.memory_space<hbm>>
        %dma_start3A_215 = arith.constant 0 : i32
        %dma_start3A_216 = tpu.memref_slice %arg10[%mul3A_211, %dma_start3A_215] : memref<10000x128xf32, #tpu.memory_space<vmem_shared>> -> memref<80x128xf32, #tpu.memory_space<vmem_shared>>
        tpu.enqueue_dma source(%dma_start3A_216 : memref<80x128xf32, #tpu.memory_space<vmem_shared>>) target(%dma_start3A_214 : memref<80x128xf32, #tpu.memory_space<hbm>>) target_semaphore(%run_scoped3A : memref<!tpu.dma_semaphore, #tpu.memory_space<semaphore_mem>>)
        %dma_wait3A = arith.constant 0 : i32
        %dma_wait3A_217 = tpu.memref_slice %arg6[%mul3A_213, %dma_wait3A] : memref<10000x128xf32, #tpu.memory_space<hbm>> -> memref<80x128xf32, #tpu.memory_space<hbm>>
        %dma_wait3A_218 = arith.constant 0 : i32
        %dma_wait3A_219 = tpu.memref_slice %arg10[%mul3A_211, %dma_wait3A_218] : memref<10000x128xf32, #tpu.memory_space<vmem_shared>> -> memref<80x128xf32, #tpu.memory_space<vmem_shared>>
        tpu.wait_dma2 semaphore(%run_scoped3A : memref<!tpu.dma_semaphore, #tpu.memory_space<semaphore_mem>>) src(%dma_wait3A_219 : memref<80x128xf32, #tpu.memory_space<vmem_shared>>) dst(%dma_wait3A_217 : memref<80x128xf32, #tpu.memory_space<hbm>>)
        tpu.yield
      }) : () -> ()
    } else {
    }
    %add3A_102 = arith.constant 32 : i32
    %add3A_103 = arith.addi %arg1, %add3A_102 : i32
    %lt3A_104 = arith.constant 125 : i32
    %lt3A_105 = arith.cmpi slt, %add3A_103, %lt3A_104 : i32
    %eq3A_106 = arith.constant 0 : i32
    %eq3A_107 = arith.cmpi eq, %arg0, %eq3A_106 : i32
    %and3A_108 = arith.andi %lt3A_105, %eq3A_107 : i1
    %convert_element_type3A_109 = arith.extui %and3A_108 : i1 to i32
    %cond3A_110 = arith.constant 0 : i32
    %cond3A_111 = arith.cmpi ne, %convert_element_type3A_109, %cond3A_110 : i32
    scf.if %cond3A_111 {
      %mul3A_210 = arith.constant 80 : i32
      %mul3A_211 = arith.muli %add3A_103, %mul3A_210 : i32
      %mul3A_212 = arith.constant 80 : i32
      %mul3A_213 = arith.muli %add3A_103, %mul3A_212 : i32
      "tpu.region"() ({
        %run_scoped3A = tpu.sem_alloc : memref<!tpu.dma_semaphore, #tpu.memory_space<semaphore_mem>>
        %dma_start3A = arith.constant 0 : i32
        %dma_start3A_214 = tpu.memref_slice %arg5[%mul3A_213, %dma_start3A] : memref<10000x128xf32, #tpu.memory_space<hbm>> -> memref<80x128xf32, #tpu.memory_space<hbm>>
        %dma_start3A_215 = arith.constant 0 : i32
        %dma_start3A_216 = tpu.memref_slice %arg10[%mul3A_211, %dma_start3A_215] : memref<10000x128xf32, #tpu.memory_space<vmem_shared>> -> memref<80x128xf32, #tpu.memory_space<vmem_shared>>
        tpu.enqueue_dma source(%dma_start3A_216 : memref<80x128xf32, #tpu.memory_space<vmem_shared>>) target(%dma_start3A_214 : memref<80x128xf32, #tpu.memory_space<hbm>>) target_semaphore(%run_scoped3A : memref<!tpu.dma_semaphore, #tpu.memory_space<semaphore_mem>>)
        %dma_wait3A = arith.constant 0 : i32
        %dma_wait3A_217 = tpu.memref_slice %arg5[%mul3A_213, %dma_wait3A] : memref<10000x128xf32, #tpu.memory_space<hbm>> -> memref<80x128xf32, #tpu.memory_space<hbm>>
        %dma_wait3A_218 = arith.constant 0 : i32
        %dma_wait3A_219 = tpu.memref_slice %arg10[%mul3A_211, %dma_wait3A_218] : memref<10000x128xf32, #tpu.memory_space<vmem_shared>> -> memref<80x128xf32, #tpu.memory_space<vmem_shared>>
        tpu.wait_dma2 semaphore(%run_scoped3A : memref<!tpu.dma_semaphore, #tpu.memory_space<semaphore_mem>>) src(%dma_wait3A_219 : memref<80x128xf32, #tpu.memory_space<vmem_shared>>) dst(%dma_wait3A_217 : memref<80x128xf32, #tpu.memory_space<hbm>>)
        tpu.yield
      }) : () -> ()
    } else {
    }
    %lt3A_112 = arith.constant 125 : i32
    %lt3A_113 = arith.cmpi slt, %add3A_103, %lt3A_112 : i32
    %eq3A_114 = arith.constant 1 : i32
    %eq3A_115 = arith.cmpi eq, %arg0, %eq3A_114 : i32
    %and3A_116 = arith.andi %lt3A_113, %eq3A_115 : i1
    %convert_element_type3A_117 = arith.extui %and3A_116 : i1 to i32
    %cond3A_118 = arith.constant 0 : i32
    %cond3A_119 = arith.cmpi ne, %convert_element_type3A_117, %cond3A_118 : i32
    scf.if %cond3A_119 {
      %mul3A_210 = arith.constant 80 : i32
      %mul3A_211 = arith.muli %add3A_103, %mul3A_210 : i32
      %mul3A_212 = arith.constant 80 : i32
      %mul3A_213 = arith.muli %add3A_103, %mul3A_212 : i32
      "tpu.region"() ({
        %run_scoped3A = tpu.sem_alloc : memref<!tpu.dma_semaphore, #tpu.memory_space<semaphore_mem>>
        %dma_start3A = arith.constant 0 : i32
        %dma_start3A_214 = tpu.memref_slice %arg6[%mul3A_213, %dma_start3A] : memref<10000x128xf32, #tpu.memory_space<hbm>> -> memref<80x128xf32, #tpu.memory_space<hbm>>
        %dma_start3A_215 = arith.constant 0 : i32
        %dma_start3A_216 = tpu.memref_slice %arg10[%mul3A_211, %dma_start3A_215] : memref<10000x128xf32, #tpu.memory_space<vmem_shared>> -> memref<80x128xf32, #tpu.memory_space<vmem_shared>>
        tpu.enqueue_dma source(%dma_start3A_216 : memref<80x128xf32, #tpu.memory_space<vmem_shared>>) target(%dma_start3A_214 : memref<80x128xf32, #tpu.memory_space<hbm>>) target_semaphore(%run_scoped3A : memref<!tpu.dma_semaphore, #tpu.memory_space<semaphore_mem>>)
        %dma_wait3A = arith.constant 0 : i32
        %dma_wait3A_217 = tpu.memref_slice %arg6[%mul3A_213, %dma_wait3A] : memref<10000x128xf32, #tpu.memory_space<hbm>> -> memref<80x128xf32, #tpu.memory_space<hbm>>
        %dma_wait3A_218 = arith.constant 0 : i32
        %dma_wait3A_219 = tpu.memref_slice %arg10[%mul3A_211, %dma_wait3A_218] : memref<10000x128xf32, #tpu.memory_space<vmem_shared>> -> memref<80x128xf32, #tpu.memory_space<vmem_shared>>
        tpu.wait_dma2 semaphore(%run_scoped3A : memref<!tpu.dma_semaphore, #tpu.memory_space<semaphore_mem>>) src(%dma_wait3A_219 : memref<80x128xf32, #tpu.memory_space<vmem_shared>>) dst(%dma_wait3A_217 : memref<80x128xf32, #tpu.memory_space<hbm>>)
        tpu.yield
      }) : () -> ()
    } else {
    }
    %add3A_120 = arith.constant 48 : i32
    %add3A_121 = arith.addi %arg1, %add3A_120 : i32
    %lt3A_122 = arith.constant 125 : i32
    %lt3A_123 = arith.cmpi slt, %add3A_121, %lt3A_122 : i32
    %eq3A_124 = arith.constant 0 : i32
    %eq3A_125 = arith.cmpi eq, %arg0, %eq3A_124 : i32
    %and3A_126 = arith.andi %lt3A_123, %eq3A_125 : i1
    %convert_element_type3A_127 = arith.extui %and3A_126 : i1 to i32
    %cond3A_128 = arith.constant 0 : i32
    %cond3A_129 = arith.cmpi ne, %convert_element_type3A_127, %cond3A_128 : i32
    scf.if %cond3A_129 {
      %mul3A_210 = arith.constant 80 : i32
      %mul3A_211 = arith.muli %add3A_121, %mul3A_210 : i32
      %mul3A_212 = arith.constant 80 : i32
      %mul3A_213 = arith.muli %add3A_121, %mul3A_212 : i32
      "tpu.region"() ({
        %run_scoped3A = tpu.sem_alloc : memref<!tpu.dma_semaphore, #tpu.memory_space<semaphore_mem>>
        %dma_start3A = arith.constant 0 : i32
        %dma_start3A_214 = tpu.memref_slice %arg5[%mul3A_213, %dma_start3A] : memref<10000x128xf32, #tpu.memory_space<hbm>> -> memref<80x128xf32, #tpu.memory_space<hbm>>
        %dma_start3A_215 = arith.constant 0 : i32
        %dma_start3A_216 = tpu.memref_slice %arg10[%mul3A_211, %dma_start3A_215] : memref<10000x128xf32, #tpu.memory_space<vmem_shared>> -> memref<80x128xf32, #tpu.memory_space<vmem_shared>>
        tpu.enqueue_dma source(%dma_start3A_216 : memref<80x128xf32, #tpu.memory_space<vmem_shared>>) target(%dma_start3A_214 : memref<80x128xf32, #tpu.memory_space<hbm>>) target_semaphore(%run_scoped3A : memref<!tpu.dma_semaphore, #tpu.memory_space<semaphore_mem>>)
        %dma_wait3A = arith.constant 0 : i32
        %dma_wait3A_217 = tpu.memref_slice %arg5[%mul3A_213, %dma_wait3A] : memref<10000x128xf32, #tpu.memory_space<hbm>> -> memref<80x128xf32, #tpu.memory_space<hbm>>
        %dma_wait3A_218 = arith.constant 0 : i32
        %dma_wait3A_219 = tpu.memref_slice %arg10[%mul3A_211, %dma_wait3A_218] : memref<10000x128xf32, #tpu.memory_space<vmem_shared>> -> memref<80x128xf32, #tpu.memory_space<vmem_shared>>
        tpu.wait_dma2 semaphore(%run_scoped3A : memref<!tpu.dma_semaphore, #tpu.memory_space<semaphore_mem>>) src(%dma_wait3A_219 : memref<80x128xf32, #tpu.memory_space<vmem_shared>>) dst(%dma_wait3A_217 : memref<80x128xf32, #tpu.memory_space<hbm>>)
        tpu.yield
      }) : () -> ()
    } else {
    }
    %lt3A_130 = arith.constant 125 : i32
    %lt3A_131 = arith.cmpi slt, %add3A_121, %lt3A_130 : i32
    %eq3A_132 = arith.constant 1 : i32
    %eq3A_133 = arith.cmpi eq, %arg0, %eq3A_132 : i32
    %and3A_134 = arith.andi %lt3A_131, %eq3A_133 : i1
    %convert_element_type3A_135 = arith.extui %and3A_134 : i1 to i32
    %cond3A_136 = arith.constant 0 : i32
    %cond3A_137 = arith.cmpi ne, %convert_element_type3A_135, %cond3A_136 : i32
    scf.if %cond3A_137 {
      %mul3A_210 = arith.constant 80 : i32
      %mul3A_211 = arith.muli %add3A_121, %mul3A_210 : i32
      %mul3A_212 = arith.constant 80 : i32
      %mul3A_213 = arith.muli %add3A_121, %mul3A_212 : i32
      "tpu.region"() ({
        %run_scoped3A = tpu.sem_alloc : memref<!tpu.dma_semaphore, #tpu.memory_space<semaphore_mem>>
        %dma_start3A = arith.constant 0 : i32
        %dma_start3A_214 = tpu.memref_slice %arg6[%mul3A_213, %dma_start3A] : memref<10000x128xf32, #tpu.memory_space<hbm>> -> memref<80x128xf32, #tpu.memory_space<hbm>>
        %dma_start3A_215 = arith.constant 0 : i32
        %dma_start3A_216 = tpu.memref_slice %arg10[%mul3A_211, %dma_start3A_215] : memref<10000x128xf32, #tpu.memory_space<vmem_shared>> -> memref<80x128xf32, #tpu.memory_space<vmem_shared>>
        tpu.enqueue_dma source(%dma_start3A_216 : memref<80x128xf32, #tpu.memory_space<vmem_shared>>) target(%dma_start3A_214 : memref<80x128xf32, #tpu.memory_space<hbm>>) target_semaphore(%run_scoped3A : memref<!tpu.dma_semaphore, #tpu.memory_space<semaphore_mem>>)
        %dma_wait3A = arith.constant 0 : i32
        %dma_wait3A_217 = tpu.memref_slice %arg6[%mul3A_213, %dma_wait3A] : memref<10000x128xf32, #tpu.memory_space<hbm>> -> memref<80x128xf32, #tpu.memory_space<hbm>>
        %dma_wait3A_218 = arith.constant 0 : i32
        %dma_wait3A_219 = tpu.memref_slice %arg10[%mul3A_211, %dma_wait3A_218] : memref<10000x128xf32, #tpu.memory_space<vmem_shared>> -> memref<80x128xf32, #tpu.memory_space<vmem_shared>>
        tpu.wait_dma2 semaphore(%run_scoped3A : memref<!tpu.dma_semaphore, #tpu.memory_space<semaphore_mem>>) src(%dma_wait3A_219 : memref<80x128xf32, #tpu.memory_space<vmem_shared>>) dst(%dma_wait3A_217 : memref<80x128xf32, #tpu.memory_space<hbm>>)
        tpu.yield
      }) : () -> ()
    } else {
    }
    %add3A_138 = arith.constant 64 : i32
    %add3A_139 = arith.addi %arg1, %add3A_138 : i32
    %lt3A_140 = arith.constant 125 : i32
    %lt3A_141 = arith.cmpi slt, %add3A_139, %lt3A_140 : i32
    %eq3A_142 = arith.constant 0 : i32
    %eq3A_143 = arith.cmpi eq, %arg0, %eq3A_142 : i32
    %and3A_144 = arith.andi %lt3A_141, %eq3A_143 : i1
    %convert_element_type3A_145 = arith.extui %and3A_144 : i1 to i32
    %cond3A_146 = arith.constant 0 : i32
    %cond3A_147 = arith.cmpi ne, %convert_element_type3A_145, %cond3A_146 : i32
    scf.if %cond3A_147 {
      %mul3A_210 = arith.constant 80 : i32
      %mul3A_211 = arith.muli %add3A_139, %mul3A_210 : i32
      %mul3A_212 = arith.constant 80 : i32
      %mul3A_213 = arith.muli %add3A_139, %mul3A_212 : i32
      "tpu.region"() ({
        %run_scoped3A = tpu.sem_alloc : memref<!tpu.dma_semaphore, #tpu.memory_space<semaphore_mem>>
        %dma_start3A = arith.constant 0 : i32
        %dma_start3A_214 = tpu.memref_slice %arg5[%mul3A_213, %dma_start3A] : memref<10000x128xf32, #tpu.memory_space<hbm>> -> memref<80x128xf32, #tpu.memory_space<hbm>>
        %dma_start3A_215 = arith.constant 0 : i32
        %dma_start3A_216 = tpu.memref_slice %arg10[%mul3A_211, %dma_start3A_215] : memref<10000x128xf32, #tpu.memory_space<vmem_shared>> -> memref<80x128xf32, #tpu.memory_space<vmem_shared>>
        tpu.enqueue_dma source(%dma_start3A_216 : memref<80x128xf32, #tpu.memory_space<vmem_shared>>) target(%dma_start3A_214 : memref<80x128xf32, #tpu.memory_space<hbm>>) target_semaphore(%run_scoped3A : memref<!tpu.dma_semaphore, #tpu.memory_space<semaphore_mem>>)
        %dma_wait3A = arith.constant 0 : i32
        %dma_wait3A_217 = tpu.memref_slice %arg5[%mul3A_213, %dma_wait3A] : memref<10000x128xf32, #tpu.memory_space<hbm>> -> memref<80x128xf32, #tpu.memory_space<hbm>>
        %dma_wait3A_218 = arith.constant 0 : i32
        %dma_wait3A_219 = tpu.memref_slice %arg10[%mul3A_211, %dma_wait3A_218] : memref<10000x128xf32, #tpu.memory_space<vmem_shared>> -> memref<80x128xf32, #tpu.memory_space<vmem_shared>>
        tpu.wait_dma2 semaphore(%run_scoped3A : memref<!tpu.dma_semaphore, #tpu.memory_space<semaphore_mem>>) src(%dma_wait3A_219 : memref<80x128xf32, #tpu.memory_space<vmem_shared>>) dst(%dma_wait3A_217 : memref<80x128xf32, #tpu.memory_space<hbm>>)
        tpu.yield
      }) : () -> ()
    } else {
    }
    %lt3A_148 = arith.constant 125 : i32
    %lt3A_149 = arith.cmpi slt, %add3A_139, %lt3A_148 : i32
    %eq3A_150 = arith.constant 1 : i32
    %eq3A_151 = arith.cmpi eq, %arg0, %eq3A_150 : i32
    %and3A_152 = arith.andi %lt3A_149, %eq3A_151 : i1
    %convert_element_type3A_153 = arith.extui %and3A_152 : i1 to i32
    %cond3A_154 = arith.constant 0 : i32
    %cond3A_155 = arith.cmpi ne, %convert_element_type3A_153, %cond3A_154 : i32
    scf.if %cond3A_155 {
      %mul3A_210 = arith.constant 80 : i32
      %mul3A_211 = arith.muli %add3A_139, %mul3A_210 : i32
      %mul3A_212 = arith.constant 80 : i32
      %mul3A_213 = arith.muli %add3A_139, %mul3A_212 : i32
      "tpu.region"() ({
        %run_scoped3A = tpu.sem_alloc : memref<!tpu.dma_semaphore, #tpu.memory_space<semaphore_mem>>
        %dma_start3A = arith.constant 0 : i32
        %dma_start3A_214 = tpu.memref_slice %arg6[%mul3A_213, %dma_start3A] : memref<10000x128xf32, #tpu.memory_space<hbm>> -> memref<80x128xf32, #tpu.memory_space<hbm>>
        %dma_start3A_215 = arith.constant 0 : i32
        %dma_start3A_216 = tpu.memref_slice %arg10[%mul3A_211, %dma_start3A_215] : memref<10000x128xf32, #tpu.memory_space<vmem_shared>> -> memref<80x128xf32, #tpu.memory_space<vmem_shared>>
        tpu.enqueue_dma source(%dma_start3A_216 : memref<80x128xf32, #tpu.memory_space<vmem_shared>>) target(%dma_start3A_214 : memref<80x128xf32, #tpu.memory_space<hbm>>) target_semaphore(%run_scoped3A : memref<!tpu.dma_semaphore, #tpu.memory_space<semaphore_mem>>)
        %dma_wait3A = arith.constant 0 : i32
        %dma_wait3A_217 = tpu.memref_slice %arg6[%mul3A_213, %dma_wait3A] : memref<10000x128xf32, #tpu.memory_space<hbm>> -> memref<80x128xf32, #tpu.memory_space<hbm>>
        %dma_wait3A_218 = arith.constant 0 : i32
        %dma_wait3A_219 = tpu.memref_slice %arg10[%mul3A_211, %dma_wait3A_218] : memref<10000x128xf32, #tpu.memory_space<vmem_shared>> -> memref<80x128xf32, #tpu.memory_space<vmem_shared>>
        tpu.wait_dma2 semaphore(%run_scoped3A : memref<!tpu.dma_semaphore, #tpu.memory_space<semaphore_mem>>) src(%dma_wait3A_219 : memref<80x128xf32, #tpu.memory_space<vmem_shared>>) dst(%dma_wait3A_217 : memref<80x128xf32, #tpu.memory_space<hbm>>)
        tpu.yield
      }) : () -> ()
    } else {
    }
    %add3A_156 = arith.constant 80 : i32
    %add3A_157 = arith.addi %arg1, %add3A_156 : i32
    %lt3A_158 = arith.constant 125 : i32
    %lt3A_159 = arith.cmpi slt, %add3A_157, %lt3A_158 : i32
    %eq3A_160 = arith.constant 0 : i32
    %eq3A_161 = arith.cmpi eq, %arg0, %eq3A_160 : i32
    %and3A_162 = arith.andi %lt3A_159, %eq3A_161 : i1
    %convert_element_type3A_163 = arith.extui %and3A_162 : i1 to i32
    %cond3A_164 = arith.constant 0 : i32
    %cond3A_165 = arith.cmpi ne, %convert_element_type3A_163, %cond3A_164 : i32
    scf.if %cond3A_165 {
      %mul3A_210 = arith.constant 80 : i32
      %mul3A_211 = arith.muli %add3A_157, %mul3A_210 : i32
      %mul3A_212 = arith.constant 80 : i32
      %mul3A_213 = arith.muli %add3A_157, %mul3A_212 : i32
      "tpu.region"() ({
        %run_scoped3A = tpu.sem_alloc : memref<!tpu.dma_semaphore, #tpu.memory_space<semaphore_mem>>
        %dma_start3A = arith.constant 0 : i32
        %dma_start3A_214 = tpu.memref_slice %arg5[%mul3A_213, %dma_start3A] : memref<10000x128xf32, #tpu.memory_space<hbm>> -> memref<80x128xf32, #tpu.memory_space<hbm>>
        %dma_start3A_215 = arith.constant 0 : i32
        %dma_start3A_216 = tpu.memref_slice %arg10[%mul3A_211, %dma_start3A_215] : memref<10000x128xf32, #tpu.memory_space<vmem_shared>> -> memref<80x128xf32, #tpu.memory_space<vmem_shared>>
        tpu.enqueue_dma source(%dma_start3A_216 : memref<80x128xf32, #tpu.memory_space<vmem_shared>>) target(%dma_start3A_214 : memref<80x128xf32, #tpu.memory_space<hbm>>) target_semaphore(%run_scoped3A : memref<!tpu.dma_semaphore, #tpu.memory_space<semaphore_mem>>)
        %dma_wait3A = arith.constant 0 : i32
        %dma_wait3A_217 = tpu.memref_slice %arg5[%mul3A_213, %dma_wait3A] : memref<10000x128xf32, #tpu.memory_space<hbm>> -> memref<80x128xf32, #tpu.memory_space<hbm>>
        %dma_wait3A_218 = arith.constant 0 : i32
        %dma_wait3A_219 = tpu.memref_slice %arg10[%mul3A_211, %dma_wait3A_218] : memref<10000x128xf32, #tpu.memory_space<vmem_shared>> -> memref<80x128xf32, #tpu.memory_space<vmem_shared>>
        tpu.wait_dma2 semaphore(%run_scoped3A : memref<!tpu.dma_semaphore, #tpu.memory_space<semaphore_mem>>) src(%dma_wait3A_219 : memref<80x128xf32, #tpu.memory_space<vmem_shared>>) dst(%dma_wait3A_217 : memref<80x128xf32, #tpu.memory_space<hbm>>)
        tpu.yield
      }) : () -> ()
    } else {
    }
    %lt3A_166 = arith.constant 125 : i32
    %lt3A_167 = arith.cmpi slt, %add3A_157, %lt3A_166 : i32
    %eq3A_168 = arith.constant 1 : i32
    %eq3A_169 = arith.cmpi eq, %arg0, %eq3A_168 : i32
    %and3A_170 = arith.andi %lt3A_167, %eq3A_169 : i1
    %convert_element_type3A_171 = arith.extui %and3A_170 : i1 to i32
    %cond3A_172 = arith.constant 0 : i32
    %cond3A_173 = arith.cmpi ne, %convert_element_type3A_171, %cond3A_172 : i32
    scf.if %cond3A_173 {
      %mul3A_210 = arith.constant 80 : i32
      %mul3A_211 = arith.muli %add3A_157, %mul3A_210 : i32
      %mul3A_212 = arith.constant 80 : i32
      %mul3A_213 = arith.muli %add3A_157, %mul3A_212 : i32
      "tpu.region"() ({
        %run_scoped3A = tpu.sem_alloc : memref<!tpu.dma_semaphore, #tpu.memory_space<semaphore_mem>>
        %dma_start3A = arith.constant 0 : i32
        %dma_start3A_214 = tpu.memref_slice %arg6[%mul3A_213, %dma_start3A] : memref<10000x128xf32, #tpu.memory_space<hbm>> -> memref<80x128xf32, #tpu.memory_space<hbm>>
        %dma_start3A_215 = arith.constant 0 : i32
        %dma_start3A_216 = tpu.memref_slice %arg10[%mul3A_211, %dma_start3A_215] : memref<10000x128xf32, #tpu.memory_space<vmem_shared>> -> memref<80x128xf32, #tpu.memory_space<vmem_shared>>
        tpu.enqueue_dma source(%dma_start3A_216 : memref<80x128xf32, #tpu.memory_space<vmem_shared>>) target(%dma_start3A_214 : memref<80x128xf32, #tpu.memory_space<hbm>>) target_semaphore(%run_scoped3A : memref<!tpu.dma_semaphore, #tpu.memory_space<semaphore_mem>>)
        %dma_wait3A = arith.constant 0 : i32
        %dma_wait3A_217 = tpu.memref_slice %arg6[%mul3A_213, %dma_wait3A] : memref<10000x128xf32, #tpu.memory_space<hbm>> -> memref<80x128xf32, #tpu.memory_space<hbm>>
        %dma_wait3A_218 = arith.constant 0 : i32
        %dma_wait3A_219 = tpu.memref_slice %arg10[%mul3A_211, %dma_wait3A_218] : memref<10000x128xf32, #tpu.memory_space<vmem_shared>> -> memref<80x128xf32, #tpu.memory_space<vmem_shared>>
        tpu.wait_dma2 semaphore(%run_scoped3A : memref<!tpu.dma_semaphore, #tpu.memory_space<semaphore_mem>>) src(%dma_wait3A_219 : memref<80x128xf32, #tpu.memory_space<vmem_shared>>) dst(%dma_wait3A_217 : memref<80x128xf32, #tpu.memory_space<hbm>>)
        tpu.yield
      }) : () -> ()
    } else {
    }
    %add3A_174 = arith.constant 96 : i32
    %add3A_175 = arith.addi %arg1, %add3A_174 : i32
    %lt3A_176 = arith.constant 125 : i32
    %lt3A_177 = arith.cmpi slt, %add3A_175, %lt3A_176 : i32
    %eq3A_178 = arith.constant 0 : i32
    %eq3A_179 = arith.cmpi eq, %arg0, %eq3A_178 : i32
    %and3A_180 = arith.andi %lt3A_177, %eq3A_179 : i1
    %convert_element_type3A_181 = arith.extui %and3A_180 : i1 to i32
    %cond3A_182 = arith.constant 0 : i32
    %cond3A_183 = arith.cmpi ne, %convert_element_type3A_181, %cond3A_182 : i32
    scf.if %cond3A_183 {
      %mul3A_210 = arith.constant 80 : i32
      %mul3A_211 = arith.muli %add3A_175, %mul3A_210 : i32
      %mul3A_212 = arith.constant 80 : i32
      %mul3A_213 = arith.muli %add3A_175, %mul3A_212 : i32
      "tpu.region"() ({
        %run_scoped3A = tpu.sem_alloc : memref<!tpu.dma_semaphore, #tpu.memory_space<semaphore_mem>>
        %dma_start3A = arith.constant 0 : i32
        %dma_start3A_214 = tpu.memref_slice %arg5[%mul3A_213, %dma_start3A] : memref<10000x128xf32, #tpu.memory_space<hbm>> -> memref<80x128xf32, #tpu.memory_space<hbm>>
        %dma_start3A_215 = arith.constant 0 : i32
        %dma_start3A_216 = tpu.memref_slice %arg10[%mul3A_211, %dma_start3A_215] : memref<10000x128xf32, #tpu.memory_space<vmem_shared>> -> memref<80x128xf32, #tpu.memory_space<vmem_shared>>
        tpu.enqueue_dma source(%dma_start3A_216 : memref<80x128xf32, #tpu.memory_space<vmem_shared>>) target(%dma_start3A_214 : memref<80x128xf32, #tpu.memory_space<hbm>>) target_semaphore(%run_scoped3A : memref<!tpu.dma_semaphore, #tpu.memory_space<semaphore_mem>>)
        %dma_wait3A = arith.constant 0 : i32
        %dma_wait3A_217 = tpu.memref_slice %arg5[%mul3A_213, %dma_wait3A] : memref<10000x128xf32, #tpu.memory_space<hbm>> -> memref<80x128xf32, #tpu.memory_space<hbm>>
        %dma_wait3A_218 = arith.constant 0 : i32
        %dma_wait3A_219 = tpu.memref_slice %arg10[%mul3A_211, %dma_wait3A_218] : memref<10000x128xf32, #tpu.memory_space<vmem_shared>> -> memref<80x128xf32, #tpu.memory_space<vmem_shared>>
        tpu.wait_dma2 semaphore(%run_scoped3A : memref<!tpu.dma_semaphore, #tpu.memory_space<semaphore_mem>>) src(%dma_wait3A_219 : memref<80x128xf32, #tpu.memory_space<vmem_shared>>) dst(%dma_wait3A_217 : memref<80x128xf32, #tpu.memory_space<hbm>>)
        tpu.yield
      }) : () -> ()
    } else {
    }
    %lt3A_184 = arith.constant 125 : i32
    %lt3A_185 = arith.cmpi slt, %add3A_175, %lt3A_184 : i32
    %eq3A_186 = arith.constant 1 : i32
    %eq3A_187 = arith.cmpi eq, %arg0, %eq3A_186 : i32
    %and3A_188 = arith.andi %lt3A_185, %eq3A_187 : i1
    %convert_element_type3A_189 = arith.extui %and3A_188 : i1 to i32
    %cond3A_190 = arith.constant 0 : i32
    %cond3A_191 = arith.cmpi ne, %convert_element_type3A_189, %cond3A_190 : i32
    scf.if %cond3A_191 {
      %mul3A_210 = arith.constant 80 : i32
      %mul3A_211 = arith.muli %add3A_175, %mul3A_210 : i32
      %mul3A_212 = arith.constant 80 : i32
      %mul3A_213 = arith.muli %add3A_175, %mul3A_212 : i32
      "tpu.region"() ({
        %run_scoped3A = tpu.sem_alloc : memref<!tpu.dma_semaphore, #tpu.memory_space<semaphore_mem>>
        %dma_start3A = arith.constant 0 : i32
        %dma_start3A_214 = tpu.memref_slice %arg6[%mul3A_213, %dma_start3A] : memref<10000x128xf32, #tpu.memory_space<hbm>> -> memref<80x128xf32, #tpu.memory_space<hbm>>
        %dma_start3A_215 = arith.constant 0 : i32
        %dma_start3A_216 = tpu.memref_slice %arg10[%mul3A_211, %dma_start3A_215] : memref<10000x128xf32, #tpu.memory_space<vmem_shared>> -> memref<80x128xf32, #tpu.memory_space<vmem_shared>>
        tpu.enqueue_dma source(%dma_start3A_216 : memref<80x128xf32, #tpu.memory_space<vmem_shared>>) target(%dma_start3A_214 : memref<80x128xf32, #tpu.memory_space<hbm>>) target_semaphore(%run_scoped3A : memref<!tpu.dma_semaphore, #tpu.memory_space<semaphore_mem>>)
        %dma_wait3A = arith.constant 0 : i32
        %dma_wait3A_217 = tpu.memref_slice %arg6[%mul3A_213, %dma_wait3A] : memref<10000x128xf32, #tpu.memory_space<hbm>> -> memref<80x128xf32, #tpu.memory_space<hbm>>
        %dma_wait3A_218 = arith.constant 0 : i32
        %dma_wait3A_219 = tpu.memref_slice %arg10[%mul3A_211, %dma_wait3A_218] : memref<10000x128xf32, #tpu.memory_space<vmem_shared>> -> memref<80x128xf32, #tpu.memory_space<vmem_shared>>
        tpu.wait_dma2 semaphore(%run_scoped3A : memref<!tpu.dma_semaphore, #tpu.memory_space<semaphore_mem>>) src(%dma_wait3A_219 : memref<80x128xf32, #tpu.memory_space<vmem_shared>>) dst(%dma_wait3A_217 : memref<80x128xf32, #tpu.memory_space<hbm>>)
        tpu.yield
      }) : () -> ()
    } else {
    }
    %add3A_192 = arith.constant 112 : i32
    %add3A_193 = arith.addi %arg1, %add3A_192 : i32
    %lt3A_194 = arith.constant 125 : i32
    %lt3A_195 = arith.cmpi slt, %add3A_193, %lt3A_194 : i32
    %eq3A_196 = arith.constant 0 : i32
    %eq3A_197 = arith.cmpi eq, %arg0, %eq3A_196 : i32
    %and3A_198 = arith.andi %lt3A_195, %eq3A_197 : i1
    %convert_element_type3A_199 = arith.extui %and3A_198 : i1 to i32
    %cond3A_200 = arith.constant 0 : i32
    %cond3A_201 = arith.cmpi ne, %convert_element_type3A_199, %cond3A_200 : i32
    scf.if %cond3A_201 {
      %mul3A_210 = arith.constant 80 : i32
      %mul3A_211 = arith.muli %add3A_193, %mul3A_210 : i32
      %mul3A_212 = arith.constant 80 : i32
      %mul3A_213 = arith.muli %add3A_193, %mul3A_212 : i32
      "tpu.region"() ({
        %run_scoped3A = tpu.sem_alloc : memref<!tpu.dma_semaphore, #tpu.memory_space<semaphore_mem>>
        %dma_start3A = arith.constant 0 : i32
        %dma_start3A_214 = tpu.memref_slice %arg5[%mul3A_213, %dma_start3A] : memref<10000x128xf32, #tpu.memory_space<hbm>> -> memref<80x128xf32, #tpu.memory_space<hbm>>
        %dma_start3A_215 = arith.constant 0 : i32
        %dma_start3A_216 = tpu.memref_slice %arg10[%mul3A_211, %dma_start3A_215] : memref<10000x128xf32, #tpu.memory_space<vmem_shared>> -> memref<80x128xf32, #tpu.memory_space<vmem_shared>>
        tpu.enqueue_dma source(%dma_start3A_216 : memref<80x128xf32, #tpu.memory_space<vmem_shared>>) target(%dma_start3A_214 : memref<80x128xf32, #tpu.memory_space<hbm>>) target_semaphore(%run_scoped3A : memref<!tpu.dma_semaphore, #tpu.memory_space<semaphore_mem>>)
        %dma_wait3A = arith.constant 0 : i32
        %dma_wait3A_217 = tpu.memref_slice %arg5[%mul3A_213, %dma_wait3A] : memref<10000x128xf32, #tpu.memory_space<hbm>> -> memref<80x128xf32, #tpu.memory_space<hbm>>
        %dma_wait3A_218 = arith.constant 0 : i32
        %dma_wait3A_219 = tpu.memref_slice %arg10[%mul3A_211, %dma_wait3A_218] : memref<10000x128xf32, #tpu.memory_space<vmem_shared>> -> memref<80x128xf32, #tpu.memory_space<vmem_shared>>
        tpu.wait_dma2 semaphore(%run_scoped3A : memref<!tpu.dma_semaphore, #tpu.memory_space<semaphore_mem>>) src(%dma_wait3A_219 : memref<80x128xf32, #tpu.memory_space<vmem_shared>>) dst(%dma_wait3A_217 : memref<80x128xf32, #tpu.memory_space<hbm>>)
        tpu.yield
      }) : () -> ()
    } else {
    }
    %lt3A_202 = arith.constant 125 : i32
    %lt3A_203 = arith.cmpi slt, %add3A_193, %lt3A_202 : i32
    %eq3A_204 = arith.constant 1 : i32
    %eq3A_205 = arith.cmpi eq, %arg0, %eq3A_204 : i32
    %and3A_206 = arith.andi %lt3A_203, %eq3A_205 : i1
    %convert_element_type3A_207 = arith.extui %and3A_206 : i1 to i32
    %cond3A_208 = arith.constant 0 : i32
    %cond3A_209 = arith.cmpi ne, %convert_element_type3A_207, %cond3A_208 : i32
    scf.if %cond3A_209 {
      %mul3A_210 = arith.constant 80 : i32
      %mul3A_211 = arith.muli %add3A_193, %mul3A_210 : i32
      %mul3A_212 = arith.constant 80 : i32
      %mul3A_213 = arith.muli %add3A_193, %mul3A_212 : i32
      "tpu.region"() ({
        %run_scoped3A = tpu.sem_alloc : memref<!tpu.dma_semaphore, #tpu.memory_space<semaphore_mem>>
        %dma_start3A = arith.constant 0 : i32
        %dma_start3A_214 = tpu.memref_slice %arg6[%mul3A_213, %dma_start3A] : memref<10000x128xf32, #tpu.memory_space<hbm>> -> memref<80x128xf32, #tpu.memory_space<hbm>>
        %dma_start3A_215 = arith.constant 0 : i32
        %dma_start3A_216 = tpu.memref_slice %arg10[%mul3A_211, %dma_start3A_215] : memref<10000x128xf32, #tpu.memory_space<vmem_shared>> -> memref<80x128xf32, #tpu.memory_space<vmem_shared>>
        tpu.enqueue_dma source(%dma_start3A_216 : memref<80x128xf32, #tpu.memory_space<vmem_shared>>) target(%dma_start3A_214 : memref<80x128xf32, #tpu.memory_space<hbm>>) target_semaphore(%run_scoped3A : memref<!tpu.dma_semaphore, #tpu.memory_space<semaphore_mem>>)
        %dma_wait3A = arith.constant 0 : i32
        %dma_wait3A_217 = tpu.memref_slice %arg6[%mul3A_213, %dma_wait3A] : memref<10000x128xf32, #tpu.memory_space<hbm>> -> memref<80x128xf32, #tpu.memory_space<hbm>>
        %dma_wait3A_218 = arith.constant 0 : i32
        %dma_wait3A_219 = tpu.memref_slice %arg10[%mul3A_211, %dma_wait3A_218] : memref<10000x128xf32, #tpu.memory_space<vmem_shared>> -> memref<80x128xf32, #tpu.memory_space<vmem_shared>>
        tpu.wait_dma2 semaphore(%run_scoped3A : memref<!tpu.dma_semaphore, #tpu.memory_space<semaphore_mem>>) src(%dma_wait3A_219 : memref<80x128xf32, #tpu.memory_space<vmem_shared>>) dst(%dma_wait3A_217 : memref<80x128xf32, #tpu.memory_space<hbm>>)
        tpu.yield
      }) : () -> ()
    } else {
    }
    return
  }
}

#map = affine_map<(d0, d1) -> (0, 0, 0)>
#map1 = affine_map<(d0, d1) -> (0, 0)>
module attributes {stable_mosaic.version = 14 : i64} {
  func.func @agg_kernel(%arg0: i32, %arg1: i32, %arg2: memref<32x125x80xi32, #tpu.memory_space<hbm>>, %arg3: memref<32x125x80xi32, #tpu.memory_space<hbm>>, %arg4: memref<10000x128xf32, #tpu.memory_space<hbm>>, %arg5: memref<10000x128xf32, #tpu.memory_space<hbm>>, %arg6: memref<10000x128xf32, #tpu.memory_space<hbm>>, %arg7: memref<125x80xi32, #tpu.memory_space<vmem>>, %arg8: memref<125x80xi32, #tpu.memory_space<vmem>>, %arg9: memref<80x128xf32, #tpu.memory_space<vmem>>, %arg10: memref<10000x128xf32, #tpu.memory_space<vmem_shared>>, %arg11: memref<!tpu.dma_semaphore, #tpu.memory_space<semaphore_mem>>) attributes {dimension_semantics = [#tpu.dimension_semantics<core_parallel>, #tpu.dimension_semantics<subcore_parallel>], iteration_bounds = array<i64: 2, 16>, scalar_prefetch = 0 : i64, scratch_operands = 5 : i64, tpu.core_type = #tpu.core_type<sc_vector_subcore>, window_params = [{transform_indices = #map}, {transform_indices = #map}, {transform_indices = #map1}, {transform_indices = #map1}, {transform_indices = #map1}]} {
    %mul3A = arith.constant 16 : i32
    %mul3A_0 = arith.muli %arg0, %mul3A : i32
    %add3A = arith.addi %mul3A_0, %arg1 : i32
    %scan3A = arith.constant 0 : i32
    %scan3A_1 = arith.constant 0 : i32
    %scan3A_2 = arith.constant 80 : i32
    %scan3A_3 = arith.addi %scan3A_1, %scan3A_2 : i32
    %scan3A_4 = arith.constant 1 : i32
    %scan3A_5 = scf.for %scan3A_210 = %scan3A_1 to %scan3A_3 step %scan3A_4 iter_args(%scan3A_211 = %scan3A) -> (i32)  : i32 {
      %broadcast_in_dim3A = arith.constant 0.000000e+00 : f32
      %broadcast_in_dim3A_212 = vector.broadcast %broadcast_in_dim3A : f32 to vector<16xf32>
      %swap3A = arith.index_cast %scan3A_210 : i32 to index
      %swap3A_213 = arith.constant 0 : index
      %swap3A_214 = tpu.vector_load %arg9[%swap3A, %swap3A_213] {strides = array<i32>} : memref<80x128xf32, #tpu.memory_space<vmem>>, vector<1x16xf32>,
      %swap3A_215 = vector.shape_cast %swap3A_214 : vector<1x16xf32> to vector<16xf32>
      %swap3A_216 = vector.shape_cast %broadcast_in_dim3A_212 : vector<16xf32> to vector<1x16xf32>
      tpu.vector_store %arg9[%swap3A, %swap3A_213], %swap3A_216 {strides = array<i32>} : memref<80x128xf32, #tpu.memory_space<vmem>>, vector<1x16xf32>,
      %broadcast_in_dim3A_217 = arith.constant 0.000000e+00 : f32
      %broadcast_in_dim3A_218 = vector.broadcast %broadcast_in_dim3A_217 : f32 to vector<16xf32>
      %swap3A_219 = arith.index_cast %scan3A_210 : i32 to index
      %swap3A_220 = arith.constant 16 : index
      %swap3A_221 = tpu.vector_load %arg9[%swap3A_219, %swap3A_220] {strides = array<i32>} : memref<80x128xf32, #tpu.memory_space<vmem>>, vector<1x16xf32>,
      %swap3A_222 = vector.shape_cast %swap3A_221 : vector<1x16xf32> to vector<16xf32>
      %swap3A_223 = vector.shape_cast %broadcast_in_dim3A_218 : vector<16xf32> to vector<1x16xf32>
      tpu.vector_store %arg9[%swap3A_219, %swap3A_220], %swap3A_223 {strides = array<i32>} : memref<80x128xf32, #tpu.memory_space<vmem>>, vector<1x16xf32>,
      %broadcast_in_dim3A_224 = arith.constant 0.000000e+00 : f32
      %broadcast_in_dim3A_225 = vector.broadcast %broadcast_in_dim3A_224 : f32 to vector<16xf32>
      %swap3A_226 = arith.index_cast %scan3A_210 : i32 to index
      %swap3A_227 = arith.constant 32 : index
      %swap3A_228 = tpu.vector_load %arg9[%swap3A_226, %swap3A_227] {strides = array<i32>} : memref<80x128xf32, #tpu.memory_space<vmem>>, vector<1x16xf32>,
      %swap3A_229 = vector.shape_cast %swap3A_228 : vector<1x16xf32> to vector<16xf32>
      %swap3A_230 = vector.shape_cast %broadcast_in_dim3A_225 : vector<16xf32> to vector<1x16xf32>
      tpu.vector_store %arg9[%swap3A_226, %swap3A_227], %swap3A_230 {strides = array<i32>} : memref<80x128xf32, #tpu.memory_space<vmem>>, vector<1x16xf32>,
      %broadcast_in_dim3A_231 = arith.constant 0.000000e+00 : f32
      %broadcast_in_dim3A_232 = vector.broadcast %broadcast_in_dim3A_231 : f32 to vector<16xf32>
      %swap3A_233 = arith.index_cast %scan3A_210 : i32 to index
      %swap3A_234 = arith.constant 48 : index
      %swap3A_235 = tpu.vector_load %arg9[%swap3A_233, %swap3A_234] {strides = array<i32>} : memref<80x128xf32, #tpu.memory_space<vmem>>, vector<1x16xf32>,
      %swap3A_236 = vector.shape_cast %swap3A_235 : vector<1x16xf32> to vector<16xf32>
      %swap3A_237 = vector.shape_cast %broadcast_in_dim3A_232 : vector<16xf32> to vector<1x16xf32>
      tpu.vector_store %arg9[%swap3A_233, %swap3A_234], %swap3A_237 {strides = array<i32>} : memref<80x128xf32, #tpu.memory_space<vmem>>, vector<1x16xf32>,
      %broadcast_in_dim3A_238 = arith.constant 0.000000e+00 : f32
      %broadcast_in_dim3A_239 = vector.broadcast %broadcast_in_dim3A_238 : f32 to vector<16xf32>
      %swap3A_240 = arith.index_cast %scan3A_210 : i32 to index
      %swap3A_241 = arith.constant 64 : index
      %swap3A_242 = tpu.vector_load %arg9[%swap3A_240, %swap3A_241] {strides = array<i32>} : memref<80x128xf32, #tpu.memory_space<vmem>>, vector<1x16xf32>,
      %swap3A_243 = vector.shape_cast %swap3A_242 : vector<1x16xf32> to vector<16xf32>
      %swap3A_244 = vector.shape_cast %broadcast_in_dim3A_239 : vector<16xf32> to vector<1x16xf32>
      tpu.vector_store %arg9[%swap3A_240, %swap3A_241], %swap3A_244 {strides = array<i32>} : memref<80x128xf32, #tpu.memory_space<vmem>>, vector<1x16xf32>,
      %broadcast_in_dim3A_245 = arith.constant 0.000000e+00 : f32
      %broadcast_in_dim3A_246 = vector.broadcast %broadcast_in_dim3A_245 : f32 to vector<16xf32>
      %swap3A_247 = arith.index_cast %scan3A_210 : i32 to index
      %swap3A_248 = arith.constant 80 : index
      %swap3A_249 = tpu.vector_load %arg9[%swap3A_247, %swap3A_248] {strides = array<i32>} : memref<80x128xf32, #tpu.memory_space<vmem>>, vector<1x16xf32>,
      %swap3A_250 = vector.shape_cast %swap3A_249 : vector<1x16xf32> to vector<16xf32>
      %swap3A_251 = vector.shape_cast %broadcast_in_dim3A_246 : vector<16xf32> to vector<1x16xf32>
      tpu.vector_store %arg9[%swap3A_247, %swap3A_248], %swap3A_251 {strides = array<i32>} : memref<80x128xf32, #tpu.memory_space<vmem>>, vector<1x16xf32>,
      %broadcast_in_dim3A_252 = arith.constant 0.000000e+00 : f32
      %broadcast_in_dim3A_253 = vector.broadcast %broadcast_in_dim3A_252 : f32 to vector<16xf32>
      %swap3A_254 = arith.index_cast %scan3A_210 : i32 to index
      %swap3A_255 = arith.constant 96 : index
      %swap3A_256 = tpu.vector_load %arg9[%swap3A_254, %swap3A_255] {strides = array<i32>} : memref<80x128xf32, #tpu.memory_space<vmem>>, vector<1x16xf32>,
      %swap3A_257 = vector.shape_cast %swap3A_256 : vector<1x16xf32> to vector<16xf32>
      %swap3A_258 = vector.shape_cast %broadcast_in_dim3A_253 : vector<16xf32> to vector<1x16xf32>
      tpu.vector_store %arg9[%swap3A_254, %swap3A_255], %swap3A_258 {strides = array<i32>} : memref<80x128xf32, #tpu.memory_space<vmem>>, vector<1x16xf32>,
      %broadcast_in_dim3A_259 = arith.constant 0.000000e+00 : f32
      %broadcast_in_dim3A_260 = vector.broadcast %broadcast_in_dim3A_259 : f32 to vector<16xf32>
      %swap3A_261 = arith.index_cast %scan3A_210 : i32 to index
      %swap3A_262 = arith.constant 112 : index
      %swap3A_263 = tpu.vector_load %arg9[%swap3A_261, %swap3A_262] {strides = array<i32>} : memref<80x128xf32, #tpu.memory_space<vmem>>, vector<1x16xf32>,
      %swap3A_264 = vector.shape_cast %swap3A_263 : vector<1x16xf32> to vector<16xf32>
      %swap3A_265 = vector.shape_cast %broadcast_in_dim3A_260 : vector<16xf32> to vector<1x16xf32>
      tpu.vector_store %arg9[%swap3A_261, %swap3A_262], %swap3A_265 {strides = array<i32>} : memref<80x128xf32, #tpu.memory_space<vmem>>, vector<1x16xf32>,
      %scan3A_266 = arith.constant 0 : i32
      scf.yield %scan3A_266 : i32
    }
    %scan3A_6 = arith.constant 80 : i32
    %add3A_7 = arith.constant 0 : i32
    %add3A_8 = arith.addi %arg1, %add3A_7 : i32
    %lt3A = arith.constant 125 : i32
    %lt3A_9 = arith.cmpi slt, %add3A_8, %lt3A : i32
    %convert_element_type3A = arith.extui %lt3A_9 : i1 to i32
    %cond3A = arith.constant 0 : i32
    %cond3A_10 = arith.cmpi ne, %convert_element_type3A, %cond3A : i32
    scf.if %cond3A_10 {
      %mul3A_210 = arith.constant 80 : i32
      %mul3A_211 = arith.muli %add3A_8, %mul3A_210 : i32
      "tpu.region"() ({
        %run_scoped3A = tpu.sem_alloc : memref<!tpu.dma_semaphore, #tpu.memory_space<semaphore_mem>>
        %dma_start3A = arith.constant 0 : i32
        %dma_start3A_212 = tpu.memref_slice %arg10[%mul3A_211, %dma_start3A] : memref<10000x128xf32, #tpu.memory_space<vmem_shared>> -> memref<80x128xf32, #tpu.memory_space<vmem_shared>>
        %dma_start3A_213 = arith.constant 0 : i32
        %dma_start3A_214 = tpu.memref_slice %arg10[%mul3A_211, %dma_start3A_213] : memref<10000x128xf32, #tpu.memory_space<vmem_shared>> -> memref<80x128xf32, #tpu.memory_space<vmem_shared>>
        tpu.enqueue_dma source(%arg9 : memref<80x128xf32, #tpu.memory_space<vmem>>) target(%dma_start3A_214 : memref<80x128xf32, #tpu.memory_space<vmem_shared>>) target_semaphore(%run_scoped3A : memref<!tpu.dma_semaphore, #tpu.memory_space<semaphore_mem>>)
        %dma_wait3A = arith.constant 0 : i32
        %dma_wait3A_215 = tpu.memref_slice %arg10[%mul3A_211, %dma_wait3A] : memref<10000x128xf32, #tpu.memory_space<vmem_shared>> -> memref<80x128xf32, #tpu.memory_space<vmem_shared>>
        %dma_wait3A_216 = arith.constant 0 : i32
        %dma_wait3A_217 = tpu.memref_slice %arg10[%mul3A_211, %dma_wait3A_216] : memref<10000x128xf32, #tpu.memory_space<vmem_shared>> -> memref<80x128xf32, #tpu.memory_space<vmem_shared>>
        tpu.wait_dma2 semaphore(%run_scoped3A : memref<!tpu.dma_semaphore, #tpu.memory_space<semaphore_mem>>) src(%arg9 : memref<80x128xf32, #tpu.memory_space<vmem>>) dst(%dma_wait3A_217 : memref<80x128xf32, #tpu.memory_space<vmem_shared>>)
        tpu.yield
      }) : () -> ()
    } else {
    }
    %add3A_11 = arith.constant 16 : i32
    %add3A_12 = arith.addi %arg1, %add3A_11 : i32
    %lt3A_13 = arith.constant 125 : i32
    %lt3A_14 = arith.cmpi slt, %add3A_12, %lt3A_13 : i32
    %convert_element_type3A_15 = arith.extui %lt3A_14 : i1 to i32
    %cond3A_16 = arith.constant 0 : i32
    %cond3A_17 = arith.cmpi ne, %convert_element_type3A_15, %cond3A_16 : i32
    scf.if %cond3A_17 {
      %mul3A_210 = arith.constant 80 : i32
      %mul3A_211 = arith.muli %add3A_12, %mul3A_210 : i32
      "tpu.region"() ({
        %run_scoped3A = tpu.sem_alloc : memref<!tpu.dma_semaphore, #tpu.memory_space<semaphore_mem>>
        %dma_start3A = arith.constant 0 : i32
        %dma_start3A_212 = tpu.memref_slice %arg10[%mul3A_211, %dma_start3A] : memref<10000x128xf32, #tpu.memory_space<vmem_shared>> -> memref<80x128xf32, #tpu.memory_space<vmem_shared>>
        %dma_start3A_213 = arith.constant 0 : i32
        %dma_start3A_214 = tpu.memref_slice %arg10[%mul3A_211, %dma_start3A_213] : memref<10000x128xf32, #tpu.memory_space<vmem_shared>> -> memref<80x128xf32, #tpu.memory_space<vmem_shared>>
        tpu.enqueue_dma source(%arg9 : memref<80x128xf32, #tpu.memory_space<vmem>>) target(%dma_start3A_214 : memref<80x128xf32, #tpu.memory_space<vmem_shared>>) target_semaphore(%run_scoped3A : memref<!tpu.dma_semaphore, #tpu.memory_space<semaphore_mem>>)
        %dma_wait3A = arith.constant 0 : i32
        %dma_wait3A_215 = tpu.memref_slice %arg10[%mul3A_211, %dma_wait3A] : memref<10000x128xf32, #tpu.memory_space<vmem_shared>> -> memref<80x128xf32, #tpu.memory_space<vmem_shared>>
        %dma_wait3A_216 = arith.constant 0 : i32
        %dma_wait3A_217 = tpu.memref_slice %arg10[%mul3A_211, %dma_wait3A_216] : memref<10000x128xf32, #tpu.memory_space<vmem_shared>> -> memref<80x128xf32, #tpu.memory_space<vmem_shared>>
        tpu.wait_dma2 semaphore(%run_scoped3A : memref<!tpu.dma_semaphore, #tpu.memory_space<semaphore_mem>>) src(%arg9 : memref<80x128xf32, #tpu.memory_space<vmem>>) dst(%dma_wait3A_217 : memref<80x128xf32, #tpu.memory_space<vmem_shared>>)
        tpu.yield
      }) : () -> ()
    } else {
    }
    %add3A_18 = arith.constant 32 : i32
    %add3A_19 = arith.addi %arg1, %add3A_18 : i32
    %lt3A_20 = arith.constant 125 : i32
    %lt3A_21 = arith.cmpi slt, %add3A_19, %lt3A_20 : i32
    %convert_element_type3A_22 = arith.extui %lt3A_21 : i1 to i32
    %cond3A_23 = arith.constant 0 : i32
    %cond3A_24 = arith.cmpi ne, %convert_element_type3A_22, %cond3A_23 : i32
    scf.if %cond3A_24 {
      %mul3A_210 = arith.constant 80 : i32
      %mul3A_211 = arith.muli %add3A_19, %mul3A_210 : i32
      "tpu.region"() ({
        %run_scoped3A = tpu.sem_alloc : memref<!tpu.dma_semaphore, #tpu.memory_space<semaphore_mem>>
        %dma_start3A = arith.constant 0 : i32
        %dma_start3A_212 = tpu.memref_slice %arg10[%mul3A_211, %dma_start3A] : memref<10000x128xf32, #tpu.memory_space<vmem_shared>> -> memref<80x128xf32, #tpu.memory_space<vmem_shared>>
        %dma_start3A_213 = arith.constant 0 : i32
        %dma_start3A_214 = tpu.memref_slice %arg10[%mul3A_211, %dma_start3A_213] : memref<10000x128xf32, #tpu.memory_space<vmem_shared>> -> memref<80x128xf32, #tpu.memory_space<vmem_shared>>
        tpu.enqueue_dma source(%arg9 : memref<80x128xf32, #tpu.memory_space<vmem>>) target(%dma_start3A_214 : memref<80x128xf32, #tpu.memory_space<vmem_shared>>) target_semaphore(%run_scoped3A : memref<!tpu.dma_semaphore, #tpu.memory_space<semaphore_mem>>)
        %dma_wait3A = arith.constant 0 : i32
        %dma_wait3A_215 = tpu.memref_slice %arg10[%mul3A_211, %dma_wait3A] : memref<10000x128xf32, #tpu.memory_space<vmem_shared>> -> memref<80x128xf32, #tpu.memory_space<vmem_shared>>
        %dma_wait3A_216 = arith.constant 0 : i32
        %dma_wait3A_217 = tpu.memref_slice %arg10[%mul3A_211, %dma_wait3A_216] : memref<10000x128xf32, #tpu.memory_space<vmem_shared>> -> memref<80x128xf32, #tpu.memory_space<vmem_shared>>
        tpu.wait_dma2 semaphore(%run_scoped3A : memref<!tpu.dma_semaphore, #tpu.memory_space<semaphore_mem>>) src(%arg9 : memref<80x128xf32, #tpu.memory_space<vmem>>) dst(%dma_wait3A_217 : memref<80x128xf32, #tpu.memory_space<vmem_shared>>)
        tpu.yield
      }) : () -> ()
    } else {
    }
    %add3A_25 = arith.constant 48 : i32
    %add3A_26 = arith.addi %arg1, %add3A_25 : i32
    %lt3A_27 = arith.constant 125 : i32
    %lt3A_28 = arith.cmpi slt, %add3A_26, %lt3A_27 : i32
    %convert_element_type3A_29 = arith.extui %lt3A_28 : i1 to i32
    %cond3A_30 = arith.constant 0 : i32
    %cond3A_31 = arith.cmpi ne, %convert_element_type3A_29, %cond3A_30 : i32
    scf.if %cond3A_31 {
      %mul3A_210 = arith.constant 80 : i32
      %mul3A_211 = arith.muli %add3A_26, %mul3A_210 : i32
      "tpu.region"() ({
        %run_scoped3A = tpu.sem_alloc : memref<!tpu.dma_semaphore, #tpu.memory_space<semaphore_mem>>
        %dma_start3A = arith.constant 0 : i32
        %dma_start3A_212 = tpu.memref_slice %arg10[%mul3A_211, %dma_start3A] : memref<10000x128xf32, #tpu.memory_space<vmem_shared>> -> memref<80x128xf32, #tpu.memory_space<vmem_shared>>
        %dma_start3A_213 = arith.constant 0 : i32
        %dma_start3A_214 = tpu.memref_slice %arg10[%mul3A_211, %dma_start3A_213] : memref<10000x128xf32, #tpu.memory_space<vmem_shared>> -> memref<80x128xf32, #tpu.memory_space<vmem_shared>>
        tpu.enqueue_dma source(%arg9 : memref<80x128xf32, #tpu.memory_space<vmem>>) target(%dma_start3A_214 : memref<80x128xf32, #tpu.memory_space<vmem_shared>>) target_semaphore(%run_scoped3A : memref<!tpu.dma_semaphore, #tpu.memory_space<semaphore_mem>>)
        %dma_wait3A = arith.constant 0 : i32
        %dma_wait3A_215 = tpu.memref_slice %arg10[%mul3A_211, %dma_wait3A] : memref<10000x128xf32, #tpu.memory_space<vmem_shared>> -> memref<80x128xf32, #tpu.memory_space<vmem_shared>>
        %dma_wait3A_216 = arith.constant 0 : i32
        %dma_wait3A_217 = tpu.memref_slice %arg10[%mul3A_211, %dma_wait3A_216] : memref<10000x128xf32, #tpu.memory_space<vmem_shared>> -> memref<80x128xf32, #tpu.memory_space<vmem_shared>>
        tpu.wait_dma2 semaphore(%run_scoped3A : memref<!tpu.dma_semaphore, #tpu.memory_space<semaphore_mem>>) src(%arg9 : memref<80x128xf32, #tpu.memory_space<vmem>>) dst(%dma_wait3A_217 : memref<80x128xf32, #tpu.memory_space<vmem_shared>>)
        tpu.yield
      }) : () -> ()
    } else {
    }
    %add3A_32 = arith.constant 64 : i32
    %add3A_33 = arith.addi %arg1, %add3A_32 : i32
    %lt3A_34 = arith.constant 125 : i32
    %lt3A_35 = arith.cmpi slt, %add3A_33, %lt3A_34 : i32
    %convert_element_type3A_36 = arith.extui %lt3A_35 : i1 to i32
    %cond3A_37 = arith.constant 0 : i32
    %cond3A_38 = arith.cmpi ne, %convert_element_type3A_36, %cond3A_37 : i32
    scf.if %cond3A_38 {
      %mul3A_210 = arith.constant 80 : i32
      %mul3A_211 = arith.muli %add3A_33, %mul3A_210 : i32
      "tpu.region"() ({
        %run_scoped3A = tpu.sem_alloc : memref<!tpu.dma_semaphore, #tpu.memory_space<semaphore_mem>>
        %dma_start3A = arith.constant 0 : i32
        %dma_start3A_212 = tpu.memref_slice %arg10[%mul3A_211, %dma_start3A] : memref<10000x128xf32, #tpu.memory_space<vmem_shared>> -> memref<80x128xf32, #tpu.memory_space<vmem_shared>>
        %dma_start3A_213 = arith.constant 0 : i32
        %dma_start3A_214 = tpu.memref_slice %arg10[%mul3A_211, %dma_start3A_213] : memref<10000x128xf32, #tpu.memory_space<vmem_shared>> -> memref<80x128xf32, #tpu.memory_space<vmem_shared>>
        tpu.enqueue_dma source(%arg9 : memref<80x128xf32, #tpu.memory_space<vmem>>) target(%dma_start3A_214 : memref<80x128xf32, #tpu.memory_space<vmem_shared>>) target_semaphore(%run_scoped3A : memref<!tpu.dma_semaphore, #tpu.memory_space<semaphore_mem>>)
        %dma_wait3A = arith.constant 0 : i32
        %dma_wait3A_215 = tpu.memref_slice %arg10[%mul3A_211, %dma_wait3A] : memref<10000x128xf32, #tpu.memory_space<vmem_shared>> -> memref<80x128xf32, #tpu.memory_space<vmem_shared>>
        %dma_wait3A_216 = arith.constant 0 : i32
        %dma_wait3A_217 = tpu.memref_slice %arg10[%mul3A_211, %dma_wait3A_216] : memref<10000x128xf32, #tpu.memory_space<vmem_shared>> -> memref<80x128xf32, #tpu.memory_space<vmem_shared>>
        tpu.wait_dma2 semaphore(%run_scoped3A : memref<!tpu.dma_semaphore, #tpu.memory_space<semaphore_mem>>) src(%arg9 : memref<80x128xf32, #tpu.memory_space<vmem>>) dst(%dma_wait3A_217 : memref<80x128xf32, #tpu.memory_space<vmem_shared>>)
        tpu.yield
      }) : () -> ()
    } else {
    }
    %add3A_39 = arith.constant 80 : i32
    %add3A_40 = arith.addi %arg1, %add3A_39 : i32
    %lt3A_41 = arith.constant 125 : i32
    %lt3A_42 = arith.cmpi slt, %add3A_40, %lt3A_41 : i32
    %convert_element_type3A_43 = arith.extui %lt3A_42 : i1 to i32
    %cond3A_44 = arith.constant 0 : i32
    %cond3A_45 = arith.cmpi ne, %convert_element_type3A_43, %cond3A_44 : i32
    scf.if %cond3A_45 {
      %mul3A_210 = arith.constant 80 : i32
      %mul3A_211 = arith.muli %add3A_40, %mul3A_210 : i32
      "tpu.region"() ({
        %run_scoped3A = tpu.sem_alloc : memref<!tpu.dma_semaphore, #tpu.memory_space<semaphore_mem>>
        %dma_start3A = arith.constant 0 : i32
        %dma_start3A_212 = tpu.memref_slice %arg10[%mul3A_211, %dma_start3A] : memref<10000x128xf32, #tpu.memory_space<vmem_shared>> -> memref<80x128xf32, #tpu.memory_space<vmem_shared>>
        %dma_start3A_213 = arith.constant 0 : i32
        %dma_start3A_214 = tpu.memref_slice %arg10[%mul3A_211, %dma_start3A_213] : memref<10000x128xf32, #tpu.memory_space<vmem_shared>> -> memref<80x128xf32, #tpu.memory_space<vmem_shared>>
        tpu.enqueue_dma source(%arg9 : memref<80x128xf32, #tpu.memory_space<vmem>>) target(%dma_start3A_214 : memref<80x128xf32, #tpu.memory_space<vmem_shared>>) target_semaphore(%run_scoped3A : memref<!tpu.dma_semaphore, #tpu.memory_space<semaphore_mem>>)
        %dma_wait3A = arith.constant 0 : i32
        %dma_wait3A_215 = tpu.memref_slice %arg10[%mul3A_211, %dma_wait3A] : memref<10000x128xf32, #tpu.memory_space<vmem_shared>> -> memref<80x128xf32, #tpu.memory_space<vmem_shared>>
        %dma_wait3A_216 = arith.constant 0 : i32
        %dma_wait3A_217 = tpu.memref_slice %arg10[%mul3A_211, %dma_wait3A_216] : memref<10000x128xf32, #tpu.memory_space<vmem_shared>> -> memref<80x128xf32, #tpu.memory_space<vmem_shared>>
        tpu.wait_dma2 semaphore(%run_scoped3A : memref<!tpu.dma_semaphore, #tpu.memory_space<semaphore_mem>>) src(%arg9 : memref<80x128xf32, #tpu.memory_space<vmem>>) dst(%dma_wait3A_217 : memref<80x128xf32, #tpu.memory_space<vmem_shared>>)
        tpu.yield
      }) : () -> ()
    } else {
    }
    %add3A_46 = arith.constant 96 : i32
    %add3A_47 = arith.addi %arg1, %add3A_46 : i32
    %lt3A_48 = arith.constant 125 : i32
    %lt3A_49 = arith.cmpi slt, %add3A_47, %lt3A_48 : i32
    %convert_element_type3A_50 = arith.extui %lt3A_49 : i1 to i32
    %cond3A_51 = arith.constant 0 : i32
    %cond3A_52 = arith.cmpi ne, %convert_element_type3A_50, %cond3A_51 : i32
    scf.if %cond3A_52 {
      %mul3A_210 = arith.constant 80 : i32
      %mul3A_211 = arith.muli %add3A_47, %mul3A_210 : i32
      "tpu.region"() ({
        %run_scoped3A = tpu.sem_alloc : memref<!tpu.dma_semaphore, #tpu.memory_space<semaphore_mem>>
        %dma_start3A = arith.constant 0 : i32
        %dma_start3A_212 = tpu.memref_slice %arg10[%mul3A_211, %dma_start3A] : memref<10000x128xf32, #tpu.memory_space<vmem_shared>> -> memref<80x128xf32, #tpu.memory_space<vmem_shared>>
        %dma_start3A_213 = arith.constant 0 : i32
        %dma_start3A_214 = tpu.memref_slice %arg10[%mul3A_211, %dma_start3A_213] : memref<10000x128xf32, #tpu.memory_space<vmem_shared>> -> memref<80x128xf32, #tpu.memory_space<vmem_shared>>
        tpu.enqueue_dma source(%arg9 : memref<80x128xf32, #tpu.memory_space<vmem>>) target(%dma_start3A_214 : memref<80x128xf32, #tpu.memory_space<vmem_shared>>) target_semaphore(%run_scoped3A : memref<!tpu.dma_semaphore, #tpu.memory_space<semaphore_mem>>)
        %dma_wait3A = arith.constant 0 : i32
        %dma_wait3A_215 = tpu.memref_slice %arg10[%mul3A_211, %dma_wait3A] : memref<10000x128xf32, #tpu.memory_space<vmem_shared>> -> memref<80x128xf32, #tpu.memory_space<vmem_shared>>
        %dma_wait3A_216 = arith.constant 0 : i32
        %dma_wait3A_217 = tpu.memref_slice %arg10[%mul3A_211, %dma_wait3A_216] : memref<10000x128xf32, #tpu.memory_space<vmem_shared>> -> memref<80x128xf32, #tpu.memory_space<vmem_shared>>
        tpu.wait_dma2 semaphore(%run_scoped3A : memref<!tpu.dma_semaphore, #tpu.memory_space<semaphore_mem>>) src(%arg9 : memref<80x128xf32, #tpu.memory_space<vmem>>) dst(%dma_wait3A_217 : memref<80x128xf32, #tpu.memory_space<vmem_shared>>)
        tpu.yield
      }) : () -> ()
    } else {
    }
    %add3A_53 = arith.constant 112 : i32
    %add3A_54 = arith.addi %arg1, %add3A_53 : i32
    %lt3A_55 = arith.constant 125 : i32
    %lt3A_56 = arith.cmpi slt, %add3A_54, %lt3A_55 : i32
    %convert_element_type3A_57 = arith.extui %lt3A_56 : i1 to i32
    %cond3A_58 = arith.constant 0 : i32
    %cond3A_59 = arith.cmpi ne, %convert_element_type3A_57, %cond3A_58 : i32
    scf.if %cond3A_59 {
      %mul3A_210 = arith.constant 80 : i32
      %mul3A_211 = arith.muli %add3A_54, %mul3A_210 : i32
      "tpu.region"() ({
        %run_scoped3A = tpu.sem_alloc : memref<!tpu.dma_semaphore, #tpu.memory_space<semaphore_mem>>
        %dma_start3A = arith.constant 0 : i32
        %dma_start3A_212 = tpu.memref_slice %arg10[%mul3A_211, %dma_start3A] : memref<10000x128xf32, #tpu.memory_space<vmem_shared>> -> memref<80x128xf32, #tpu.memory_space<vmem_shared>>
        %dma_start3A_213 = arith.constant 0 : i32
        %dma_start3A_214 = tpu.memref_slice %arg10[%mul3A_211, %dma_start3A_213] : memref<10000x128xf32, #tpu.memory_space<vmem_shared>> -> memref<80x128xf32, #tpu.memory_space<vmem_shared>>
        tpu.enqueue_dma source(%arg9 : memref<80x128xf32, #tpu.memory_space<vmem>>) target(%dma_start3A_214 : memref<80x128xf32, #tpu.memory_space<vmem_shared>>) target_semaphore(%run_scoped3A : memref<!tpu.dma_semaphore, #tpu.memory_space<semaphore_mem>>)
        %dma_wait3A = arith.constant 0 : i32
        %dma_wait3A_215 = tpu.memref_slice %arg10[%mul3A_211, %dma_wait3A] : memref<10000x128xf32, #tpu.memory_space<vmem_shared>> -> memref<80x128xf32, #tpu.memory_space<vmem_shared>>
        %dma_wait3A_216 = arith.constant 0 : i32
        %dma_wait3A_217 = tpu.memref_slice %arg10[%mul3A_211, %dma_wait3A_216] : memref<10000x128xf32, #tpu.memory_space<vmem_shared>> -> memref<80x128xf32, #tpu.memory_space<vmem_shared>>
        tpu.wait_dma2 semaphore(%run_scoped3A : memref<!tpu.dma_semaphore, #tpu.memory_space<semaphore_mem>>) src(%arg9 : memref<80x128xf32, #tpu.memory_space<vmem>>) dst(%dma_wait3A_217 : memref<80x128xf32, #tpu.memory_space<vmem_shared>>)
        tpu.yield
      }) : () -> ()
    } else {
    }
    %barrier3A = arith.constant 0 : index
    tpu.barrier barrier_id(%barrier3A)
    "tpu.region"() ({
      %run_scoped3A = tpu.sem_alloc : memref<!tpu.dma_semaphore, #tpu.memory_space<semaphore_mem>>
      %dma_start3A = arith.constant 0 : i32
      %dma_start3A_210 = arith.constant 0 : i32
      %dma_start3A_211 = tpu.memref_slice %arg2[%add3A, %dma_start3A, %dma_start3A_210] : memref<32x125x80xi32, #tpu.memory_space<hbm>> -> memref<1x125x80xi32, #tpu.memory_space<hbm>>
      %dma_start3A_212 = tpu.memref_squeeze %dma_start3A_211 : memref<1x125x80xi32, #tpu.memory_space<hbm>> -> memref<125x80xi32, #tpu.memory_space<hbm>>
      %dma_start3A_213 = arith.constant 0 : i32
      %dma_start3A_214 = arith.constant 0 : i32
      %dma_start3A_215 = tpu.memref_slice %arg2[%add3A, %dma_start3A_213, %dma_start3A_214] : memref<32x125x80xi32, #tpu.memory_space<hbm>> -> memref<1x125x80xi32, #tpu.memory_space<hbm>>
      %dma_start3A_216 = tpu.memref_squeeze %dma_start3A_215 : memref<1x125x80xi32, #tpu.memory_space<hbm>> -> memref<125x80xi32, #tpu.memory_space<hbm>>
      tpu.enqueue_dma source(%dma_start3A_216 : memref<125x80xi32, #tpu.memory_space<hbm>>) target(%arg7 : memref<125x80xi32, #tpu.memory_space<vmem>>) target_semaphore(%run_scoped3A : memref<!tpu.dma_semaphore, #tpu.memory_space<semaphore_mem>>)
      %dma_wait3A = arith.constant 0 : i32
      %dma_wait3A_217 = arith.constant 0 : i32
      %dma_wait3A_218 = tpu.memref_slice %arg2[%add3A, %dma_wait3A, %dma_wait3A_217] : memref<32x125x80xi32, #tpu.memory_space<hbm>> -> memref<1x125x80xi32, #tpu.memory_space<hbm>>
      %dma_wait3A_219 = tpu.memref_squeeze %dma_wait3A_218 : memref<1x125x80xi32, #tpu.memory_space<hbm>> -> memref<125x80xi32, #tpu.memory_space<hbm>>
      %dma_wait3A_220 = arith.constant 0 : i32
      %dma_wait3A_221 = arith.constant 0 : i32
      %dma_wait3A_222 = tpu.memref_slice %arg2[%add3A, %dma_wait3A_220, %dma_wait3A_221] : memref<32x125x80xi32, #tpu.memory_space<hbm>> -> memref<1x125x80xi32, #tpu.memory_space<hbm>>
      %dma_wait3A_223 = tpu.memref_squeeze %dma_wait3A_222 : memref<1x125x80xi32, #tpu.memory_space<hbm>> -> memref<125x80xi32, #tpu.memory_space<hbm>>
      tpu.wait_dma2 semaphore(%run_scoped3A : memref<!tpu.dma_semaphore, #tpu.memory_space<semaphore_mem>>) src(%dma_wait3A_223 : memref<125x80xi32, #tpu.memory_space<hbm>>) dst(%arg7 : memref<125x80xi32, #tpu.memory_space<vmem>>)
      tpu.yield
    }) : () -> ()
    "tpu.region"() ({
      %run_scoped3A = tpu.sem_alloc : memref<!tpu.dma_semaphore, #tpu.memory_space<semaphore_mem>>
      %dma_start3A = arith.constant 0 : i32
      %dma_start3A_210 = arith.constant 0 : i32
      %dma_start3A_211 = tpu.memref_slice %arg3[%add3A, %dma_start3A, %dma_start3A_210] : memref<32x125x80xi32, #tpu.memory_space<hbm>> -> memref<1x125x80xi32, #tpu.memory_space<hbm>>
      %dma_start3A_212 = tpu.memref_squeeze %dma_start3A_211 : memref<1x125x80xi32, #tpu.memory_space<hbm>> -> memref<125x80xi32, #tpu.memory_space<hbm>>
      %dma_start3A_213 = arith.constant 0 : i32
      %dma_start3A_214 = arith.constant 0 : i32
      %dma_start3A_215 = tpu.memref_slice %arg3[%add3A, %dma_start3A_213, %dma_start3A_214] : memref<32x125x80xi32, #tpu.memory_space<hbm>> -> memref<1x125x80xi32, #tpu.memory_space<hbm>>
      %dma_start3A_216 = tpu.memref_squeeze %dma_start3A_215 : memref<1x125x80xi32, #tpu.memory_space<hbm>> -> memref<125x80xi32, #tpu.memory_space<hbm>>
      tpu.enqueue_dma source(%dma_start3A_216 : memref<125x80xi32, #tpu.memory_space<hbm>>) target(%arg8 : memref<125x80xi32, #tpu.memory_space<vmem>>) target_semaphore(%run_scoped3A : memref<!tpu.dma_semaphore, #tpu.memory_space<semaphore_mem>>)
      %dma_wait3A = arith.constant 0 : i32
      %dma_wait3A_217 = arith.constant 0 : i32
      %dma_wait3A_218 = tpu.memref_slice %arg3[%add3A, %dma_wait3A, %dma_wait3A_217] : memref<32x125x80xi32, #tpu.memory_space<hbm>> -> memref<1x125x80xi32, #tpu.memory_space<hbm>>
      %dma_wait3A_219 = tpu.memref_squeeze %dma_wait3A_218 : memref<1x125x80xi32, #tpu.memory_space<hbm>> -> memref<125x80xi32, #tpu.memory_space<hbm>>
      %dma_wait3A_220 = arith.constant 0 : i32
      %dma_wait3A_221 = arith.constant 0 : i32
      %dma_wait3A_222 = tpu.memref_slice %arg3[%add3A, %dma_wait3A_220, %dma_wait3A_221] : memref<32x125x80xi32, #tpu.memory_space<hbm>> -> memref<1x125x80xi32, #tpu.memory_space<hbm>>
      %dma_wait3A_223 = tpu.memref_squeeze %dma_wait3A_222 : memref<1x125x80xi32, #tpu.memory_space<hbm>> -> memref<125x80xi32, #tpu.memory_space<hbm>>
      tpu.wait_dma2 semaphore(%run_scoped3A : memref<!tpu.dma_semaphore, #tpu.memory_space<semaphore_mem>>) src(%dma_wait3A_223 : memref<125x80xi32, #tpu.memory_space<hbm>>) dst(%arg8 : memref<125x80xi32, #tpu.memory_space<vmem>>)
      tpu.yield
    }) : () -> ()
    %scan3A_60 = arith.constant 0 : i32
    %scan3A_61 = arith.constant 0 : i32
    %scan3A_62 = arith.constant 125 : i32
    %scan3A_63 = arith.addi %scan3A_61, %scan3A_62 : i32
    %scan3A_64 = arith.constant 1 : i32
    %scan3A_65 = scf.for %scan3A_210 = %scan3A_61 to %scan3A_63 step %scan3A_64 iter_args(%scan3A_211 = %scan3A_60) -> (i32)  : i32 {
      %dma_start3A = arith.constant 0 : i32
      %dma_start3A_212 = tpu.memref_slice %arg7[%scan3A_210, %dma_start3A] : memref<125x80xi32, #tpu.memory_space<vmem>> -> memref<1x80xi32, #tpu.memory_space<vmem>>
      %dma_start3A_213 = tpu.memref_squeeze %dma_start3A_212 : memref<1x80xi32, #tpu.memory_space<vmem>> -> memref<80xi32, #tpu.memory_space<vmem>>
      %dma_start3A_214 = arith.constant 0 : i32
      %dma_start3A_215 = arith.constant 0 : i32
      %dma_start3A_216 = tpu.memref_slice %arg4[%dma_start3A_214, %dma_start3A_215] : memref<10000x128xf32, #tpu.memory_space<hbm>> -> memref<10000x128xf32, #tpu.memory_space<hbm>>
      tpu.enqueue_indirect_dma source(%dma_start3A_216 : memref<10000x128xf32, #tpu.memory_space<hbm>>) target(%arg9 : memref<80x128xf32, #tpu.memory_space<vmem>>) offsets(%dma_start3A_213 : memref<80xi32, #tpu.memory_space<vmem>>) semaphore(%arg11 : memref<!tpu.dma_semaphore, #tpu.memory_space<semaphore_mem>>)
      %dma_wait3A = arith.constant 0 : i32
      %dma_wait3A_217 = tpu.memref_slice %arg7[%scan3A_210, %dma_wait3A] : memref<125x80xi32, #tpu.memory_space<vmem>> -> memref<1x80xi32, #tpu.memory_space<vmem>>
      %dma_wait3A_218 = tpu.memref_squeeze %dma_wait3A_217 : memref<1x80xi32, #tpu.memory_space<vmem>> -> memref<80xi32, #tpu.memory_space<vmem>>
      %dma_wait3A_219 = arith.constant 0 : i32
      %dma_wait3A_220 = arith.constant 0 : i32
      %dma_wait3A_221 = tpu.memref_slice %arg4[%dma_wait3A_219, %dma_wait3A_220] : memref<10000x128xf32, #tpu.memory_space<hbm>> -> memref<10000x128xf32, #tpu.memory_space<hbm>>
      tpu.wait_indirect_dma semaphore(%arg11 : memref<!tpu.dma_semaphore, #tpu.memory_space<semaphore_mem>>) src(%dma_wait3A_221 : memref<10000x128xf32, #tpu.memory_space<hbm>>) dst(%arg9 : memref<80x128xf32, #tpu.memory_space<vmem>>)
      "tpu.region"() ({
        %run_scoped3A = tpu.sem_alloc : memref<!tpu.dma_semaphore, #tpu.memory_space<semaphore_mem>>
        %dma_start3A_223 = arith.constant 0 : i32
        %dma_start3A_224 = tpu.memref_slice %arg8[%scan3A_210, %dma_start3A_223] : memref<125x80xi32, #tpu.memory_space<vmem>> -> memref<1x80xi32, #tpu.memory_space<vmem>>
        %dma_start3A_225 = tpu.memref_squeeze %dma_start3A_224 : memref<1x80xi32, #tpu.memory_space<vmem>> -> memref<80xi32, #tpu.memory_space<vmem>>
        %dma_start3A_226 = arith.constant 0 : i32
        %dma_start3A_227 = arith.constant 0 : i32
        %dma_start3A_228 = tpu.memref_slice %arg10[%dma_start3A_226, %dma_start3A_227] : memref<10000x128xf32, #tpu.memory_space<vmem_shared>> -> memref<10000x128xf32, #tpu.memory_space<vmem_shared>>
        tpu.enqueue_indirect_dma source(%arg9 : memref<80x128xf32, #tpu.memory_space<vmem>>) target(%dma_start3A_228 : memref<10000x128xf32, #tpu.memory_space<vmem_shared>>) offsets(%dma_start3A_225 : memref<80xi32, #tpu.memory_space<vmem>>) semaphore(%run_scoped3A : memref<!tpu.dma_semaphore, #tpu.memory_space<semaphore_mem>>) {add = true}
        %dma_wait3A_229 = arith.constant 0 : i32
        %dma_wait3A_230 = tpu.memref_slice %arg8[%scan3A_210, %dma_wait3A_229] : memref<125x80xi32, #tpu.memory_space<vmem>> -> memref<1x80xi32, #tpu.memory_space<vmem>>
        %dma_wait3A_231 = tpu.memref_squeeze %dma_wait3A_230 : memref<1x80xi32, #tpu.memory_space<vmem>> -> memref<80xi32, #tpu.memory_space<vmem>>
        %dma_wait3A_232 = arith.constant 0 : i32
        %dma_wait3A_233 = arith.constant 0 : i32
        %dma_wait3A_234 = tpu.memref_slice %arg10[%dma_wait3A_232, %dma_wait3A_233] : memref<10000x128xf32, #tpu.memory_space<vmem_shared>> -> memref<10000x128xf32, #tpu.memory_space<vmem_shared>>
        tpu.wait_indirect_dma semaphore(%run_scoped3A : memref<!tpu.dma_semaphore, #tpu.memory_space<semaphore_mem>>) src(%arg9 : memref<80x128xf32, #tpu.memory_space<vmem>>) dst(%dma_wait3A_234 : memref<10000x128xf32, #tpu.memory_space<vmem_shared>>)
        tpu.yield
      }) : () -> ()
      %scan3A_222 = arith.constant 0 : i32
      scf.yield %scan3A_222 : i32
    }
    %scan3A_66 = arith.constant 125 : i32
    %barrier3A_67 = arith.constant 0 : index
    tpu.barrier barrier_id(%barrier3A_67)
    %add3A_68 = arith.constant 0 : i32
    %add3A_69 = arith.addi %arg1, %add3A_68 : i32
    %lt3A_70 = arith.constant 125 : i32
    %lt3A_71 = arith.cmpi slt, %add3A_69, %lt3A_70 : i32
    %eq3A = arith.constant 0 : i32
    %eq3A_72 = arith.cmpi eq, %arg0, %eq3A : i32
    %and3A = arith.andi %lt3A_71, %eq3A_72 : i1
    %convert_element_type3A_73 = arith.extui %and3A : i1 to i32
    %cond3A_74 = arith.constant 0 : i32
    %cond3A_75 = arith.cmpi ne, %convert_element_type3A_73, %cond3A_74 : i32
    scf.if %cond3A_75 {
      %mul3A_210 = arith.constant 80 : i32
      %mul3A_211 = arith.muli %add3A_69, %mul3A_210 : i32
      %mul3A_212 = arith.constant 80 : i32
      %mul3A_213 = arith.muli %add3A_69, %mul3A_212 : i32
      "tpu.region"() ({
        %run_scoped3A = tpu.sem_alloc : memref<!tpu.dma_semaphore, #tpu.memory_space<semaphore_mem>>
        %dma_start3A = arith.constant 0 : i32
        %dma_start3A_214 = tpu.memref_slice %arg5[%mul3A_213, %dma_start3A] : memref<10000x128xf32, #tpu.memory_space<hbm>> -> memref<80x128xf32, #tpu.memory_space<hbm>>
        %dma_start3A_215 = arith.constant 0 : i32
        %dma_start3A_216 = tpu.memref_slice %arg10[%mul3A_211, %dma_start3A_215] : memref<10000x128xf32, #tpu.memory_space<vmem_shared>> -> memref<80x128xf32, #tpu.memory_space<vmem_shared>>
        tpu.enqueue_dma source(%dma_start3A_216 : memref<80x128xf32, #tpu.memory_space<vmem_shared>>) target(%dma_start3A_214 : memref<80x128xf32, #tpu.memory_space<hbm>>) target_semaphore(%run_scoped3A : memref<!tpu.dma_semaphore, #tpu.memory_space<semaphore_mem>>)
        %dma_wait3A = arith.constant 0 : i32
        %dma_wait3A_217 = tpu.memref_slice %arg5[%mul3A_213, %dma_wait3A] : memref<10000x128xf32, #tpu.memory_space<hbm>> -> memref<80x128xf32, #tpu.memory_space<hbm>>
        %dma_wait3A_218 = arith.constant 0 : i32
        %dma_wait3A_219 = tpu.memref_slice %arg10[%mul3A_211, %dma_wait3A_218] : memref<10000x128xf32, #tpu.memory_space<vmem_shared>> -> memref<80x128xf32, #tpu.memory_space<vmem_shared>>
        tpu.wait_dma2 semaphore(%run_scoped3A : memref<!tpu.dma_semaphore, #tpu.memory_space<semaphore_mem>>) src(%dma_wait3A_219 : memref<80x128xf32, #tpu.memory_space<vmem_shared>>) dst(%dma_wait3A_217 : memref<80x128xf32, #tpu.memory_space<hbm>>)
        tpu.yield
      }) : () -> ()
    } else {
    }
    %lt3A_76 = arith.constant 125 : i32
    %lt3A_77 = arith.cmpi slt, %add3A_69, %lt3A_76 : i32
    %eq3A_78 = arith.constant 1 : i32
    %eq3A_79 = arith.cmpi eq, %arg0, %eq3A_78 : i32
    %and3A_80 = arith.andi %lt3A_77, %eq3A_79 : i1
    %convert_element_type3A_81 = arith.extui %and3A_80 : i1 to i32
    %cond3A_82 = arith.constant 0 : i32
    %cond3A_83 = arith.cmpi ne, %convert_element_type3A_81, %cond3A_82 : i32
    scf.if %cond3A_83 {
      %mul3A_210 = arith.constant 80 : i32
      %mul3A_211 = arith.muli %add3A_69, %mul3A_210 : i32
      %mul3A_212 = arith.constant 80 : i32
      %mul3A_213 = arith.muli %add3A_69, %mul3A_212 : i32
      "tpu.region"() ({
        %run_scoped3A = tpu.sem_alloc : memref<!tpu.dma_semaphore, #tpu.memory_space<semaphore_mem>>
        %dma_start3A = arith.constant 0 : i32
        %dma_start3A_214 = tpu.memref_slice %arg6[%mul3A_213, %dma_start3A] : memref<10000x128xf32, #tpu.memory_space<hbm>> -> memref<80x128xf32, #tpu.memory_space<hbm>>
        %dma_start3A_215 = arith.constant 0 : i32
        %dma_start3A_216 = tpu.memref_slice %arg10[%mul3A_211, %dma_start3A_215] : memref<10000x128xf32, #tpu.memory_space<vmem_shared>> -> memref<80x128xf32, #tpu.memory_space<vmem_shared>>
        tpu.enqueue_dma source(%dma_start3A_216 : memref<80x128xf32, #tpu.memory_space<vmem_shared>>) target(%dma_start3A_214 : memref<80x128xf32, #tpu.memory_space<hbm>>) target_semaphore(%run_scoped3A : memref<!tpu.dma_semaphore, #tpu.memory_space<semaphore_mem>>)
        %dma_wait3A = arith.constant 0 : i32
        %dma_wait3A_217 = tpu.memref_slice %arg6[%mul3A_213, %dma_wait3A] : memref<10000x128xf32, #tpu.memory_space<hbm>> -> memref<80x128xf32, #tpu.memory_space<hbm>>
        %dma_wait3A_218 = arith.constant 0 : i32
        %dma_wait3A_219 = tpu.memref_slice %arg10[%mul3A_211, %dma_wait3A_218] : memref<10000x128xf32, #tpu.memory_space<vmem_shared>> -> memref<80x128xf32, #tpu.memory_space<vmem_shared>>
        tpu.wait_dma2 semaphore(%run_scoped3A : memref<!tpu.dma_semaphore, #tpu.memory_space<semaphore_mem>>) src(%dma_wait3A_219 : memref<80x128xf32, #tpu.memory_space<vmem_shared>>) dst(%dma_wait3A_217 : memref<80x128xf32, #tpu.memory_space<hbm>>)
        tpu.yield
      }) : () -> ()
    } else {
    }
    %add3A_84 = arith.constant 16 : i32
    %add3A_85 = arith.addi %arg1, %add3A_84 : i32
    %lt3A_86 = arith.constant 125 : i32
    %lt3A_87 = arith.cmpi slt, %add3A_85, %lt3A_86 : i32
    %eq3A_88 = arith.constant 0 : i32
    %eq3A_89 = arith.cmpi eq, %arg0, %eq3A_88 : i32
    %and3A_90 = arith.andi %lt3A_87, %eq3A_89 : i1
    %convert_element_type3A_91 = arith.extui %and3A_90 : i1 to i32
    %cond3A_92 = arith.constant 0 : i32
    %cond3A_93 = arith.cmpi ne, %convert_element_type3A_91, %cond3A_92 : i32
    scf.if %cond3A_93 {
      %mul3A_210 = arith.constant 80 : i32
      %mul3A_211 = arith.muli %add3A_85, %mul3A_210 : i32
      %mul3A_212 = arith.constant 80 : i32
      %mul3A_213 = arith.muli %add3A_85, %mul3A_212 : i32
      "tpu.region"() ({
        %run_scoped3A = tpu.sem_alloc : memref<!tpu.dma_semaphore, #tpu.memory_space<semaphore_mem>>
        %dma_start3A = arith.constant 0 : i32
        %dma_start3A_214 = tpu.memref_slice %arg5[%mul3A_213, %dma_start3A] : memref<10000x128xf32, #tpu.memory_space<hbm>> -> memref<80x128xf32, #tpu.memory_space<hbm>>
        %dma_start3A_215 = arith.constant 0 : i32
        %dma_start3A_216 = tpu.memref_slice %arg10[%mul3A_211, %dma_start3A_215] : memref<10000x128xf32, #tpu.memory_space<vmem_shared>> -> memref<80x128xf32, #tpu.memory_space<vmem_shared>>
        tpu.enqueue_dma source(%dma_start3A_216 : memref<80x128xf32, #tpu.memory_space<vmem_shared>>) target(%dma_start3A_214 : memref<80x128xf32, #tpu.memory_space<hbm>>) target_semaphore(%run_scoped3A : memref<!tpu.dma_semaphore, #tpu.memory_space<semaphore_mem>>)
        %dma_wait3A = arith.constant 0 : i32
        %dma_wait3A_217 = tpu.memref_slice %arg5[%mul3A_213, %dma_wait3A] : memref<10000x128xf32, #tpu.memory_space<hbm>> -> memref<80x128xf32, #tpu.memory_space<hbm>>
        %dma_wait3A_218 = arith.constant 0 : i32
        %dma_wait3A_219 = tpu.memref_slice %arg10[%mul3A_211, %dma_wait3A_218] : memref<10000x128xf32, #tpu.memory_space<vmem_shared>> -> memref<80x128xf32, #tpu.memory_space<vmem_shared>>
        tpu.wait_dma2 semaphore(%run_scoped3A : memref<!tpu.dma_semaphore, #tpu.memory_space<semaphore_mem>>) src(%dma_wait3A_219 : memref<80x128xf32, #tpu.memory_space<vmem_shared>>) dst(%dma_wait3A_217 : memref<80x128xf32, #tpu.memory_space<hbm>>)
        tpu.yield
      }) : () -> ()
    } else {
    }
    %lt3A_94 = arith.constant 125 : i32
    %lt3A_95 = arith.cmpi slt, %add3A_85, %lt3A_94 : i32
    %eq3A_96 = arith.constant 1 : i32
    %eq3A_97 = arith.cmpi eq, %arg0, %eq3A_96 : i32
    %and3A_98 = arith.andi %lt3A_95, %eq3A_97 : i1
    %convert_element_type3A_99 = arith.extui %and3A_98 : i1 to i32
    %cond3A_100 = arith.constant 0 : i32
    %cond3A_101 = arith.cmpi ne, %convert_element_type3A_99, %cond3A_100 : i32
    scf.if %cond3A_101 {
      %mul3A_210 = arith.constant 80 : i32
      %mul3A_211 = arith.muli %add3A_85, %mul3A_210 : i32
      %mul3A_212 = arith.constant 80 : i32
      %mul3A_213 = arith.muli %add3A_85, %mul3A_212 : i32
      "tpu.region"() ({
        %run_scoped3A = tpu.sem_alloc : memref<!tpu.dma_semaphore, #tpu.memory_space<semaphore_mem>>
        %dma_start3A = arith.constant 0 : i32
        %dma_start3A_214 = tpu.memref_slice %arg6[%mul3A_213, %dma_start3A] : memref<10000x128xf32, #tpu.memory_space<hbm>> -> memref<80x128xf32, #tpu.memory_space<hbm>>
        %dma_start3A_215 = arith.constant 0 : i32
        %dma_start3A_216 = tpu.memref_slice %arg10[%mul3A_211, %dma_start3A_215] : memref<10000x128xf32, #tpu.memory_space<vmem_shared>> -> memref<80x128xf32, #tpu.memory_space<vmem_shared>>
        tpu.enqueue_dma source(%dma_start3A_216 : memref<80x128xf32, #tpu.memory_space<vmem_shared>>) target(%dma_start3A_214 : memref<80x128xf32, #tpu.memory_space<hbm>>) target_semaphore(%run_scoped3A : memref<!tpu.dma_semaphore, #tpu.memory_space<semaphore_mem>>)
        %dma_wait3A = arith.constant 0 : i32
        %dma_wait3A_217 = tpu.memref_slice %arg6[%mul3A_213, %dma_wait3A] : memref<10000x128xf32, #tpu.memory_space<hbm>> -> memref<80x128xf32, #tpu.memory_space<hbm>>
        %dma_wait3A_218 = arith.constant 0 : i32
        %dma_wait3A_219 = tpu.memref_slice %arg10[%mul3A_211, %dma_wait3A_218] : memref<10000x128xf32, #tpu.memory_space<vmem_shared>> -> memref<80x128xf32, #tpu.memory_space<vmem_shared>>
        tpu.wait_dma2 semaphore(%run_scoped3A : memref<!tpu.dma_semaphore, #tpu.memory_space<semaphore_mem>>) src(%dma_wait3A_219 : memref<80x128xf32, #tpu.memory_space<vmem_shared>>) dst(%dma_wait3A_217 : memref<80x128xf32, #tpu.memory_space<hbm>>)
        tpu.yield
      }) : () -> ()
    } else {
    }
    %add3A_102 = arith.constant 32 : i32
    %add3A_103 = arith.addi %arg1, %add3A_102 : i32
    %lt3A_104 = arith.constant 125 : i32
    %lt3A_105 = arith.cmpi slt, %add3A_103, %lt3A_104 : i32
    %eq3A_106 = arith.constant 0 : i32
    %eq3A_107 = arith.cmpi eq, %arg0, %eq3A_106 : i32
    %and3A_108 = arith.andi %lt3A_105, %eq3A_107 : i1
    %convert_element_type3A_109 = arith.extui %and3A_108 : i1 to i32
    %cond3A_110 = arith.constant 0 : i32
    %cond3A_111 = arith.cmpi ne, %convert_element_type3A_109, %cond3A_110 : i32
    scf.if %cond3A_111 {
      %mul3A_210 = arith.constant 80 : i32
      %mul3A_211 = arith.muli %add3A_103, %mul3A_210 : i32
      %mul3A_212 = arith.constant 80 : i32
      %mul3A_213 = arith.muli %add3A_103, %mul3A_212 : i32
      "tpu.region"() ({
        %run_scoped3A = tpu.sem_alloc : memref<!tpu.dma_semaphore, #tpu.memory_space<semaphore_mem>>
        %dma_start3A = arith.constant 0 : i32
        %dma_start3A_214 = tpu.memref_slice %arg5[%mul3A_213, %dma_start3A] : memref<10000x128xf32, #tpu.memory_space<hbm>> -> memref<80x128xf32, #tpu.memory_space<hbm>>
        %dma_start3A_215 = arith.constant 0 : i32
        %dma_start3A_216 = tpu.memref_slice %arg10[%mul3A_211, %dma_start3A_215] : memref<10000x128xf32, #tpu.memory_space<vmem_shared>> -> memref<80x128xf32, #tpu.memory_space<vmem_shared>>
        tpu.enqueue_dma source(%dma_start3A_216 : memref<80x128xf32, #tpu.memory_space<vmem_shared>>) target(%dma_start3A_214 : memref<80x128xf32, #tpu.memory_space<hbm>>) target_semaphore(%run_scoped3A : memref<!tpu.dma_semaphore, #tpu.memory_space<semaphore_mem>>)
        %dma_wait3A = arith.constant 0 : i32
        %dma_wait3A_217 = tpu.memref_slice %arg5[%mul3A_213, %dma_wait3A] : memref<10000x128xf32, #tpu.memory_space<hbm>> -> memref<80x128xf32, #tpu.memory_space<hbm>>
        %dma_wait3A_218 = arith.constant 0 : i32
        %dma_wait3A_219 = tpu.memref_slice %arg10[%mul3A_211, %dma_wait3A_218] : memref<10000x128xf32, #tpu.memory_space<vmem_shared>> -> memref<80x128xf32, #tpu.memory_space<vmem_shared>>
        tpu.wait_dma2 semaphore(%run_scoped3A : memref<!tpu.dma_semaphore, #tpu.memory_space<semaphore_mem>>) src(%dma_wait3A_219 : memref<80x128xf32, #tpu.memory_space<vmem_shared>>) dst(%dma_wait3A_217 : memref<80x128xf32, #tpu.memory_space<hbm>>)
        tpu.yield
      }) : () -> ()
    } else {
    }
    %lt3A_112 = arith.constant 125 : i32
    %lt3A_113 = arith.cmpi slt, %add3A_103, %lt3A_112 : i32
    %eq3A_114 = arith.constant 1 : i32
    %eq3A_115 = arith.cmpi eq, %arg0, %eq3A_114 : i32
    %and3A_116 = arith.andi %lt3A_113, %eq3A_115 : i1
    %convert_element_type3A_117 = arith.extui %and3A_116 : i1 to i32
    %cond3A_118 = arith.constant 0 : i32
    %cond3A_119 = arith.cmpi ne, %convert_element_type3A_117, %cond3A_118 : i32
    scf.if %cond3A_119 {
      %mul3A_210 = arith.constant 80 : i32
      %mul3A_211 = arith.muli %add3A_103, %mul3A_210 : i32
      %mul3A_212 = arith.constant 80 : i32
      %mul3A_213 = arith.muli %add3A_103, %mul3A_212 : i32
      "tpu.region"() ({
        %run_scoped3A = tpu.sem_alloc : memref<!tpu.dma_semaphore, #tpu.memory_space<semaphore_mem>>
        %dma_start3A = arith.constant 0 : i32
        %dma_start3A_214 = tpu.memref_slice %arg6[%mul3A_213, %dma_start3A] : memref<10000x128xf32, #tpu.memory_space<hbm>> -> memref<80x128xf32, #tpu.memory_space<hbm>>
        %dma_start3A_215 = arith.constant 0 : i32
        %dma_start3A_216 = tpu.memref_slice %arg10[%mul3A_211, %dma_start3A_215] : memref<10000x128xf32, #tpu.memory_space<vmem_shared>> -> memref<80x128xf32, #tpu.memory_space<vmem_shared>>
        tpu.enqueue_dma source(%dma_start3A_216 : memref<80x128xf32, #tpu.memory_space<vmem_shared>>) target(%dma_start3A_214 : memref<80x128xf32, #tpu.memory_space<hbm>>) target_semaphore(%run_scoped3A : memref<!tpu.dma_semaphore, #tpu.memory_space<semaphore_mem>>)
        %dma_wait3A = arith.constant 0 : i32
        %dma_wait3A_217 = tpu.memref_slice %arg6[%mul3A_213, %dma_wait3A] : memref<10000x128xf32, #tpu.memory_space<hbm>> -> memref<80x128xf32, #tpu.memory_space<hbm>>
        %dma_wait3A_218 = arith.constant 0 : i32
        %dma_wait3A_219 = tpu.memref_slice %arg10[%mul3A_211, %dma_wait3A_218] : memref<10000x128xf32, #tpu.memory_space<vmem_shared>> -> memref<80x128xf32, #tpu.memory_space<vmem_shared>>
        tpu.wait_dma2 semaphore(%run_scoped3A : memref<!tpu.dma_semaphore, #tpu.memory_space<semaphore_mem>>) src(%dma_wait3A_219 : memref<80x128xf32, #tpu.memory_space<vmem_shared>>) dst(%dma_wait3A_217 : memref<80x128xf32, #tpu.memory_space<hbm>>)
        tpu.yield
      }) : () -> ()
    } else {
    }
    %add3A_120 = arith.constant 48 : i32
    %add3A_121 = arith.addi %arg1, %add3A_120 : i32
    %lt3A_122 = arith.constant 125 : i32
    %lt3A_123 = arith.cmpi slt, %add3A_121, %lt3A_122 : i32
    %eq3A_124 = arith.constant 0 : i32
    %eq3A_125 = arith.cmpi eq, %arg0, %eq3A_124 : i32
    %and3A_126 = arith.andi %lt3A_123, %eq3A_125 : i1
    %convert_element_type3A_127 = arith.extui %and3A_126 : i1 to i32
    %cond3A_128 = arith.constant 0 : i32
    %cond3A_129 = arith.cmpi ne, %convert_element_type3A_127, %cond3A_128 : i32
    scf.if %cond3A_129 {
      %mul3A_210 = arith.constant 80 : i32
      %mul3A_211 = arith.muli %add3A_121, %mul3A_210 : i32
      %mul3A_212 = arith.constant 80 : i32
      %mul3A_213 = arith.muli %add3A_121, %mul3A_212 : i32
      "tpu.region"() ({
        %run_scoped3A = tpu.sem_alloc : memref<!tpu.dma_semaphore, #tpu.memory_space<semaphore_mem>>
        %dma_start3A = arith.constant 0 : i32
        %dma_start3A_214 = tpu.memref_slice %arg5[%mul3A_213, %dma_start3A] : memref<10000x128xf32, #tpu.memory_space<hbm>> -> memref<80x128xf32, #tpu.memory_space<hbm>>
        %dma_start3A_215 = arith.constant 0 : i32
        %dma_start3A_216 = tpu.memref_slice %arg10[%mul3A_211, %dma_start3A_215] : memref<10000x128xf32, #tpu.memory_space<vmem_shared>> -> memref<80x128xf32, #tpu.memory_space<vmem_shared>>
        tpu.enqueue_dma source(%dma_start3A_216 : memref<80x128xf32, #tpu.memory_space<vmem_shared>>) target(%dma_start3A_214 : memref<80x128xf32, #tpu.memory_space<hbm>>) target_semaphore(%run_scoped3A : memref<!tpu.dma_semaphore, #tpu.memory_space<semaphore_mem>>)
        %dma_wait3A = arith.constant 0 : i32
        %dma_wait3A_217 = tpu.memref_slice %arg5[%mul3A_213, %dma_wait3A] : memref<10000x128xf32, #tpu.memory_space<hbm>> -> memref<80x128xf32, #tpu.memory_space<hbm>>
        %dma_wait3A_218 = arith.constant 0 : i32
        %dma_wait3A_219 = tpu.memref_slice %arg10[%mul3A_211, %dma_wait3A_218] : memref<10000x128xf32, #tpu.memory_space<vmem_shared>> -> memref<80x128xf32, #tpu.memory_space<vmem_shared>>
        tpu.wait_dma2 semaphore(%run_scoped3A : memref<!tpu.dma_semaphore, #tpu.memory_space<semaphore_mem>>) src(%dma_wait3A_219 : memref<80x128xf32, #tpu.memory_space<vmem_shared>>) dst(%dma_wait3A_217 : memref<80x128xf32, #tpu.memory_space<hbm>>)
        tpu.yield
      }) : () -> ()
    } else {
    }
    %lt3A_130 = arith.constant 125 : i32
    %lt3A_131 = arith.cmpi slt, %add3A_121, %lt3A_130 : i32
    %eq3A_132 = arith.constant 1 : i32
    %eq3A_133 = arith.cmpi eq, %arg0, %eq3A_132 : i32
    %and3A_134 = arith.andi %lt3A_131, %eq3A_133 : i1
    %convert_element_type3A_135 = arith.extui %and3A_134 : i1 to i32
    %cond3A_136 = arith.constant 0 : i32
    %cond3A_137 = arith.cmpi ne, %convert_element_type3A_135, %cond3A_136 : i32
    scf.if %cond3A_137 {
      %mul3A_210 = arith.constant 80 : i32
      %mul3A_211 = arith.muli %add3A_121, %mul3A_210 : i32
      %mul3A_212 = arith.constant 80 : i32
      %mul3A_213 = arith.muli %add3A_121, %mul3A_212 : i32
      "tpu.region"() ({
        %run_scoped3A = tpu.sem_alloc : memref<!tpu.dma_semaphore, #tpu.memory_space<semaphore_mem>>
        %dma_start3A = arith.constant 0 : i32
        %dma_start3A_214 = tpu.memref_slice %arg6[%mul3A_213, %dma_start3A] : memref<10000x128xf32, #tpu.memory_space<hbm>> -> memref<80x128xf32, #tpu.memory_space<hbm>>
        %dma_start3A_215 = arith.constant 0 : i32
        %dma_start3A_216 = tpu.memref_slice %arg10[%mul3A_211, %dma_start3A_215] : memref<10000x128xf32, #tpu.memory_space<vmem_shared>> -> memref<80x128xf32, #tpu.memory_space<vmem_shared>>
        tpu.enqueue_dma source(%dma_start3A_216 : memref<80x128xf32, #tpu.memory_space<vmem_shared>>) target(%dma_start3A_214 : memref<80x128xf32, #tpu.memory_space<hbm>>) target_semaphore(%run_scoped3A : memref<!tpu.dma_semaphore, #tpu.memory_space<semaphore_mem>>)
        %dma_wait3A = arith.constant 0 : i32
        %dma_wait3A_217 = tpu.memref_slice %arg6[%mul3A_213, %dma_wait3A] : memref<10000x128xf32, #tpu.memory_space<hbm>> -> memref<80x128xf32, #tpu.memory_space<hbm>>
        %dma_wait3A_218 = arith.constant 0 : i32
        %dma_wait3A_219 = tpu.memref_slice %arg10[%mul3A_211, %dma_wait3A_218] : memref<10000x128xf32, #tpu.memory_space<vmem_shared>> -> memref<80x128xf32, #tpu.memory_space<vmem_shared>>
        tpu.wait_dma2 semaphore(%run_scoped3A : memref<!tpu.dma_semaphore, #tpu.memory_space<semaphore_mem>>) src(%dma_wait3A_219 : memref<80x128xf32, #tpu.memory_space<vmem_shared>>) dst(%dma_wait3A_217 : memref<80x128xf32, #tpu.memory_space<hbm>>)
        tpu.yield
      }) : () -> ()
    } else {
    }
    %add3A_138 = arith.constant 64 : i32
    %add3A_139 = arith.addi %arg1, %add3A_138 : i32
    %lt3A_140 = arith.constant 125 : i32
    %lt3A_141 = arith.cmpi slt, %add3A_139, %lt3A_140 : i32
    %eq3A_142 = arith.constant 0 : i32
    %eq3A_143 = arith.cmpi eq, %arg0, %eq3A_142 : i32
    %and3A_144 = arith.andi %lt3A_141, %eq3A_143 : i1
    %convert_element_type3A_145 = arith.extui %and3A_144 : i1 to i32
    %cond3A_146 = arith.constant 0 : i32
    %cond3A_147 = arith.cmpi ne, %convert_element_type3A_145, %cond3A_146 : i32
    scf.if %cond3A_147 {
      %mul3A_210 = arith.constant 80 : i32
      %mul3A_211 = arith.muli %add3A_139, %mul3A_210 : i32
      %mul3A_212 = arith.constant 80 : i32
      %mul3A_213 = arith.muli %add3A_139, %mul3A_212 : i32
      "tpu.region"() ({
        %run_scoped3A = tpu.sem_alloc : memref<!tpu.dma_semaphore, #tpu.memory_space<semaphore_mem>>
        %dma_start3A = arith.constant 0 : i32
        %dma_start3A_214 = tpu.memref_slice %arg5[%mul3A_213, %dma_start3A] : memref<10000x128xf32, #tpu.memory_space<hbm>> -> memref<80x128xf32, #tpu.memory_space<hbm>>
        %dma_start3A_215 = arith.constant 0 : i32
        %dma_start3A_216 = tpu.memref_slice %arg10[%mul3A_211, %dma_start3A_215] : memref<10000x128xf32, #tpu.memory_space<vmem_shared>> -> memref<80x128xf32, #tpu.memory_space<vmem_shared>>
        tpu.enqueue_dma source(%dma_start3A_216 : memref<80x128xf32, #tpu.memory_space<vmem_shared>>) target(%dma_start3A_214 : memref<80x128xf32, #tpu.memory_space<hbm>>) target_semaphore(%run_scoped3A : memref<!tpu.dma_semaphore, #tpu.memory_space<semaphore_mem>>)
        %dma_wait3A = arith.constant 0 : i32
        %dma_wait3A_217 = tpu.memref_slice %arg5[%mul3A_213, %dma_wait3A] : memref<10000x128xf32, #tpu.memory_space<hbm>> -> memref<80x128xf32, #tpu.memory_space<hbm>>
        %dma_wait3A_218 = arith.constant 0 : i32
        %dma_wait3A_219 = tpu.memref_slice %arg10[%mul3A_211, %dma_wait3A_218] : memref<10000x128xf32, #tpu.memory_space<vmem_shared>> -> memref<80x128xf32, #tpu.memory_space<vmem_shared>>
        tpu.wait_dma2 semaphore(%run_scoped3A : memref<!tpu.dma_semaphore, #tpu.memory_space<semaphore_mem>>) src(%dma_wait3A_219 : memref<80x128xf32, #tpu.memory_space<vmem_shared>>) dst(%dma_wait3A_217 : memref<80x128xf32, #tpu.memory_space<hbm>>)
        tpu.yield
      }) : () -> ()
    } else {
    }
    %lt3A_148 = arith.constant 125 : i32
    %lt3A_149 = arith.cmpi slt, %add3A_139, %lt3A_148 : i32
    %eq3A_150 = arith.constant 1 : i32
    %eq3A_151 = arith.cmpi eq, %arg0, %eq3A_150 : i32
    %and3A_152 = arith.andi %lt3A_149, %eq3A_151 : i1
    %convert_element_type3A_153 = arith.extui %and3A_152 : i1 to i32
    %cond3A_154 = arith.constant 0 : i32
    %cond3A_155 = arith.cmpi ne, %convert_element_type3A_153, %cond3A_154 : i32
    scf.if %cond3A_155 {
      %mul3A_210 = arith.constant 80 : i32
      %mul3A_211 = arith.muli %add3A_139, %mul3A_210 : i32
      %mul3A_212 = arith.constant 80 : i32
      %mul3A_213 = arith.muli %add3A_139, %mul3A_212 : i32
      "tpu.region"() ({
        %run_scoped3A = tpu.sem_alloc : memref<!tpu.dma_semaphore, #tpu.memory_space<semaphore_mem>>
        %dma_start3A = arith.constant 0 : i32
        %dma_start3A_214 = tpu.memref_slice %arg6[%mul3A_213, %dma_start3A] : memref<10000x128xf32, #tpu.memory_space<hbm>> -> memref<80x128xf32, #tpu.memory_space<hbm>>
        %dma_start3A_215 = arith.constant 0 : i32
        %dma_start3A_216 = tpu.memref_slice %arg10[%mul3A_211, %dma_start3A_215] : memref<10000x128xf32, #tpu.memory_space<vmem_shared>> -> memref<80x128xf32, #tpu.memory_space<vmem_shared>>
        tpu.enqueue_dma source(%dma_start3A_216 : memref<80x128xf32, #tpu.memory_space<vmem_shared>>) target(%dma_start3A_214 : memref<80x128xf32, #tpu.memory_space<hbm>>) target_semaphore(%run_scoped3A : memref<!tpu.dma_semaphore, #tpu.memory_space<semaphore_mem>>)
        %dma_wait3A = arith.constant 0 : i32
        %dma_wait3A_217 = tpu.memref_slice %arg6[%mul3A_213, %dma_wait3A] : memref<10000x128xf32, #tpu.memory_space<hbm>> -> memref<80x128xf32, #tpu.memory_space<hbm>>
        %dma_wait3A_218 = arith.constant 0 : i32
        %dma_wait3A_219 = tpu.memref_slice %arg10[%mul3A_211, %dma_wait3A_218] : memref<10000x128xf32, #tpu.memory_space<vmem_shared>> -> memref<80x128xf32, #tpu.memory_space<vmem_shared>>
        tpu.wait_dma2 semaphore(%run_scoped3A : memref<!tpu.dma_semaphore, #tpu.memory_space<semaphore_mem>>) src(%dma_wait3A_219 : memref<80x128xf32, #tpu.memory_space<vmem_shared>>) dst(%dma_wait3A_217 : memref<80x128xf32, #tpu.memory_space<hbm>>)
        tpu.yield
      }) : () -> ()
    } else {
    }
    %add3A_156 = arith.constant 80 : i32
    %add3A_157 = arith.addi %arg1, %add3A_156 : i32
    %lt3A_158 = arith.constant 125 : i32
    %lt3A_159 = arith.cmpi slt, %add3A_157, %lt3A_158 : i32
    %eq3A_160 = arith.constant 0 : i32
    %eq3A_161 = arith.cmpi eq, %arg0, %eq3A_160 : i32
    %and3A_162 = arith.andi %lt3A_159, %eq3A_161 : i1
    %convert_element_type3A_163 = arith.extui %and3A_162 : i1 to i32
    %cond3A_164 = arith.constant 0 : i32
    %cond3A_165 = arith.cmpi ne, %convert_element_type3A_163, %cond3A_164 : i32
    scf.if %cond3A_165 {
      %mul3A_210 = arith.constant 80 : i32
      %mul3A_211 = arith.muli %add3A_157, %mul3A_210 : i32
      %mul3A_212 = arith.constant 80 : i32
      %mul3A_213 = arith.muli %add3A_157, %mul3A_212 : i32
      "tpu.region"() ({
        %run_scoped3A = tpu.sem_alloc : memref<!tpu.dma_semaphore, #tpu.memory_space<semaphore_mem>>
        %dma_start3A = arith.constant 0 : i32
        %dma_start3A_214 = tpu.memref_slice %arg5[%mul3A_213, %dma_start3A] : memref<10000x128xf32, #tpu.memory_space<hbm>> -> memref<80x128xf32, #tpu.memory_space<hbm>>
        %dma_start3A_215 = arith.constant 0 : i32
        %dma_start3A_216 = tpu.memref_slice %arg10[%mul3A_211, %dma_start3A_215] : memref<10000x128xf32, #tpu.memory_space<vmem_shared>> -> memref<80x128xf32, #tpu.memory_space<vmem_shared>>
        tpu.enqueue_dma source(%dma_start3A_216 : memref<80x128xf32, #tpu.memory_space<vmem_shared>>) target(%dma_start3A_214 : memref<80x128xf32, #tpu.memory_space<hbm>>) target_semaphore(%run_scoped3A : memref<!tpu.dma_semaphore, #tpu.memory_space<semaphore_mem>>)
        %dma_wait3A = arith.constant 0 : i32
        %dma_wait3A_217 = tpu.memref_slice %arg5[%mul3A_213, %dma_wait3A] : memref<10000x128xf32, #tpu.memory_space<hbm>> -> memref<80x128xf32, #tpu.memory_space<hbm>>
        %dma_wait3A_218 = arith.constant 0 : i32
        %dma_wait3A_219 = tpu.memref_slice %arg10[%mul3A_211, %dma_wait3A_218] : memref<10000x128xf32, #tpu.memory_space<vmem_shared>> -> memref<80x128xf32, #tpu.memory_space<vmem_shared>>
        tpu.wait_dma2 semaphore(%run_scoped3A : memref<!tpu.dma_semaphore, #tpu.memory_space<semaphore_mem>>) src(%dma_wait3A_219 : memref<80x128xf32, #tpu.memory_space<vmem_shared>>) dst(%dma_wait3A_217 : memref<80x128xf32, #tpu.memory_space<hbm>>)
        tpu.yield
      }) : () -> ()
    } else {
    }
    %lt3A_166 = arith.constant 125 : i32
    %lt3A_167 = arith.cmpi slt, %add3A_157, %lt3A_166 : i32
    %eq3A_168 = arith.constant 1 : i32
    %eq3A_169 = arith.cmpi eq, %arg0, %eq3A_168 : i32
    %and3A_170 = arith.andi %lt3A_167, %eq3A_169 : i1
    %convert_element_type3A_171 = arith.extui %and3A_170 : i1 to i32
    %cond3A_172 = arith.constant 0 : i32
    %cond3A_173 = arith.cmpi ne, %convert_element_type3A_171, %cond3A_172 : i32
    scf.if %cond3A_173 {
      %mul3A_210 = arith.constant 80 : i32
      %mul3A_211 = arith.muli %add3A_157, %mul3A_210 : i32
      %mul3A_212 = arith.constant 80 : i32
      %mul3A_213 = arith.muli %add3A_157, %mul3A_212 : i32
      "tpu.region"() ({
        %run_scoped3A = tpu.sem_alloc : memref<!tpu.dma_semaphore, #tpu.memory_space<semaphore_mem>>
        %dma_start3A = arith.constant 0 : i32
        %dma_start3A_214 = tpu.memref_slice %arg6[%mul3A_213, %dma_start3A] : memref<10000x128xf32, #tpu.memory_space<hbm>> -> memref<80x128xf32, #tpu.memory_space<hbm>>
        %dma_start3A_215 = arith.constant 0 : i32
        %dma_start3A_216 = tpu.memref_slice %arg10[%mul3A_211, %dma_start3A_215] : memref<10000x128xf32, #tpu.memory_space<vmem_shared>> -> memref<80x128xf32, #tpu.memory_space<vmem_shared>>
        tpu.enqueue_dma source(%dma_start3A_216 : memref<80x128xf32, #tpu.memory_space<vmem_shared>>) target(%dma_start3A_214 : memref<80x128xf32, #tpu.memory_space<hbm>>) target_semaphore(%run_scoped3A : memref<!tpu.dma_semaphore, #tpu.memory_space<semaphore_mem>>)
        %dma_wait3A = arith.constant 0 : i32
        %dma_wait3A_217 = tpu.memref_slice %arg6[%mul3A_213, %dma_wait3A] : memref<10000x128xf32, #tpu.memory_space<hbm>> -> memref<80x128xf32, #tpu.memory_space<hbm>>
        %dma_wait3A_218 = arith.constant 0 : i32
        %dma_wait3A_219 = tpu.memref_slice %arg10[%mul3A_211, %dma_wait3A_218] : memref<10000x128xf32, #tpu.memory_space<vmem_shared>> -> memref<80x128xf32, #tpu.memory_space<vmem_shared>>
        tpu.wait_dma2 semaphore(%run_scoped3A : memref<!tpu.dma_semaphore, #tpu.memory_space<semaphore_mem>>) src(%dma_wait3A_219 : memref<80x128xf32, #tpu.memory_space<vmem_shared>>) dst(%dma_wait3A_217 : memref<80x128xf32, #tpu.memory_space<hbm>>)
        tpu.yield
      }) : () -> ()
    } else {
    }
    %add3A_174 = arith.constant 96 : i32
    %add3A_175 = arith.addi %arg1, %add3A_174 : i32
    %lt3A_176 = arith.constant 125 : i32
    %lt3A_177 = arith.cmpi slt, %add3A_175, %lt3A_176 : i32
    %eq3A_178 = arith.constant 0 : i32
    %eq3A_179 = arith.cmpi eq, %arg0, %eq3A_178 : i32
    %and3A_180 = arith.andi %lt3A_177, %eq3A_179 : i1
    %convert_element_type3A_181 = arith.extui %and3A_180 : i1 to i32
    %cond3A_182 = arith.constant 0 : i32
    %cond3A_183 = arith.cmpi ne, %convert_element_type3A_181, %cond3A_182 : i32
    scf.if %cond3A_183 {
      %mul3A_210 = arith.constant 80 : i32
      %mul3A_211 = arith.muli %add3A_175, %mul3A_210 : i32
      %mul3A_212 = arith.constant 80 : i32
      %mul3A_213 = arith.muli %add3A_175, %mul3A_212 : i32
      "tpu.region"() ({
        %run_scoped3A = tpu.sem_alloc : memref<!tpu.dma_semaphore, #tpu.memory_space<semaphore_mem>>
        %dma_start3A = arith.constant 0 : i32
        %dma_start3A_214 = tpu.memref_slice %arg5[%mul3A_213, %dma_start3A] : memref<10000x128xf32, #tpu.memory_space<hbm>> -> memref<80x128xf32, #tpu.memory_space<hbm>>
        %dma_start3A_215 = arith.constant 0 : i32
        %dma_start3A_216 = tpu.memref_slice %arg10[%mul3A_211, %dma_start3A_215] : memref<10000x128xf32, #tpu.memory_space<vmem_shared>> -> memref<80x128xf32, #tpu.memory_space<vmem_shared>>
        tpu.enqueue_dma source(%dma_start3A_216 : memref<80x128xf32, #tpu.memory_space<vmem_shared>>) target(%dma_start3A_214 : memref<80x128xf32, #tpu.memory_space<hbm>>) target_semaphore(%run_scoped3A : memref<!tpu.dma_semaphore, #tpu.memory_space<semaphore_mem>>)
        %dma_wait3A = arith.constant 0 : i32
        %dma_wait3A_217 = tpu.memref_slice %arg5[%mul3A_213, %dma_wait3A] : memref<10000x128xf32, #tpu.memory_space<hbm>> -> memref<80x128xf32, #tpu.memory_space<hbm>>
        %dma_wait3A_218 = arith.constant 0 : i32
        %dma_wait3A_219 = tpu.memref_slice %arg10[%mul3A_211, %dma_wait3A_218] : memref<10000x128xf32, #tpu.memory_space<vmem_shared>> -> memref<80x128xf32, #tpu.memory_space<vmem_shared>>
        tpu.wait_dma2 semaphore(%run_scoped3A : memref<!tpu.dma_semaphore, #tpu.memory_space<semaphore_mem>>) src(%dma_wait3A_219 : memref<80x128xf32, #tpu.memory_space<vmem_shared>>) dst(%dma_wait3A_217 : memref<80x128xf32, #tpu.memory_space<hbm>>)
        tpu.yield
      }) : () -> ()
    } else {
    }
    %lt3A_184 = arith.constant 125 : i32
    %lt3A_185 = arith.cmpi slt, %add3A_175, %lt3A_184 : i32
    %eq3A_186 = arith.constant 1 : i32
    %eq3A_187 = arith.cmpi eq, %arg0, %eq3A_186 : i32
    %and3A_188 = arith.andi %lt3A_185, %eq3A_187 : i1
    %convert_element_type3A_189 = arith.extui %and3A_188 : i1 to i32
    %cond3A_190 = arith.constant 0 : i32
    %cond3A_191 = arith.cmpi ne, %convert_element_type3A_189, %cond3A_190 : i32
    scf.if %cond3A_191 {
      %mul3A_210 = arith.constant 80 : i32
      %mul3A_211 = arith.muli %add3A_175, %mul3A_210 : i32
      %mul3A_212 = arith.constant 80 : i32
      %mul3A_213 = arith.muli %add3A_175, %mul3A_212 : i32
      "tpu.region"() ({
        %run_scoped3A = tpu.sem_alloc : memref<!tpu.dma_semaphore, #tpu.memory_space<semaphore_mem>>
        %dma_start3A = arith.constant 0 : i32
        %dma_start3A_214 = tpu.memref_slice %arg6[%mul3A_213, %dma_start3A] : memref<10000x128xf32, #tpu.memory_space<hbm>> -> memref<80x128xf32, #tpu.memory_space<hbm>>
        %dma_start3A_215 = arith.constant 0 : i32
        %dma_start3A_216 = tpu.memref_slice %arg10[%mul3A_211, %dma_start3A_215] : memref<10000x128xf32, #tpu.memory_space<vmem_shared>> -> memref<80x128xf32, #tpu.memory_space<vmem_shared>>
        tpu.enqueue_dma source(%dma_start3A_216 : memref<80x128xf32, #tpu.memory_space<vmem_shared>>) target(%dma_start3A_214 : memref<80x128xf32, #tpu.memory_space<hbm>>) target_semaphore(%run_scoped3A : memref<!tpu.dma_semaphore, #tpu.memory_space<semaphore_mem>>)
        %dma_wait3A = arith.constant 0 : i32
        %dma_wait3A_217 = tpu.memref_slice %arg6[%mul3A_213, %dma_wait3A] : memref<10000x128xf32, #tpu.memory_space<hbm>> -> memref<80x128xf32, #tpu.memory_space<hbm>>
        %dma_wait3A_218 = arith.constant 0 : i32
        %dma_wait3A_219 = tpu.memref_slice %arg10[%mul3A_211, %dma_wait3A_218] : memref<10000x128xf32, #tpu.memory_space<vmem_shared>> -> memref<80x128xf32, #tpu.memory_space<vmem_shared>>
        tpu.wait_dma2 semaphore(%run_scoped3A : memref<!tpu.dma_semaphore, #tpu.memory_space<semaphore_mem>>) src(%dma_wait3A_219 : memref<80x128xf32, #tpu.memory_space<vmem_shared>>) dst(%dma_wait3A_217 : memref<80x128xf32, #tpu.memory_space<hbm>>)
        tpu.yield
      }) : () -> ()
    } else {
    }
    %add3A_192 = arith.constant 112 : i32
    %add3A_193 = arith.addi %arg1, %add3A_192 : i32
    %lt3A_194 = arith.constant 125 : i32
    %lt3A_195 = arith.cmpi slt, %add3A_193, %lt3A_194 : i32
    %eq3A_196 = arith.constant 0 : i32
    %eq3A_197 = arith.cmpi eq, %arg0, %eq3A_196 : i32
    %and3A_198 = arith.andi %lt3A_195, %eq3A_197 : i1
    %convert_element_type3A_199 = arith.extui %and3A_198 : i1 to i32
    %cond3A_200 = arith.constant 0 : i32
    %cond3A_201 = arith.cmpi ne, %convert_element_type3A_199, %cond3A_200 : i32
    scf.if %cond3A_201 {
      %mul3A_210 = arith.constant 80 : i32
      %mul3A_211 = arith.muli %add3A_193, %mul3A_210 : i32
      %mul3A_212 = arith.constant 80 : i32
      %mul3A_213 = arith.muli %add3A_193, %mul3A_212 : i32
      "tpu.region"() ({
        %run_scoped3A = tpu.sem_alloc : memref<!tpu.dma_semaphore, #tpu.memory_space<semaphore_mem>>
        %dma_start3A = arith.constant 0 : i32
        %dma_start3A_214 = tpu.memref_slice %arg5[%mul3A_213, %dma_start3A] : memref<10000x128xf32, #tpu.memory_space<hbm>> -> memref<80x128xf32, #tpu.memory_space<hbm>>
        %dma_start3A_215 = arith.constant 0 : i32
        %dma_start3A_216 = tpu.memref_slice %arg10[%mul3A_211, %dma_start3A_215] : memref<10000x128xf32, #tpu.memory_space<vmem_shared>> -> memref<80x128xf32, #tpu.memory_space<vmem_shared>>
        tpu.enqueue_dma source(%dma_start3A_216 : memref<80x128xf32, #tpu.memory_space<vmem_shared>>) target(%dma_start3A_214 : memref<80x128xf32, #tpu.memory_space<hbm>>) target_semaphore(%run_scoped3A : memref<!tpu.dma_semaphore, #tpu.memory_space<semaphore_mem>>)
        %dma_wait3A = arith.constant 0 : i32
        %dma_wait3A_217 = tpu.memref_slice %arg5[%mul3A_213, %dma_wait3A] : memref<10000x128xf32, #tpu.memory_space<hbm>> -> memref<80x128xf32, #tpu.memory_space<hbm>>
        %dma_wait3A_218 = arith.constant 0 : i32
        %dma_wait3A_219 = tpu.memref_slice %arg10[%mul3A_211, %dma_wait3A_218] : memref<10000x128xf32, #tpu.memory_space<vmem_shared>> -> memref<80x128xf32, #tpu.memory_space<vmem_shared>>
        tpu.wait_dma2 semaphore(%run_scoped3A : memref<!tpu.dma_semaphore, #tpu.memory_space<semaphore_mem>>) src(%dma_wait3A_219 : memref<80x128xf32, #tpu.memory_space<vmem_shared>>) dst(%dma_wait3A_217 : memref<80x128xf32, #tpu.memory_space<hbm>>)
        tpu.yield
      }) : () -> ()
    } else {
    }
    %lt3A_202 = arith.constant 125 : i32
    %lt3A_203 = arith.cmpi slt, %add3A_193, %lt3A_202 : i32
    %eq3A_204 = arith.constant 1 : i32
    %eq3A_205 = arith.cmpi eq, %arg0, %eq3A_204 : i32
    %and3A_206 = arith.andi %lt3A_203, %eq3A_205 : i1
    %convert_element_type3A_207 = arith.extui %and3A_206 : i1 to i32
    %cond3A_208 = arith.constant 0 : i32
    %cond3A_209 = arith.cmpi ne, %convert_element_type3A_207, %cond3A_208 : i32
    scf.if %cond3A_209 {
      %mul3A_210 = arith.constant 80 : i32
      %mul3A_211 = arith.muli %add3A_193, %mul3A_210 : i32
      %mul3A_212 = arith.constant 80 : i32
      %mul3A_213 = arith.muli %add3A_193, %mul3A_212 : i32
      "tpu.region"() ({
        %run_scoped3A = tpu.sem_alloc : memref<!tpu.dma_semaphore, #tpu.memory_space<semaphore_mem>>
        %dma_start3A = arith.constant 0 : i32
        %dma_start3A_214 = tpu.memref_slice %arg6[%mul3A_213, %dma_start3A] : memref<10000x128xf32, #tpu.memory_space<hbm>> -> memref<80x128xf32, #tpu.memory_space<hbm>>
        %dma_start3A_215 = arith.constant 0 : i32
        %dma_start3A_216 = tpu.memref_slice %arg10[%mul3A_211, %dma_start3A_215] : memref<10000x128xf32, #tpu.memory_space<vmem_shared>> -> memref<80x128xf32, #tpu.memory_space<vmem_shared>>
        tpu.enqueue_dma source(%dma_start3A_216 : memref<80x128xf32, #tpu.memory_space<vmem_shared>>) target(%dma_start3A_214 : memref<80x128xf32, #tpu.memory_space<hbm>>) target_semaphore(%run_scoped3A : memref<!tpu.dma_semaphore, #tpu.memory_space<semaphore_mem>>)
        %dma_wait3A = arith.constant 0 : i32
        %dma_wait3A_217 = tpu.memref_slice %arg6[%mul3A_213, %dma_wait3A] : memref<10000x128xf32, #tpu.memory_space<hbm>> -> memref<80x128xf32, #tpu.memory_space<hbm>>
        %dma_wait3A_218 = arith.constant 0 : i32
        %dma_wait3A_219 = tpu.memref_slice %arg10[%mul3A_211, %dma_wait3A_218] : memref<10000x128xf32, #tpu.memory_space<vmem_shared>> -> memref<80x128xf32, #tpu.memory_space<vmem_shared>>
        tpu.wait_dma2 semaphore(%run_scoped3A : memref<!tpu.dma_semaphore, #tpu.memory_space<semaphore_mem>>) src(%dma_wait3A_219 : memref<80x128xf32, #tpu.memory_space<vmem_shared>>) dst(%dma_wait3A_217 : memref<80x128xf32, #tpu.memory_space<hbm>>)
        tpu.yield
      }) : () -> ()
    } else {
    }
    return
  }
}

#map = affine_map<(d0, d1) -> (0, 0, 0)>
#map1 = affine_map<(d0, d1) -> (0, 0)>
module attributes {stable_mosaic.version = 14 : i64} {
  func.func @agg_kernel(%arg0: i32, %arg1: i32, %arg2: memref<32x125x80xi32, #tpu.memory_space<hbm>>, %arg3: memref<32x125x80xi32, #tpu.memory_space<hbm>>, %arg4: memref<10000x128xf32, #tpu.memory_space<hbm>>, %arg5: memref<10000x128xf32, #tpu.memory_space<hbm>>, %arg6: memref<10000x128xf32, #tpu.memory_space<hbm>>, %arg7: memref<125x80xi32, #tpu.memory_space<vmem>>, %arg8: memref<125x80xi32, #tpu.memory_space<vmem>>, %arg9: memref<80x128xf32, #tpu.memory_space<vmem>>, %arg10: memref<10000x128xf32, #tpu.memory_space<vmem_shared>>, %arg11: memref<!tpu.dma_semaphore, #tpu.memory_space<semaphore_mem>>) attributes {dimension_semantics = [#tpu.dimension_semantics<core_parallel>, #tpu.dimension_semantics<subcore_parallel>], iteration_bounds = array<i64: 2, 16>, scalar_prefetch = 0 : i64, scratch_operands = 5 : i64, tpu.core_type = #tpu.core_type<sc_vector_subcore>, window_params = [{transform_indices = #map}, {transform_indices = #map}, {transform_indices = #map1}, {transform_indices = #map1}, {transform_indices = #map1}]} {
    %mul3A = arith.constant 16 : i32
    %mul3A_0 = arith.muli %arg0, %mul3A : i32
    %add3A = arith.addi %mul3A_0, %arg1 : i32
    %scan3A = arith.constant 0 : i32
    %scan3A_1 = arith.constant 0 : i32
    %scan3A_2 = arith.constant 80 : i32
    %scan3A_3 = arith.addi %scan3A_1, %scan3A_2 : i32
    %scan3A_4 = arith.constant 1 : i32
    %scan3A_5 = scf.for %scan3A_210 = %scan3A_1 to %scan3A_3 step %scan3A_4 iter_args(%scan3A_211 = %scan3A) -> (i32)  : i32 {
      %broadcast_in_dim3A = arith.constant 0.000000e+00 : f32
      %broadcast_in_dim3A_212 = vector.broadcast %broadcast_in_dim3A : f32 to vector<16xf32>
      %swap3A = arith.index_cast %scan3A_210 : i32 to index
      %swap3A_213 = arith.constant 0 : index
      %swap3A_214 = tpu.vector_load %arg9[%swap3A, %swap3A_213] {strides = array<i32>} : memref<80x128xf32, #tpu.memory_space<vmem>>, vector<1x16xf32>,
      %swap3A_215 = vector.shape_cast %swap3A_214 : vector<1x16xf32> to vector<16xf32>
      %swap3A_216 = vector.shape_cast %broadcast_in_dim3A_212 : vector<16xf32> to vector<1x16xf32>
      tpu.vector_store %arg9[%swap3A, %swap3A_213], %swap3A_216 {strides = array<i32>} : memref<80x128xf32, #tpu.memory_space<vmem>>, vector<1x16xf32>,
      %broadcast_in_dim3A_217 = arith.constant 0.000000e+00 : f32
      %broadcast_in_dim3A_218 = vector.broadcast %broadcast_in_dim3A_217 : f32 to vector<16xf32>
      %swap3A_219 = arith.index_cast %scan3A_210 : i32 to index
      %swap3A_220 = arith.constant 16 : index
      %swap3A_221 = tpu.vector_load %arg9[%swap3A_219, %swap3A_220] {strides = array<i32>} : memref<80x128xf32, #tpu.memory_space<vmem>>, vector<1x16xf32>,
      %swap3A_222 = vector.shape_cast %swap3A_221 : vector<1x16xf32> to vector<16xf32>
      %swap3A_223 = vector.shape_cast %broadcast_in_dim3A_218 : vector<16xf32> to vector<1x16xf32>
      tpu.vector_store %arg9[%swap3A_219, %swap3A_220], %swap3A_223 {strides = array<i32>} : memref<80x128xf32, #tpu.memory_space<vmem>>, vector<1x16xf32>,
      %broadcast_in_dim3A_224 = arith.constant 0.000000e+00 : f32
      %broadcast_in_dim3A_225 = vector.broadcast %broadcast_in_dim3A_224 : f32 to vector<16xf32>
      %swap3A_226 = arith.index_cast %scan3A_210 : i32 to index
      %swap3A_227 = arith.constant 32 : index
      %swap3A_228 = tpu.vector_load %arg9[%swap3A_226, %swap3A_227] {strides = array<i32>} : memref<80x128xf32, #tpu.memory_space<vmem>>, vector<1x16xf32>,
      %swap3A_229 = vector.shape_cast %swap3A_228 : vector<1x16xf32> to vector<16xf32>
      %swap3A_230 = vector.shape_cast %broadcast_in_dim3A_225 : vector<16xf32> to vector<1x16xf32>
      tpu.vector_store %arg9[%swap3A_226, %swap3A_227], %swap3A_230 {strides = array<i32>} : memref<80x128xf32, #tpu.memory_space<vmem>>, vector<1x16xf32>,
      %broadcast_in_dim3A_231 = arith.constant 0.000000e+00 : f32
      %broadcast_in_dim3A_232 = vector.broadcast %broadcast_in_dim3A_231 : f32 to vector<16xf32>
      %swap3A_233 = arith.index_cast %scan3A_210 : i32 to index
      %swap3A_234 = arith.constant 48 : index
      %swap3A_235 = tpu.vector_load %arg9[%swap3A_233, %swap3A_234] {strides = array<i32>} : memref<80x128xf32, #tpu.memory_space<vmem>>, vector<1x16xf32>,
      %swap3A_236 = vector.shape_cast %swap3A_235 : vector<1x16xf32> to vector<16xf32>
      %swap3A_237 = vector.shape_cast %broadcast_in_dim3A_232 : vector<16xf32> to vector<1x16xf32>
      tpu.vector_store %arg9[%swap3A_233, %swap3A_234], %swap3A_237 {strides = array<i32>} : memref<80x128xf32, #tpu.memory_space<vmem>>, vector<1x16xf32>,
      %broadcast_in_dim3A_238 = arith.constant 0.000000e+00 : f32
      %broadcast_in_dim3A_239 = vector.broadcast %broadcast_in_dim3A_238 : f32 to vector<16xf32>
      %swap3A_240 = arith.index_cast %scan3A_210 : i32 to index
      %swap3A_241 = arith.constant 64 : index
      %swap3A_242 = tpu.vector_load %arg9[%swap3A_240, %swap3A_241] {strides = array<i32>} : memref<80x128xf32, #tpu.memory_space<vmem>>, vector<1x16xf32>,
      %swap3A_243 = vector.shape_cast %swap3A_242 : vector<1x16xf32> to vector<16xf32>
      %swap3A_244 = vector.shape_cast %broadcast_in_dim3A_239 : vector<16xf32> to vector<1x16xf32>
      tpu.vector_store %arg9[%swap3A_240, %swap3A_241], %swap3A_244 {strides = array<i32>} : memref<80x128xf32, #tpu.memory_space<vmem>>, vector<1x16xf32>,
      %broadcast_in_dim3A_245 = arith.constant 0.000000e+00 : f32
      %broadcast_in_dim3A_246 = vector.broadcast %broadcast_in_dim3A_245 : f32 to vector<16xf32>
      %swap3A_247 = arith.index_cast %scan3A_210 : i32 to index
      %swap3A_248 = arith.constant 80 : index
      %swap3A_249 = tpu.vector_load %arg9[%swap3A_247, %swap3A_248] {strides = array<i32>} : memref<80x128xf32, #tpu.memory_space<vmem>>, vector<1x16xf32>,
      %swap3A_250 = vector.shape_cast %swap3A_249 : vector<1x16xf32> to vector<16xf32>
      %swap3A_251 = vector.shape_cast %broadcast_in_dim3A_246 : vector<16xf32> to vector<1x16xf32>
      tpu.vector_store %arg9[%swap3A_247, %swap3A_248], %swap3A_251 {strides = array<i32>} : memref<80x128xf32, #tpu.memory_space<vmem>>, vector<1x16xf32>,
      %broadcast_in_dim3A_252 = arith.constant 0.000000e+00 : f32
      %broadcast_in_dim3A_253 = vector.broadcast %broadcast_in_dim3A_252 : f32 to vector<16xf32>
      %swap3A_254 = arith.index_cast %scan3A_210 : i32 to index
      %swap3A_255 = arith.constant 96 : index
      %swap3A_256 = tpu.vector_load %arg9[%swap3A_254, %swap3A_255] {strides = array<i32>} : memref<80x128xf32, #tpu.memory_space<vmem>>, vector<1x16xf32>,
      %swap3A_257 = vector.shape_cast %swap3A_256 : vector<1x16xf32> to vector<16xf32>
      %swap3A_258 = vector.shape_cast %broadcast_in_dim3A_253 : vector<16xf32> to vector<1x16xf32>
      tpu.vector_store %arg9[%swap3A_254, %swap3A_255], %swap3A_258 {strides = array<i32>} : memref<80x128xf32, #tpu.memory_space<vmem>>, vector<1x16xf32>,
      %broadcast_in_dim3A_259 = arith.constant 0.000000e+00 : f32
      %broadcast_in_dim3A_260 = vector.broadcast %broadcast_in_dim3A_259 : f32 to vector<16xf32>
      %swap3A_261 = arith.index_cast %scan3A_210 : i32 to index
      %swap3A_262 = arith.constant 112 : index
      %swap3A_263 = tpu.vector_load %arg9[%swap3A_261, %swap3A_262] {strides = array<i32>} : memref<80x128xf32, #tpu.memory_space<vmem>>, vector<1x16xf32>,
      %swap3A_264 = vector.shape_cast %swap3A_263 : vector<1x16xf32> to vector<16xf32>
      %swap3A_265 = vector.shape_cast %broadcast_in_dim3A_260 : vector<16xf32> to vector<1x16xf32>
      tpu.vector_store %arg9[%swap3A_261, %swap3A_262], %swap3A_265 {strides = array<i32>} : memref<80x128xf32, #tpu.memory_space<vmem>>, vector<1x16xf32>,
      %scan3A_266 = arith.constant 0 : i32
      scf.yield %scan3A_266 : i32
    }
    %scan3A_6 = arith.constant 80 : i32
    %add3A_7 = arith.constant 0 : i32
    %add3A_8 = arith.addi %arg1, %add3A_7 : i32
    %lt3A = arith.constant 125 : i32
    %lt3A_9 = arith.cmpi slt, %add3A_8, %lt3A : i32
    %convert_element_type3A = arith.extui %lt3A_9 : i1 to i32
    %cond3A = arith.constant 0 : i32
    %cond3A_10 = arith.cmpi ne, %convert_element_type3A, %cond3A : i32
    scf.if %cond3A_10 {
      %mul3A_210 = arith.constant 80 : i32
      %mul3A_211 = arith.muli %add3A_8, %mul3A_210 : i32
      "tpu.region"() ({
        %run_scoped3A = tpu.sem_alloc : memref<!tpu.dma_semaphore, #tpu.memory_space<semaphore_mem>>
        %dma_start3A = arith.constant 0 : i32
        %dma_start3A_212 = tpu.memref_slice %arg10[%mul3A_211, %dma_start3A] : memref<10000x128xf32, #tpu.memory_space<vmem_shared>> -> memref<80x128xf32, #tpu.memory_space<vmem_shared>>
        %dma_start3A_213 = arith.constant 0 : i32
        %dma_start3A_214 = tpu.memref_slice %arg10[%mul3A_211, %dma_start3A_213] : memref<10000x128xf32, #tpu.memory_space<vmem_shared>> -> memref<80x128xf32, #tpu.memory_space<vmem_shared>>
        tpu.enqueue_dma source(%arg9 : memref<80x128xf32, #tpu.memory_space<vmem>>) target(%dma_start3A_214 : memref<80x128xf32, #tpu.memory_space<vmem_shared>>) target_semaphore(%run_scoped3A : memref<!tpu.dma_semaphore, #tpu.memory_space<semaphore_mem>>)
        %dma_wait3A = arith.constant 0 : i32
        %dma_wait3A_215 = tpu.memref_slice %arg10[%mul3A_211, %dma_wait3A] : memref<10000x128xf32, #tpu.memory_space<vmem_shared>> -> memref<80x128xf32, #tpu.memory_space<vmem_shared>>
        %dma_wait3A_216 = arith.constant 0 : i32
        %dma_wait3A_217 = tpu.memref_slice %arg10[%mul3A_211, %dma_wait3A_216] : memref<10000x128xf32, #tpu.memory_space<vmem_shared>> -> memref<80x128xf32, #tpu.memory_space<vmem_shared>>
        tpu.wait_dma2 semaphore(%run_scoped3A : memref<!tpu.dma_semaphore, #tpu.memory_space<semaphore_mem>>) src(%arg9 : memref<80x128xf32, #tpu.memory_space<vmem>>) dst(%dma_wait3A_217 : memref<80x128xf32, #tpu.memory_space<vmem_shared>>)
        tpu.yield
      }) : () -> ()
    } else {
    }
    %add3A_11 = arith.constant 16 : i32
    %add3A_12 = arith.addi %arg1, %add3A_11 : i32
    %lt3A_13 = arith.constant 125 : i32
    %lt3A_14 = arith.cmpi slt, %add3A_12, %lt3A_13 : i32
    %convert_element_type3A_15 = arith.extui %lt3A_14 : i1 to i32
    %cond3A_16 = arith.constant 0 : i32
    %cond3A_17 = arith.cmpi ne, %convert_element_type3A_15, %cond3A_16 : i32
    scf.if %cond3A_17 {
      %mul3A_210 = arith.constant 80 : i32
      %mul3A_211 = arith.muli %add3A_12, %mul3A_210 : i32
      "tpu.region"() ({
        %run_scoped3A = tpu.sem_alloc : memref<!tpu.dma_semaphore, #tpu.memory_space<semaphore_mem>>
        %dma_start3A = arith.constant 0 : i32
        %dma_start3A_212 = tpu.memref_slice %arg10[%mul3A_211, %dma_start3A] : memref<10000x128xf32, #tpu.memory_space<vmem_shared>> -> memref<80x128xf32, #tpu.memory_space<vmem_shared>>
        %dma_start3A_213 = arith.constant 0 : i32
        %dma_start3A_214 = tpu.memref_slice %arg10[%mul3A_211, %dma_start3A_213] : memref<10000x128xf32, #tpu.memory_space<vmem_shared>> -> memref<80x128xf32, #tpu.memory_space<vmem_shared>>
        tpu.enqueue_dma source(%arg9 : memref<80x128xf32, #tpu.memory_space<vmem>>) target(%dma_start3A_214 : memref<80x128xf32, #tpu.memory_space<vmem_shared>>) target_semaphore(%run_scoped3A : memref<!tpu.dma_semaphore, #tpu.memory_space<semaphore_mem>>)
        %dma_wait3A = arith.constant 0 : i32
        %dma_wait3A_215 = tpu.memref_slice %arg10[%mul3A_211, %dma_wait3A] : memref<10000x128xf32, #tpu.memory_space<vmem_shared>> -> memref<80x128xf32, #tpu.memory_space<vmem_shared>>
        %dma_wait3A_216 = arith.constant 0 : i32
        %dma_wait3A_217 = tpu.memref_slice %arg10[%mul3A_211, %dma_wait3A_216] : memref<10000x128xf32, #tpu.memory_space<vmem_shared>> -> memref<80x128xf32, #tpu.memory_space<vmem_shared>>
        tpu.wait_dma2 semaphore(%run_scoped3A : memref<!tpu.dma_semaphore, #tpu.memory_space<semaphore_mem>>) src(%arg9 : memref<80x128xf32, #tpu.memory_space<vmem>>) dst(%dma_wait3A_217 : memref<80x128xf32, #tpu.memory_space<vmem_shared>>)
        tpu.yield
      }) : () -> ()
    } else {
    }
    %add3A_18 = arith.constant 32 : i32
    %add3A_19 = arith.addi %arg1, %add3A_18 : i32
    %lt3A_20 = arith.constant 125 : i32
    %lt3A_21 = arith.cmpi slt, %add3A_19, %lt3A_20 : i32
    %convert_element_type3A_22 = arith.extui %lt3A_21 : i1 to i32
    %cond3A_23 = arith.constant 0 : i32
    %cond3A_24 = arith.cmpi ne, %convert_element_type3A_22, %cond3A_23 : i32
    scf.if %cond3A_24 {
      %mul3A_210 = arith.constant 80 : i32
      %mul3A_211 = arith.muli %add3A_19, %mul3A_210 : i32
      "tpu.region"() ({
        %run_scoped3A = tpu.sem_alloc : memref<!tpu.dma_semaphore, #tpu.memory_space<semaphore_mem>>
        %dma_start3A = arith.constant 0 : i32
        %dma_start3A_212 = tpu.memref_slice %arg10[%mul3A_211, %dma_start3A] : memref<10000x128xf32, #tpu.memory_space<vmem_shared>> -> memref<80x128xf32, #tpu.memory_space<vmem_shared>>
        %dma_start3A_213 = arith.constant 0 : i32
        %dma_start3A_214 = tpu.memref_slice %arg10[%mul3A_211, %dma_start3A_213] : memref<10000x128xf32, #tpu.memory_space<vmem_shared>> -> memref<80x128xf32, #tpu.memory_space<vmem_shared>>
        tpu.enqueue_dma source(%arg9 : memref<80x128xf32, #tpu.memory_space<vmem>>) target(%dma_start3A_214 : memref<80x128xf32, #tpu.memory_space<vmem_shared>>) target_semaphore(%run_scoped3A : memref<!tpu.dma_semaphore, #tpu.memory_space<semaphore_mem>>)
        %dma_wait3A = arith.constant 0 : i32
        %dma_wait3A_215 = tpu.memref_slice %arg10[%mul3A_211, %dma_wait3A] : memref<10000x128xf32, #tpu.memory_space<vmem_shared>> -> memref<80x128xf32, #tpu.memory_space<vmem_shared>>
        %dma_wait3A_216 = arith.constant 0 : i32
        %dma_wait3A_217 = tpu.memref_slice %arg10[%mul3A_211, %dma_wait3A_216] : memref<10000x128xf32, #tpu.memory_space<vmem_shared>> -> memref<80x128xf32, #tpu.memory_space<vmem_shared>>
        tpu.wait_dma2 semaphore(%run_scoped3A : memref<!tpu.dma_semaphore, #tpu.memory_space<semaphore_mem>>) src(%arg9 : memref<80x128xf32, #tpu.memory_space<vmem>>) dst(%dma_wait3A_217 : memref<80x128xf32, #tpu.memory_space<vmem_shared>>)
        tpu.yield
      }) : () -> ()
    } else {
    }
    %add3A_25 = arith.constant 48 : i32
    %add3A_26 = arith.addi %arg1, %add3A_25 : i32
    %lt3A_27 = arith.constant 125 : i32
    %lt3A_28 = arith.cmpi slt, %add3A_26, %lt3A_27 : i32
    %convert_element_type3A_29 = arith.extui %lt3A_28 : i1 to i32
    %cond3A_30 = arith.constant 0 : i32
    %cond3A_31 = arith.cmpi ne, %convert_element_type3A_29, %cond3A_30 : i32
    scf.if %cond3A_31 {
      %mul3A_210 = arith.constant 80 : i32
      %mul3A_211 = arith.muli %add3A_26, %mul3A_210 : i32
      "tpu.region"() ({
        %run_scoped3A = tpu.sem_alloc : memref<!tpu.dma_semaphore, #tpu.memory_space<semaphore_mem>>
        %dma_start3A = arith.constant 0 : i32
        %dma_start3A_212 = tpu.memref_slice %arg10[%mul3A_211, %dma_start3A] : memref<10000x128xf32, #tpu.memory_space<vmem_shared>> -> memref<80x128xf32, #tpu.memory_space<vmem_shared>>
        %dma_start3A_213 = arith.constant 0 : i32
        %dma_start3A_214 = tpu.memref_slice %arg10[%mul3A_211, %dma_start3A_213] : memref<10000x128xf32, #tpu.memory_space<vmem_shared>> -> memref<80x128xf32, #tpu.memory_space<vmem_shared>>
        tpu.enqueue_dma source(%arg9 : memref<80x128xf32, #tpu.memory_space<vmem>>) target(%dma_start3A_214 : memref<80x128xf32, #tpu.memory_space<vmem_shared>>) target_semaphore(%run_scoped3A : memref<!tpu.dma_semaphore, #tpu.memory_space<semaphore_mem>>)
        %dma_wait3A = arith.constant 0 : i32
        %dma_wait3A_215 = tpu.memref_slice %arg10[%mul3A_211, %dma_wait3A] : memref<10000x128xf32, #tpu.memory_space<vmem_shared>> -> memref<80x128xf32, #tpu.memory_space<vmem_shared>>
        %dma_wait3A_216 = arith.constant 0 : i32
        %dma_wait3A_217 = tpu.memref_slice %arg10[%mul3A_211, %dma_wait3A_216] : memref<10000x128xf32, #tpu.memory_space<vmem_shared>> -> memref<80x128xf32, #tpu.memory_space<vmem_shared>>
        tpu.wait_dma2 semaphore(%run_scoped3A : memref<!tpu.dma_semaphore, #tpu.memory_space<semaphore_mem>>) src(%arg9 : memref<80x128xf32, #tpu.memory_space<vmem>>) dst(%dma_wait3A_217 : memref<80x128xf32, #tpu.memory_space<vmem_shared>>)
        tpu.yield
      }) : () -> ()
    } else {
    }
    %add3A_32 = arith.constant 64 : i32
    %add3A_33 = arith.addi %arg1, %add3A_32 : i32
    %lt3A_34 = arith.constant 125 : i32
    %lt3A_35 = arith.cmpi slt, %add3A_33, %lt3A_34 : i32
    %convert_element_type3A_36 = arith.extui %lt3A_35 : i1 to i32
    %cond3A_37 = arith.constant 0 : i32
    %cond3A_38 = arith.cmpi ne, %convert_element_type3A_36, %cond3A_37 : i32
    scf.if %cond3A_38 {
      %mul3A_210 = arith.constant 80 : i32
      %mul3A_211 = arith.muli %add3A_33, %mul3A_210 : i32
      "tpu.region"() ({
        %run_scoped3A = tpu.sem_alloc : memref<!tpu.dma_semaphore, #tpu.memory_space<semaphore_mem>>
        %dma_start3A = arith.constant 0 : i32
        %dma_start3A_212 = tpu.memref_slice %arg10[%mul3A_211, %dma_start3A] : memref<10000x128xf32, #tpu.memory_space<vmem_shared>> -> memref<80x128xf32, #tpu.memory_space<vmem_shared>>
        %dma_start3A_213 = arith.constant 0 : i32
        %dma_start3A_214 = tpu.memref_slice %arg10[%mul3A_211, %dma_start3A_213] : memref<10000x128xf32, #tpu.memory_space<vmem_shared>> -> memref<80x128xf32, #tpu.memory_space<vmem_shared>>
        tpu.enqueue_dma source(%arg9 : memref<80x128xf32, #tpu.memory_space<vmem>>) target(%dma_start3A_214 : memref<80x128xf32, #tpu.memory_space<vmem_shared>>) target_semaphore(%run_scoped3A : memref<!tpu.dma_semaphore, #tpu.memory_space<semaphore_mem>>)
        %dma_wait3A = arith.constant 0 : i32
        %dma_wait3A_215 = tpu.memref_slice %arg10[%mul3A_211, %dma_wait3A] : memref<10000x128xf32, #tpu.memory_space<vmem_shared>> -> memref<80x128xf32, #tpu.memory_space<vmem_shared>>
        %dma_wait3A_216 = arith.constant 0 : i32
        %dma_wait3A_217 = tpu.memref_slice %arg10[%mul3A_211, %dma_wait3A_216] : memref<10000x128xf32, #tpu.memory_space<vmem_shared>> -> memref<80x128xf32, #tpu.memory_space<vmem_shared>>
        tpu.wait_dma2 semaphore(%run_scoped3A : memref<!tpu.dma_semaphore, #tpu.memory_space<semaphore_mem>>) src(%arg9 : memref<80x128xf32, #tpu.memory_space<vmem>>) dst(%dma_wait3A_217 : memref<80x128xf32, #tpu.memory_space<vmem_shared>>)
        tpu.yield
      }) : () -> ()
    } else {
    }
    %add3A_39 = arith.constant 80 : i32
    %add3A_40 = arith.addi %arg1, %add3A_39 : i32
    %lt3A_41 = arith.constant 125 : i32
    %lt3A_42 = arith.cmpi slt, %add3A_40, %lt3A_41 : i32
    %convert_element_type3A_43 = arith.extui %lt3A_42 : i1 to i32
    %cond3A_44 = arith.constant 0 : i32
    %cond3A_45 = arith.cmpi ne, %convert_element_type3A_43, %cond3A_44 : i32
    scf.if %cond3A_45 {
      %mul3A_210 = arith.constant 80 : i32
      %mul3A_211 = arith.muli %add3A_40, %mul3A_210 : i32
      "tpu.region"() ({
        %run_scoped3A = tpu.sem_alloc : memref<!tpu.dma_semaphore, #tpu.memory_space<semaphore_mem>>
        %dma_start3A = arith.constant 0 : i32
        %dma_start3A_212 = tpu.memref_slice %arg10[%mul3A_211, %dma_start3A] : memref<10000x128xf32, #tpu.memory_space<vmem_shared>> -> memref<80x128xf32, #tpu.memory_space<vmem_shared>>
        %dma_start3A_213 = arith.constant 0 : i32
        %dma_start3A_214 = tpu.memref_slice %arg10[%mul3A_211, %dma_start3A_213] : memref<10000x128xf32, #tpu.memory_space<vmem_shared>> -> memref<80x128xf32, #tpu.memory_space<vmem_shared>>
        tpu.enqueue_dma source(%arg9 : memref<80x128xf32, #tpu.memory_space<vmem>>) target(%dma_start3A_214 : memref<80x128xf32, #tpu.memory_space<vmem_shared>>) target_semaphore(%run_scoped3A : memref<!tpu.dma_semaphore, #tpu.memory_space<semaphore_mem>>)
        %dma_wait3A = arith.constant 0 : i32
        %dma_wait3A_215 = tpu.memref_slice %arg10[%mul3A_211, %dma_wait3A] : memref<10000x128xf32, #tpu.memory_space<vmem_shared>> -> memref<80x128xf32, #tpu.memory_space<vmem_shared>>
        %dma_wait3A_216 = arith.constant 0 : i32
        %dma_wait3A_217 = tpu.memref_slice %arg10[%mul3A_211, %dma_wait3A_216] : memref<10000x128xf32, #tpu.memory_space<vmem_shared>> -> memref<80x128xf32, #tpu.memory_space<vmem_shared>>
        tpu.wait_dma2 semaphore(%run_scoped3A : memref<!tpu.dma_semaphore, #tpu.memory_space<semaphore_mem>>) src(%arg9 : memref<80x128xf32, #tpu.memory_space<vmem>>) dst(%dma_wait3A_217 : memref<80x128xf32, #tpu.memory_space<vmem_shared>>)
        tpu.yield
      }) : () -> ()
    } else {
    }
    %add3A_46 = arith.constant 96 : i32
    %add3A_47 = arith.addi %arg1, %add3A_46 : i32
    %lt3A_48 = arith.constant 125 : i32
    %lt3A_49 = arith.cmpi slt, %add3A_47, %lt3A_48 : i32
    %convert_element_type3A_50 = arith.extui %lt3A_49 : i1 to i32
    %cond3A_51 = arith.constant 0 : i32
    %cond3A_52 = arith.cmpi ne, %convert_element_type3A_50, %cond3A_51 : i32
    scf.if %cond3A_52 {
      %mul3A_210 = arith.constant 80 : i32
      %mul3A_211 = arith.muli %add3A_47, %mul3A_210 : i32
      "tpu.region"() ({
        %run_scoped3A = tpu.sem_alloc : memref<!tpu.dma_semaphore, #tpu.memory_space<semaphore_mem>>
        %dma_start3A = arith.constant 0 : i32
        %dma_start3A_212 = tpu.memref_slice %arg10[%mul3A_211, %dma_start3A] : memref<10000x128xf32, #tpu.memory_space<vmem_shared>> -> memref<80x128xf32, #tpu.memory_space<vmem_shared>>
        %dma_start3A_213 = arith.constant 0 : i32
        %dma_start3A_214 = tpu.memref_slice %arg10[%mul3A_211, %dma_start3A_213] : memref<10000x128xf32, #tpu.memory_space<vmem_shared>> -> memref<80x128xf32, #tpu.memory_space<vmem_shared>>
        tpu.enqueue_dma source(%arg9 : memref<80x128xf32, #tpu.memory_space<vmem>>) target(%dma_start3A_214 : memref<80x128xf32, #tpu.memory_space<vmem_shared>>) target_semaphore(%run_scoped3A : memref<!tpu.dma_semaphore, #tpu.memory_space<semaphore_mem>>)
        %dma_wait3A = arith.constant 0 : i32
        %dma_wait3A_215 = tpu.memref_slice %arg10[%mul3A_211, %dma_wait3A] : memref<10000x128xf32, #tpu.memory_space<vmem_shared>> -> memref<80x128xf32, #tpu.memory_space<vmem_shared>>
        %dma_wait3A_216 = arith.constant 0 : i32
        %dma_wait3A_217 = tpu.memref_slice %arg10[%mul3A_211, %dma_wait3A_216] : memref<10000x128xf32, #tpu.memory_space<vmem_shared>> -> memref<80x128xf32, #tpu.memory_space<vmem_shared>>
        tpu.wait_dma2 semaphore(%run_scoped3A : memref<!tpu.dma_semaphore, #tpu.memory_space<semaphore_mem>>) src(%arg9 : memref<80x128xf32, #tpu.memory_space<vmem>>) dst(%dma_wait3A_217 : memref<80x128xf32, #tpu.memory_space<vmem_shared>>)
        tpu.yield
      }) : () -> ()
    } else {
    }
    %add3A_53 = arith.constant 112 : i32
    %add3A_54 = arith.addi %arg1, %add3A_53 : i32
    %lt3A_55 = arith.constant 125 : i32
    %lt3A_56 = arith.cmpi slt, %add3A_54, %lt3A_55 : i32
    %convert_element_type3A_57 = arith.extui %lt3A_56 : i1 to i32
    %cond3A_58 = arith.constant 0 : i32
    %cond3A_59 = arith.cmpi ne, %convert_element_type3A_57, %cond3A_58 : i32
    scf.if %cond3A_59 {
      %mul3A_210 = arith.constant 80 : i32
      %mul3A_211 = arith.muli %add3A_54, %mul3A_210 : i32
      "tpu.region"() ({
        %run_scoped3A = tpu.sem_alloc : memref<!tpu.dma_semaphore, #tpu.memory_space<semaphore_mem>>
        %dma_start3A = arith.constant 0 : i32
        %dma_start3A_212 = tpu.memref_slice %arg10[%mul3A_211, %dma_start3A] : memref<10000x128xf32, #tpu.memory_space<vmem_shared>> -> memref<80x128xf32, #tpu.memory_space<vmem_shared>>
        %dma_start3A_213 = arith.constant 0 : i32
        %dma_start3A_214 = tpu.memref_slice %arg10[%mul3A_211, %dma_start3A_213] : memref<10000x128xf32, #tpu.memory_space<vmem_shared>> -> memref<80x128xf32, #tpu.memory_space<vmem_shared>>
        tpu.enqueue_dma source(%arg9 : memref<80x128xf32, #tpu.memory_space<vmem>>) target(%dma_start3A_214 : memref<80x128xf32, #tpu.memory_space<vmem_shared>>) target_semaphore(%run_scoped3A : memref<!tpu.dma_semaphore, #tpu.memory_space<semaphore_mem>>)
        %dma_wait3A = arith.constant 0 : i32
        %dma_wait3A_215 = tpu.memref_slice %arg10[%mul3A_211, %dma_wait3A] : memref<10000x128xf32, #tpu.memory_space<vmem_shared>> -> memref<80x128xf32, #tpu.memory_space<vmem_shared>>
        %dma_wait3A_216 = arith.constant 0 : i32
        %dma_wait3A_217 = tpu.memref_slice %arg10[%mul3A_211, %dma_wait3A_216] : memref<10000x128xf32, #tpu.memory_space<vmem_shared>> -> memref<80x128xf32, #tpu.memory_space<vmem_shared>>
        tpu.wait_dma2 semaphore(%run_scoped3A : memref<!tpu.dma_semaphore, #tpu.memory_space<semaphore_mem>>) src(%arg9 : memref<80x128xf32, #tpu.memory_space<vmem>>) dst(%dma_wait3A_217 : memref<80x128xf32, #tpu.memory_space<vmem_shared>>)
        tpu.yield
      }) : () -> ()
    } else {
    }
    %barrier3A = arith.constant 0 : index
    tpu.barrier barrier_id(%barrier3A)
    "tpu.region"() ({
      %run_scoped3A = tpu.sem_alloc : memref<!tpu.dma_semaphore, #tpu.memory_space<semaphore_mem>>
      %dma_start3A = arith.constant 0 : i32
      %dma_start3A_210 = arith.constant 0 : i32
      %dma_start3A_211 = tpu.memref_slice %arg2[%add3A, %dma_start3A, %dma_start3A_210] : memref<32x125x80xi32, #tpu.memory_space<hbm>> -> memref<1x125x80xi32, #tpu.memory_space<hbm>>
      %dma_start3A_212 = tpu.memref_squeeze %dma_start3A_211 : memref<1x125x80xi32, #tpu.memory_space<hbm>> -> memref<125x80xi32, #tpu.memory_space<hbm>>
      %dma_start3A_213 = arith.constant 0 : i32
      %dma_start3A_214 = arith.constant 0 : i32
      %dma_start3A_215 = tpu.memref_slice %arg2[%add3A, %dma_start3A_213, %dma_start3A_214] : memref<32x125x80xi32, #tpu.memory_space<hbm>> -> memref<1x125x80xi32, #tpu.memory_space<hbm>>
      %dma_start3A_216 = tpu.memref_squeeze %dma_start3A_215 : memref<1x125x80xi32, #tpu.memory_space<hbm>> -> memref<125x80xi32, #tpu.memory_space<hbm>>
      tpu.enqueue_dma source(%dma_start3A_216 : memref<125x80xi32, #tpu.memory_space<hbm>>) target(%arg7 : memref<125x80xi32, #tpu.memory_space<vmem>>) target_semaphore(%run_scoped3A : memref<!tpu.dma_semaphore, #tpu.memory_space<semaphore_mem>>)
      %dma_wait3A = arith.constant 0 : i32
      %dma_wait3A_217 = arith.constant 0 : i32
      %dma_wait3A_218 = tpu.memref_slice %arg2[%add3A, %dma_wait3A, %dma_wait3A_217] : memref<32x125x80xi32, #tpu.memory_space<hbm>> -> memref<1x125x80xi32, #tpu.memory_space<hbm>>
      %dma_wait3A_219 = tpu.memref_squeeze %dma_wait3A_218 : memref<1x125x80xi32, #tpu.memory_space<hbm>> -> memref<125x80xi32, #tpu.memory_space<hbm>>
      %dma_wait3A_220 = arith.constant 0 : i32
      %dma_wait3A_221 = arith.constant 0 : i32
      %dma_wait3A_222 = tpu.memref_slice %arg2[%add3A, %dma_wait3A_220, %dma_wait3A_221] : memref<32x125x80xi32, #tpu.memory_space<hbm>> -> memref<1x125x80xi32, #tpu.memory_space<hbm>>
      %dma_wait3A_223 = tpu.memref_squeeze %dma_wait3A_222 : memref<1x125x80xi32, #tpu.memory_space<hbm>> -> memref<125x80xi32, #tpu.memory_space<hbm>>
      tpu.wait_dma2 semaphore(%run_scoped3A : memref<!tpu.dma_semaphore, #tpu.memory_space<semaphore_mem>>) src(%dma_wait3A_223 : memref<125x80xi32, #tpu.memory_space<hbm>>) dst(%arg7 : memref<125x80xi32, #tpu.memory_space<vmem>>)
      tpu.yield
    }) : () -> ()
    "tpu.region"() ({
      %run_scoped3A = tpu.sem_alloc : memref<!tpu.dma_semaphore, #tpu.memory_space<semaphore_mem>>
      %dma_start3A = arith.constant 0 : i32
      %dma_start3A_210 = arith.constant 0 : i32
      %dma_start3A_211 = tpu.memref_slice %arg3[%add3A, %dma_start3A, %dma_start3A_210] : memref<32x125x80xi32, #tpu.memory_space<hbm>> -> memref<1x125x80xi32, #tpu.memory_space<hbm>>
      %dma_start3A_212 = tpu.memref_squeeze %dma_start3A_211 : memref<1x125x80xi32, #tpu.memory_space<hbm>> -> memref<125x80xi32, #tpu.memory_space<hbm>>
      %dma_start3A_213 = arith.constant 0 : i32
      %dma_start3A_214 = arith.constant 0 : i32
      %dma_start3A_215 = tpu.memref_slice %arg3[%add3A, %dma_start3A_213, %dma_start3A_214] : memref<32x125x80xi32, #tpu.memory_space<hbm>> -> memref<1x125x80xi32, #tpu.memory_space<hbm>>
      %dma_start3A_216 = tpu.memref_squeeze %dma_start3A_215 : memref<1x125x80xi32, #tpu.memory_space<hbm>> -> memref<125x80xi32, #tpu.memory_space<hbm>>
      tpu.enqueue_dma source(%dma_start3A_216 : memref<125x80xi32, #tpu.memory_space<hbm>>) target(%arg8 : memref<125x80xi32, #tpu.memory_space<vmem>>) target_semaphore(%run_scoped3A : memref<!tpu.dma_semaphore, #tpu.memory_space<semaphore_mem>>)
      %dma_wait3A = arith.constant 0 : i32
      %dma_wait3A_217 = arith.constant 0 : i32
      %dma_wait3A_218 = tpu.memref_slice %arg3[%add3A, %dma_wait3A, %dma_wait3A_217] : memref<32x125x80xi32, #tpu.memory_space<hbm>> -> memref<1x125x80xi32, #tpu.memory_space<hbm>>
      %dma_wait3A_219 = tpu.memref_squeeze %dma_wait3A_218 : memref<1x125x80xi32, #tpu.memory_space<hbm>> -> memref<125x80xi32, #tpu.memory_space<hbm>>
      %dma_wait3A_220 = arith.constant 0 : i32
      %dma_wait3A_221 = arith.constant 0 : i32
      %dma_wait3A_222 = tpu.memref_slice %arg3[%add3A, %dma_wait3A_220, %dma_wait3A_221] : memref<32x125x80xi32, #tpu.memory_space<hbm>> -> memref<1x125x80xi32, #tpu.memory_space<hbm>>
      %dma_wait3A_223 = tpu.memref_squeeze %dma_wait3A_222 : memref<1x125x80xi32, #tpu.memory_space<hbm>> -> memref<125x80xi32, #tpu.memory_space<hbm>>
      tpu.wait_dma2 semaphore(%run_scoped3A : memref<!tpu.dma_semaphore, #tpu.memory_space<semaphore_mem>>) src(%dma_wait3A_223 : memref<125x80xi32, #tpu.memory_space<hbm>>) dst(%arg8 : memref<125x80xi32, #tpu.memory_space<vmem>>)
      tpu.yield
    }) : () -> ()
    %scan3A_60 = arith.constant 0 : i32
    %scan3A_61 = arith.constant 0 : i32
    %scan3A_62 = arith.constant 125 : i32
    %scan3A_63 = arith.addi %scan3A_61, %scan3A_62 : i32
    %scan3A_64 = arith.constant 1 : i32
    %scan3A_65 = scf.for %scan3A_210 = %scan3A_61 to %scan3A_63 step %scan3A_64 iter_args(%scan3A_211 = %scan3A_60) -> (i32)  : i32 {
      %dma_start3A = arith.constant 0 : i32
      %dma_start3A_212 = tpu.memref_slice %arg7[%scan3A_210, %dma_start3A] : memref<125x80xi32, #tpu.memory_space<vmem>> -> memref<1x80xi32, #tpu.memory_space<vmem>>
      %dma_start3A_213 = tpu.memref_squeeze %dma_start3A_212 : memref<1x80xi32, #tpu.memory_space<vmem>> -> memref<80xi32, #tpu.memory_space<vmem>>
      %dma_start3A_214 = arith.constant 0 : i32
      %dma_start3A_215 = arith.constant 0 : i32
      %dma_start3A_216 = tpu.memref_slice %arg4[%dma_start3A_214, %dma_start3A_215] : memref<10000x128xf32, #tpu.memory_space<hbm>> -> memref<10000x128xf32, #tpu.memory_space<hbm>>
      tpu.enqueue_indirect_dma source(%dma_start3A_216 : memref<10000x128xf32, #tpu.memory_space<hbm>>) target(%arg9 : memref<80x128xf32, #tpu.memory_space<vmem>>) offsets(%dma_start3A_213 : memref<80xi32, #tpu.memory_space<vmem>>) semaphore(%arg11 : memref<!tpu.dma_semaphore, #tpu.memory_space<semaphore_mem>>)
      %dma_wait3A = arith.constant 0 : i32
      %dma_wait3A_217 = tpu.memref_slice %arg7[%scan3A_210, %dma_wait3A] : memref<125x80xi32, #tpu.memory_space<vmem>> -> memref<1x80xi32, #tpu.memory_space<vmem>>
      %dma_wait3A_218 = tpu.memref_squeeze %dma_wait3A_217 : memref<1x80xi32, #tpu.memory_space<vmem>> -> memref<80xi32, #tpu.memory_space<vmem>>
      %dma_wait3A_219 = arith.constant 0 : i32
      %dma_wait3A_220 = arith.constant 0 : i32
      %dma_wait3A_221 = tpu.memref_slice %arg4[%dma_wait3A_219, %dma_wait3A_220] : memref<10000x128xf32, #tpu.memory_space<hbm>> -> memref<10000x128xf32, #tpu.memory_space<hbm>>
      tpu.wait_indirect_dma semaphore(%arg11 : memref<!tpu.dma_semaphore, #tpu.memory_space<semaphore_mem>>) src(%dma_wait3A_221 : memref<10000x128xf32, #tpu.memory_space<hbm>>) dst(%arg9 : memref<80x128xf32, #tpu.memory_space<vmem>>)
      "tpu.region"() ({
        %run_scoped3A = tpu.sem_alloc : memref<!tpu.dma_semaphore, #tpu.memory_space<semaphore_mem>>
        %dma_start3A_223 = arith.constant 0 : i32
        %dma_start3A_224 = tpu.memref_slice %arg8[%scan3A_210, %dma_start3A_223] : memref<125x80xi32, #tpu.memory_space<vmem>> -> memref<1x80xi32, #tpu.memory_space<vmem>>
        %dma_start3A_225 = tpu.memref_squeeze %dma_start3A_224 : memref<1x80xi32, #tpu.memory_space<vmem>> -> memref<80xi32, #tpu.memory_space<vmem>>
        %dma_start3A_226 = arith.constant 0 : i32
        %dma_start3A_227 = arith.constant 0 : i32
        %dma_start3A_228 = tpu.memref_slice %arg10[%dma_start3A_226, %dma_start3A_227] : memref<10000x128xf32, #tpu.memory_space<vmem_shared>> -> memref<10000x128xf32, #tpu.memory_space<vmem_shared>>
        tpu.enqueue_indirect_dma source(%arg9 : memref<80x128xf32, #tpu.memory_space<vmem>>) target(%dma_start3A_228 : memref<10000x128xf32, #tpu.memory_space<vmem_shared>>) offsets(%dma_start3A_225 : memref<80xi32, #tpu.memory_space<vmem>>) semaphore(%run_scoped3A : memref<!tpu.dma_semaphore, #tpu.memory_space<semaphore_mem>>) {add = true}
        %dma_wait3A_229 = arith.constant 0 : i32
        %dma_wait3A_230 = tpu.memref_slice %arg8[%scan3A_210, %dma_wait3A_229] : memref<125x80xi32, #tpu.memory_space<vmem>> -> memref<1x80xi32, #tpu.memory_space<vmem>>
        %dma_wait3A_231 = tpu.memref_squeeze %dma_wait3A_230 : memref<1x80xi32, #tpu.memory_space<vmem>> -> memref<80xi32, #tpu.memory_space<vmem>>
        %dma_wait3A_232 = arith.constant 0 : i32
        %dma_wait3A_233 = arith.constant 0 : i32
        %dma_wait3A_234 = tpu.memref_slice %arg10[%dma_wait3A_232, %dma_wait3A_233] : memref<10000x128xf32, #tpu.memory_space<vmem_shared>> -> memref<10000x128xf32, #tpu.memory_space<vmem_shared>>
        tpu.wait_indirect_dma semaphore(%run_scoped3A : memref<!tpu.dma_semaphore, #tpu.memory_space<semaphore_mem>>) src(%arg9 : memref<80x128xf32, #tpu.memory_space<vmem>>) dst(%dma_wait3A_234 : memref<10000x128xf32, #tpu.memory_space<vmem_shared>>)
        tpu.yield
      }) : () -> ()
      %scan3A_222 = arith.constant 0 : i32
      scf.yield %scan3A_222 : i32
    }
    %scan3A_66 = arith.constant 125 : i32
    %barrier3A_67 = arith.constant 0 : index
    tpu.barrier barrier_id(%barrier3A_67)
    %add3A_68 = arith.constant 0 : i32
    %add3A_69 = arith.addi %arg1, %add3A_68 : i32
    %lt3A_70 = arith.constant 125 : i32
    %lt3A_71 = arith.cmpi slt, %add3A_69, %lt3A_70 : i32
    %eq3A = arith.constant 0 : i32
    %eq3A_72 = arith.cmpi eq, %arg0, %eq3A : i32
    %and3A = arith.andi %lt3A_71, %eq3A_72 : i1
    %convert_element_type3A_73 = arith.extui %and3A : i1 to i32
    %cond3A_74 = arith.constant 0 : i32
    %cond3A_75 = arith.cmpi ne, %convert_element_type3A_73, %cond3A_74 : i32
    scf.if %cond3A_75 {
      %mul3A_210 = arith.constant 80 : i32
      %mul3A_211 = arith.muli %add3A_69, %mul3A_210 : i32
      %mul3A_212 = arith.constant 80 : i32
      %mul3A_213 = arith.muli %add3A_69, %mul3A_212 : i32
      "tpu.region"() ({
        %run_scoped3A = tpu.sem_alloc : memref<!tpu.dma_semaphore, #tpu.memory_space<semaphore_mem>>
        %dma_start3A = arith.constant 0 : i32
        %dma_start3A_214 = tpu.memref_slice %arg5[%mul3A_213, %dma_start3A] : memref<10000x128xf32, #tpu.memory_space<hbm>> -> memref<80x128xf32, #tpu.memory_space<hbm>>
        %dma_start3A_215 = arith.constant 0 : i32
        %dma_start3A_216 = tpu.memref_slice %arg10[%mul3A_211, %dma_start3A_215] : memref<10000x128xf32, #tpu.memory_space<vmem_shared>> -> memref<80x128xf32, #tpu.memory_space<vmem_shared>>
        tpu.enqueue_dma source(%dma_start3A_216 : memref<80x128xf32, #tpu.memory_space<vmem_shared>>) target(%dma_start3A_214 : memref<80x128xf32, #tpu.memory_space<hbm>>) target_semaphore(%run_scoped3A : memref<!tpu.dma_semaphore, #tpu.memory_space<semaphore_mem>>)
        %dma_wait3A = arith.constant 0 : i32
        %dma_wait3A_217 = tpu.memref_slice %arg5[%mul3A_213, %dma_wait3A] : memref<10000x128xf32, #tpu.memory_space<hbm>> -> memref<80x128xf32, #tpu.memory_space<hbm>>
        %dma_wait3A_218 = arith.constant 0 : i32
        %dma_wait3A_219 = tpu.memref_slice %arg10[%mul3A_211, %dma_wait3A_218] : memref<10000x128xf32, #tpu.memory_space<vmem_shared>> -> memref<80x128xf32, #tpu.memory_space<vmem_shared>>
        tpu.wait_dma2 semaphore(%run_scoped3A : memref<!tpu.dma_semaphore, #tpu.memory_space<semaphore_mem>>) src(%dma_wait3A_219 : memref<80x128xf32, #tpu.memory_space<vmem_shared>>) dst(%dma_wait3A_217 : memref<80x128xf32, #tpu.memory_space<hbm>>)
        tpu.yield
      }) : () -> ()
    } else {
    }
    %lt3A_76 = arith.constant 125 : i32
    %lt3A_77 = arith.cmpi slt, %add3A_69, %lt3A_76 : i32
    %eq3A_78 = arith.constant 1 : i32
    %eq3A_79 = arith.cmpi eq, %arg0, %eq3A_78 : i32
    %and3A_80 = arith.andi %lt3A_77, %eq3A_79 : i1
    %convert_element_type3A_81 = arith.extui %and3A_80 : i1 to i32
    %cond3A_82 = arith.constant 0 : i32
    %cond3A_83 = arith.cmpi ne, %convert_element_type3A_81, %cond3A_82 : i32
    scf.if %cond3A_83 {
      %mul3A_210 = arith.constant 80 : i32
      %mul3A_211 = arith.muli %add3A_69, %mul3A_210 : i32
      %mul3A_212 = arith.constant 80 : i32
      %mul3A_213 = arith.muli %add3A_69, %mul3A_212 : i32
      "tpu.region"() ({
        %run_scoped3A = tpu.sem_alloc : memref<!tpu.dma_semaphore, #tpu.memory_space<semaphore_mem>>
        %dma_start3A = arith.constant 0 : i32
        %dma_start3A_214 = tpu.memref_slice %arg6[%mul3A_213, %dma_start3A] : memref<10000x128xf32, #tpu.memory_space<hbm>> -> memref<80x128xf32, #tpu.memory_space<hbm>>
        %dma_start3A_215 = arith.constant 0 : i32
        %dma_start3A_216 = tpu.memref_slice %arg10[%mul3A_211, %dma_start3A_215] : memref<10000x128xf32, #tpu.memory_space<vmem_shared>> -> memref<80x128xf32, #tpu.memory_space<vmem_shared>>
        tpu.enqueue_dma source(%dma_start3A_216 : memref<80x128xf32, #tpu.memory_space<vmem_shared>>) target(%dma_start3A_214 : memref<80x128xf32, #tpu.memory_space<hbm>>) target_semaphore(%run_scoped3A : memref<!tpu.dma_semaphore, #tpu.memory_space<semaphore_mem>>)
        %dma_wait3A = arith.constant 0 : i32
        %dma_wait3A_217 = tpu.memref_slice %arg6[%mul3A_213, %dma_wait3A] : memref<10000x128xf32, #tpu.memory_space<hbm>> -> memref<80x128xf32, #tpu.memory_space<hbm>>
        %dma_wait3A_218 = arith.constant 0 : i32
        %dma_wait3A_219 = tpu.memref_slice %arg10[%mul3A_211, %dma_wait3A_218] : memref<10000x128xf32, #tpu.memory_space<vmem_shared>> -> memref<80x128xf32, #tpu.memory_space<vmem_shared>>
        tpu.wait_dma2 semaphore(%run_scoped3A : memref<!tpu.dma_semaphore, #tpu.memory_space<semaphore_mem>>) src(%dma_wait3A_219 : memref<80x128xf32, #tpu.memory_space<vmem_shared>>) dst(%dma_wait3A_217 : memref<80x128xf32, #tpu.memory_space<hbm>>)
        tpu.yield
      }) : () -> ()
    } else {
    }
    %add3A_84 = arith.constant 16 : i32
    %add3A_85 = arith.addi %arg1, %add3A_84 : i32
    %lt3A_86 = arith.constant 125 : i32
    %lt3A_87 = arith.cmpi slt, %add3A_85, %lt3A_86 : i32
    %eq3A_88 = arith.constant 0 : i32
    %eq3A_89 = arith.cmpi eq, %arg0, %eq3A_88 : i32
    %and3A_90 = arith.andi %lt3A_87, %eq3A_89 : i1
    %convert_element_type3A_91 = arith.extui %and3A_90 : i1 to i32
    %cond3A_92 = arith.constant 0 : i32
    %cond3A_93 = arith.cmpi ne, %convert_element_type3A_91, %cond3A_92 : i32
    scf.if %cond3A_93 {
      %mul3A_210 = arith.constant 80 : i32
      %mul3A_211 = arith.muli %add3A_85, %mul3A_210 : i32
      %mul3A_212 = arith.constant 80 : i32
      %mul3A_213 = arith.muli %add3A_85, %mul3A_212 : i32
      "tpu.region"() ({
        %run_scoped3A = tpu.sem_alloc : memref<!tpu.dma_semaphore, #tpu.memory_space<semaphore_mem>>
        %dma_start3A = arith.constant 0 : i32
        %dma_start3A_214 = tpu.memref_slice %arg5[%mul3A_213, %dma_start3A] : memref<10000x128xf32, #tpu.memory_space<hbm>> -> memref<80x128xf32, #tpu.memory_space<hbm>>
        %dma_start3A_215 = arith.constant 0 : i32
        %dma_start3A_216 = tpu.memref_slice %arg10[%mul3A_211, %dma_start3A_215] : memref<10000x128xf32, #tpu.memory_space<vmem_shared>> -> memref<80x128xf32, #tpu.memory_space<vmem_shared>>
        tpu.enqueue_dma source(%dma_start3A_216 : memref<80x128xf32, #tpu.memory_space<vmem_shared>>) target(%dma_start3A_214 : memref<80x128xf32, #tpu.memory_space<hbm>>) target_semaphore(%run_scoped3A : memref<!tpu.dma_semaphore, #tpu.memory_space<semaphore_mem>>)
        %dma_wait3A = arith.constant 0 : i32
        %dma_wait3A_217 = tpu.memref_slice %arg5[%mul3A_213, %dma_wait3A] : memref<10000x128xf32, #tpu.memory_space<hbm>> -> memref<80x128xf32, #tpu.memory_space<hbm>>
        %dma_wait3A_218 = arith.constant 0 : i32
        %dma_wait3A_219 = tpu.memref_slice %arg10[%mul3A_211, %dma_wait3A_218] : memref<10000x128xf32, #tpu.memory_space<vmem_shared>> -> memref<80x128xf32, #tpu.memory_space<vmem_shared>>
        tpu.wait_dma2 semaphore(%run_scoped3A : memref<!tpu.dma_semaphore, #tpu.memory_space<semaphore_mem>>) src(%dma_wait3A_219 : memref<80x128xf32, #tpu.memory_space<vmem_shared>>) dst(%dma_wait3A_217 : memref<80x128xf32, #tpu.memory_space<hbm>>)
        tpu.yield
      }) : () -> ()
    } else {
    }
    %lt3A_94 = arith.constant 125 : i32
    %lt3A_95 = arith.cmpi slt, %add3A_85, %lt3A_94 : i32
    %eq3A_96 = arith.constant 1 : i32
    %eq3A_97 = arith.cmpi eq, %arg0, %eq3A_96 : i32
    %and3A_98 = arith.andi %lt3A_95, %eq3A_97 : i1
    %convert_element_type3A_99 = arith.extui %and3A_98 : i1 to i32
    %cond3A_100 = arith.constant 0 : i32
    %cond3A_101 = arith.cmpi ne, %convert_element_type3A_99, %cond3A_100 : i32
    scf.if %cond3A_101 {
      %mul3A_210 = arith.constant 80 : i32
      %mul3A_211 = arith.muli %add3A_85, %mul3A_210 : i32
      %mul3A_212 = arith.constant 80 : i32
      %mul3A_213 = arith.muli %add3A_85, %mul3A_212 : i32
      "tpu.region"() ({
        %run_scoped3A = tpu.sem_alloc : memref<!tpu.dma_semaphore, #tpu.memory_space<semaphore_mem>>
        %dma_start3A = arith.constant 0 : i32
        %dma_start3A_214 = tpu.memref_slice %arg6[%mul3A_213, %dma_start3A] : memref<10000x128xf32, #tpu.memory_space<hbm>> -> memref<80x128xf32, #tpu.memory_space<hbm>>
        %dma_start3A_215 = arith.constant 0 : i32
        %dma_start3A_216 = tpu.memref_slice %arg10[%mul3A_211, %dma_start3A_215] : memref<10000x128xf32, #tpu.memory_space<vmem_shared>> -> memref<80x128xf32, #tpu.memory_space<vmem_shared>>
        tpu.enqueue_dma source(%dma_start3A_216 : memref<80x128xf32, #tpu.memory_space<vmem_shared>>) target(%dma_start3A_214 : memref<80x128xf32, #tpu.memory_space<hbm>>) target_semaphore(%run_scoped3A : memref<!tpu.dma_semaphore, #tpu.memory_space<semaphore_mem>>)
        %dma_wait3A = arith.constant 0 : i32
        %dma_wait3A_217 = tpu.memref_slice %arg6[%mul3A_213, %dma_wait3A] : memref<10000x128xf32, #tpu.memory_space<hbm>> -> memref<80x128xf32, #tpu.memory_space<hbm>>
        %dma_wait3A_218 = arith.constant 0 : i32
        %dma_wait3A_219 = tpu.memref_slice %arg10[%mul3A_211, %dma_wait3A_218] : memref<10000x128xf32, #tpu.memory_space<vmem_shared>> -> memref<80x128xf32, #tpu.memory_space<vmem_shared>>
        tpu.wait_dma2 semaphore(%run_scoped3A : memref<!tpu.dma_semaphore, #tpu.memory_space<semaphore_mem>>) src(%dma_wait3A_219 : memref<80x128xf32, #tpu.memory_space<vmem_shared>>) dst(%dma_wait3A_217 : memref<80x128xf32, #tpu.memory_space<hbm>>)
        tpu.yield
      }) : () -> ()
    } else {
    }
    %add3A_102 = arith.constant 32 : i32
    %add3A_103 = arith.addi %arg1, %add3A_102 : i32
    %lt3A_104 = arith.constant 125 : i32
    %lt3A_105 = arith.cmpi slt, %add3A_103, %lt3A_104 : i32
    %eq3A_106 = arith.constant 0 : i32
    %eq3A_107 = arith.cmpi eq, %arg0, %eq3A_106 : i32
    %and3A_108 = arith.andi %lt3A_105, %eq3A_107 : i1
    %convert_element_type3A_109 = arith.extui %and3A_108 : i1 to i32
    %cond3A_110 = arith.constant 0 : i32
    %cond3A_111 = arith.cmpi ne, %convert_element_type3A_109, %cond3A_110 : i32
    scf.if %cond3A_111 {
      %mul3A_210 = arith.constant 80 : i32
      %mul3A_211 = arith.muli %add3A_103, %mul3A_210 : i32
      %mul3A_212 = arith.constant 80 : i32
      %mul3A_213 = arith.muli %add3A_103, %mul3A_212 : i32
      "tpu.region"() ({
        %run_scoped3A = tpu.sem_alloc : memref<!tpu.dma_semaphore, #tpu.memory_space<semaphore_mem>>
        %dma_start3A = arith.constant 0 : i32
        %dma_start3A_214 = tpu.memref_slice %arg5[%mul3A_213, %dma_start3A] : memref<10000x128xf32, #tpu.memory_space<hbm>> -> memref<80x128xf32, #tpu.memory_space<hbm>>
        %dma_start3A_215 = arith.constant 0 : i32
        %dma_start3A_216 = tpu.memref_slice %arg10[%mul3A_211, %dma_start3A_215] : memref<10000x128xf32, #tpu.memory_space<vmem_shared>> -> memref<80x128xf32, #tpu.memory_space<vmem_shared>>
        tpu.enqueue_dma source(%dma_start3A_216 : memref<80x128xf32, #tpu.memory_space<vmem_shared>>) target(%dma_start3A_214 : memref<80x128xf32, #tpu.memory_space<hbm>>) target_semaphore(%run_scoped3A : memref<!tpu.dma_semaphore, #tpu.memory_space<semaphore_mem>>)
        %dma_wait3A = arith.constant 0 : i32
        %dma_wait3A_217 = tpu.memref_slice %arg5[%mul3A_213, %dma_wait3A] : memref<10000x128xf32, #tpu.memory_space<hbm>> -> memref<80x128xf32, #tpu.memory_space<hbm>>
        %dma_wait3A_218 = arith.constant 0 : i32
        %dma_wait3A_219 = tpu.memref_slice %arg10[%mul3A_211, %dma_wait3A_218] : memref<10000x128xf32, #tpu.memory_space<vmem_shared>> -> memref<80x128xf32, #tpu.memory_space<vmem_shared>>
        tpu.wait_dma2 semaphore(%run_scoped3A : memref<!tpu.dma_semaphore, #tpu.memory_space<semaphore_mem>>) src(%dma_wait3A_219 : memref<80x128xf32, #tpu.memory_space<vmem_shared>>) dst(%dma_wait3A_217 : memref<80x128xf32, #tpu.memory_space<hbm>>)
        tpu.yield
      }) : () -> ()
    } else {
    }
    %lt3A_112 = arith.constant 125 : i32
    %lt3A_113 = arith.cmpi slt, %add3A_103, %lt3A_112 : i32
    %eq3A_114 = arith.constant 1 : i32
    %eq3A_115 = arith.cmpi eq, %arg0, %eq3A_114 : i32
    %and3A_116 = arith.andi %lt3A_113, %eq3A_115 : i1
    %convert_element_type3A_117 = arith.extui %and3A_116 : i1 to i32
    %cond3A_118 = arith.constant 0 : i32
    %cond3A_119 = arith.cmpi ne, %convert_element_type3A_117, %cond3A_118 : i32
    scf.if %cond3A_119 {
      %mul3A_210 = arith.constant 80 : i32
      %mul3A_211 = arith.muli %add3A_103, %mul3A_210 : i32
      %mul3A_212 = arith.constant 80 : i32
      %mul3A_213 = arith.muli %add3A_103, %mul3A_212 : i32
      "tpu.region"() ({
        %run_scoped3A = tpu.sem_alloc : memref<!tpu.dma_semaphore, #tpu.memory_space<semaphore_mem>>
        %dma_start3A = arith.constant 0 : i32
        %dma_start3A_214 = tpu.memref_slice %arg6[%mul3A_213, %dma_start3A] : memref<10000x128xf32, #tpu.memory_space<hbm>> -> memref<80x128xf32, #tpu.memory_space<hbm>>
        %dma_start3A_215 = arith.constant 0 : i32
        %dma_start3A_216 = tpu.memref_slice %arg10[%mul3A_211, %dma_start3A_215] : memref<10000x128xf32, #tpu.memory_space<vmem_shared>> -> memref<80x128xf32, #tpu.memory_space<vmem_shared>>
        tpu.enqueue_dma source(%dma_start3A_216 : memref<80x128xf32, #tpu.memory_space<vmem_shared>>) target(%dma_start3A_214 : memref<80x128xf32, #tpu.memory_space<hbm>>) target_semaphore(%run_scoped3A : memref<!tpu.dma_semaphore, #tpu.memory_space<semaphore_mem>>)
        %dma_wait3A = arith.constant 0 : i32
        %dma_wait3A_217 = tpu.memref_slice %arg6[%mul3A_213, %dma_wait3A] : memref<10000x128xf32, #tpu.memory_space<hbm>> -> memref<80x128xf32, #tpu.memory_space<hbm>>
        %dma_wait3A_218 = arith.constant 0 : i32
        %dma_wait3A_219 = tpu.memref_slice %arg10[%mul3A_211, %dma_wait3A_218] : memref<10000x128xf32, #tpu.memory_space<vmem_shared>> -> memref<80x128xf32, #tpu.memory_space<vmem_shared>>
        tpu.wait_dma2 semaphore(%run_scoped3A : memref<!tpu.dma_semaphore, #tpu.memory_space<semaphore_mem>>) src(%dma_wait3A_219 : memref<80x128xf32, #tpu.memory_space<vmem_shared>>) dst(%dma_wait3A_217 : memref<80x128xf32, #tpu.memory_space<hbm>>)
        tpu.yield
      }) : () -> ()
    } else {
    }
    %add3A_120 = arith.constant 48 : i32
    %add3A_121 = arith.addi %arg1, %add3A_120 : i32
    %lt3A_122 = arith.constant 125 : i32
    %lt3A_123 = arith.cmpi slt, %add3A_121, %lt3A_122 : i32
    %eq3A_124 = arith.constant 0 : i32
    %eq3A_125 = arith.cmpi eq, %arg0, %eq3A_124 : i32
    %and3A_126 = arith.andi %lt3A_123, %eq3A_125 : i1
    %convert_element_type3A_127 = arith.extui %and3A_126 : i1 to i32
    %cond3A_128 = arith.constant 0 : i32
    %cond3A_129 = arith.cmpi ne, %convert_element_type3A_127, %cond3A_128 : i32
    scf.if %cond3A_129 {
      %mul3A_210 = arith.constant 80 : i32
      %mul3A_211 = arith.muli %add3A_121, %mul3A_210 : i32
      %mul3A_212 = arith.constant 80 : i32
      %mul3A_213 = arith.muli %add3A_121, %mul3A_212 : i32
      "tpu.region"() ({
        %run_scoped3A = tpu.sem_alloc : memref<!tpu.dma_semaphore, #tpu.memory_space<semaphore_mem>>
        %dma_start3A = arith.constant 0 : i32
        %dma_start3A_214 = tpu.memref_slice %arg5[%mul3A_213, %dma_start3A] : memref<10000x128xf32, #tpu.memory_space<hbm>> -> memref<80x128xf32, #tpu.memory_space<hbm>>
        %dma_start3A_215 = arith.constant 0 : i32
        %dma_start3A_216 = tpu.memref_slice %arg10[%mul3A_211, %dma_start3A_215] : memref<10000x128xf32, #tpu.memory_space<vmem_shared>> -> memref<80x128xf32, #tpu.memory_space<vmem_shared>>
        tpu.enqueue_dma source(%dma_start3A_216 : memref<80x128xf32, #tpu.memory_space<vmem_shared>>) target(%dma_start3A_214 : memref<80x128xf32, #tpu.memory_space<hbm>>) target_semaphore(%run_scoped3A : memref<!tpu.dma_semaphore, #tpu.memory_space<semaphore_mem>>)
        %dma_wait3A = arith.constant 0 : i32
        %dma_wait3A_217 = tpu.memref_slice %arg5[%mul3A_213, %dma_wait3A] : memref<10000x128xf32, #tpu.memory_space<hbm>> -> memref<80x128xf32, #tpu.memory_space<hbm>>
        %dma_wait3A_218 = arith.constant 0 : i32
        %dma_wait3A_219 = tpu.memref_slice %arg10[%mul3A_211, %dma_wait3A_218] : memref<10000x128xf32, #tpu.memory_space<vmem_shared>> -> memref<80x128xf32, #tpu.memory_space<vmem_shared>>
        tpu.wait_dma2 semaphore(%run_scoped3A : memref<!tpu.dma_semaphore, #tpu.memory_space<semaphore_mem>>) src(%dma_wait3A_219 : memref<80x128xf32, #tpu.memory_space<vmem_shared>>) dst(%dma_wait3A_217 : memref<80x128xf32, #tpu.memory_space<hbm>>)
        tpu.yield
      }) : () -> ()
    } else {
    }
    %lt3A_130 = arith.constant 125 : i32
    %lt3A_131 = arith.cmpi slt, %add3A_121, %lt3A_130 : i32
    %eq3A_132 = arith.constant 1 : i32
    %eq3A_133 = arith.cmpi eq, %arg0, %eq3A_132 : i32
    %and3A_134 = arith.andi %lt3A_131, %eq3A_133 : i1
    %convert_element_type3A_135 = arith.extui %and3A_134 : i1 to i32
    %cond3A_136 = arith.constant 0 : i32
    %cond3A_137 = arith.cmpi ne, %convert_element_type3A_135, %cond3A_136 : i32
    scf.if %cond3A_137 {
      %mul3A_210 = arith.constant 80 : i32
      %mul3A_211 = arith.muli %add3A_121, %mul3A_210 : i32
      %mul3A_212 = arith.constant 80 : i32
      %mul3A_213 = arith.muli %add3A_121, %mul3A_212 : i32
      "tpu.region"() ({
        %run_scoped3A = tpu.sem_alloc : memref<!tpu.dma_semaphore, #tpu.memory_space<semaphore_mem>>
        %dma_start3A = arith.constant 0 : i32
        %dma_start3A_214 = tpu.memref_slice %arg6[%mul3A_213, %dma_start3A] : memref<10000x128xf32, #tpu.memory_space<hbm>> -> memref<80x128xf32, #tpu.memory_space<hbm>>
        %dma_start3A_215 = arith.constant 0 : i32
        %dma_start3A_216 = tpu.memref_slice %arg10[%mul3A_211, %dma_start3A_215] : memref<10000x128xf32, #tpu.memory_space<vmem_shared>> -> memref<80x128xf32, #tpu.memory_space<vmem_shared>>
        tpu.enqueue_dma source(%dma_start3A_216 : memref<80x128xf32, #tpu.memory_space<vmem_shared>>) target(%dma_start3A_214 : memref<80x128xf32, #tpu.memory_space<hbm>>) target_semaphore(%run_scoped3A : memref<!tpu.dma_semaphore, #tpu.memory_space<semaphore_mem>>)
        %dma_wait3A = arith.constant 0 : i32
        %dma_wait3A_217 = tpu.memref_slice %arg6[%mul3A_213, %dma_wait3A] : memref<10000x128xf32, #tpu.memory_space<hbm>> -> memref<80x128xf32, #tpu.memory_space<hbm>>
        %dma_wait3A_218 = arith.constant 0 : i32
        %dma_wait3A_219 = tpu.memref_slice %arg10[%mul3A_211, %dma_wait3A_218] : memref<10000x128xf32, #tpu.memory_space<vmem_shared>> -> memref<80x128xf32, #tpu.memory_space<vmem_shared>>
        tpu.wait_dma2 semaphore(%run_scoped3A : memref<!tpu.dma_semaphore, #tpu.memory_space<semaphore_mem>>) src(%dma_wait3A_219 : memref<80x128xf32, #tpu.memory_space<vmem_shared>>) dst(%dma_wait3A_217 : memref<80x128xf32, #tpu.memory_space<hbm>>)
        tpu.yield
      }) : () -> ()
    } else {
    }
    %add3A_138 = arith.constant 64 : i32
    %add3A_139 = arith.addi %arg1, %add3A_138 : i32
    %lt3A_140 = arith.constant 125 : i32
    %lt3A_141 = arith.cmpi slt, %add3A_139, %lt3A_140 : i32
    %eq3A_142 = arith.constant 0 : i32
    %eq3A_143 = arith.cmpi eq, %arg0, %eq3A_142 : i32
    %and3A_144 = arith.andi %lt3A_141, %eq3A_143 : i1
    %convert_element_type3A_145 = arith.extui %and3A_144 : i1 to i32
    %cond3A_146 = arith.constant 0 : i32
    %cond3A_147 = arith.cmpi ne, %convert_element_type3A_145, %cond3A_146 : i32
    scf.if %cond3A_147 {
      %mul3A_210 = arith.constant 80 : i32
      %mul3A_211 = arith.muli %add3A_139, %mul3A_210 : i32
      %mul3A_212 = arith.constant 80 : i32
      %mul3A_213 = arith.muli %add3A_139, %mul3A_212 : i32
      "tpu.region"() ({
        %run_scoped3A = tpu.sem_alloc : memref<!tpu.dma_semaphore, #tpu.memory_space<semaphore_mem>>
        %dma_start3A = arith.constant 0 : i32
        %dma_start3A_214 = tpu.memref_slice %arg5[%mul3A_213, %dma_start3A] : memref<10000x128xf32, #tpu.memory_space<hbm>> -> memref<80x128xf32, #tpu.memory_space<hbm>>
        %dma_start3A_215 = arith.constant 0 : i32
        %dma_start3A_216 = tpu.memref_slice %arg10[%mul3A_211, %dma_start3A_215] : memref<10000x128xf32, #tpu.memory_space<vmem_shared>> -> memref<80x128xf32, #tpu.memory_space<vmem_shared>>
        tpu.enqueue_dma source(%dma_start3A_216 : memref<80x128xf32, #tpu.memory_space<vmem_shared>>) target(%dma_start3A_214 : memref<80x128xf32, #tpu.memory_space<hbm>>) target_semaphore(%run_scoped3A : memref<!tpu.dma_semaphore, #tpu.memory_space<semaphore_mem>>)
        %dma_wait3A = arith.constant 0 : i32
        %dma_wait3A_217 = tpu.memref_slice %arg5[%mul3A_213, %dma_wait3A] : memref<10000x128xf32, #tpu.memory_space<hbm>> -> memref<80x128xf32, #tpu.memory_space<hbm>>
        %dma_wait3A_218 = arith.constant 0 : i32
        %dma_wait3A_219 = tpu.memref_slice %arg10[%mul3A_211, %dma_wait3A_218] : memref<10000x128xf32, #tpu.memory_space<vmem_shared>> -> memref<80x128xf32, #tpu.memory_space<vmem_shared>>
        tpu.wait_dma2 semaphore(%run_scoped3A : memref<!tpu.dma_semaphore, #tpu.memory_space<semaphore_mem>>) src(%dma_wait3A_219 : memref<80x128xf32, #tpu.memory_space<vmem_shared>>) dst(%dma_wait3A_217 : memref<80x128xf32, #tpu.memory_space<hbm>>)
        tpu.yield
      }) : () -> ()
    } else {
    }
    %lt3A_148 = arith.constant 125 : i32
    %lt3A_149 = arith.cmpi slt, %add3A_139, %lt3A_148 : i32
    %eq3A_150 = arith.constant 1 : i32
    %eq3A_151 = arith.cmpi eq, %arg0, %eq3A_150 : i32
    %and3A_152 = arith.andi %lt3A_149, %eq3A_151 : i1
    %convert_element_type3A_153 = arith.extui %and3A_152 : i1 to i32
    %cond3A_154 = arith.constant 0 : i32
    %cond3A_155 = arith.cmpi ne, %convert_element_type3A_153, %cond3A_154 : i32
    scf.if %cond3A_155 {
      %mul3A_210 = arith.constant 80 : i32
      %mul3A_211 = arith.muli %add3A_139, %mul3A_210 : i32
      %mul3A_212 = arith.constant 80 : i32
      %mul3A_213 = arith.muli %add3A_139, %mul3A_212 : i32
      "tpu.region"() ({
        %run_scoped3A = tpu.sem_alloc : memref<!tpu.dma_semaphore, #tpu.memory_space<semaphore_mem>>
        %dma_start3A = arith.constant 0 : i32
        %dma_start3A_214 = tpu.memref_slice %arg6[%mul3A_213, %dma_start3A] : memref<10000x128xf32, #tpu.memory_space<hbm>> -> memref<80x128xf32, #tpu.memory_space<hbm>>
        %dma_start3A_215 = arith.constant 0 : i32
        %dma_start3A_216 = tpu.memref_slice %arg10[%mul3A_211, %dma_start3A_215] : memref<10000x128xf32, #tpu.memory_space<vmem_shared>> -> memref<80x128xf32, #tpu.memory_space<vmem_shared>>
        tpu.enqueue_dma source(%dma_start3A_216 : memref<80x128xf32, #tpu.memory_space<vmem_shared>>) target(%dma_start3A_214 : memref<80x128xf32, #tpu.memory_space<hbm>>) target_semaphore(%run_scoped3A : memref<!tpu.dma_semaphore, #tpu.memory_space<semaphore_mem>>)
        %dma_wait3A = arith.constant 0 : i32
        %dma_wait3A_217 = tpu.memref_slice %arg6[%mul3A_213, %dma_wait3A] : memref<10000x128xf32, #tpu.memory_space<hbm>> -> memref<80x128xf32, #tpu.memory_space<hbm>>
        %dma_wait3A_218 = arith.constant 0 : i32
        %dma_wait3A_219 = tpu.memref_slice %arg10[%mul3A_211, %dma_wait3A_218] : memref<10000x128xf32, #tpu.memory_space<vmem_shared>> -> memref<80x128xf32, #tpu.memory_space<vmem_shared>>
        tpu.wait_dma2 semaphore(%run_scoped3A : memref<!tpu.dma_semaphore, #tpu.memory_space<semaphore_mem>>) src(%dma_wait3A_219 : memref<80x128xf32, #tpu.memory_space<vmem_shared>>) dst(%dma_wait3A_217 : memref<80x128xf32, #tpu.memory_space<hbm>>)
        tpu.yield
      }) : () -> ()
    } else {
    }
    %add3A_156 = arith.constant 80 : i32
    %add3A_157 = arith.addi %arg1, %add3A_156 : i32
    %lt3A_158 = arith.constant 125 : i32
    %lt3A_159 = arith.cmpi slt, %add3A_157, %lt3A_158 : i32
    %eq3A_160 = arith.constant 0 : i32
    %eq3A_161 = arith.cmpi eq, %arg0, %eq3A_160 : i32
    %and3A_162 = arith.andi %lt3A_159, %eq3A_161 : i1
    %convert_element_type3A_163 = arith.extui %and3A_162 : i1 to i32
    %cond3A_164 = arith.constant 0 : i32
    %cond3A_165 = arith.cmpi ne, %convert_element_type3A_163, %cond3A_164 : i32
    scf.if %cond3A_165 {
      %mul3A_210 = arith.constant 80 : i32
      %mul3A_211 = arith.muli %add3A_157, %mul3A_210 : i32
      %mul3A_212 = arith.constant 80 : i32
      %mul3A_213 = arith.muli %add3A_157, %mul3A_212 : i32
      "tpu.region"() ({
        %run_scoped3A = tpu.sem_alloc : memref<!tpu.dma_semaphore, #tpu.memory_space<semaphore_mem>>
        %dma_start3A = arith.constant 0 : i32
        %dma_start3A_214 = tpu.memref_slice %arg5[%mul3A_213, %dma_start3A] : memref<10000x128xf32, #tpu.memory_space<hbm>> -> memref<80x128xf32, #tpu.memory_space<hbm>>
        %dma_start3A_215 = arith.constant 0 : i32
        %dma_start3A_216 = tpu.memref_slice %arg10[%mul3A_211, %dma_start3A_215] : memref<10000x128xf32, #tpu.memory_space<vmem_shared>> -> memref<80x128xf32, #tpu.memory_space<vmem_shared>>
        tpu.enqueue_dma source(%dma_start3A_216 : memref<80x128xf32, #tpu.memory_space<vmem_shared>>) target(%dma_start3A_214 : memref<80x128xf32, #tpu.memory_space<hbm>>) target_semaphore(%run_scoped3A : memref<!tpu.dma_semaphore, #tpu.memory_space<semaphore_mem>>)
        %dma_wait3A = arith.constant 0 : i32
        %dma_wait3A_217 = tpu.memref_slice %arg5[%mul3A_213, %dma_wait3A] : memref<10000x128xf32, #tpu.memory_space<hbm>> -> memref<80x128xf32, #tpu.memory_space<hbm>>
        %dma_wait3A_218 = arith.constant 0 : i32
        %dma_wait3A_219 = tpu.memref_slice %arg10[%mul3A_211, %dma_wait3A_218] : memref<10000x128xf32, #tpu.memory_space<vmem_shared>> -> memref<80x128xf32, #tpu.memory_space<vmem_shared>>
        tpu.wait_dma2 semaphore(%run_scoped3A : memref<!tpu.dma_semaphore, #tpu.memory_space<semaphore_mem>>) src(%dma_wait3A_219 : memref<80x128xf32, #tpu.memory_space<vmem_shared>>) dst(%dma_wait3A_217 : memref<80x128xf32, #tpu.memory_space<hbm>>)
        tpu.yield
      }) : () -> ()
    } else {
    }
    %lt3A_166 = arith.constant 125 : i32
    %lt3A_167 = arith.cmpi slt, %add3A_157, %lt3A_166 : i32
    %eq3A_168 = arith.constant 1 : i32
    %eq3A_169 = arith.cmpi eq, %arg0, %eq3A_168 : i32
    %and3A_170 = arith.andi %lt3A_167, %eq3A_169 : i1
    %convert_element_type3A_171 = arith.extui %and3A_170 : i1 to i32
    %cond3A_172 = arith.constant 0 : i32
    %cond3A_173 = arith.cmpi ne, %convert_element_type3A_171, %cond3A_172 : i32
    scf.if %cond3A_173 {
      %mul3A_210 = arith.constant 80 : i32
      %mul3A_211 = arith.muli %add3A_157, %mul3A_210 : i32
      %mul3A_212 = arith.constant 80 : i32
      %mul3A_213 = arith.muli %add3A_157, %mul3A_212 : i32
      "tpu.region"() ({
        %run_scoped3A = tpu.sem_alloc : memref<!tpu.dma_semaphore, #tpu.memory_space<semaphore_mem>>
        %dma_start3A = arith.constant 0 : i32
        %dma_start3A_214 = tpu.memref_slice %arg6[%mul3A_213, %dma_start3A] : memref<10000x128xf32, #tpu.memory_space<hbm>> -> memref<80x128xf32, #tpu.memory_space<hbm>>
        %dma_start3A_215 = arith.constant 0 : i32
        %dma_start3A_216 = tpu.memref_slice %arg10[%mul3A_211, %dma_start3A_215] : memref<10000x128xf32, #tpu.memory_space<vmem_shared>> -> memref<80x128xf32, #tpu.memory_space<vmem_shared>>
        tpu.enqueue_dma source(%dma_start3A_216 : memref<80x128xf32, #tpu.memory_space<vmem_shared>>) target(%dma_start3A_214 : memref<80x128xf32, #tpu.memory_space<hbm>>) target_semaphore(%run_scoped3A : memref<!tpu.dma_semaphore, #tpu.memory_space<semaphore_mem>>)
        %dma_wait3A = arith.constant 0 : i32
        %dma_wait3A_217 = tpu.memref_slice %arg6[%mul3A_213, %dma_wait3A] : memref<10000x128xf32, #tpu.memory_space<hbm>> -> memref<80x128xf32, #tpu.memory_space<hbm>>
        %dma_wait3A_218 = arith.constant 0 : i32
        %dma_wait3A_219 = tpu.memref_slice %arg10[%mul3A_211, %dma_wait3A_218] : memref<10000x128xf32, #tpu.memory_space<vmem_shared>> -> memref<80x128xf32, #tpu.memory_space<vmem_shared>>
        tpu.wait_dma2 semaphore(%run_scoped3A : memref<!tpu.dma_semaphore, #tpu.memory_space<semaphore_mem>>) src(%dma_wait3A_219 : memref<80x128xf32, #tpu.memory_space<vmem_shared>>) dst(%dma_wait3A_217 : memref<80x128xf32, #tpu.memory_space<hbm>>)
        tpu.yield
      }) : () -> ()
    } else {
    }
    %add3A_174 = arith.constant 96 : i32
    %add3A_175 = arith.addi %arg1, %add3A_174 : i32
    %lt3A_176 = arith.constant 125 : i32
    %lt3A_177 = arith.cmpi slt, %add3A_175, %lt3A_176 : i32
    %eq3A_178 = arith.constant 0 : i32
    %eq3A_179 = arith.cmpi eq, %arg0, %eq3A_178 : i32
    %and3A_180 = arith.andi %lt3A_177, %eq3A_179 : i1
    %convert_element_type3A_181 = arith.extui %and3A_180 : i1 to i32
    %cond3A_182 = arith.constant 0 : i32
    %cond3A_183 = arith.cmpi ne, %convert_element_type3A_181, %cond3A_182 : i32
    scf.if %cond3A_183 {
      %mul3A_210 = arith.constant 80 : i32
      %mul3A_211 = arith.muli %add3A_175, %mul3A_210 : i32
      %mul3A_212 = arith.constant 80 : i32
      %mul3A_213 = arith.muli %add3A_175, %mul3A_212 : i32
      "tpu.region"() ({
        %run_scoped3A = tpu.sem_alloc : memref<!tpu.dma_semaphore, #tpu.memory_space<semaphore_mem>>
        %dma_start3A = arith.constant 0 : i32
        %dma_start3A_214 = tpu.memref_slice %arg5[%mul3A_213, %dma_start3A] : memref<10000x128xf32, #tpu.memory_space<hbm>> -> memref<80x128xf32, #tpu.memory_space<hbm>>
        %dma_start3A_215 = arith.constant 0 : i32
        %dma_start3A_216 = tpu.memref_slice %arg10[%mul3A_211, %dma_start3A_215] : memref<10000x128xf32, #tpu.memory_space<vmem_shared>> -> memref<80x128xf32, #tpu.memory_space<vmem_shared>>
        tpu.enqueue_dma source(%dma_start3A_216 : memref<80x128xf32, #tpu.memory_space<vmem_shared>>) target(%dma_start3A_214 : memref<80x128xf32, #tpu.memory_space<hbm>>) target_semaphore(%run_scoped3A : memref<!tpu.dma_semaphore, #tpu.memory_space<semaphore_mem>>)
        %dma_wait3A = arith.constant 0 : i32
        %dma_wait3A_217 = tpu.memref_slice %arg5[%mul3A_213, %dma_wait3A] : memref<10000x128xf32, #tpu.memory_space<hbm>> -> memref<80x128xf32, #tpu.memory_space<hbm>>
        %dma_wait3A_218 = arith.constant 0 : i32
        %dma_wait3A_219 = tpu.memref_slice %arg10[%mul3A_211, %dma_wait3A_218] : memref<10000x128xf32, #tpu.memory_space<vmem_shared>> -> memref<80x128xf32, #tpu.memory_space<vmem_shared>>
        tpu.wait_dma2 semaphore(%run_scoped3A : memref<!tpu.dma_semaphore, #tpu.memory_space<semaphore_mem>>) src(%dma_wait3A_219 : memref<80x128xf32, #tpu.memory_space<vmem_shared>>) dst(%dma_wait3A_217 : memref<80x128xf32, #tpu.memory_space<hbm>>)
        tpu.yield
      }) : () -> ()
    } else {
    }
    %lt3A_184 = arith.constant 125 : i32
    %lt3A_185 = arith.cmpi slt, %add3A_175, %lt3A_184 : i32
    %eq3A_186 = arith.constant 1 : i32
    %eq3A_187 = arith.cmpi eq, %arg0, %eq3A_186 : i32
    %and3A_188 = arith.andi %lt3A_185, %eq3A_187 : i1
    %convert_element_type3A_189 = arith.extui %and3A_188 : i1 to i32
    %cond3A_190 = arith.constant 0 : i32
    %cond3A_191 = arith.cmpi ne, %convert_element_type3A_189, %cond3A_190 : i32
    scf.if %cond3A_191 {
      %mul3A_210 = arith.constant 80 : i32
      %mul3A_211 = arith.muli %add3A_175, %mul3A_210 : i32
      %mul3A_212 = arith.constant 80 : i32
      %mul3A_213 = arith.muli %add3A_175, %mul3A_212 : i32
      "tpu.region"() ({
        %run_scoped3A = tpu.sem_alloc : memref<!tpu.dma_semaphore, #tpu.memory_space<semaphore_mem>>
        %dma_start3A = arith.constant 0 : i32
        %dma_start3A_214 = tpu.memref_slice %arg6[%mul3A_213, %dma_start3A] : memref<10000x128xf32, #tpu.memory_space<hbm>> -> memref<80x128xf32, #tpu.memory_space<hbm>>
        %dma_start3A_215 = arith.constant 0 : i32
        %dma_start3A_216 = tpu.memref_slice %arg10[%mul3A_211, %dma_start3A_215] : memref<10000x128xf32, #tpu.memory_space<vmem_shared>> -> memref<80x128xf32, #tpu.memory_space<vmem_shared>>
        tpu.enqueue_dma source(%dma_start3A_216 : memref<80x128xf32, #tpu.memory_space<vmem_shared>>) target(%dma_start3A_214 : memref<80x128xf32, #tpu.memory_space<hbm>>) target_semaphore(%run_scoped3A : memref<!tpu.dma_semaphore, #tpu.memory_space<semaphore_mem>>)
        %dma_wait3A = arith.constant 0 : i32
        %dma_wait3A_217 = tpu.memref_slice %arg6[%mul3A_213, %dma_wait3A] : memref<10000x128xf32, #tpu.memory_space<hbm>> -> memref<80x128xf32, #tpu.memory_space<hbm>>
        %dma_wait3A_218 = arith.constant 0 : i32
        %dma_wait3A_219 = tpu.memref_slice %arg10[%mul3A_211, %dma_wait3A_218] : memref<10000x128xf32, #tpu.memory_space<vmem_shared>> -> memref<80x128xf32, #tpu.memory_space<vmem_shared>>
        tpu.wait_dma2 semaphore(%run_scoped3A : memref<!tpu.dma_semaphore, #tpu.memory_space<semaphore_mem>>) src(%dma_wait3A_219 : memref<80x128xf32, #tpu.memory_space<vmem_shared>>) dst(%dma_wait3A_217 : memref<80x128xf32, #tpu.memory_space<hbm>>)
        tpu.yield
      }) : () -> ()
    } else {
    }
    %add3A_192 = arith.constant 112 : i32
    %add3A_193 = arith.addi %arg1, %add3A_192 : i32
    %lt3A_194 = arith.constant 125 : i32
    %lt3A_195 = arith.cmpi slt, %add3A_193, %lt3A_194 : i32
    %eq3A_196 = arith.constant 0 : i32
    %eq3A_197 = arith.cmpi eq, %arg0, %eq3A_196 : i32
    %and3A_198 = arith.andi %lt3A_195, %eq3A_197 : i1
    %convert_element_type3A_199 = arith.extui %and3A_198 : i1 to i32
    %cond3A_200 = arith.constant 0 : i32
    %cond3A_201 = arith.cmpi ne, %convert_element_type3A_199, %cond3A_200 : i32
    scf.if %cond3A_201 {
      %mul3A_210 = arith.constant 80 : i32
      %mul3A_211 = arith.muli %add3A_193, %mul3A_210 : i32
      %mul3A_212 = arith.constant 80 : i32
      %mul3A_213 = arith.muli %add3A_193, %mul3A_212 : i32
      "tpu.region"() ({
        %run_scoped3A = tpu.sem_alloc : memref<!tpu.dma_semaphore, #tpu.memory_space<semaphore_mem>>
        %dma_start3A = arith.constant 0 : i32
        %dma_start3A_214 = tpu.memref_slice %arg5[%mul3A_213, %dma_start3A] : memref<10000x128xf32, #tpu.memory_space<hbm>> -> memref<80x128xf32, #tpu.memory_space<hbm>>
        %dma_start3A_215 = arith.constant 0 : i32
        %dma_start3A_216 = tpu.memref_slice %arg10[%mul3A_211, %dma_start3A_215] : memref<10000x128xf32, #tpu.memory_space<vmem_shared>> -> memref<80x128xf32, #tpu.memory_space<vmem_shared>>
        tpu.enqueue_dma source(%dma_start3A_216 : memref<80x128xf32, #tpu.memory_space<vmem_shared>>) target(%dma_start3A_214 : memref<80x128xf32, #tpu.memory_space<hbm>>) target_semaphore(%run_scoped3A : memref<!tpu.dma_semaphore, #tpu.memory_space<semaphore_mem>>)
        %dma_wait3A = arith.constant 0 : i32
        %dma_wait3A_217 = tpu.memref_slice %arg5[%mul3A_213, %dma_wait3A] : memref<10000x128xf32, #tpu.memory_space<hbm>> -> memref<80x128xf32, #tpu.memory_space<hbm>>
        %dma_wait3A_218 = arith.constant 0 : i32
        %dma_wait3A_219 = tpu.memref_slice %arg10[%mul3A_211, %dma_wait3A_218] : memref<10000x128xf32, #tpu.memory_space<vmem_shared>> -> memref<80x128xf32, #tpu.memory_space<vmem_shared>>
        tpu.wait_dma2 semaphore(%run_scoped3A : memref<!tpu.dma_semaphore, #tpu.memory_space<semaphore_mem>>) src(%dma_wait3A_219 : memref<80x128xf32, #tpu.memory_space<vmem_shared>>) dst(%dma_wait3A_217 : memref<80x128xf32, #tpu.memory_space<hbm>>)
        tpu.yield
      }) : () -> ()
    } else {
    }
    %lt3A_202 = arith.constant 125 : i32
    %lt3A_203 = arith.cmpi slt, %add3A_193, %lt3A_202 : i32
    %eq3A_204 = arith.constant 1 : i32
    %eq3A_205 = arith.cmpi eq, %arg0, %eq3A_204 : i32
    %and3A_206 = arith.andi %lt3A_203, %eq3A_205 : i1
    %convert_element_type3A_207 = arith.extui %and3A_206 : i1 to i32
    %cond3A_208 = arith.constant 0 : i32
    %cond3A_209 = arith.cmpi ne, %convert_element_type3A_207, %cond3A_208 : i32
    scf.if %cond3A_209 {
      %mul3A_210 = arith.constant 80 : i32
      %mul3A_211 = arith.muli %add3A_193, %mul3A_210 : i32
      %mul3A_212 = arith.constant 80 : i32
      %mul3A_213 = arith.muli %add3A_193, %mul3A_212 : i32
      "tpu.region"() ({
        %run_scoped3A = tpu.sem_alloc : memref<!tpu.dma_semaphore, #tpu.memory_space<semaphore_mem>>
        %dma_start3A = arith.constant 0 : i32
        %dma_start3A_214 = tpu.memref_slice %arg6[%mul3A_213, %dma_start3A] : memref<10000x128xf32, #tpu.memory_space<hbm>> -> memref<80x128xf32, #tpu.memory_space<hbm>>
        %dma_start3A_215 = arith.constant 0 : i32
        %dma_start3A_216 = tpu.memref_slice %arg10[%mul3A_211, %dma_start3A_215] : memref<10000x128xf32, #tpu.memory_space<vmem_shared>> -> memref<80x128xf32, #tpu.memory_space<vmem_shared>>
        tpu.enqueue_dma source(%dma_start3A_216 : memref<80x128xf32, #tpu.memory_space<vmem_shared>>) target(%dma_start3A_214 : memref<80x128xf32, #tpu.memory_space<hbm>>) target_semaphore(%run_scoped3A : memref<!tpu.dma_semaphore, #tpu.memory_space<semaphore_mem>>)
        %dma_wait3A = arith.constant 0 : i32
        %dma_wait3A_217 = tpu.memref_slice %arg6[%mul3A_213, %dma_wait3A] : memref<10000x128xf32, #tpu.memory_space<hbm>> -> memref<80x128xf32, #tpu.memory_space<hbm>>
        %dma_wait3A_218 = arith.constant 0 : i32
        %dma_wait3A_219 = tpu.memref_slice %arg10[%mul3A_211, %dma_wait3A_218] : memref<10000x128xf32, #tpu.memory_space<vmem_shared>> -> memref<80x128xf32, #tpu.memory_space<vmem_shared>>
        tpu.wait_dma2 semaphore(%run_scoped3A : memref<!tpu.dma_semaphore, #tpu.memory_space<semaphore_mem>>) src(%dma_wait3A_219 : memref<80x128xf32, #tpu.memory_space<vmem_shared>>) dst(%dma_wait3A_217 : memref<80x128xf32, #tpu.memory_space<hbm>>)
        tpu.yield
      }) : () -> ()
    } else {
    }
    return
  }
}

module attributes {stable_mosaic.version = 14 : i64} {
  func.func @_prep_body(%arg0: i32, %arg1: memref<1000x128xf32, #tpu.memory_space<vmem>>, %arg2: memref<1000x128xf32, #tpu.memory_space<vmem>>, %arg3: memref<1000x128xf32, #tpu.memory_space<vmem>>, %arg4: memref<1000x128xf32, #tpu.memory_space<vmem>>, %arg5: memref<1000x128xf32, #tpu.memory_space<vmem>>, %arg6: memref<1x128xf32, #tpu.memory_space<vmem>>, %arg7: memref<128x128xf32, #tpu.memory_space<vmem>>, %arg8: memref<1000x128xf32, #tpu.memory_space<vmem>>, %arg9: memref<1000x128xf32, #tpu.memory_space<vmem>>) attributes {dimension_semantics = [#tpu.dimension_semantics<arbitrary>], iteration_bounds = array<i64: 10>, scalar_prefetch = 0 : i64, scratch_operands = 0 : i64, tpu.core_type = #tpu.core_type<tc>, window_params = [{transform_indices = @transform_0, window_bounds = array<i64: 1000, 128>}, {transform_indices = @transform_1, window_bounds = array<i64: 1000, 128>}, {transform_indices = @transform_2, window_bounds = array<i64: 1000, 128>}, {transform_indices = @transform_3, window_bounds = array<i64: 1000, 128>}, {transform_indices = @transform_4, window_bounds = array<i64: 1000, 128>}, {pipeline_mode = #tpu.pipeline_mode<synchronous>, transform_indices = @transform_5, window_bounds = array<i64: 1, 128>}, {pipeline_mode = #tpu.pipeline_mode<synchronous>, transform_indices = @transform_6, window_bounds = array<i64: 128, 128>}, {transform_indices = @transform_7, window_bounds = array<i64: 1000, 128>}, {transform_indices = @transform_8, window_bounds = array<i64: 1000, 128>}]} {
    %get3A = arith.constant 0 : index
    %get3A_0 = arith.constant 0 : index
    %get3A_1 = vector.load %arg4[%get3A, %get3A_0] : memref<1000x128xf32, #tpu.memory_space<vmem>>, vector<1000x128xf32>
    %get3A_2 = arith.constant 0 : index
    %get3A_3 = arith.constant 0 : index
    %get3A_4 = vector.load %arg1[%get3A_2, %get3A_3] : memref<1000x128xf32, #tpu.memory_space<vmem>>, vector<1000x128xf32>
    %get3A_5 = arith.constant 0 : index
    %get3A_6 = arith.constant 0 : index
    %get3A_7 = vector.load %arg2[%get3A_5, %get3A_6] : memref<1000x128xf32, #tpu.memory_space<vmem>>, vector<1000x128xf32>
    %add3A = arith.addf %get3A_4, %get3A_7 : vector<1000x128xf32>
    %get3A_8 = arith.constant 0 : index
    %get3A_9 = arith.constant 0 : index
    %get3A_10 = vector.load %arg3[%get3A_8, %get3A_9] : memref<1000x128xf32, #tpu.memory_space<vmem>>, vector<1000x128xf32>
    %add3A_11 = arith.addf %add3A, %get3A_10 : vector<1000x128xf32>
    %mul3A = arith.mulf %get3A_1, %add3A_11 : vector<1000x128xf32>
    %get3A_12 = arith.constant 0 : index
    %get3A_13 = arith.constant 0 : index
    %get3A_14 = vector.load %arg6[%get3A_12, %get3A_13] : memref<1x128xf32, #tpu.memory_space<vmem>>, vector<1x128xf32>
    %add3A_15 = vector.broadcast %get3A_14 : vector<1x128xf32> to vector<1000x128xf32>
    %add3A_16 = arith.addf %mul3A, %add3A_15 : vector<1000x128xf32>
    %gt3A = arith.constant 0.000000e+00 : f32
    %gt3A_17 = vector.broadcast %gt3A : f32 to vector<1000x128xf32>
    %gt3A_18 = arith.cmpf ogt, %add3A_16, %gt3A_17 : vector<1000x128xf32>
    %exp3A = math.exp %add3A_16 : vector<1000x128xf32>
    %sub3A = arith.constant 1.000000e+00 : f32
    %sub3A_19 = vector.broadcast %sub3A : f32 to vector<1000x128xf32>
    %sub3A_20 = arith.subf %exp3A, %sub3A_19 : vector<1000x128xf32>
    %select_n3A = arith.select %gt3A_18, %add3A_16, %sub3A_20 : vector<1000x128xi1>, vector<1000x128xf32>
    %get3A_21 = arith.constant 0 : index
    %get3A_22 = arith.constant 0 : index
    %get3A_23 = vector.load %arg5[%get3A_21, %get3A_22] : memref<1000x128xf32, #tpu.memory_space<vmem>>, vector<1000x128xf32>
    %add3A_24 = arith.addf %select_n3A, %get3A_23 : vector<1000x128xf32>
    %swap3A = arith.constant 0 : index
    %swap3A_25 = arith.constant 0 : index
    %swap3A_26 = vector.load %arg8[%swap3A, %swap3A_25] : memref<1000x128xf32, #tpu.memory_space<vmem>>, vector<1000x128xf32>
    tpu.vector_store %arg8[%swap3A, %swap3A_25], %add3A_24 {strides = array<i32>} : memref<1000x128xf32, #tpu.memory_space<vmem>>, vector<1000x128xf32>,
    %get3A_27 = arith.constant 0 : index
    %get3A_28 = arith.constant 0 : index
    %get3A_29 = vector.load %arg7[%get3A_27, %get3A_28] : memref<128x128xf32, #tpu.memory_space<vmem>>, vector<128x128xf32>
    %dot_general3A = arith.constant dense<0.000000e+00> : vector<1000x128xf32>
    %dot_general3A_30 = tpu.matmul %add3A_24, %get3A_29, %dot_general3A {dimension_numbers = #tpu.dot_dimension_numbers<[1], [0], [0], [1], [0, 0, 1, 1], [], []>, transpose_lhs_hint = false} : vector<1000x128xf32>, vector<128x128xf32>, vector<1000x128xf32> -> vector<1000x128xf32>
    %mul3A_31 = arith.mulf %get3A_1, %dot_general3A_30 : vector<1000x128xf32>
    %swap3A_32 = arith.constant 0 : index
    %swap3A_33 = arith.constant 0 : index
    %swap3A_34 = vector.load %arg9[%swap3A_32, %swap3A_33] : memref<1000x128xf32, #tpu.memory_space<vmem>>, vector<1000x128xf32>
    tpu.vector_store %arg9[%swap3A_32, %swap3A_33], %mul3A_31 {strides = array<i32>} : memref<1000x128xf32, #tpu.memory_space<vmem>>, vector<1000x128xf32>,
    return
  }
  func.func @transform_0(%arg0: i32) -> (i32, i32) {
    %c0_i32 = arith.constant 0 : i32
    %c0_i32_0 = arith.constant 0 : i32
    return %arg0, %c0_i32 : i32, i32
  }
  func.func @transform_1(%arg0: i32) -> (i32, i32) {
    %c0_i32 = arith.constant 0 : i32
    %c0_i32_0 = arith.constant 0 : i32
    return %arg0, %c0_i32 : i32, i32
  }
  func.func @transform_2(%arg0: i32) -> (i32, i32) {
    %c0_i32 = arith.constant 0 : i32
    %c0_i32_0 = arith.constant 0 : i32
    return %arg0, %c0_i32 : i32, i32
  }
  func.func @transform_3(%arg0: i32) -> (i32, i32) {
    %c0_i32 = arith.constant 0 : i32
    %c0_i32_0 = arith.constant 0 : i32
    return %arg0, %c0_i32 : i32, i32
  }
  func.func @transform_4(%arg0: i32) -> (i32, i32) {
    %c0_i32 = arith.constant 0 : i32
    %c0_i32_0 = arith.constant 0 : i32
    return %arg0, %c0_i32 : i32, i32
  }
  func.func @transform_5(%arg0: i32) -> (i32, i32) {
    %c0_i32 = arith.constant 0 : i32
    %c0_i32_0 = arith.constant 0 : i32
    %c0_i32_1 = arith.constant 0 : i32
    return %c0_i32, %c0_i32_0 : i32, i32
  }
  func.func @transform_6(%arg0: i32) -> (i32, i32) {
    %c0_i32 = arith.constant 0 : i32
    %c0_i32_0 = arith.constant 0 : i32
    %c0_i32_1 = arith.constant 0 : i32
    return %c0_i32, %c0_i32_0 : i32, i32
  }
  func.func @transform_7(%arg0: i32) -> (i32, i32) {
    %c0_i32 = arith.constant 0 : i32
    %c0_i32_0 = arith.constant 0 : i32
    return %arg0, %c0_i32 : i32, i32
  }
  func.func @transform_8(%arg0: i32) -> (i32, i32) {
    %c0_i32 = arith.constant 0 : i32
    %c0_i32_0 = arith.constant 0 : i32
    return %arg0, %c0_i32 : i32, i32
  }
}

module attributes {stable_mosaic.version = 14 : i64} {
  func.func @_prep0_body(%arg0: i32, %arg1: memref<1000x128xf32, #tpu.memory_space<vmem>>, %arg2: memref<128x128xf32, #tpu.memory_space<vmem>>, %arg3: memref<1000x16xf32, #tpu.memory_space<vmem>>, %arg4: memref<1000x16xf32, #tpu.memory_space<vmem>>, %arg5: memref<1000x128xf32, #tpu.memory_space<vmem>>, %arg6: memref<1000x128xf32, #tpu.memory_space<vmem>>) attributes {dimension_semantics = [#tpu.dimension_semantics<arbitrary>], iteration_bounds = array<i64: 10>, scalar_prefetch = 0 : i64, scratch_operands = 0 : i64, tpu.core_type = #tpu.core_type<tc>, window_params = [{transform_indices = @transform_0, window_bounds = array<i64: 1000, 128>}, {pipeline_mode = #tpu.pipeline_mode<synchronous>, transform_indices = @transform_1, window_bounds = array<i64: 128, 128>}, {transform_indices = @transform_2, window_bounds = array<i64: 1000, 16>}, {transform_indices = @transform_3, window_bounds = array<i64: 1000, 16>}, {transform_indices = @transform_4, window_bounds = array<i64: 1000, 128>}, {transform_indices = @transform_5, window_bounds = array<i64: 1000, 128>}]} {
    %get3A = arith.constant 0 : index
    %get3A_0 = arith.constant 0 : index
    %get3A_1 = vector.load %arg3[%get3A, %get3A_0] : memref<1000x16xf32, #tpu.memory_space<vmem>>, vector<1000x1xf32>
    %add3A = arith.constant 1.000000e+00 : f32
    %add3A_2 = vector.broadcast %add3A : f32 to vector<1000x1xf32>
    %add3A_3 = arith.addf %add3A_2, %get3A_1 : vector<1000x1xf32>
    %get3A_4 = arith.constant 0 : index
    %get3A_5 = arith.constant 0 : index
    %get3A_6 = vector.load %arg4[%get3A_4, %get3A_5] : memref<1000x16xf32, #tpu.memory_space<vmem>>, vector<1000x1xf32>
    %add3A_7 = arith.addf %add3A_3, %get3A_6 : vector<1000x1xf32>
    %rsqrt3A = math.rsqrt %add3A_7 : vector<1000x1xf32>
    %get3A_8 = arith.constant 0 : index
    %get3A_9 = arith.constant 0 : index
    %get3A_10 = vector.load %arg1[%get3A_8, %get3A_9] : memref<1000x128xf32, #tpu.memory_space<vmem>>, vector<1000x128xf32>
    %get3A_11 = arith.constant 0 : index
    %get3A_12 = arith.constant 0 : index
    %get3A_13 = vector.load %arg2[%get3A_11, %get3A_12] : memref<128x128xf32, #tpu.memory_space<vmem>>, vector<128x128xf32>
    %dot_general3A = arith.constant dense<0.000000e+00> : vector<1000x128xf32>
    %dot_general3A_14 = tpu.matmul %get3A_10, %get3A_13, %dot_general3A {dimension_numbers = #tpu.dot_dimension_numbers<[1], [0], [0], [1], [0, 0, 1, 1], [], []>, transpose_lhs_hint = false} : vector<1000x128xf32>, vector<128x128xf32>, vector<1000x128xf32> -> vector<1000x128xf32>
    %broadcast_in_dim3A = vector.shape_cast %rsqrt3A : vector<1000x1xf32> to vector<1000x1xf32>
    %broadcast_in_dim3A_15 = vector.broadcast %broadcast_in_dim3A : vector<1000x1xf32> to vector<1000x128xf32>
    %swap3A = arith.constant 0 : index
    %swap3A_16 = arith.constant 0 : index
    %swap3A_17 = vector.load %arg5[%swap3A, %swap3A_16] : memref<1000x128xf32, #tpu.memory_space<vmem>>, vector<1000x128xf32>
    tpu.vector_store %arg5[%swap3A, %swap3A_16], %broadcast_in_dim3A_15 {strides = array<i32>} : memref<1000x128xf32, #tpu.memory_space<vmem>>, vector<1000x128xf32>,
    %mul3A = vector.broadcast %rsqrt3A : vector<1000x1xf32> to vector<1000x128xf32>
    %mul3A_18 = arith.mulf %mul3A, %dot_general3A_14 : vector<1000x128xf32>
    %swap3A_19 = arith.constant 0 : index
    %swap3A_20 = arith.constant 0 : index
    %swap3A_21 = vector.load %arg6[%swap3A_19, %swap3A_20] : memref<1000x128xf32, #tpu.memory_space<vmem>>, vector<1000x128xf32>
    tpu.vector_store %arg6[%swap3A_19, %swap3A_20], %mul3A_18 {strides = array<i32>} : memref<1000x128xf32, #tpu.memory_space<vmem>>, vector<1000x128xf32>,
    return
  }
  func.func @transform_0(%arg0: i32) -> (i32, i32) {
    %c0_i32 = arith.constant 0 : i32
    %c0_i32_0 = arith.constant 0 : i32
    return %arg0, %c0_i32 : i32, i32
  }
  func.func @transform_1(%arg0: i32) -> (i32, i32) {
    %c0_i32 = arith.constant 0 : i32
    %c0_i32_0 = arith.constant 0 : i32
    %c0_i32_1 = arith.constant 0 : i32
    return %c0_i32, %c0_i32_0 : i32, i32
  }
  func.func @transform_2(%arg0: i32) -> (i32, i32) {
    %c0_i32 = arith.constant 0 : i32
    %c0_i32_0 = arith.constant 0 : i32
    return %arg0, %c0_i32 : i32, i32
  }
  func.func @transform_3(%arg0: i32) -> (i32, i32) {
    %c0_i32 = arith.constant 0 : i32
    %c0_i32_0 = arith.constant 0 : i32
    return %arg0, %c0_i32 : i32, i32
  }
  func.func @transform_4(%arg0: i32) -> (i32, i32) {
    %c0_i32 = arith.constant 0 : i32
    %c0_i32_0 = arith.constant 0 : i32
    return %arg0, %c0_i32 : i32, i32
  }
  func.func @transform_5(%arg0: i32) -> (i32, i32) {
    %c0_i32 = arith.constant 0 : i32
    %c0_i32_0 = arith.constant 0 : i32
    return %arg0, %c0_i32 : i32, i32
  }
}

module attributes {stable_mosaic.version = 14 : i64} {
  func.func @_final_body(%arg0: i32, %arg1: memref<1000x128xf32, #tpu.memory_space<vmem>>, %arg2: memref<1000x128xf32, #tpu.memory_space<vmem>>, %arg3: memref<1000x128xf32, #tpu.memory_space<vmem>>, %arg4: memref<1000x128xf32, #tpu.memory_space<vmem>>, %arg5: memref<1000x128xf32, #tpu.memory_space<vmem>>, %arg6: memref<1x128xf32, #tpu.memory_space<vmem>>, %arg7: memref<1000x128xf32, #tpu.memory_space<vmem>>, %arg8: memref<1000x128xf32, #tpu.memory_space<vmem>>, %arg9: memref<512x128xf32, #tpu.memory_space<vmem>>, %arg10: memref<1x128xf32, #tpu.memory_space<vmem>>, %arg11: memref<1000x128xf32, #tpu.memory_space<vmem>>) attributes {dimension_semantics = [#tpu.dimension_semantics<arbitrary>], iteration_bounds = array<i64: 10>, scalar_prefetch = 0 : i64, scratch_operands = 0 : i64, tpu.core_type = #tpu.core_type<tc>, window_params = [{transform_indices = @transform_0, window_bounds = array<i64: 1000, 128>}, {transform_indices = @transform_1, window_bounds = array<i64: 1000, 128>}, {transform_indices = @transform_2, window_bounds = array<i64: 1000, 128>}, {transform_indices = @transform_3, window_bounds = array<i64: 1000, 128>}, {transform_indices = @transform_4, window_bounds = array<i64: 1000, 128>}, {pipeline_mode = #tpu.pipeline_mode<synchronous>, transform_indices = @transform_5, window_bounds = array<i64: 1, 128>}, {transform_indices = @transform_6, window_bounds = array<i64: 1000, 128>}, {transform_indices = @transform_7, window_bounds = array<i64: 1000, 128>}, {pipeline_mode = #tpu.pipeline_mode<synchronous>, transform_indices = @transform_8, window_bounds = array<i64: 512, 128>}, {pipeline_mode = #tpu.pipeline_mode<synchronous>, transform_indices = @transform_9, window_bounds = array<i64: 1, 128>}, {transform_indices = @transform_10, window_bounds = array<i64: 1000, 128>}]} {
    %get3A = arith.constant 0 : index
    %get3A_0 = arith.constant 0 : index
    %get3A_1 = vector.load %arg4[%get3A, %get3A_0] : memref<1000x128xf32, #tpu.memory_space<vmem>>, vector<1000x128xf32>
    %get3A_2 = arith.constant 0 : index
    %get3A_3 = arith.constant 0 : index
    %get3A_4 = vector.load %arg1[%get3A_2, %get3A_3] : memref<1000x128xf32, #tpu.memory_space<vmem>>, vector<1000x128xf32>
    %get3A_5 = arith.constant 0 : index
    %get3A_6 = arith.constant 0 : index
    %get3A_7 = vector.load %arg2[%get3A_5, %get3A_6] : memref<1000x128xf32, #tpu.memory_space<vmem>>, vector<1000x128xf32>
    %add3A = arith.addf %get3A_4, %get3A_7 : vector<1000x128xf32>
    %get3A_8 = arith.constant 0 : index
    %get3A_9 = arith.constant 0 : index
    %get3A_10 = vector.load %arg3[%get3A_8, %get3A_9] : memref<1000x128xf32, #tpu.memory_space<vmem>>, vector<1000x128xf32>
    %add3A_11 = arith.addf %add3A, %get3A_10 : vector<1000x128xf32>
    %mul3A = arith.mulf %get3A_1, %add3A_11 : vector<1000x128xf32>
    %get3A_12 = arith.constant 0 : index
    %get3A_13 = arith.constant 0 : index
    %get3A_14 = vector.load %arg6[%get3A_12, %get3A_13] : memref<1x128xf32, #tpu.memory_space<vmem>>, vector<1x128xf32>
    %add3A_15 = vector.broadcast %get3A_14 : vector<1x128xf32> to vector<1000x128xf32>
    %add3A_16 = arith.addf %mul3A, %add3A_15 : vector<1000x128xf32>
    %gt3A = arith.constant 0.000000e+00 : f32
    %gt3A_17 = vector.broadcast %gt3A : f32 to vector<1000x128xf32>
    %gt3A_18 = arith.cmpf ogt, %add3A_16, %gt3A_17 : vector<1000x128xf32>
    %exp3A = math.exp %add3A_16 : vector<1000x128xf32>
    %sub3A = arith.constant 1.000000e+00 : f32
    %sub3A_19 = vector.broadcast %sub3A : f32 to vector<1000x128xf32>
    %sub3A_20 = arith.subf %exp3A, %sub3A_19 : vector<1000x128xf32>
    %select_n3A = arith.select %gt3A_18, %add3A_16, %sub3A_20 : vector<1000x128xi1>, vector<1000x128xf32>
    %get3A_21 = arith.constant 0 : index
    %get3A_22 = arith.constant 0 : index
    %get3A_23 = vector.load %arg5[%get3A_21, %get3A_22] : memref<1000x128xf32, #tpu.memory_space<vmem>>, vector<1000x128xf32>
    %add3A_24 = arith.addf %select_n3A, %get3A_23 : vector<1000x128xf32>
    %get3A_25 = arith.constant 0 : index
    %get3A_26 = arith.constant 0 : index
    %get3A_27 = vector.load %arg7[%get3A_25, %get3A_26] : memref<1000x128xf32, #tpu.memory_space<vmem>>, vector<1000x128xf32>
    %get3A_28 = arith.constant 0 : index
    %get3A_29 = arith.constant 0 : index
    %get3A_30 = vector.load %arg9[%get3A_28, %get3A_29] : memref<512x128xf32, #tpu.memory_space<vmem>>, vector<128x128xf32>
    %dot_general3A = arith.constant dense<0.000000e+00> : vector<1000x128xf32>
    %dot_general3A_31 = tpu.matmul %get3A_27, %get3A_30, %dot_general3A {dimension_numbers = #tpu.dot_dimension_numbers<[1], [0], [0], [1], [0, 0, 1, 1], [], []>, transpose_lhs_hint = false} : vector<1000x128xf32>, vector<128x128xf32>, vector<1000x128xf32> -> vector<1000x128xf32>
    %get3A_32 = arith.constant 0 : index
    %get3A_33 = arith.constant 0 : index
    %get3A_34 = vector.load %arg8[%get3A_32, %get3A_33] : memref<1000x128xf32, #tpu.memory_space<vmem>>, vector<1000x128xf32>
    %get3A_35 = arith.constant 128 : index
    %get3A_36 = arith.constant 0 : index
    %get3A_37 = vector.load %arg9[%get3A_35, %get3A_36] : memref<512x128xf32, #tpu.memory_space<vmem>>, vector<128x128xf32>
    %dot_general3A_38 = arith.constant dense<0.000000e+00> : vector<1000x128xf32>
    %dot_general3A_39 = tpu.matmul %get3A_34, %get3A_37, %dot_general3A_38 {dimension_numbers = #tpu.dot_dimension_numbers<[1], [0], [0], [1], [0, 0, 1, 1], [], []>, transpose_lhs_hint = false} : vector<1000x128xf32>, vector<128x128xf32>, vector<1000x128xf32> -> vector<1000x128xf32>
    %add3A_40 = arith.addf %dot_general3A_31, %dot_general3A_39 : vector<1000x128xf32>
    %get3A_41 = arith.constant 0 : index
    %get3A_42 = arith.constant 0 : index
    %get3A_43 = vector.load %arg5[%get3A_41, %get3A_42] : memref<1000x128xf32, #tpu.memory_space<vmem>>, vector<1000x128xf32>
    %get3A_44 = arith.constant 256 : index
    %get3A_45 = arith.constant 0 : index
    %get3A_46 = vector.load %arg9[%get3A_44, %get3A_45] : memref<512x128xf32, #tpu.memory_space<vmem>>, vector<128x128xf32>
    %dot_general3A_47 = arith.constant dense<0.000000e+00> : vector<1000x128xf32>
    %dot_general3A_48 = tpu.matmul %get3A_43, %get3A_46, %dot_general3A_47 {dimension_numbers = #tpu.dot_dimension_numbers<[1], [0], [0], [1], [0, 0, 1, 1], [], []>, transpose_lhs_hint = false} : vector<1000x128xf32>, vector<128x128xf32>, vector<1000x128xf32> -> vector<1000x128xf32>
    %add3A_49 = arith.addf %add3A_40, %dot_general3A_48 : vector<1000x128xf32>
    %get3A_50 = arith.constant 384 : index
    %get3A_51 = arith.constant 0 : index
    %get3A_52 = vector.load %arg9[%get3A_50, %get3A_51] : memref<512x128xf32, #tpu.memory_space<vmem>>, vector<128x128xf32>
    %dot_general3A_53 = arith.constant dense<0.000000e+00> : vector<1000x128xf32>
    %dot_general3A_54 = tpu.matmul %add3A_24, %get3A_52, %dot_general3A_53 {dimension_numbers = #tpu.dot_dimension_numbers<[1], [0], [0], [1], [0, 0, 1, 1], [], []>, transpose_lhs_hint = false} : vector<1000x128xf32>, vector<128x128xf32>, vector<1000x128xf32> -> vector<1000x128xf32>
    %add3A_55 = arith.addf %add3A_49, %dot_general3A_54 : vector<1000x128xf32>
    %get3A_56 = arith.constant 0 : index
    %get3A_57 = arith.constant 0 : index
    %get3A_58 = vector.load %arg10[%get3A_56, %get3A_57] : memref<1x128xf32, #tpu.memory_space<vmem>>, vector<1x128xf32>
    %add3A_59 = vector.broadcast %get3A_58 : vector<1x128xf32> to vector<1000x128xf32>
    %add3A_60 = arith.addf %add3A_55, %add3A_59 : vector<1000x128xf32>
    %swap3A = arith.constant 0 : index
    %swap3A_61 = arith.constant 0 : index
    %swap3A_62 = vector.load %arg11[%swap3A, %swap3A_61] : memref<1000x128xf32, #tpu.memory_space<vmem>>, vector<1000x128xf32>
    tpu.vector_store %arg11[%swap3A, %swap3A_61], %add3A_60 {strides = array<i32>} : memref<1000x128xf32, #tpu.memory_space<vmem>>, vector<1000x128xf32>,
    return
  }
  func.func @transform_0(%arg0: i32) -> (i32, i32) {
    %c0_i32 = arith.constant 0 : i32
    %c0_i32_0 = arith.constant 0 : i32
    return %arg0, %c0_i32 : i32, i32
  }
  func.func @transform_1(%arg0: i32) -> (i32, i32) {
    %c0_i32 = arith.constant 0 : i32
    %c0_i32_0 = arith.constant 0 : i32
    return %arg0, %c0_i32 : i32, i32
  }
  func.func @transform_2(%arg0: i32) -> (i32, i32) {
    %c0_i32 = arith.constant 0 : i32
    %c0_i32_0 = arith.constant 0 : i32
    return %arg0, %c0_i32 : i32, i32
  }
  func.func @transform_3(%arg0: i32) -> (i32, i32) {
    %c0_i32 = arith.constant 0 : i32
    %c0_i32_0 = arith.constant 0 : i32
    return %arg0, %c0_i32 : i32, i32
  }
  func.func @transform_4(%arg0: i32) -> (i32, i32) {
    %c0_i32 = arith.constant 0 : i32
    %c0_i32_0 = arith.constant 0 : i32
    return %arg0, %c0_i32 : i32, i32
  }
  func.func @transform_5(%arg0: i32) -> (i32, i32) {
    %c0_i32 = arith.constant 0 : i32
    %c0_i32_0 = arith.constant 0 : i32
    %c0_i32_1 = arith.constant 0 : i32
    return %c0_i32, %c0_i32_0 : i32, i32
  }
  func.func @transform_6(%arg0: i32) -> (i32, i32) {
    %c0_i32 = arith.constant 0 : i32
    %c0_i32_0 = arith.constant 0 : i32
    return %arg0, %c0_i32 : i32, i32
  }
  func.func @transform_7(%arg0: i32) -> (i32, i32) {
    %c0_i32 = arith.constant 0 : i32
    %c0_i32_0 = arith.constant 0 : i32
    return %arg0, %c0_i32 : i32, i32
  }
  func.func @transform_8(%arg0: i32) -> (i32, i32) {
    %c0_i32 = arith.constant 0 : i32
    %c0_i32_0 = arith.constant 0 : i32
    %c0_i32_1 = arith.constant 0 : i32
    return %c0_i32, %c0_i32_0 : i32, i32
  }
  func.func @transform_9(%arg0: i32) -> (i32, i32) {
    %c0_i32 = arith.constant 0 : i32
    %c0_i32_0 = arith.constant 0 : i32
    %c0_i32_1 = arith.constant 0 : i32
    return %c0_i32, %c0_i32_0 : i32, i32
  }
  func.func @transform_10(%arg0: i32) -> (i32, i32) {
    %c0_i32 = arith.constant 0 : i32
    %c0_i32_0 = arith.constant 0 : i32
    return %arg0, %c0_i32 : i32, i32
  }
}

</mosaic_0001>

<sc_bundles>
// kernel: kernel.10.cloned.1.call-start
scs
__scs_entry_jumppad:
0x0: {  	(pc) =	sbr.rel $0x88, $3  }
0x1: {  	(tag) =	ssettag $0x0;
	lr =	simm.s32 $0x1  }
0x2: {  	[smem:$0x3F97] =	sst lr;
	_ =	strace $0xD0000000  }
0x3: {  	_ = 	snop  }
0x4: {  	_ = 	snop  }
0x5: {  	_ = 	snop  }
0x6: {  	_ = 	snop  }
0x7: {  	_ = 	snop  }
__scs_overlays_trampoline_lowered:
0x8: {  	[smem:$0x3FA6] =	sst s0  }
0x9: {  	[smem:$0x3FA7] =	sst s1  }
0xa: {  	[smem:$0x3FA8] =	sst s2  }
0xb: {  	[smem:$0x3FA9] =	sst s3  }
0xc: {  	[smem:$0x3FAA] =	sst s4  }
0xd: {  	[smem:$0x3FAB] =	sst s5  }
0xe: {  	[smem:$0x3FAC] =	sst s6  }
0xf: {  	[smem:$0x3FAD] =	sst s7  }
0x10: {  	[smem:$0x3FAE] =	sst s8  }
0x11: {  	[smem:$0x3FAF] =	sst s9;
	s0 =	simm.s32 @!p0 $0x0  }
0x12: {  	s1 =	sld [smem:$0x3F95];
	s0 =	simm.s32 @p0 $0x1  }
0x13: {  	[smem:$0x3FB0] =	sst s0;
	s0 =	simm.s32 @!p1 $0x0  }
0x14: {  	s2 =	sld [smem:$0x3F94];
	s0 =	simm.s32 @p1 $0x1  }
0x15: {  	[smem:$0x3FB1] =	sst s0;
	s0 =	simm.s32 @!p2 $0x0  }
0x16: {  	s3 =	sld [smem:$0x3FDB];
	s0 =	simm.s32 @p2 $0x1  }
0x17: {  	s4 =	simm.s32 $0x1BF5;
	[smem:$0x3FB3] =	sst s0  }
0x18: {  	s0 =	sld [smem:$0x3F96];
	_ =	swait.ge [sflag:s4], $0x0  }
0x19: {  	s7 =	sld [smem:$0x3F97]  }
0x1a: {  	s8 =	sadd.s32 $0xFFFFE003, lr  }
0x1b: {  	s9 =	sadd.s32 $0xFFFFFEF7, lr;
	s5 =	simm.s32 $0xFFFFFFFF;
	p2 =	slt.u32 s8, $0xFFFFF086  }
0x1c: {  	p1 =	slt.u32 s9, $0xF7A;
	s5 =	simm.s32 @!p2 $0x0  }
0x1d: {  	s5 =	simm.s32 @p1 $0x1;
	p0 =	seq.s32 s7, s2  }
0x1e: {  	s7 =	smul.u32 @!p0 $0xF7A, s2;
	p2 =	seq.s32 @!p0 s5, $0x0  }
0x1f: {  	s9 =	smul.u32 $0xF7A, s1;
	s8 =	simm.s32 @!p0 $0x1BF5;
	p2 =	por !p2, p0  }
0x20: {  	[sflag:s8] =	ssyncset.s32 @!p0 $0xFFFFF086;
	s6 =	sadd.s32 @!p0 s3, s7;
	s7 =	simm.s32 @!p0 $0x108  }
0x21: {  	s3 =	sadd.s32 s3, s9;
	s6 =	sadd.s32 @!p0 $0x88, s6;
	s7 =	simm.s32 @p2 $0x1082  }
0x22: {  	[simem:s7], [sflag:s8] =	dma.local @!p0 [hbm:s6], $0xF7A  }
0x23: {  	s9 =	sor.u32 $0xD0000000, s2;
	s6 =	simm.s32 $0x108;
	_ =	swait.ge @!p0 [sflag:s8], $0x0  }
0x24: {  	s3 =	sadd.s32 $0x88, s3;
	s6 =	simm.s32 @!p1 $0x1082;
	[sflag:s4] =	ssyncset.s32 $0xFFFFF086  }
0x25: {  	[simem:s6], [sflag:s4] =	dma.local [hbm:s3], $0xF7A  }
0x26: {  	[smem:$0x3F97] =	sst s1;
	(tag) =	ssettag s2;
	_ =	strace s9  }
0x27: {  	s1 =	sld [smem:$0x3FA7]  }
0x28: {  	s2 =	sld [smem:$0x3FA8]  }
0x29: {  	s4 =	sld [smem:$0x3FAA]  }
0x2a: {  	p0 =	seq.s32 s5, $0x0;
	s5 =	sld [smem:$0x3FAB]  }
0x2b: {  	s6 =	sld [smem:$0x3FAC]  }
0x2c: {  	s7 =	sld [smem:$0x3FAD]  }
0x2d: {  	s3 =	simm.s32 $0x108;
	s8 =	sld [smem:$0x3FAE]  }
0x2e: {  	s3 =	simm.s32 @!p0 $0x1082;
	s9 =	sld [smem:$0x3FAF]  }
0x2f: {  	lr =	sadd.s32 s0, s3;
	s0 =	sld [smem:$0x3FA6]  }
0x30: {  	s3 =	sld [smem:$0x3FA9]  }
0x31: {  	[smem:$0x3FB2] =	sst s10  }
0x32: {  	s10 =	sld [smem:$0x3FB0];
	_ =	sdelay $0x3  }
0x33: {  	p0 =	seq.s32 s10, $0x1;
	s10 =	sld [smem:$0x3FB2];
	_ =	sdelay $0x3  }
0x34: {  	[smem:$0x3FB2] =	sst s10  }
0x35: {  	s10 =	sld [smem:$0x3FB1];
	_ =	sdelay $0x3  }
0x36: {  	p1 =	seq.s32 s10, $0x1;
	s10 =	sld [smem:$0x3FB2];
	_ =	sdelay $0x3  }
0x37: {  	[smem:$0x3FB2] =	sst s10  }
0x38: {  	s10 =	sld [smem:$0x3FB3]  }
0x39: {  	_ = 	snop;
	(pc) =	sbr.ind lr, $3  }
0x3a: {  	_ = 	snop  }
0x3b: {  	_ = 	snop  }
0x3c: {  	p2 =	seq.s32 s10, $0x1;
	s10 =	sld [smem:$0x3FB2]  }
0x3d: {  	_ =	shalt  }
0x3e: {  	_ =	shalt  }
0x3f: {  	_ =	shalt  }
0x40: {  	_ =	shalt  }
0x41: {  	_ =	shalt  }
0x42: {  	_ =	shalt  }
0x43: {  	_ =	shalt  }
0x44: {  	_ =	shalt  }
0x45: {  	_ =	shalt  }
0x46: {  	_ =	shalt  }
0x47: {  	_ =	shalt  }
0x48: {  	_ =	shalt  }
0x49: {  	_ =	shalt  }
0x4a: {  	_ =	shalt  }
0x4b: {  	_ =	shalt  }
0x4c: {  	_ =	shalt  }
0x4d: {  	_ =	shalt  }
0x4e: {  	_ =	shalt  }
0x4f: {  	_ =	shalt  }
0x50: {  	_ =	shalt  }
0x51: {  	_ =	shalt  }
0x52: {  	_ =	shalt  }
0x53: {  	_ =	shalt  }
0x54: {  	_ =	shalt  }
0x55: {  	_ =	shalt  }
0x56: {  	_ =	shalt  }
0x57: {  	_ =	shalt  }
0x58: {  	_ =	shalt  }
0x59: {  	_ =	shalt  }
0x5a: {  	_ =	shalt  }
0x5b: {  	_ =	shalt  }
0x5c: {  	_ =	shalt  }
0x5d: {  	_ =	shalt  }
0x5e: {  	_ =	shalt  }
0x5f: {  	_ =	shalt  }
0x60: {  	_ =	shalt  }
0x61: {  	_ =	shalt  }
0x62: {  	_ =	shalt  }
0x63: {  	_ =	shalt  }
0x64: {  	_ =	shalt  }
0x65: {  	_ =	shalt  }
0x66: {  	_ =	shalt  }
0x67: {  	_ =	shalt  }
0x68: {  	_ =	shalt  }
0x69: {  	_ =	shalt  }
0x6a: {  	_ =	shalt  }
0x6b: {  	_ =	shalt  }
0x6c: {  	_ =	shalt  }
0x6d: {  	_ =	shalt  }
0x6e: {  	_ =	shalt  }
0x6f: {  	_ =	shalt  }
0x70: {  	_ =	shalt  }
0x71: {  	_ =	shalt  }
0x72: {  	_ =	shalt  }
0x73: {  	_ =	shalt  }
0x74: {  	_ =	shalt  }
0x75: {  	_ =	shalt  }
0x76: {  	_ =	shalt  }
0x77: {  	_ =	shalt  }
0x78: {  	_ =	shalt  }
0x79: {  	_ =	shalt  }
0x7a: {  	_ =	shalt  }
0x7b: {  	_ =	shalt  }
0x7c: {  	_ =	shalt  }
0x7d: {  	_ =	shalt  }
0x7e: {  	_ =	shalt  }
0x7f: {  	_ =	shalt  }
0x80: {  	_ =	shalt  }
0x81: {  	_ =	shalt  }
0x82: {  	_ =	shalt  }
0x83: {  	_ =	shalt  }
0x84: {  	_ =	shalt  }
0x85: {  	_ =	shalt  }
0x86: {  	_ =	shalt  }
0x87: {  	_ =	shalt  }
.Lfunc_end0:
.L_simem_size_0:
called_computation_lowered:
.L_overlay_start_0:
0x88: {  	s2 =	sld [smem:$0x3FD9]  }
0x89: {  	s3 =	sld [smem:$0x3FFE];
	_ =	sdelay $0x1  }
0x8a: {  	s1 =	srdreg.scid  }
0x8b: {  	s0 =	sand.u32 $0x1, s1  }
0x8c: {  	s17 =	sshll.u32 s0, $0xA;
	s2 =	sadd.s32 s3, s2  }
0x8d: {  	s2 =	sadd.s32 s2, s17  }
0x8e: {  	[smem:$0x3FBE] =	sst s2  }
0x8f: {  	_ = 	snop  }
0x90: {  	s2 =	sld [smem:$0x3FD0];
	(tm) =	ssettm $0x1  }
0x91: {  	s18 =	sld [smem:$0x3FFB];
	_ =	sdelay $0x3  }
0x92: {  	_ =	strace s18  }
0x93: {  	s3 =	sld [smem:$0x3FFC];
	_ =	sdelay $0x3  }
0x94: {  	_ =	strace s3  }
0x95: {  	s3 =	sld [smem:$0x3FFD];
	_ =	sdelay $0x3  }
0x96: {  	_ =	strace s3  }
0x97: {  	_ =	strace $0x8FFFFFFF  }
0x98: {  	s19 =	sld [smem:$0x3FDB];
	_ =	sdelay $0x1  }
0x99: {  	s4 =	simm.s32 $_scs_section_size  }
0x9a: {  	s5 =	simm.s32 $_size__tile_overlayer_lowered;
	s6 =	simm.s32 $_tile_overlayer_lowered  }
0x9b: {  	s22 =	simm.s32 $0x1BFF;
	s21 =	sshll.u32 s6, $0x1;
	s3 =	sadd.s32 s4, s19  }
0x9c: {  	s7 =	simm.s32 $0x0;
	s20 =	sshll.u32 s5, $0x1;
	s5 =	sadd.s32 s21, s3  }
0x9d: {  	[timem:s7], [sflag:s22] =	dma.local [hbm:s5], s20  }
0x9e: {  	_ =	swait.ge [sflag:s22], s20  }
0x9f: {  	s4 =	ssub.s32 $0x0, s20;
	[sflag:s22] =	ssyncset.done $0x0  }
0xa0: {  	[sflag:s22] =	ssyncadd.s32 s4;
	_ =	sdelay $0x1  }
0xa1: {  	s23 =	simm.s32 $0x1B8B  }
0xa2: {  	_ =	swait.ge [sflag:s23], $0x1  }
0xa3: {  	[sflag:s23] =	ssyncset.done $0x0  }
0xa4: {  	s25 =	simm.s32 $0x1B8E;
	s24 =	sld [smem:$0x3FFE];
	[sflag:s23] =	ssyncadd.s32 $0xFFFFFFFF  }
0xa5: {  	s26 =	simm.s32 $execute0_lowered;
	[smem:$0x3FD2] =	sst s25  }
0xa6: {  	s5 =	sshll.u32 s26, $0x1;
	_ =	strace $0x80000046;
	[dreg:$0x1] =	wrdreg $0xFFFFFFFF  }
0xa7: {  	s28 =	simm.s32 $_size_execute0_lowered;
	s3 =	sadd.s32 s3, s5;
	[dreg:$0x0] =	wrdreg $0x0  }
0xa8: {  	s5 =	sshll.u32 s28, $0x1;
	[dreg:$0x2] =	wrdreg s3  }
0xa9: {  	[dreg:$0x3] =	wrdreg s5  }
0xaa: {  	[dreg:$0x4] =	wrdreg $0xC0  }
0xab: {  	_ =	task [dreg:s7], $0x5FFFF  }
0xac: {  	[dreg:$0x1] =	wrdreg $0xFFFFFFFF  }
0xad: {  	[dreg:$0x0] =	wrdreg $0x60  }
0xae: {  	[dreg:$0x2] =	wrdreg s24  }
0xaf: {  	[dreg:$0x3] =	wrdreg s2  }
0xb0: {  	[dreg:$0x4] =	wrdreg $0x90000  }
0xb1: {  	[dreg:$0x5] =	wrdreg $0x9  }
0xb2: {  	_ =	task.clear_ibuf [dreg:s7], $0x6FFFF;
	_ =	strace $0x90000046  }
0xb3: {  	s29 =	simm.s32 $0x9;
	_ =	strace $0x80000048  }
0xb4: {  	_ =	swait.ge [sflag:s29], $0x1  }
0xb5: {  	[sflag:s29] =	ssyncadd.s32 $0xFFFFFFFF  }
0xb6: {  	_ =	strace $0x90000048  }
0xb7: {  	_ =	sfence  }
0xb8: {  	s30 =	sld [smem:$0x0];
	_ =	sdelay $0x2  }
0xb9: {  	s31 =	sshll.u32 s1, $0xD;
	s1 =	sshrl.u32 s1, $0x2  }
0xba: {  	s3 =	sand.u32 $0x4000, s31;
	s1 =	sadd.s32 s1, s30  }
0xbb: {  	s0 =	sor.u32 s3, s0;
	s1 =	sshll.u32 s1, $0x11  }
0xbc: {  	s0 =	sor.u32 s1, s0  }
0xbd: {  	s0 =	sadd.s32 $0x8F2B, s0  }
0xbe: {  	[sflag:s0] =	ssyncadd.remote.s32 $0x1  }
0xbf: {  	_ =	sfence.sel $0xFFFF  }
0xc0: {  	[dreg:$0x0] =	wrdreg $0xFFFFFFFF;
	(pc) =	sbr.abs _section_cstart, $3  }
0xc1: {  	[dreg:$0x1] =	wrdreg $0xFFFFFFFF  }
0xc2: {  	_ =	task.clear_ibuf [dreg:s7], $0x2FFFF;
	_ =	strace $0x9FFFFFFF  }
0xc3: {  	(tm) =	ssettm $0x7FFFFFFF  }
tec
execute0_lowered:
.L_overlay_start_1:
0x0: {  	(tag) =	ssettag $0x1  }
0x1: {  	s1 =	srdreg.scid;
	s2 =	rddreg [dreg:$0x0]  }
0x2: {  	s0 =	stileid.u32;
	s4 =	rddreg [dreg:$0x1];
	s31 =	simm.s32 $0x6800  }
0x3: {  	s3 =	sand.u32 $0x1, s1;
	s11 =	sshll.u32 s0, $0xB;
	s17 =	sor.u32 $0x20, s0  }
0x4: {  	s20 =	sor.u32 $0x30, s0;
	s22 =	sor.u32 $0x40, s0;
	s23 =	sor.u32 $0x50, s0  }
0x5: {  	s24 =	sor.u32 $0x60, s0;
	s8 =	smul.u32 $0x500, s0;
	s25 =	sor.u32 $0x70, s0  }
0x6: {  	p3 =	slt.u32 s0, $0xD;
	p4 =	sgt.u32 s0, $0xC;
	s14 =	smul.u32 $0x500, s17  }
0x7: {  	s5 =	ssub.s32 $0x2, s3;
	s6 =	sadd.s32 s11, s2;
	s16 =	smul.u32 $0x500, s20  }
0x8: {  	s2 =	sadd.s32 $0x15A00, s2;
	s7 =	sshll.u32 s3, $0xF;
	s10 =	smul.u32 $0x500, s22  }
0x9: {  	p2 =	seq.s32 s3, $0x0;
	p0 =	seq.s32 s3, $0x1;
	p1 =	sne.s32 s3, $0x0  }
0xa: {  	s17 =	smul.u32 $0xA000, s17;
	s12 =	sshrl.u32 s5, $0x1;
	s6 =	sadd.s32 s7, s6  }
0xb: {  	s9 =	sadd.s32 s4, s8;
	s8 =	sadd.s32 s2, s8;
	p2 =	por !p3, !p2  }
0xc: {  	p3 =	por !p3, !p0;
	s1 =	ssub.s32 s5, s12;
	[dreg:$0x4] =	wrdreg s9  }
0xd: {  	s5 =	sor.u32 $0x10, s0;
	[dreg:$0x5] =	wrdreg s8;
	s18 =	sadd.s32 s4, s14  }
0xe: {  	s19 =	sadd.s32 s2, s14;
	s21 =	sadd.s32 s4, s16;
	s12 =	smul.u32 $0x500, s23  }
0xf: {  	s26 =	sadd.s32 s2, s16;
	s9 =	sadd.s32 s4, s10;
	s14 =	smul.u32 $0x500, s24  }
0x10: {  	s10 =	sadd.s32 s2, s10;
	s8 =	smul.u32 $0xA000, s0;
	[dreg:$0x8] =	wrdreg s18  }
0x11: {  	s3 =	sshrl.u32 s17, $0x2;
	s17 =	smul.u32 $0xA000, s23;
	[dreg:$0x9] =	wrdreg s19  }
0x12: {  	s29 =	sadd.s32 $0x5A00, s6;
	s13 =	smul.u32 $0x500, s5;
	[dreg:$0xa] =	wrdreg s21  }
0x13: {  	p2 =	por !p2, !p2;
	[dreg:$0xb] =	wrdreg s26;
	s18 =	smul.u32 $0x500, s25  }
0x14: {  	p3 =	por !p3, !p3;
	s19 =	rddreg [dreg:$0x2];
	s26 =	smul.u32 $0xA000, s20  }
0x15: {  	s30 =	smax.u32 s1, $0x1;
	s1 =	simm.s32 $0x50;
	s11 =	sadd.s32 s4, s12  }
0x16: {  	s12 =	sadd.s32 s2, s12;
	s15 =	sadd.s32 s4, s13;
	s7 =	sadd.s32 s2, s13  }
0x17: {  	s13 =	sadd.s32 s4, s14;
	s14 =	sadd.s32 s2, s14;
	s16 =	sadd.s32 s4, s18  }
0x18: {  	s4 =	sshrl.u32 s8, $0x2;
	s8 =	sshrl.u32 s26, $0x2;
	s26 =	smul.u32 $0xA000, s24  }
0x19: {  	s18 =	sadd.s32 s2, s18;
	[dreg:$0x7] =	wrdreg s7;
	s7 =	smul.u32 $0xA000, s5  }
0x1a: {  	[dreg:$0x6] =	wrdreg s15;
	s15 =	simm.s32 $0x0;
	s20 =	sadd.s32 s4, s19  }
0x1b: {  	s23 =	sadd.s32 s8, s19;
	s2 =	sshrl.u32 s7, $0x2;
	s7 =	smul.u32 $0xA000, s22  }
0x1c: {  	s5 =	sshrl.u32 s17, $0x2;
	[smem:$0x7FF] =	sst s15;
	s8 =	sshrl.u32 s26, $0x2  }
0x1d: {  	s21 =	sadd.s32 s2, s19;
	s2 =	sshrl.u32 s7, $0x2;
	s7 =	smul.u32 $0xA000, s25  }
0x1e: {  	_ =	strace $0x80000047;
	s22 =	sadd.s32 s3, s19;
	s26 =	sadd.s32 s8, s19  }
0x1f: {  	s25 =	sadd.s32 s5, s19;
	s24 =	sadd.s32 s2, s19;
	s17 =	sshrl.u32 s7, $0x2  }
0x20: {  	v0 =	vimm.f32 $1.000000000e+00;
	v1 =	vimm.f32 $0.0e+00;
	s2 =	simm.s32 $0x4000;
	s28 =	sadd.s32 s17, s19;
	s17 =	simm.s32 $0x1  }
.LBB2_1:
0x21: {  	s3 =	simm.s32 $0x200;
	s4 =	simm.s32 $0x0  }
.LBB2_2:
0x22: {  	p5 =	sne.s32 s3, $0x9E00;
	[tilespmem:s4+$0x4000] =	vst v0;
	s5 =	smov.u32 s3;
	s3 =	sadd.s32 $0x200, s3  }
.Ltmp0:
0x23: {  	[tilespmem:s4+$0x6800] =	vst v1;
	(pc) =	sbr.rel @p5 .LBB2_2-.Ltmp0, $2  }
0x24: {  	_ =	sdelay $0x2  }
0x25: {  	s4 =	sshra.s32 s5, $0x2  }
0x26: {  	[tilespmem:s4+$0x4000] =	vst v0  }
0x27: {  	[tilespmem:s4+$0x6800] =	vst v1  }
0x28: {  	[spmem:s20] =	stream.linear.scatter [tilespmem:s31], [sflag:$0x1], $0x2800, $0x38;
	[tilespmem:$0xB710] =	vst v63  }
0x29: {  	_ =	swait.ge [sflag:s17], $0x2800  }
0x2a: {  	[sflag:s17] =	ssyncset.done $0x0  }
0x2b: {  	[sflag:s17] =	ssyncadd.s32 $0xFFFFD800  }
0x2c: {  	[spmem:s21] =	stream.linear.scatter [tilespmem:s31], [sflag:$0x1], $0x2800, $0x38;
	[tilespmem:$0xB710] =	vst v63  }
0x2d: {  	_ =	swait.ge [sflag:s17], $0x2800  }
0x2e: {  	[sflag:s17] =	ssyncset.done $0x0  }
0x2f: {  	[sflag:s17] =	ssyncadd.s32 $0xFFFFD800  }
0x30: {  	[spmem:s22] =	stream.linear.scatter [tilespmem:s31], [sflag:$0x1], $0x2800, $0x38;
	[tilespmem:$0xB710] =	vst v63  }
0x31: {  	_ =	swait.ge [sflag:s17], $0x2800  }
0x32: {  	[sflag:s17] =	ssyncset.done $0x0  }
0x33: {  	[sflag:s17] =	ssyncadd.s32 $0xFFFFD800  }
0x34: {  	[spmem:s23] =	stream.linear.scatter [tilespmem:s31], [sflag:$0x1], $0x2800, $0x38;
	[tilespmem:$0xB710] =	vst v63  }
0x35: {  	_ =	swait.ge [sflag:s17], $0x2800  }
0x36: {  	[sflag:s17] =	ssyncset.done $0x0  }
0x37: {  	[sflag:s17] =	ssyncadd.s32 $0xFFFFD800  }
0x38: {  	[spmem:s24] =	stream.linear.scatter [tilespmem:s31], [sflag:$0x1], $0x2800, $0x38;
	[tilespmem:$0xB710] =	vst v63  }
0x39: {  	_ =	swait.ge [sflag:s17], $0x2800  }
0x3a: {  	[sflag:s17] =	ssyncset.done $0x0  }
0x3b: {  	[sflag:s17] =	ssyncadd.s32 $0xFFFFD800  }
0x3c: {  	[spmem:s25] =	stream.linear.scatter [tilespmem:s31], [sflag:$0x1], $0x2800, $0x38;
	[tilespmem:$0xB710] =	vst v63  }
0x3d: {  	_ =	swait.ge [sflag:s17], $0x2800  }
0x3e: {  	[sflag:s17] =	ssyncset.done $0x0  }
0x3f: {  	[sflag:s17] =	ssyncadd.s32 $0xFFFFD800  }
0x40: {  	[spmem:s26] =	stream.linear.scatter [tilespmem:s31], [sflag:$0x1], $0x2800, $0x38;
	[tilespmem:$0xB710] =	vst v63  }
0x41: {  	_ =	swait.ge [sflag:s17], $0x2800  }
0x42: {  	[sflag:s17] =	ssyncset.done $0x0  }
0x43: {  	s3 =	simm.s32 @!p4 $0x6800;
	[sflag:s17] =	ssyncadd.s32 $0xFFFFD800  }
0x44: {  	[spmem:s28] =	stream.linear.scatter @!p4 [tilespmem:s3], [sflag:$0x1], $0x2800, $0x38;
	[tilespmem:$0xB710] =	vst v63  }
0x45: {  	s3 =	simm.s32 @!p4 $0x1  }
0x46: {  	_ =	swait.ge @!p4 [sflag:s3], $0x2800  }
0x47: {  	[sflag:s3] =	ssyncset.done @!p4 $0x0  }
0x48: {  	s7 =	simm.s32 $0x0;
	[sflag:s3] =	ssyncadd.s32 @!p4 $0xFFFFD800  }
0x49: {  	[tilespmem:s7], [sflag:$0x1] =	stream.linear.gather [hbm4b:s29+s7], $0x3E80, $0x38;
	[tilespmem:$0xB710] =	vst v63  }
0x4a: {  	_ =	swait.ge [sflag:s17], $0x3E80  }
0x4b: {  	[sflag:s17] =	ssyncset.done $0x0  }
0x4c: {  	[sflag:s17] =	ssyncadd.s32 $0xFFFFC180  }
0x4d: {  	s8 =	simm.s32 $0x0;
	[bflag:$0x0] =	sbarrier.arrive $0xFFFF  }
0x4e: {  	[spmem:s19] =	stream.indirect.scatter.add.f32 [tilespmem:s2], [sflag:$0x1], $0x10, s8, s1, $0xb8;
	[tilespmem:$0xB710] =	vst v63  }
0x4f: {  	_ =	swait.ge [sflag:s17], $0x500  }
0x50: {  	s3 =	simm.s32 $0x200;
	[sflag:s17] =	ssyncset.done $0x0  }
.LBB2_4:
0x51: {  	s4 =	sshra.s32 s3, $0x2;
	[sflag:s17] =	ssyncadd.s32 $0xFFFFFB00;
	p5 =	sne.s32 s3, $0xF800  }
0x52: {  	[spmem:s19] =	stream.indirect.scatter.add.f32 [tilespmem:s2], [sflag:$0x1], $0x10, s4, s1, $0xb8;
	[tilespmem:$0xB710] =	vst v63  }
.Ltmp1:
0x53: {  	_ = 	snop;
	(pc) =	sbr.rel @p5 .LBB2_4-.Ltmp1, $4  }
0x54: {  	_ = 	snop  }
0x55: {  	s3 =	sadd.s32 $0x200, s3  }
0x56: {  	_ =	swait.ge [sflag:s17], $0x500  }
0x57: {  	[sflag:s17] =	ssyncset.done $0x0  }
0x58: {  	[sflag:s17] =	ssyncadd.s32 $0xFFFFFB00  }
0x59: {  	s3 =	sshll.u32 @!p1 s0, $0x6;
	[bflag:$0x0] =	sbarrier.arrive $0xFFFF  }
0x5a: {  	s4 =	sshrl.u32 @!p1 s20, $0x3;
	s3 =	sor.u32 @!p1 $0x1C01, s3;
	s5 =	rddreg [dreg:$0x4]  }
0x5b: {  	[hbm:s5], [sflag:s3] =	dma.local @!p1 [spmem:s4], $0x500  }
0x5c: {  	s4 =	simm.s32 @!p1 $0x1  }
0x5d: {  	s5 =	sshll.u32 @p0 s0, $0x6;
	_ =	swait.ge @!p1 [sflag:s4], $0x500  }
0x5e: {  	s6 =	sor.u32 @p0 $0x1C01, s5;
	[sflag:s4] =	ssyncset.done @!p1 $0x0  }
0x5f: {  	s5 =	sshrl.u32 @p0 s20, $0x3;
	s7 =	rddreg [dreg:$0x5];
	[sflag:s4] =	ssyncadd.s32 @!p1 $0xFFFFFB00  }
0x60: {  	[hbm:s7], [sflag:s6] =	dma.local @p0 [spmem:s5], $0x500  }
0x61: {  	s5 =	simm.s32 @p0 $0x1  }
0x62: {  	_ =	swait.ge @p0 [sflag:s5], $0x500  }
0x63: {  	[sflag:s5] =	ssyncset.done @p0 $0x0  }
0x64: {  	s7 =	sshrl.u32 @!p1 s21, $0x3;
	s8 =	rddreg [dreg:$0x6];
	[sflag:s5] =	ssyncadd.s32 @p0 $0xFFFFFB00  }
0x65: {  	[hbm:s8], [sflag:s3] =	dma.local @!p1 [spmem:s7], $0x500  }
0x66: {  	_ =	swait.ge @!p1 [sflag:s4], $0x500  }
0x67: {  	[sflag:s4] =	ssyncset.done @!p1 $0x0  }
0x68: {  	s7 =	sshrl.u32 @p0 s21, $0x3;
	s8 =	rddreg [dreg:$0x7];
	[sflag:s4] =	ssyncadd.s32 @!p1 $0xFFFFFB00  }
0x69: {  	[hbm:s8], [sflag:s6] =	dma.local @p0 [spmem:s7], $0x500  }
0x6a: {  	_ =	swait.ge @p0 [sflag:s5], $0x500  }
0x6b: {  	[sflag:s5] =	ssyncset.done @p0 $0x0  }
0x6c: {  	s7 =	sshrl.u32 @!p1 s22, $0x3;
	s8 =	rddreg [dreg:$0x8];
	[sflag:s5] =	ssyncadd.s32 @p0 $0xFFFFFB00  }
0x6d: {  	[hbm:s8], [sflag:s3] =	dma.local @!p1 [spmem:s7], $0x500  }
0x6e: {  	_ =	swait.ge @!p1 [sflag:s4], $0x500  }
0x6f: {  	[sflag:s4] =	ssyncset.done @!p1 $0x0  }
0x70: {  	s7 =	sshrl.u32 @p0 s22, $0x3;
	s8 =	rddreg [dreg:$0x9];
	[sflag:s4] =	ssyncadd.s32 @!p1 $0xFFFFFB00  }
0x71: {  	[hbm:s8], [sflag:s6] =	dma.local @p0 [spmem:s7], $0x500  }
0x72: {  	_ =	swait.ge @p0 [sflag:s5], $0x500  }
0x73: {  	[sflag:s5] =	ssyncset.done @p0 $0x0  }
0x74: {  	s7 =	sshrl.u32 @!p1 s23, $0x3;
	s8 =	rddreg [dreg:$0xa];
	[sflag:s5] =	ssyncadd.s32 @p0 $0xFFFFFB00  }
0x75: {  	[hbm:s8], [sflag:s3] =	dma.local @!p1 [spmem:s7], $0x500  }
0x76: {  	_ =	swait.ge @!p1 [sflag:s4], $0x500  }
0x77: {  	[sflag:s4] =	ssyncset.done @!p1 $0x0  }
0x78: {  	s7 =	sshrl.u32 @p0 s23, $0x3;
	s8 =	rddreg [dreg:$0xb];
	[sflag:s4] =	ssyncadd.s32 @!p1 $0xFFFFFB00  }
0x79: {  	[hbm:s8], [sflag:s6] =	dma.local @p0 [spmem:s7], $0x500  }
0x7a: {  	_ =	swait.ge @p0 [sflag:s5], $0x500  }
0x7b: {  	[sflag:s5] =	ssyncset.done @p0 $0x0  }
0x7c: {  	s7 =	sshrl.u32 @!p1 s24, $0x3;
	[sflag:s5] =	ssyncadd.s32 @p0 $0xFFFFFB00  }
0x7d: {  	[hbm:s9], [sflag:s3] =	dma.local @!p1 [spmem:s7], $0x500  }
0x7e: {  	_ =	swait.ge @!p1 [sflag:s4], $0x500  }
0x7f: {  	[sflag:s4] =	ssyncset.done @!p1 $0x0  }
0x80: {  	s7 =	sshrl.u32 @p0 s24, $0x3;
	[sflag:s4] =	ssyncadd.s32 @!p1 $0xFFFFFB00  }
0x81: {  	[hbm:s10], [sflag:s6] =	dma.local @p0 [spmem:s7], $0x500  }
0x82: {  	_ =	swait.ge @p0 [sflag:s5], $0x500  }
0x83: {  	[sflag:s5] =	ssyncset.done @p0 $0x0  }
0x84: {  	s7 =	sshrl.u32 @!p1 s25, $0x3;
	[sflag:s5] =	ssyncadd.s32 @p0 $0xFFFFFB00  }
0x85: {  	[hbm:s11], [sflag:s3] =	dma.local @!p1 [spmem:s7], $0x500  }
0x86: {  	_ =	swait.ge @!p1 [sflag:s4], $0x500  }
0x87: {  	[sflag:s4] =	ssyncset.done @!p1 $0x0  }
0x88: {  	s7 =	sshrl.u32 @p0 s25, $0x3;
	[sflag:s4] =	ssyncadd.s32 @!p1 $0xFFFFFB00  }
0x89: {  	[hbm:s12], [sflag:s6] =	dma.local @p0 [spmem:s7], $0x500  }
0x8a: {  	_ =	swait.ge @p0 [sflag:s5], $0x500  }
0x8b: {  	[sflag:s5] =	ssyncset.done @p0 $0x0  }
0x8c: {  	s7 =	sshrl.u32 @!p1 s26, $0x3;
	[sflag:s5] =	ssyncadd.s32 @p0 $0xFFFFFB00  }
0x8d: {  	[hbm:s13], [sflag:s3] =	dma.local @!p1 [spmem:s7], $0x500  }
0x8e: {  	_ =	swait.ge @!p1 [sflag:s4], $0x500  }
0x8f: {  	[sflag:s4] =	ssyncset.done @!p1 $0x0  }
0x90: {  	s3 =	sshrl.u32 @p0 s26, $0x3;
	[sflag:s4] =	ssyncadd.s32 @!p1 $0xFFFFFB00  }
0x91: {  	[hbm:s14], [sflag:s6] =	dma.local @p0 [spmem:s3], $0x500  }
0x92: {  	_ =	swait.ge @p0 [sflag:s5], $0x500  }
0x93: {  	s3 =	sshll.u32 @p2 s0, $0x6;
	[sflag:s5] =	ssyncset.done @p0 $0x0  }
0x94: {  	s4 =	sshrl.u32 @p2 s28, $0x3;
	s3 =	sor.u32 @p2 $0x1C01, s3;
	[sflag:s5] =	ssyncadd.s32 @p0 $0xFFFFFB00  }
0x95: {  	[hbm:s16], [sflag:s3] =	dma.local @p2 [spmem:s4], $0x500  }
0x96: {  	s3 =	simm.s32 @p2 $0x1  }
0x97: {  	s15 =	sadd.s32 $0x1, s15;
	_ =	swait.ge @p2 [sflag:s3], $0x500  }
0x98: {  	p5 =	sne.s32 s15, s30;
	s4 =	sshll.u32 @p3 s0, $0x6;
	[sflag:s3] =	ssyncset.done @p2 $0x0  }
0x99: {  	[sflag:s3] =	ssyncadd.s32 @p2 $0xFFFFFB00;
	s3 =	sor.u32 @p3 $0x1C01, s4;
	s4 =	sshrl.u32 @p3 s28, $0x3  }
0x9a: {  	[hbm:s18], [sflag:s3] =	dma.local @p3 [spmem:s4], $0x500  }
.Ltmp2:
0x9b: {  	_ = 	snop;
	(pc) =	sbr.rel @p5 .LBB2_1-.Ltmp2, $4  }
0x9c: {  	s3 =	simm.s32 @p3 $0x1  }
0x9d: {  	_ =	swait.ge @p3 [sflag:s3], $0x500  }
0x9e: {  	[sflag:s3] =	ssyncset.done @p3 $0x0  }
0x9f: {  	[sflag:s3] =	ssyncadd.s32 @p3 $0xFFFFFB00  }
0xa0: {  	_ =	sfence.sel $0x180000  }
0xa1: {  	[bflag:$0x0] =	sbarrier.arrive $0xFFFF  }
0xa2: {  	_ =	strace $0x90000047  }
0xa3: {  	[bflag:$0x2] =	sbarrier.arrive $0xFFFF  }
0xa4: {  	p0 =	sne.s32 s0, $0x0;
	s0 =	rddreg [dreg:$0x3]  }
0xa5: {  	s0 =	sadd.s32 @!p0 $0x100000, s0  }
0xa6: {  	[sflag:s0] =	ssyncadd.tile.s32 @!p0 $0x1;
	_ =	shalt  }
.Lfunc_end2:
_tile_overlayer_lowered:
.L_overlay_start_2:
0xa7: {  	(tag) =	ssettag $0x2  }
0xa8: {  	s0 =	rddreg [dreg:$0x0];
	s2 =	stileid.u32  }
0xa9: {  	s1 =	rddreg [dreg:$0x1];
	p0 =	sne.s32 s2, $0x0  }
0xaa: {  	s3 =	rddreg [dreg:$0x2];
	[bflag:$0x3] =	sbarrier.arrive $0xFFFF;
	s2 =	simm.s32 @!p0 $0x1C01  }
0xab: {  	[timem:s3], [sflag:s2] =	dma.local @!p0 [hbm:s0], s1  }
0xac: {  	s0 =	simm.s32 @!p0 $0x1  }
0xad: {  	_ =	swait.ge @!p0 [sflag:s0], s1  }
0xae: {  	s1 =	ssub.s32 @!p0 $0x0, s1;
	[sflag:s0] =	ssyncset.done @!p0 $0x0  }
0xaf: {  	[sflag:s0] =	ssyncadd.s32 @!p0 s1  }
0xb0: {  	[bflag:$0x3] =	sbarrier.arrive $0xFFFF  }
0xb1: {  	_ =	shalt  }

// kernel: kernel.13.cloned.1.call-start
scs
__scs_entry_jumppad:
0x0: {  	(pc) =	sbr.rel $0x88, $3  }
0x1: {  	(tag) =	ssettag $0x0;
	lr =	simm.s32 $0x1  }
0x2: {  	[smem:$0x3F97] =	sst lr;
	_ =	strace $0xD0000000  }
0x3: {  	_ = 	snop  }
0x4: {  	_ = 	snop  }
0x5: {  	_ = 	snop  }
0x6: {  	_ = 	snop  }
0x7: {  	_ = 	snop  }
__scs_overlays_trampoline_lowered:
0x8: {  	[smem:$0x3FA6] =	sst s0  }
0x9: {  	[smem:$0x3FA7] =	sst s1  }
0xa: {  	[smem:$0x3FA8] =	sst s2  }
0xb: {  	[smem:$0x3FA9] =	sst s3  }
0xc: {  	[smem:$0x3FAA] =	sst s4  }
0xd: {  	[smem:$0x3FAB] =	sst s5  }
0xe: {  	[smem:$0x3FAC] =	sst s6  }
0xf: {  	[smem:$0x3FAD] =	sst s7  }
0x10: {  	[smem:$0x3FAE] =	sst s8  }
0x11: {  	[smem:$0x3FAF] =	sst s9;
	s0 =	simm.s32 @!p0 $0x0  }
0x12: {  	s1 =	sld [smem:$0x3F95];
	s0 =	simm.s32 @p0 $0x1  }
0x13: {  	[smem:$0x3FB0] =	sst s0;
	s0 =	simm.s32 @!p1 $0x0  }
0x14: {  	s2 =	sld [smem:$0x3F94];
	s0 =	simm.s32 @p1 $0x1  }
0x15: {  	[smem:$0x3FB1] =	sst s0;
	s0 =	simm.s32 @!p2 $0x0  }
0x16: {  	s3 =	sld [smem:$0x3FDB];
	s0 =	simm.s32 @p2 $0x1  }
0x17: {  	s4 =	simm.s32 $0x1BF5;
	[smem:$0x3FB3] =	sst s0  }
0x18: {  	s0 =	sld [smem:$0x3F96];
	_ =	swait.ge [sflag:s4], $0x0  }
0x19: {  	s7 =	sld [smem:$0x3F97]  }
0x1a: {  	s8 =	sadd.s32 $0xFFFFE003, lr  }
0x1b: {  	s9 =	sadd.s32 $0xFFFFFEF7, lr;
	s5 =	simm.s32 $0xFFFFFFFF;
	p2 =	slt.u32 s8, $0xFFFFF086  }
0x1c: {  	p1 =	slt.u32 s9, $0xF7A;
	s5 =	simm.s32 @!p2 $0x0  }
0x1d: {  	s5 =	simm.s32 @p1 $0x1;
	p0 =	seq.s32 s7, s2  }
0x1e: {  	s7 =	smul.u32 @!p0 $0xF7A, s2;
	p2 =	seq.s32 @!p0 s5, $0x0  }
0x1f: {  	s9 =	smul.u32 $0xF7A, s1;
	s8 =	simm.s32 @!p0 $0x1BF5;
	p2 =	por !p2, p0  }
0x20: {  	[sflag:s8] =	ssyncset.s32 @!p0 $0xFFFFF086;
	s6 =	sadd.s32 @!p0 s3, s7;
	s7 =	simm.s32 @!p0 $0x108  }
0x21: {  	s3 =	sadd.s32 s3, s9;
	s6 =	sadd.s32 @!p0 $0x88, s6;
	s7 =	simm.s32 @p2 $0x1082  }
0x22: {  	[simem:s7], [sflag:s8] =	dma.local @!p0 [hbm:s6], $0xF7A  }
0x23: {  	s9 =	sor.u32 $0xD0000000, s2;
	s6 =	simm.s32 $0x108;
	_ =	swait.ge @!p0 [sflag:s8], $0x0  }
0x24: {  	s3 =	sadd.s32 $0x88, s3;
	s6 =	simm.s32 @!p1 $0x1082;
	[sflag:s4] =	ssyncset.s32 $0xFFFFF086  }
0x25: {  	[simem:s6], [sflag:s4] =	dma.local [hbm:s3], $0xF7A  }
0x26: {  	[smem:$0x3F97] =	sst s1;
	(tag) =	ssettag s2;
	_ =	strace s9  }
0x27: {  	s1 =	sld [smem:$0x3FA7]  }
0x28: {  	s2 =	sld [smem:$0x3FA8]  }
0x29: {  	s4 =	sld [smem:$0x3FAA]  }
0x2a: {  	p0 =	seq.s32 s5, $0x0;
	s5 =	sld [smem:$0x3FAB]  }
0x2b: {  	s6 =	sld [smem:$0x3FAC]  }
0x2c: {  	s7 =	sld [smem:$0x3FAD]  }
0x2d: {  	s3 =	simm.s32 $0x108;
	s8 =	sld [smem:$0x3FAE]  }
0x2e: {  	s3 =	simm.s32 @!p0 $0x1082;
	s9 =	sld [smem:$0x3FAF]  }
0x2f: {  	lr =	sadd.s32 s0, s3;
	s0 =	sld [smem:$0x3FA6]  }
0x30: {  	s3 =	sld [smem:$0x3FA9]  }
0x31: {  	[smem:$0x3FB2] =	sst s10  }
0x32: {  	s10 =	sld [smem:$0x3FB0];
	_ =	sdelay $0x3  }
0x33: {  	p0 =	seq.s32 s10, $0x1;
	s10 =	sld [smem:$0x3FB2];
	_ =	sdelay $0x3  }
0x34: {  	[smem:$0x3FB2] =	sst s10  }
0x35: {  	s10 =	sld [smem:$0x3FB1];
	_ =	sdelay $0x3  }
0x36: {  	p1 =	seq.s32 s10, $0x1;
	s10 =	sld [smem:$0x3FB2];
	_ =	sdelay $0x3  }
0x37: {  	[smem:$0x3FB2] =	sst s10  }
0x38: {  	s10 =	sld [smem:$0x3FB3]  }
0x39: {  	_ = 	snop;
	(pc) =	sbr.ind lr, $3  }
0x3a: {  	_ = 	snop  }
0x3b: {  	_ = 	snop  }
0x3c: {  	p2 =	seq.s32 s10, $0x1;
	s10 =	sld [smem:$0x3FB2]  }
0x3d: {  	_ =	shalt  }
0x3e: {  	_ =	shalt  }
0x3f: {  	_ =	shalt  }
0x40: {  	_ =	shalt  }
0x41: {  	_ =	shalt  }
0x42: {  	_ =	shalt  }
0x43: {  	_ =	shalt  }
0x44: {  	_ =	shalt  }
0x45: {  	_ =	shalt  }
0x46: {  	_ =	shalt  }
0x47: {  	_ =	shalt  }
0x48: {  	_ =	shalt  }
0x49: {  	_ =	shalt  }
0x4a: {  	_ =	shalt  }
0x4b: {  	_ =	shalt  }
0x4c: {  	_ =	shalt  }
0x4d: {  	_ =	shalt  }
0x4e: {  	_ =	shalt  }
0x4f: {  	_ =	shalt  }
0x50: {  	_ =	shalt  }
0x51: {  	_ =	shalt  }
0x52: {  	_ =	shalt  }
0x53: {  	_ =	shalt  }
0x54: {  	_ =	shalt  }
0x55: {  	_ =	shalt  }
0x56: {  	_ =	shalt  }
0x57: {  	_ =	shalt  }
0x58: {  	_ =	shalt  }
0x59: {  	_ =	shalt  }
0x5a: {  	_ =	shalt  }
0x5b: {  	_ =	shalt  }
0x5c: {  	_ =	shalt  }
0x5d: {  	_ =	shalt  }
0x5e: {  	_ =	shalt  }
0x5f: {  	_ =	shalt  }
0x60: {  	_ =	shalt  }
0x61: {  	_ =	shalt  }
0x62: {  	_ =	shalt  }
0x63: {  	_ =	shalt  }
0x64: {  	_ =	shalt  }
0x65: {  	_ =	shalt  }
0x66: {  	_ =	shalt  }
0x67: {  	_ =	shalt  }
0x68: {  	_ =	shalt  }
0x69: {  	_ =	shalt  }
0x6a: {  	_ =	shalt  }
0x6b: {  	_ =	shalt  }
0x6c: {  	_ =	shalt  }
0x6d: {  	_ =	shalt  }
0x6e: {  	_ =	shalt  }
0x6f: {  	_ =	shalt  }
0x70: {  	_ =	shalt  }
0x71: {  	_ =	shalt  }
0x72: {  	_ =	shalt  }
0x73: {  	_ =	shalt  }
0x74: {  	_ =	shalt  }
0x75: {  	_ =	shalt  }
0x76: {  	_ =	shalt  }
0x77: {  	_ =	shalt  }
0x78: {  	_ =	shalt  }
0x79: {  	_ =	shalt  }
0x7a: {  	_ =	shalt  }
0x7b: {  	_ =	shalt  }
0x7c: {  	_ =	shalt  }
0x7d: {  	_ =	shalt  }
0x7e: {  	_ =	shalt  }
0x7f: {  	_ =	shalt  }
0x80: {  	_ =	shalt  }
0x81: {  	_ =	shalt  }
0x82: {  	_ =	shalt  }
0x83: {  	_ =	shalt  }
0x84: {  	_ =	shalt  }
0x85: {  	_ =	shalt  }
0x86: {  	_ =	shalt  }
0x87: {  	_ =	shalt  }
.Lfunc_end0:
.L_simem_size_0:
called_computation.1_lowered:
.L_overlay_start_0:
0x88: {  	s2 =	sld [smem:$0x3FD9]  }
0x89: {  	s3 =	sld [smem:$0x3FFE];
	_ =	sdelay $0x1  }
0x8a: {  	s1 =	srdreg.scid  }
0x8b: {  	s0 =	sand.u32 $0x1, s1  }
0x8c: {  	s17 =	sshll.u32 s0, $0xA;
	s2 =	sadd.s32 s3, s2  }
0x8d: {  	s2 =	sadd.s32 s2, s17  }
0x8e: {  	[smem:$0x3FBE] =	sst s2  }
0x8f: {  	_ = 	snop  }
0x90: {  	s2 =	sld [smem:$0x3FD0];
	(tm) =	ssettm $0x1  }
0x91: {  	s18 =	sld [smem:$0x3FFB];
	_ =	sdelay $0x3  }
0x92: {  	_ =	strace s18  }
0x93: {  	s3 =	sld [smem:$0x3FFC];
	_ =	sdelay $0x3  }
0x94: {  	_ =	strace s3  }
0x95: {  	s3 =	sld [smem:$0x3FFD];
	_ =	sdelay $0x3  }
0x96: {  	_ =	strace s3  }
0x97: {  	_ =	strace $0x8FFFFFFF  }
0x98: {  	s19 =	sld [smem:$0x3FDB];
	_ =	sdelay $0x1  }
0x99: {  	s4 =	simm.s32 $_scs_section_size  }
0x9a: {  	s5 =	simm.s32 $_size__tile_overlayer_lowered;
	s6 =	simm.s32 $_tile_overlayer_lowered  }
0x9b: {  	s22 =	simm.s32 $0x1BFF;
	s21 =	sshll.u32 s6, $0x1;
	s3 =	sadd.s32 s4, s19  }
0x9c: {  	s7 =	simm.s32 $0x0;
	s20 =	sshll.u32 s5, $0x1;
	s5 =	sadd.s32 s21, s3  }
0x9d: {  	[timem:s7], [sflag:s22] =	dma.local [hbm:s5], s20  }
0x9e: {  	_ =	swait.ge [sflag:s22], s20  }
0x9f: {  	s4 =	ssub.s32 $0x0, s20;
	[sflag:s22] =	ssyncset.done $0x0  }
0xa0: {  	[sflag:s22] =	ssyncadd.s32 s4;
	_ =	sdelay $0x1  }
0xa1: {  	s23 =	simm.s32 $0x1B8B  }
0xa2: {  	_ =	swait.ge [sflag:s23], $0x1  }
0xa3: {  	[sflag:s23] =	ssyncset.done $0x0  }
0xa4: {  	s25 =	simm.s32 $0x1B8E;
	s24 =	sld [smem:$0x3FFE];
	[sflag:s23] =	ssyncadd.s32 $0xFFFFFFFF  }
0xa5: {  	s26 =	simm.s32 $execute0_lowered;
	[smem:$0x3FD2] =	sst s25  }
0xa6: {  	s5 =	sshll.u32 s26, $0x1;
	_ =	strace $0x80000049;
	[dreg:$0x1] =	wrdreg $0xFFFFFFFF  }
0xa7: {  	s28 =	simm.s32 $_size_execute0_lowered;
	s3 =	sadd.s32 s3, s5;
	[dreg:$0x0] =	wrdreg $0x0  }
0xa8: {  	s5 =	sshll.u32 s28, $0x1;
	[dreg:$0x2] =	wrdreg s3  }
0xa9: {  	[dreg:$0x3] =	wrdreg s5  }
0xaa: {  	[dreg:$0x4] =	wrdreg $0xC0  }
0xab: {  	_ =	task [dreg:s7], $0x5FFFF  }
0xac: {  	[dreg:$0x1] =	wrdreg $0xFFFFFFFF  }
0xad: {  	[dreg:$0x0] =	wrdreg $0x60  }
0xae: {  	[dreg:$0x2] =	wrdreg s24  }
0xaf: {  	[dreg:$0x3] =	wrdreg s2  }
0xb0: {  	[dreg:$0x4] =	wrdreg $0xA8000  }
0xb1: {  	[dreg:$0x5] =	wrdreg $0x9  }
0xb2: {  	_ =	task.clear_ibuf [dreg:s7], $0x6FFFF;
	_ =	strace $0x90000049  }
0xb3: {  	s29 =	simm.s32 $0x9;
	_ =	strace $0x8000004B  }
0xb4: {  	_ =	swait.ge [sflag:s29], $0x1  }
0xb5: {  	[sflag:s29] =	ssyncadd.s32 $0xFFFFFFFF  }
0xb6: {  	_ =	strace $0x9000004B  }
0xb7: {  	_ =	sfence  }
0xb8: {  	s30 =	sld [smem:$0x0];
	_ =	sdelay $0x2  }
0xb9: {  	s31 =	sshll.u32 s1, $0xD;
	s1 =	sshrl.u32 s1, $0x2  }
0xba: {  	s3 =	sand.u32 $0x4000, s31;
	s1 =	sadd.s32 s1, s30  }
0xbb: {  	s0 =	sor.u32 s3, s0;
	s1 =	sshll.u32 s1, $0x11  }
0xbc: {  	s0 =	sor.u32 s1, s0  }
0xbd: {  	s0 =	sadd.s32 $0x8F2B, s0  }
0xbe: {  	[sflag:s0] =	ssyncadd.remote.s32 $0x1  }
0xbf: {  	_ =	sfence.sel $0xFFFF  }
0xc0: {  	[dreg:$0x0] =	wrdreg $0xFFFFFFFF;
	(pc) =	sbr.abs _section_cstart, $3  }
0xc1: {  	[dreg:$0x1] =	wrdreg $0xFFFFFFFF  }
0xc2: {  	_ =	task.clear_ibuf [dreg:s7], $0x2FFFF;
	_ =	strace $0x9FFFFFFF  }
0xc3: {  	(tm) =	ssettm $0x7FFFFFFF  }
tec
execute0_lowered:
.L_overlay_start_1:
0x0: {  	(tag) =	ssettag $0x1  }
0x1: {  	s1 =	srdreg.scid  }
0x2: {  	s0 =	stileid.u32;
	s4 =	rddreg [dreg:$0x0]  }
0x3: {  	s3 =	sand.u32 $0x1, s1;
	s26 =	sor.u32 $0x10, s0;
	s9 =	smul.u32 $0x500, s0  }
0x4: {  	s2 =	sshll.u32 s0, $0xB;
	s7 =	sor.u32 $0x20, s0;
	s10 =	smul.u32 $0x500, s26  }
0x5: {  	s6 =	sadd.s32 $0x4CC00, s4;
	s8 =	sor.u32 $0x30, s0;
	s13 =	smul.u32 $0x500, s7  }
0x6: {  	s18 =	sor.u32 $0x40, s0;
	s23 =	sor.u32 $0x50, s0;
	s15 =	smul.u32 $0x500, s8  }
0x7: {  	s24 =	sor.u32 $0x60, s0;
	p3 =	slt.u32 s0, $0xD;
	s17 =	smul.u32 $0x500, s18  }
0x8: {  	p4 =	sgt.u32 s0, $0xC;
	s1 =	sshll.u32 s3, $0xF;
	s12 =	smul.u32 $0x500, s23  }
0x9: {  	s5 =	ssub.s32 $0x2, s3;
	s26 =	smul.u32 $0xA000, s26;
	p2 =	seq.s32 s3, $0x0  }
0xa: {  	p0 =	seq.s32 s3, $0x1;
	p1 =	sne.s32 s3, $0x0;
	s7 =	smul.u32 $0xA000, s7  }
0xb: {  	s8 =	smul.u32 $0xA000, s8;
	s1 =	sor.u32 s2, s1;
	s25 =	sshrl.u32 s5, $0x1  }
0xc: {  	s11 =	sadd.s32 s6, s9;
	p2 =	por !p3, !p2;
	p3 =	por !p3, !p0  }
0xd: {  	s2 =	sadd.s32 s1, s4;
	[dreg:$0x4] =	wrdreg s11;
	s14 =	sadd.s32 s6, s10  }
0xe: {  	s4 =	sadd.s32 $0x73E00, s4;
	s16 =	sadd.s32 s6, s13;
	[dreg:$0x6] =	wrdreg s14  }
0xf: {  	s1 =	ssub.s32 s5, s25;
	s19 =	sadd.s32 s6, s15;
	[dreg:$0x8] =	wrdreg s16  }
0x10: {  	s25 =	sor.u32 $0x70, s0;
	s21 =	sadd.s32 s6, s17;
	[dreg:$0xa] =	wrdreg s19  }
0x11: {  	s11 =	sadd.s32 s6, s12;
	s3 =	sshrl.u32 s7, $0x2;
	[dreg:$0xc] =	wrdreg s21  }
0x12: {  	p2 =	por !p2, !p2;
	s9 =	sadd.s32 s4, s9;
	s19 =	rddreg [dreg:$0x1]  }
0x13: {  	p3 =	por !p3, !p3;
	s10 =	sadd.s32 s4, s10;
	[dreg:$0x5] =	wrdreg s9  }
0x14: {  	s20 =	sadd.s32 s4, s15;
	s22 =	sadd.s32 s4, s17;
	[dreg:$0x7] =	wrdreg s10  }
0x15: {  	s14 =	smul.u32 $0x500, s24;
	s12 =	sadd.s32 s4, s12;
	[dreg:$0xb] =	wrdreg s20  }
0x16: {  	s17 =	smul.u32 $0x500, s25;
	s15 =	simm.s32 $0x0;
	[dreg:$0xd] =	wrdreg s22  }
0x17: {  	s30 =	sadd.s32 $0x3CC00, s2;
	s31 =	sadd.s32 $0x5A00, s2;
	[smem:$0x7FF] =	sst s15  }
0x18: {  	s2 =	simm.s32 $0x2;
	s9 =	sadd.s32 s4, s13;
	s20 =	rddreg [dreg:$0x2]  }
0x19: {  	s10 =	smul.u32 $0xA000, s23;
	[dreg:$0x9] =	wrdreg s9;
	s13 =	sadd.s32 s6, s14  }
0x1a: {  	s14 =	sadd.s32 s4, s14;
	s16 =	sadd.s32 s6, s17;
	s6 =	smul.u32 $0xA000, s0  }
0x1b: {  	s17 =	sadd.s32 s4, s17;
	s4 =	sshrl.u32 s26, $0x2;
	s9 =	smul.u32 $0xA000, s18  }
0x1c: {  	s23 =	sadd.s32 s3, s20;
	s18 =	sshrl.u32 s8, $0x2;
	s26 =	smul.u32 $0xA000, s24  }
0x1d: {  	s8 =	smul.u32 $0xA000, s25;
	s3 =	simm.s32 $0x50;
	_ =	strace $0x8000004A  }
0x1e: {  	s22 =	sadd.s32 s4, s20;
	s24 =	sadd.s32 s18, s20;
	s4 =	simm.s32 $0x1  }
0x1f: {  	s5 =	sshrl.u32 s6, $0x2;
	s7 =	sshrl.u32 s9, $0x2;
	s9 =	sshrl.u32 s10, $0x2  }
0x20: {  	s10 =	sshrl.u32 s26, $0x2;
	s18 =	sshrl.u32 s8, $0x2;
	s21 =	sadd.s32 s5, s20  }
0x21: {  	s25 =	sadd.s32 s7, s20;
	s26 =	sadd.s32 s9, s20;
	s28 =	sadd.s32 s10, s20  }
0x22: {  	v0 =	vimm.f32 $0.0e+00;
	s29 =	sadd.s32 s18, s20;
	s18 =	smax.u32 s1, $0x1;
	s1 =	simm.s32 $0x8000  }
.LBB2_1:
0x23: {  	s5 =	simm.s32 $0x0;
	s6 =	simm.s32 $0x200  }
.LBB2_2:
0x24: {  	p5 =	sne.s32 s6, $0x9E00;
	[tilespmem:s5+$0x8070] =	vst v0  }
0x25: {  	[tilespmem:s5+$0x8000] =	vst v0  }
0x26: {  	[tilespmem:s5+$0x8010] =	vst v0  }
.Ltmp0:
0x27: {  	[tilespmem:s5+$0x8020] =	vst v0;
	(pc) =	sbr.rel @p5 .LBB2_2-.Ltmp0, $4  }
0x28: {  	[tilespmem:s5+$0x8030] =	vst v0  }
0x29: {  	[tilespmem:s5+$0x8040] =	vst v0  }
0x2a: {  	[tilespmem:s5+$0x8050] =	vst v0  }
0x2b: {  	[tilespmem:s5+$0x8060] =	vst v0;
	s5 =	sshra.s32 s6, $0x2;
	s6 =	sadd.s32 $0x200, s6  }
0x2c: {  	[tilespmem:s5+$0x8070] =	vst v0  }
0x2d: {  	[tilespmem:s5+$0x8000] =	vst v0  }
0x2e: {  	[tilespmem:s5+$0x8010] =	vst v0  }
0x2f: {  	[tilespmem:s5+$0x8020] =	vst v0  }
0x30: {  	[tilespmem:s5+$0x8030] =	vst v0  }
0x31: {  	[tilespmem:s5+$0x8040] =	vst v0  }
0x32: {  	[tilespmem:s5+$0x8050] =	vst v0  }
0x33: {  	[tilespmem:s5+$0x8060] =	vst v0  }
0x34: {  	[spmem:s21] =	stream.linear.scatter [tilespmem:s1], [sflag:$0x2], $0x2800, $0x38;
	[tilespmem:$0x1E080] =	vst v63  }
0x35: {  	_ =	swait.ge [sflag:s2], $0x2800  }
0x36: {  	[sflag:s2] =	ssyncset.done $0x0  }
0x37: {  	[sflag:s2] =	ssyncadd.s32 $0xFFFFD800  }
0x38: {  	[spmem:s22] =	stream.linear.scatter [tilespmem:s1], [sflag:$0x2], $0x2800, $0x38;
	[tilespmem:$0x1E080] =	vst v63  }
0x39: {  	_ =	swait.ge [sflag:s2], $0x2800  }
0x3a: {  	[sflag:s2] =	ssyncset.done $0x0  }
0x3b: {  	[sflag:s2] =	ssyncadd.s32 $0xFFFFD800  }
0x3c: {  	[spmem:s23] =	stream.linear.scatter [tilespmem:s1], [sflag:$0x2], $0x2800, $0x38;
	[tilespmem:$0x1E080] =	vst v63  }
0x3d: {  	_ =	swait.ge [sflag:s2], $0x2800  }
0x3e: {  	[sflag:s2] =	ssyncset.done $0x0  }
0x3f: {  	[sflag:s2] =	ssyncadd.s32 $0xFFFFD800  }
0x40: {  	[spmem:s24] =	stream.linear.scatter [tilespmem:s1], [sflag:$0x2], $0x2800, $0x38;
	[tilespmem:$0x1E080] =	vst v63  }
0x41: {  	_ =	swait.ge [sflag:s2], $0x2800  }
0x42: {  	[sflag:s2] =	ssyncset.done $0x0  }
0x43: {  	[sflag:s2] =	ssyncadd.s32 $0xFFFFD800  }
0x44: {  	[spmem:s25] =	stream.linear.scatter [tilespmem:s1], [sflag:$0x2], $0x2800, $0x38;
	[tilespmem:$0x1E080] =	vst v63  }
0x45: {  	_ =	swait.ge [sflag:s2], $0x2800  }
0x46: {  	[sflag:s2] =	ssyncset.done $0x0  }
0x47: {  	[sflag:s2] =	ssyncadd.s32 $0xFFFFD800  }
0x48: {  	[spmem:s26] =	stream.linear.scatter [tilespmem:s1], [sflag:$0x2], $0x2800, $0x38;
	[tilespmem:$0x1E080] =	vst v63  }
0x49: {  	_ =	swait.ge [sflag:s2], $0x2800  }
0x4a: {  	[sflag:s2] =	ssyncset.done $0x0  }
0x4b: {  	[sflag:s2] =	ssyncadd.s32 $0xFFFFD800  }
0x4c: {  	[spmem:s28] =	stream.linear.scatter [tilespmem:s1], [sflag:$0x2], $0x2800, $0x38;
	[tilespmem:$0x1E080] =	vst v63  }
0x4d: {  	_ =	swait.ge [sflag:s2], $0x2800  }
0x4e: {  	[sflag:s2] =	ssyncset.done $0x0  }
0x4f: {  	s5 =	simm.s32 @!p4 $0x8000;
	[sflag:s2] =	ssyncadd.s32 $0xFFFFD800  }
0x50: {  	[spmem:s29] =	stream.linear.scatter @!p4 [tilespmem:s5], [sflag:$0x2], $0x2800, $0x38;
	[tilespmem:$0x1E080] =	vst v63  }
0x51: {  	s5 =	simm.s32 @!p4 $0x2  }
0x52: {  	_ =	swait.ge @!p4 [sflag:s5], $0x2800  }
0x53: {  	[sflag:s5] =	ssyncset.done @!p4 $0x0  }
0x54: {  	[sflag:s5] =	ssyncadd.s32 @!p4 $0xFFFFD800  }
0x55: {  	s8 =	simm.s32 $0x0;
	[bflag:$0x0] =	sbarrier.arrive $0xFFFF  }
0x56: {  	[tilespmem:s8], [sflag:$0x2] =	stream.linear.gather [hbm4b:s30+s8], $0x3E80, $0x38;
	[tilespmem:$0x1E080] =	vst v63  }
0x57: {  	_ =	swait.ge [sflag:s2], $0x3E80  }
0x58: {  	[sflag:s2] =	ssyncset.done $0x0  }
0x59: {  	s6 =	simm.s32 $0x4000;
	[sflag:s2] =	ssyncadd.s32 $0xFFFFC180  }
0x5a: {  	[tilespmem:s6], [sflag:$0x2] =	stream.linear.gather [hbm4b:s31+s8], $0x3E80, $0x38;
	[tilespmem:$0x1E080] =	vst v63  }
0x5b: {  	_ =	swait.ge [sflag:s2], $0x3E80  }
0x5c: {  	[sflag:s2] =	ssyncset.done $0x0  }
0x5d: {  	s9 =	simm.s32 $0x0;
	[sflag:s2] =	ssyncadd.s32 $0xFFFFC180  }
0x5e: {  	[tilespmem:s1], [sflag:$0x1] =	stream.indirect.gather [hbm4b:s19+s3], $0x80, s9, s3, $0xb8;
	[tilespmem:$0x1E080] =	vst v63  }
0x5f: {  	_ =	swait.ge [sflag:s4], $0x2800  }
0x60: {  	[sflag:s4] =	ssyncset.done $0x0  }
0x61: {  	s10 =	simm.s32 $0x4000;
	[sflag:s4] =	ssyncadd.s32 $0xFFFFD800  }
0x62: {  	[spmem:s20] =	stream.indirect.scatter.add.f32 [tilespmem:s1], [sflag:$0x2], $0x80, s10, s3, $0xb8;
	[tilespmem:$0x1E080] =	vst v63  }
0x63: {  	_ =	swait.ge [sflag:s2], $0x2800  }
0x64: {  	s5 =	simm.s32 $0x200;
	s6 =	simm.s32 $0x400;
	[sflag:s2] =	ssyncset.done $0x0  }
.LBB2_4:
0x65: {  	s7 =	sshra.s32 s5, $0x2  }
0x66: {  	[sflag:s2] =	ssyncadd.s32 $0xFFFFD800;
	s5 =	smov.u32 s6;
	s8 =	sadd.s32 $0x200, s6  }
0x67: {  	[tilespmem:s1], [sflag:$0x1] =	stream.indirect.gather [hbm4b:s19+s3], $0x80, s7, s3, $0xb8;
	[tilespmem:$0x1E080] =	vst v63  }
0x68: {  	p5 =	sne.s32 s6, $0xF800;
	_ =	swait.ge [sflag:s4], $0x2800  }
.Ltmp1:
0x69: {  	[sflag:s4] =	ssyncset.done $0x0;
	(pc) =	sbr.rel @p5 .LBB2_4-.Ltmp1, $4  }
0x6a: {  	s6 =	sadd.s32 $0x4000, s7;
	[sflag:s4] =	ssyncadd.s32 $0xFFFFD800  }
0x6b: {  	[spmem:s20] =	stream.indirect.scatter.add.f32 [tilespmem:s1], [sflag:$0x2], $0x80, s6, s3, $0xb8;
	[tilespmem:$0x1E080] =	vst v63  }
0x6c: {  	_ =	swait.ge [sflag:s2], $0x2800  }
0x6d: {  	s6 =	smov.u32 s8;
	[sflag:s2] =	ssyncset.done $0x0  }
0x6e: {  	s5 =	sshra.s32 s5, $0x2;
	[sflag:s2] =	ssyncadd.s32 $0xFFFFD800  }
0x6f: {  	[tilespmem:s1], [sflag:$0x1] =	stream.indirect.gather [hbm4b:s19+s3], $0x80, s5, s3, $0xb8;
	[tilespmem:$0x1E080] =	vst v63  }
0x70: {  	_ =	swait.ge [sflag:s4], $0x2800  }
0x71: {  	[sflag:s4] =	ssyncset.done $0x0  }
0x72: {  	s5 =	sadd.s32 $0x4000, s5;
	[sflag:s4] =	ssyncadd.s32 $0xFFFFD800  }
0x73: {  	[spmem:s20] =	stream.indirect.scatter.add.f32 [tilespmem:s1], [sflag:$0x2], $0x80, s5, s3, $0xb8;
	[tilespmem:$0x1E080] =	vst v63  }
0x74: {  	_ =	swait.ge [sflag:s2], $0x2800  }
0x75: {  	[sflag:s2] =	ssyncset.done $0x0  }
0x76: {  	[sflag:s2] =	ssyncadd.s32 $0xFFFFD800  }
0x77: {  	s5 =	sshll.u32 @!p1 s0, $0x6;
	[bflag:$0x0] =	sbarrier.arrive $0xFFFF  }
0x78: {  	s6 =	sshrl.u32 @!p1 s21, $0x3;
	s5 =	sor.u32 @!p1 $0x1C02, s5;
	s7 =	rddreg [dreg:$0x4]  }
0x79: {  	[hbm:s7], [sflag:s5] =	dma.local @!p1 [spmem:s6], $0x500  }
0x7a: {  	s6 =	simm.s32 @!p1 $0x2  }
0x7b: {  	s7 =	sshll.u32 @p0 s0, $0x6;
	_ =	swait.ge @!p1 [sflag:s6], $0x500  }
0x7c: {  	s8 =	sor.u32 @p0 $0x1C02, s7;
	[sflag:s6] =	ssyncset.done @!p1 $0x0  }
0x7d: {  	s7 =	sshrl.u32 @p0 s21, $0x3;
	s9 =	rddreg [dreg:$0x5];
	[sflag:s6] =	ssyncadd.s32 @!p1 $0xFFFFFB00  }
0x7e: {  	[hbm:s9], [sflag:s8] =	dma.local @p0 [spmem:s7], $0x500  }
0x7f: {  	s7 =	simm.s32 @p0 $0x2  }
0x80: {  	_ =	swait.ge @p0 [sflag:s7], $0x500  }
0x81: {  	[sflag:s7] =	ssyncset.done @p0 $0x0  }
0x82: {  	s9 =	sshrl.u32 @!p1 s22, $0x3;
	s10 =	rddreg [dreg:$0x6];
	[sflag:s7] =	ssyncadd.s32 @p0 $0xFFFFFB00  }
0x83: {  	[hbm:s10], [sflag:s5] =	dma.local @!p1 [spmem:s9], $0x500  }
0x84: {  	_ =	swait.ge @!p1 [sflag:s6], $0x500  }
0x85: {  	[sflag:s6] =	ssyncset.done @!p1 $0x0  }
0x86: {  	s9 =	sshrl.u32 @p0 s22, $0x3;
	s10 =	rddreg [dreg:$0x7];
	[sflag:s6] =	ssyncadd.s32 @!p1 $0xFFFFFB00  }
0x87: {  	[hbm:s10], [sflag:s8] =	dma.local @p0 [spmem:s9], $0x500  }
0x88: {  	_ =	swait.ge @p0 [sflag:s7], $0x500  }
0x89: {  	[sflag:s7] =	ssyncset.done @p0 $0x0  }
0x8a: {  	s9 =	sshrl.u32 @!p1 s23, $0x3;
	s10 =	rddreg [dreg:$0x8];
	[sflag:s7] =	ssyncadd.s32 @p0 $0xFFFFFB00  }
0x8b: {  	[hbm:s10], [sflag:s5] =	dma.local @!p1 [spmem:s9], $0x500  }
0x8c: {  	_ =	swait.ge @!p1 [sflag:s6], $0x500  }
0x8d: {  	[sflag:s6] =	ssyncset.done @!p1 $0x0  }
0x8e: {  	s9 =	sshrl.u32 @p0 s23, $0x3;
	s10 =	rddreg [dreg:$0x9];
	[sflag:s6] =	ssyncadd.s32 @!p1 $0xFFFFFB00  }
0x8f: {  	[hbm:s10], [sflag:s8] =	dma.local @p0 [spmem:s9], $0x500  }
0x90: {  	_ =	swait.ge @p0 [sflag:s7], $0x500  }
0x91: {  	[sflag:s7] =	ssyncset.done @p0 $0x0  }
0x92: {  	s9 =	sshrl.u32 @!p1 s24, $0x3;
	s10 =	rddreg [dreg:$0xa];
	[sflag:s7] =	ssyncadd.s32 @p0 $0xFFFFFB00  }
0x93: {  	[hbm:s10], [sflag:s5] =	dma.local @!p1 [spmem:s9], $0x500  }
0x94: {  	_ =	swait.ge @!p1 [sflag:s6], $0x500  }
0x95: {  	[sflag:s6] =	ssyncset.done @!p1 $0x0  }
0x96: {  	s9 =	sshrl.u32 @p0 s24, $0x3;
	s10 =	rddreg [dreg:$0xb];
	[sflag:s6] =	ssyncadd.s32 @!p1 $0xFFFFFB00  }
0x97: {  	[hbm:s10], [sflag:s8] =	dma.local @p0 [spmem:s9], $0x500  }
0x98: {  	_ =	swait.ge @p0 [sflag:s7], $0x500  }
0x99: {  	[sflag:s7] =	ssyncset.done @p0 $0x0  }
0x9a: {  	s9 =	sshrl.u32 @!p1 s25, $0x3;
	s10 =	rddreg [dreg:$0xc];
	[sflag:s7] =	ssyncadd.s32 @p0 $0xFFFFFB00  }
0x9b: {  	[hbm:s10], [sflag:s5] =	dma.local @!p1 [spmem:s9], $0x500  }
0x9c: {  	_ =	swait.ge @!p1 [sflag:s6], $0x500  }
0x9d: {  	[sflag:s6] =	ssyncset.done @!p1 $0x0  }
0x9e: {  	s9 =	sshrl.u32 @p0 s25, $0x3;
	s10 =	rddreg [dreg:$0xd];
	[sflag:s6] =	ssyncadd.s32 @!p1 $0xFFFFFB00  }
0x9f: {  	[hbm:s10], [sflag:s8] =	dma.local @p0 [spmem:s9], $0x500  }
0xa0: {  	_ =	swait.ge @p0 [sflag:s7], $0x500  }
0xa1: {  	[sflag:s7] =	ssyncset.done @p0 $0x0  }
0xa2: {  	s9 =	sshrl.u32 @!p1 s26, $0x3;
	[sflag:s7] =	ssyncadd.s32 @p0 $0xFFFFFB00  }
0xa3: {  	[hbm:s11], [sflag:s5] =	dma.local @!p1 [spmem:s9], $0x500  }
0xa4: {  	_ =	swait.ge @!p1 [sflag:s6], $0x500  }
0xa5: {  	[sflag:s6] =	ssyncset.done @!p1 $0x0  }
0xa6: {  	s9 =	sshrl.u32 @p0 s26, $0x3;
	[sflag:s6] =	ssyncadd.s32 @!p1 $0xFFFFFB00  }
0xa7: {  	[hbm:s12], [sflag:s8] =	dma.local @p0 [spmem:s9], $0x500  }
0xa8: {  	_ =	swait.ge @p0 [sflag:s7], $0x500  }
0xa9: {  	[sflag:s7] =	ssyncset.done @p0 $0x0  }
0xaa: {  	s9 =	sshrl.u32 @!p1 s28, $0x3;
	[sflag:s7] =	ssyncadd.s32 @p0 $0xFFFFFB00  }
0xab: {  	[hbm:s13], [sflag:s5] =	dma.local @!p1 [spmem:s9], $0x500  }
0xac: {  	_ =	swait.ge @!p1 [sflag:s6], $0x500  }
0xad: {  	[sflag:s6] =	ssyncset.done @!p1 $0x0  }
0xae: {  	s5 =	sshrl.u32 @p0 s28, $0x3;
	[sflag:s6] =	ssyncadd.s32 @!p1 $0xFFFFFB00  }
0xaf: {  	[hbm:s14], [sflag:s8] =	dma.local @p0 [spmem:s5], $0x500  }
0xb0: {  	_ =	swait.ge @p0 [sflag:s7], $0x500  }
0xb1: {  	s5 =	sshll.u32 @p2 s0, $0x6;
	[sflag:s7] =	ssyncset.done @p0 $0x0  }
0xb2: {  	s6 =	sshrl.u32 @p2 s29, $0x3;
	s5 =	sor.u32 @p2 $0x1C02, s5;
	[sflag:s7] =	ssyncadd.s32 @p0 $0xFFFFFB00  }
0xb3: {  	[hbm:s16], [sflag:s5] =	dma.local @p2 [spmem:s6], $0x500  }
0xb4: {  	s5 =	simm.s32 @p2 $0x2  }
0xb5: {  	s15 =	sadd.s32 $0x1, s15;
	_ =	swait.ge @p2 [sflag:s5], $0x500  }
0xb6: {  	p5 =	sne.s32 s15, s18;
	s6 =	sshll.u32 @p3 s0, $0x6;
	[sflag:s5] =	ssyncset.done @p2 $0x0  }
0xb7: {  	[sflag:s5] =	ssyncadd.s32 @p2 $0xFFFFFB00;
	s5 =	sor.u32 @p3 $0x1C02, s6;
	s6 =	sshrl.u32 @p3 s29, $0x3  }
0xb8: {  	[hbm:s17], [sflag:s5] =	dma.local @p3 [spmem:s6], $0x500  }
.Ltmp2:
0xb9: {  	_ = 	snop;
	(pc) =	sbr.rel @p5 .LBB2_1-.Ltmp2, $4  }
0xba: {  	s5 =	simm.s32 @p3 $0x2  }
0xbb: {  	_ =	swait.ge @p3 [sflag:s5], $0x500  }
0xbc: {  	[sflag:s5] =	ssyncset.done @p3 $0x0  }
0xbd: {  	[sflag:s5] =	ssyncadd.s32 @p3 $0xFFFFFB00  }
0xbe: {  	_ =	sfence.sel $0x180000  }
0xbf: {  	[bflag:$0x0] =	sbarrier.arrive $0xFFFF  }
0xc0: {  	_ =	strace $0x9000004A  }
0xc1: {  	[bflag:$0x2] =	sbarrier.arrive $0xFFFF  }
0xc2: {  	p0 =	sne.s32 s0, $0x0;
	s0 =	rddreg [dreg:$0x3]  }
0xc3: {  	s0 =	sadd.s32 @!p0 $0x100000, s0  }
0xc4: {  	[sflag:s0] =	ssyncadd.tile.s32 @!p0 $0x1;
	_ =	shalt  }
.Lfunc_end2:
_tile_overlayer_lowered:
.L_overlay_start_2:
0xc5: {  	(tag) =	ssettag $0x2  }
0xc6: {  	s0 =	rddreg [dreg:$0x0];
	s2 =	stileid.u32  }
0xc7: {  	s1 =	rddreg [dreg:$0x1];
	p0 =	sne.s32 s2, $0x0  }
0xc8: {  	s3 =	rddreg [dreg:$0x2];
	[bflag:$0x3] =	sbarrier.arrive $0xFFFF;
	s2 =	simm.s32 @!p0 $0x1C02  }
0xc9: {  	[timem:s3], [sflag:s2] =	dma.local @!p0 [hbm:s0], s1  }
0xca: {  	s0 =	simm.s32 @!p0 $0x2  }
0xcb: {  	_ =	swait.ge @!p0 [sflag:s0], s1  }
0xcc: {  	s1 =	ssub.s32 @!p0 $0x0, s1;
	[sflag:s0] =	ssyncset.done @!p0 $0x0  }
0xcd: {  	[sflag:s0] =	ssyncadd.s32 @!p0 s1  }
0xce: {  	[bflag:$0x3] =	sbarrier.arrive $0xFFFF  }
0xcf: {  	_ =	shalt  }

// kernel: kernel.16.cloned.1.call-start
scs
__scs_entry_jumppad:
0x0: {  	(pc) =	sbr.rel $0x88, $3  }
0x1: {  	(tag) =	ssettag $0x0;
	lr =	simm.s32 $0x1  }
0x2: {  	[smem:$0x3F97] =	sst lr;
	_ =	strace $0xD0000000  }
0x3: {  	_ = 	snop  }
0x4: {  	_ = 	snop  }
0x5: {  	_ = 	snop  }
0x6: {  	_ = 	snop  }
0x7: {  	_ = 	snop  }
__scs_overlays_trampoline_lowered:
0x8: {  	[smem:$0x3FA6] =	sst s0  }
0x9: {  	[smem:$0x3FA7] =	sst s1  }
0xa: {  	[smem:$0x3FA8] =	sst s2  }
0xb: {  	[smem:$0x3FA9] =	sst s3  }
0xc: {  	[smem:$0x3FAA] =	sst s4  }
0xd: {  	[smem:$0x3FAB] =	sst s5  }
0xe: {  	[smem:$0x3FAC] =	sst s6  }
0xf: {  	[smem:$0x3FAD] =	sst s7  }
0x10: {  	[smem:$0x3FAE] =	sst s8  }
0x11: {  	[smem:$0x3FAF] =	sst s9;
	s0 =	simm.s32 @!p0 $0x0  }
0x12: {  	s1 =	sld [smem:$0x3F95];
	s0 =	simm.s32 @p0 $0x1  }
0x13: {  	[smem:$0x3FB0] =	sst s0;
	s0 =	simm.s32 @!p1 $0x0  }
0x14: {  	s2 =	sld [smem:$0x3F94];
	s0 =	simm.s32 @p1 $0x1  }
0x15: {  	[smem:$0x3FB1] =	sst s0;
	s0 =	simm.s32 @!p2 $0x0  }
0x16: {  	s3 =	sld [smem:$0x3FDB];
	s0 =	simm.s32 @p2 $0x1  }
0x17: {  	s4 =	simm.s32 $0x1BF5;
	[smem:$0x3FB3] =	sst s0  }
0x18: {  	s0 =	sld [smem:$0x3F96];
	_ =	swait.ge [sflag:s4], $0x0  }
0x19: {  	s7 =	sld [smem:$0x3F97]  }
0x1a: {  	s8 =	sadd.s32 $0xFFFFE003, lr  }
0x1b: {  	s9 =	sadd.s32 $0xFFFFFEF7, lr;
	s5 =	simm.s32 $0xFFFFFFFF;
	p2 =	slt.u32 s8, $0xFFFFF086  }
0x1c: {  	p1 =	slt.u32 s9, $0xF7A;
	s5 =	simm.s32 @!p2 $0x0  }
0x1d: {  	s5 =	simm.s32 @p1 $0x1;
	p0 =	seq.s32 s7, s2  }
0x1e: {  	s7 =	smul.u32 @!p0 $0xF7A, s2;
	p2 =	seq.s32 @!p0 s5, $0x0  }
0x1f: {  	s9 =	smul.u32 $0xF7A, s1;
	s8 =	simm.s32 @!p0 $0x1BF5;
	p2 =	por !p2, p0  }
0x20: {  	[sflag:s8] =	ssyncset.s32 @!p0 $0xFFFFF086;
	s6 =	sadd.s32 @!p0 s3, s7;
	s7 =	simm.s32 @!p0 $0x108  }
0x21: {  	s3 =	sadd.s32 s3, s9;
	s6 =	sadd.s32 @!p0 $0x88, s6;
	s7 =	simm.s32 @p2 $0x1082  }
0x22: {  	[simem:s7], [sflag:s8] =	dma.local @!p0 [hbm:s6], $0xF7A  }
0x23: {  	s9 =	sor.u32 $0xD0000000, s2;
	s6 =	simm.s32 $0x108;
	_ =	swait.ge @!p0 [sflag:s8], $0x0  }
0x24: {  	s3 =	sadd.s32 $0x88, s3;
	s6 =	simm.s32 @!p1 $0x1082;
	[sflag:s4] =	ssyncset.s32 $0xFFFFF086  }
0x25: {  	[simem:s6], [sflag:s4] =	dma.local [hbm:s3], $0xF7A  }
0x26: {  	[smem:$0x3F97] =	sst s1;
	(tag) =	ssettag s2;
	_ =	strace s9  }
0x27: {  	s1 =	sld [smem:$0x3FA7]  }
0x28: {  	s2 =	sld [smem:$0x3FA8]  }
0x29: {  	s4 =	sld [smem:$0x3FAA]  }
0x2a: {  	p0 =	seq.s32 s5, $0x0;
	s5 =	sld [smem:$0x3FAB]  }
0x2b: {  	s6 =	sld [smem:$0x3FAC]  }
0x2c: {  	s7 =	sld [smem:$0x3FAD]  }
0x2d: {  	s3 =	simm.s32 $0x108;
	s8 =	sld [smem:$0x3FAE]  }
0x2e: {  	s3 =	simm.s32 @!p0 $0x1082;
	s9 =	sld [smem:$0x3FAF]  }
0x2f: {  	lr =	sadd.s32 s0, s3;
	s0 =	sld [smem:$0x3FA6]  }
0x30: {  	s3 =	sld [smem:$0x3FA9]  }
0x31: {  	[smem:$0x3FB2] =	sst s10  }
0x32: {  	s10 =	sld [smem:$0x3FB0];
	_ =	sdelay $0x3  }
0x33: {  	p0 =	seq.s32 s10, $0x1;
	s10 =	sld [smem:$0x3FB2];
	_ =	sdelay $0x3  }
0x34: {  	[smem:$0x3FB2] =	sst s10  }
0x35: {  	s10 =	sld [smem:$0x3FB1];
	_ =	sdelay $0x3  }
0x36: {  	p1 =	seq.s32 s10, $0x1;
	s10 =	sld [smem:$0x3FB2];
	_ =	sdelay $0x3  }
0x37: {  	[smem:$0x3FB2] =	sst s10  }
0x38: {  	s10 =	sld [smem:$0x3FB3]  }
0x39: {  	_ = 	snop;
	(pc) =	sbr.ind lr, $3  }
0x3a: {  	_ = 	snop  }
0x3b: {  	_ = 	snop  }
0x3c: {  	p2 =	seq.s32 s10, $0x1;
	s10 =	sld [smem:$0x3FB2]  }
0x3d: {  	_ =	shalt  }
0x3e: {  	_ =	shalt  }
0x3f: {  	_ =	shalt  }
0x40: {  	_ =	shalt  }
0x41: {  	_ =	shalt  }
0x42: {  	_ =	shalt  }
0x43: {  	_ =	shalt  }
0x44: {  	_ =	shalt  }
0x45: {  	_ =	shalt  }
0x46: {  	_ =	shalt  }
0x47: {  	_ =	shalt  }
0x48: {  	_ =	shalt  }
0x49: {  	_ =	shalt  }
0x4a: {  	_ =	shalt  }
0x4b: {  	_ =	shalt  }
0x4c: {  	_ =	shalt  }
0x4d: {  	_ =	shalt  }
0x4e: {  	_ =	shalt  }
0x4f: {  	_ =	shalt  }
0x50: {  	_ =	shalt  }
0x51: {  	_ =	shalt  }
0x52: {  	_ =	shalt  }
0x53: {  	_ =	shalt  }
0x54: {  	_ =	shalt  }
0x55: {  	_ =	shalt  }
0x56: {  	_ =	shalt  }
0x57: {  	_ =	shalt  }
0x58: {  	_ =	shalt  }
0x59: {  	_ =	shalt  }
0x5a: {  	_ =	shalt  }
0x5b: {  	_ =	shalt  }
0x5c: {  	_ =	shalt  }
0x5d: {  	_ =	shalt  }
0x5e: {  	_ =	shalt  }
0x5f: {  	_ =	shalt  }
0x60: {  	_ =	shalt  }
0x61: {  	_ =	shalt  }
0x62: {  	_ =	shalt  }
0x63: {  	_ =	shalt  }
0x64: {  	_ =	shalt  }
0x65: {  	_ =	shalt  }
0x66: {  	_ =	shalt  }
0x67: {  	_ =	shalt  }
0x68: {  	_ =	shalt  }
0x69: {  	_ =	shalt  }
0x6a: {  	_ =	shalt  }
0x6b: {  	_ =	shalt  }
0x6c: {  	_ =	shalt  }
0x6d: {  	_ =	shalt  }
0x6e: {  	_ =	shalt  }
0x6f: {  	_ =	shalt  }
0x70: {  	_ =	shalt  }
0x71: {  	_ =	shalt  }
0x72: {  	_ =	shalt  }
0x73: {  	_ =	shalt  }
0x74: {  	_ =	shalt  }
0x75: {  	_ =	shalt  }
0x76: {  	_ =	shalt  }
0x77: {  	_ =	shalt  }
0x78: {  	_ =	shalt  }
0x79: {  	_ =	shalt  }
0x7a: {  	_ =	shalt  }
0x7b: {  	_ =	shalt  }
0x7c: {  	_ =	shalt  }
0x7d: {  	_ =	shalt  }
0x7e: {  	_ =	shalt  }
0x7f: {  	_ =	shalt  }
0x80: {  	_ =	shalt  }
0x81: {  	_ =	shalt  }
0x82: {  	_ =	shalt  }
0x83: {  	_ =	shalt  }
0x84: {  	_ =	shalt  }
0x85: {  	_ =	shalt  }
0x86: {  	_ =	shalt  }
0x87: {  	_ =	shalt  }
.Lfunc_end0:
.L_simem_size_0:
called_computation.2_lowered:
.L_overlay_start_0:
0x88: {  	s2 =	sld [smem:$0x3FD9]  }
0x89: {  	s3 =	sld [smem:$0x3FFE];
	_ =	sdelay $0x1  }
0x8a: {  	s1 =	srdreg.scid  }
0x8b: {  	s0 =	sand.u32 $0x1, s1  }
0x8c: {  	s17 =	sshll.u32 s0, $0xA;
	s2 =	sadd.s32 s3, s2  }
0x8d: {  	s2 =	sadd.s32 s2, s17  }
0x8e: {  	[smem:$0x3FBE] =	sst s2  }
0x8f: {  	_ = 	snop  }
0x90: {  	s2 =	sld [smem:$0x3FD0];
	(tm) =	ssettm $0x1  }
0x91: {  	s18 =	sld [smem:$0x3FFB];
	_ =	sdelay $0x3  }
0x92: {  	_ =	strace s18  }
0x93: {  	s3 =	sld [smem:$0x3FFC];
	_ =	sdelay $0x3  }
0x94: {  	_ =	strace s3  }
0x95: {  	s3 =	sld [smem:$0x3FFD];
	_ =	sdelay $0x3  }
0x96: {  	_ =	strace s3  }
0x97: {  	_ =	strace $0x8FFFFFFF  }
0x98: {  	s19 =	sld [smem:$0x3FDB];
	_ =	sdelay $0x1  }
0x99: {  	s4 =	simm.s32 $_scs_section_size  }
0x9a: {  	s5 =	simm.s32 $_size__tile_overlayer_lowered;
	s6 =	simm.s32 $_tile_overlayer_lowered  }
0x9b: {  	s22 =	simm.s32 $0x1BFF;
	s21 =	sshll.u32 s6, $0x1;
	s3 =	sadd.s32 s4, s19  }
0x9c: {  	s7 =	simm.s32 $0x0;
	s20 =	sshll.u32 s5, $0x1;
	s5 =	sadd.s32 s21, s3  }
0x9d: {  	[timem:s7], [sflag:s22] =	dma.local [hbm:s5], s20  }
0x9e: {  	_ =	swait.ge [sflag:s22], s20  }
0x9f: {  	s4 =	ssub.s32 $0x0, s20;
	[sflag:s22] =	ssyncset.done $0x0  }
0xa0: {  	[sflag:s22] =	ssyncadd.s32 s4;
	_ =	sdelay $0x1  }
0xa1: {  	s23 =	simm.s32 $0x1B8B  }
0xa2: {  	_ =	swait.ge [sflag:s23], $0x1  }
0xa3: {  	[sflag:s23] =	ssyncset.done $0x0  }
0xa4: {  	s25 =	simm.s32 $0x1B8E;
	s24 =	sld [smem:$0x3FFE];
	[sflag:s23] =	ssyncadd.s32 $0xFFFFFFFF  }
0xa5: {  	s26 =	simm.s32 $execute0_lowered;
	[smem:$0x3FD2] =	sst s25  }
0xa6: {  	s5 =	sshll.u32 s26, $0x1;
	_ =	strace $0x8000004C;
	[dreg:$0x1] =	wrdreg $0xFFFFFFFF  }
0xa7: {  	s28 =	simm.s32 $_size_execute0_lowered;
	s3 =	sadd.s32 s3, s5;
	[dreg:$0x0] =	wrdreg $0x0  }
0xa8: {  	s5 =	sshll.u32 s28, $0x1;
	[dreg:$0x2] =	wrdreg s3  }
0xa9: {  	[dreg:$0x3] =	wrdreg s5  }
0xaa: {  	[dreg:$0x4] =	wrdreg $0xC0  }
0xab: {  	_ =	task [dreg:s7], $0x5FFFF  }
0xac: {  	[dreg:$0x1] =	wrdreg $0xFFFFFFFF  }
0xad: {  	[dreg:$0x0] =	wrdreg $0x60  }
0xae: {  	[dreg:$0x2] =	wrdreg s24  }
0xaf: {  	[dreg:$0x3] =	wrdreg s2  }
0xb0: {  	[dreg:$0x4] =	wrdreg $0xA8000  }
0xb1: {  	[dreg:$0x5] =	wrdreg $0x9  }
0xb2: {  	_ =	task.clear_ibuf [dreg:s7], $0x6FFFF;
	_ =	strace $0x9000004C  }
0xb3: {  	s29 =	simm.s32 $0x9;
	_ =	strace $0x8000004E  }
0xb4: {  	_ =	swait.ge [sflag:s29], $0x1  }
0xb5: {  	[sflag:s29] =	ssyncadd.s32 $0xFFFFFFFF  }
0xb6: {  	_ =	strace $0x9000004E  }
0xb7: {  	_ =	sfence  }
0xb8: {  	s30 =	sld [smem:$0x0];
	_ =	sdelay $0x2  }
0xb9: {  	s31 =	sshll.u32 s1, $0xD;
	s1 =	sshrl.u32 s1, $0x2  }
0xba: {  	s3 =	sand.u32 $0x4000, s31;
	s1 =	sadd.s32 s1, s30  }
0xbb: {  	s0 =	sor.u32 s3, s0;
	s1 =	sshll.u32 s1, $0x11  }
0xbc: {  	s0 =	sor.u32 s1, s0  }
0xbd: {  	s0 =	sadd.s32 $0x8F2B, s0  }
0xbe: {  	[sflag:s0] =	ssyncadd.remote.s32 $0x1  }
0xbf: {  	_ =	sfence.sel $0xFFFF  }
0xc0: {  	[dreg:$0x0] =	wrdreg $0xFFFFFFFF;
	(pc) =	sbr.abs _section_cstart, $3  }
0xc1: {  	[dreg:$0x1] =	wrdreg $0xFFFFFFFF  }
0xc2: {  	_ =	task.clear_ibuf [dreg:s7], $0x2FFFF;
	_ =	strace $0x9FFFFFFF  }
0xc3: {  	(tm) =	ssettm $0x7FFFFFFF  }
tec
execute0_lowered:
.L_overlay_start_1:
0x0: {  	(tag) =	ssettag $0x1  }
0x1: {  	s1 =	srdreg.scid  }
0x2: {  	s0 =	stileid.u32;
	s4 =	rddreg [dreg:$0x0]  }
0x3: {  	s3 =	sand.u32 $0x1, s1;
	s26 =	sor.u32 $0x10, s0;
	s9 =	smul.u32 $0x500, s0  }
0x4: {  	s2 =	sshll.u32 s0, $0xB;
	s7 =	sor.u32 $0x20, s0;
	s10 =	smul.u32 $0x500, s26  }
0x5: {  	s6 =	sadd.s32 $0x73E00, s4;
	s8 =	sor.u32 $0x30, s0;
	s13 =	smul.u32 $0x500, s7  }
0x6: {  	s18 =	sor.u32 $0x40, s0;
	s23 =	sor.u32 $0x50, s0;
	s15 =	smul.u32 $0x500, s8  }
0x7: {  	s24 =	sor.u32 $0x60, s0;
	p3 =	slt.u32 s0, $0xD;
	s17 =	smul.u32 $0x500, s18  }
0x8: {  	p4 =	sgt.u32 s0, $0xC;
	s1 =	sshll.u32 s3, $0xF;
	s12 =	smul.u32 $0x500, s23  }
0x9: {  	s5 =	ssub.s32 $0x2, s3;
	s26 =	smul.u32 $0xA000, s26;
	p2 =	seq.s32 s3, $0x0  }
0xa: {  	p0 =	seq.s32 s3, $0x1;
	p1 =	sne.s32 s3, $0x0;
	s7 =	smul.u32 $0xA000, s7  }
0xb: {  	s8 =	smul.u32 $0xA000, s8;
	s1 =	sor.u32 s2, s1;
	s25 =	sshrl.u32 s5, $0x1  }
0xc: {  	s11 =	sadd.s32 s6, s9;
	p2 =	por !p3, !p2;
	p3 =	por !p3, !p0  }
0xd: {  	s2 =	sadd.s32 s1, s4;
	[dreg:$0x4] =	wrdreg s11;
	s14 =	sadd.s32 s6, s10  }
0xe: {  	s4 =	sadd.s32 $0x9B000, s4;
	s16 =	sadd.s32 s6, s13;
	[dreg:$0x6] =	wrdreg s14  }
0xf: {  	s1 =	ssub.s32 s5, s25;
	s19 =	sadd.s32 s6, s15;
	[dreg:$0x8] =	wrdreg s16  }
0x10: {  	s25 =	sor.u32 $0x70, s0;
	s21 =	sadd.s32 s6, s17;
	[dreg:$0xa] =	wrdreg s19  }
0x11: {  	s11 =	sadd.s32 s6, s12;
	s3 =	sshrl.u32 s7, $0x2;
	[dreg:$0xc] =	wrdreg s21  }
0x12: {  	p2 =	por !p2, !p2;
	s9 =	sadd.s32 s4, s9;
	s19 =	rddreg [dreg:$0x1]  }
0x13: {  	p3 =	por !p3, !p3;
	s10 =	sadd.s32 s4, s10;
	[dreg:$0x5] =	wrdreg s9  }
0x14: {  	s20 =	sadd.s32 s4, s15;
	s22 =	sadd.s32 s4, s17;
	[dreg:$0x7] =	wrdreg s10  }
0x15: {  	s14 =	smul.u32 $0x500, s24;
	s12 =	sadd.s32 s4, s12;
	[dreg:$0xb] =	wrdreg s20  }
0x16: {  	s17 =	smul.u32 $0x500, s25;
	s15 =	simm.s32 $0x0;
	[dreg:$0xd] =	wrdreg s22  }
0x17: {  	s30 =	sadd.s32 $0x3CC00, s2;
	s31 =	sadd.s32 $0x5A00, s2;
	[smem:$0x7FF] =	sst s15  }
0x18: {  	s2 =	simm.s32 $0x2;
	s9 =	sadd.s32 s4, s13;
	s20 =	rddreg [dreg:$0x2]  }
0x19: {  	s10 =	smul.u32 $0xA000, s23;
	[dreg:$0x9] =	wrdreg s9;
	s13 =	sadd.s32 s6, s14  }
0x1a: {  	s14 =	sadd.s32 s4, s14;
	s16 =	sadd.s32 s6, s17;
	s6 =	smul.u32 $0xA000, s0  }
0x1b: {  	s17 =	sadd.s32 s4, s17;
	s4 =	sshrl.u32 s26, $0x2;
	s9 =	smul.u32 $0xA000, s18  }
0x1c: {  	s23 =	sadd.s32 s3, s20;
	s18 =	sshrl.u32 s8, $0x2;
	s26 =	smul.u32 $0xA000, s24  }
0x1d: {  	s8 =	smul.u32 $0xA000, s25;
	s3 =	simm.s32 $0x50;
	_ =	strace $0x8000004D  }
0x1e: {  	s22 =	sadd.s32 s4, s20;
	s24 =	sadd.s32 s18, s20;
	s4 =	simm.s32 $0x1  }
0x1f: {  	s5 =	sshrl.u32 s6, $0x2;
	s7 =	sshrl.u32 s9, $0x2;
	s9 =	sshrl.u32 s10, $0x2  }
0x20: {  	s10 =	sshrl.u32 s26, $0x2;
	s18 =	sshrl.u32 s8, $0x2;
	s21 =	sadd.s32 s5, s20  }
0x21: {  	s25 =	sadd.s32 s7, s20;
	s26 =	sadd.s32 s9, s20;
	s28 =	sadd.s32 s10, s20  }
0x22: {  	v0 =	vimm.f32 $0.0e+00;
	s29 =	sadd.s32 s18, s20;
	s18 =	smax.u32 s1, $0x1;
	s1 =	simm.s32 $0x8000  }
.LBB2_1:
0x23: {  	s5 =	simm.s32 $0x0;
	s6 =	simm.s32 $0x200  }
.LBB2_2:
0x24: {  	p5 =	sne.s32 s6, $0x9E00;
	[tilespmem:s5+$0x8070] =	vst v0  }
0x25: {  	[tilespmem:s5+$0x8000] =	vst v0  }
0x26: {  	[tilespmem:s5+$0x8010] =	vst v0  }
.Ltmp0:
0x27: {  	[tilespmem:s5+$0x8020] =	vst v0;
	(pc) =	sbr.rel @p5 .LBB2_2-.Ltmp0, $4  }
0x28: {  	[tilespmem:s5+$0x8030] =	vst v0  }
0x29: {  	[tilespmem:s5+$0x8040] =	vst v0  }
0x2a: {  	[tilespmem:s5+$0x8050] =	vst v0  }
0x2b: {  	[tilespmem:s5+$0x8060] =	vst v0;
	s5 =	sshra.s32 s6, $0x2;
	s6 =	sadd.s32 $0x200, s6  }
0x2c: {  	[tilespmem:s5+$0x8070] =	vst v0  }
0x2d: {  	[tilespmem:s5+$0x8000] =	vst v0  }
0x2e: {  	[tilespmem:s5+$0x8010] =	vst v0  }
0x2f: {  	[tilespmem:s5+$0x8020] =	vst v0  }
0x30: {  	[tilespmem:s5+$0x8030] =	vst v0  }
0x31: {  	[tilespmem:s5+$0x8040] =	vst v0  }
0x32: {  	[tilespmem:s5+$0x8050] =	vst v0  }
0x33: {  	[tilespmem:s5+$0x8060] =	vst v0  }
0x34: {  	[spmem:s21] =	stream.linear.scatter [tilespmem:s1], [sflag:$0x2], $0x2800, $0x38;
	[tilespmem:$0x1E080] =	vst v63  }
0x35: {  	_ =	swait.ge [sflag:s2], $0x2800  }
0x36: {  	[sflag:s2] =	ssyncset.done $0x0  }
0x37: {  	[sflag:s2] =	ssyncadd.s32 $0xFFFFD800  }
0x38: {  	[spmem:s22] =	stream.linear.scatter [tilespmem:s1], [sflag:$0x2], $0x2800, $0x38;
	[tilespmem:$0x1E080] =	vst v63  }
0x39: {  	_ =	swait.ge [sflag:s2], $0x2800  }
0x3a: {  	[sflag:s2] =	ssyncset.done $0x0  }
0x3b: {  	[sflag:s2] =	ssyncadd.s32 $0xFFFFD800  }
0x3c: {  	[spmem:s23] =	stream.linear.scatter [tilespmem:s1], [sflag:$0x2], $0x2800, $0x38;
	[tilespmem:$0x1E080] =	vst v63  }
0x3d: {  	_ =	swait.ge [sflag:s2], $0x2800  }
0x3e: {  	[sflag:s2] =	ssyncset.done $0x0  }
0x3f: {  	[sflag:s2] =	ssyncadd.s32 $0xFFFFD800  }
0x40: {  	[spmem:s24] =	stream.linear.scatter [tilespmem:s1], [sflag:$0x2], $0x2800, $0x38;
	[tilespmem:$0x1E080] =	vst v63  }
0x41: {  	_ =	swait.ge [sflag:s2], $0x2800  }
0x42: {  	[sflag:s2] =	ssyncset.done $0x0  }
0x43: {  	[sflag:s2] =	ssyncadd.s32 $0xFFFFD800  }
0x44: {  	[spmem:s25] =	stream.linear.scatter [tilespmem:s1], [sflag:$0x2], $0x2800, $0x38;
	[tilespmem:$0x1E080] =	vst v63  }
0x45: {  	_ =	swait.ge [sflag:s2], $0x2800  }
0x46: {  	[sflag:s2] =	ssyncset.done $0x0  }
0x47: {  	[sflag:s2] =	ssyncadd.s32 $0xFFFFD800  }
0x48: {  	[spmem:s26] =	stream.linear.scatter [tilespmem:s1], [sflag:$0x2], $0x2800, $0x38;
	[tilespmem:$0x1E080] =	vst v63  }
0x49: {  	_ =	swait.ge [sflag:s2], $0x2800  }
0x4a: {  	[sflag:s2] =	ssyncset.done $0x0  }
0x4b: {  	[sflag:s2] =	ssyncadd.s32 $0xFFFFD800  }
0x4c: {  	[spmem:s28] =	stream.linear.scatter [tilespmem:s1], [sflag:$0x2], $0x2800, $0x38;
	[tilespmem:$0x1E080] =	vst v63  }
0x4d: {  	_ =	swait.ge [sflag:s2], $0x2800  }
0x4e: {  	[sflag:s2] =	ssyncset.done $0x0  }
0x4f: {  	s5 =	simm.s32 @!p4 $0x8000;
	[sflag:s2] =	ssyncadd.s32 $0xFFFFD800  }
0x50: {  	[spmem:s29] =	stream.linear.scatter @!p4 [tilespmem:s5], [sflag:$0x2], $0x2800, $0x38;
	[tilespmem:$0x1E080] =	vst v63  }
0x51: {  	s5 =	simm.s32 @!p4 $0x2  }
0x52: {  	_ =	swait.ge @!p4 [sflag:s5], $0x2800  }
0x53: {  	[sflag:s5] =	ssyncset.done @!p4 $0x0  }
0x54: {  	[sflag:s5] =	ssyncadd.s32 @!p4 $0xFFFFD800  }
0x55: {  	s8 =	simm.s32 $0x0;
	[bflag:$0x0] =	sbarrier.arrive $0xFFFF  }
0x56: {  	[tilespmem:s8], [sflag:$0x2] =	stream.linear.gather [hbm4b:s30+s8], $0x3E80, $0x38;
	[tilespmem:$0x1E080] =	vst v63  }
0x57: {  	_ =	swait.ge [sflag:s2], $0x3E80  }
0x58: {  	[sflag:s2] =	ssyncset.done $0x0  }
0x59: {  	s6 =	simm.s32 $0x4000;
	[sflag:s2] =	ssyncadd.s32 $0xFFFFC180  }
0x5a: {  	[tilespmem:s6], [sflag:$0x2] =	stream.linear.gather [hbm4b:s31+s8], $0x3E80, $0x38;
	[tilespmem:$0x1E080] =	vst v63  }
0x5b: {  	_ =	swait.ge [sflag:s2], $0x3E80  }
0x5c: {  	[sflag:s2] =	ssyncset.done $0x0  }
0x5d: {  	s9 =	simm.s32 $0x0;
	[sflag:s2] =	ssyncadd.s32 $0xFFFFC180  }
0x5e: {  	[tilespmem:s1], [sflag:$0x1] =	stream.indirect.gather [hbm4b:s19+s3], $0x80, s9, s3, $0xb8;
	[tilespmem:$0x1E080] =	vst v63  }
0x5f: {  	_ =	swait.ge [sflag:s4], $0x2800  }
0x60: {  	[sflag:s4] =	ssyncset.done $0x0  }
0x61: {  	s10 =	simm.s32 $0x4000;
	[sflag:s4] =	ssyncadd.s32 $0xFFFFD800  }
0x62: {  	[spmem:s20] =	stream.indirect.scatter.add.f32 [tilespmem:s1], [sflag:$0x2], $0x80, s10, s3, $0xb8;
	[tilespmem:$0x1E080] =	vst v63  }
0x63: {  	_ =	swait.ge [sflag:s2], $0x2800  }
0x64: {  	s5 =	simm.s32 $0x200;
	s6 =	simm.s32 $0x400;
	[sflag:s2] =	ssyncset.done $0x0  }
.LBB2_4:
0x65: {  	s7 =	sshra.s32 s5, $0x2  }
0x66: {  	[sflag:s2] =	ssyncadd.s32 $0xFFFFD800;
	s5 =	smov.u32 s6;
	s8 =	sadd.s32 $0x200, s6  }
0x67: {  	[tilespmem:s1], [sflag:$0x1] =	stream.indirect.gather [hbm4b:s19+s3], $0x80, s7, s3, $0xb8;
	[tilespmem:$0x1E080] =	vst v63  }
0x68: {  	p5 =	sne.s32 s6, $0xF800;
	_ =	swait.ge [sflag:s4], $0x2800  }
.Ltmp1:
0x69: {  	[sflag:s4] =	ssyncset.done $0x0;
	(pc) =	sbr.rel @p5 .LBB2_4-.Ltmp1, $4  }
0x6a: {  	s6 =	sadd.s32 $0x4000, s7;
	[sflag:s4] =	ssyncadd.s32 $0xFFFFD800  }
0x6b: {  	[spmem:s20] =	stream.indirect.scatter.add.f32 [tilespmem:s1], [sflag:$0x2], $0x80, s6, s3, $0xb8;
	[tilespmem:$0x1E080] =	vst v63  }
0x6c: {  	_ =	swait.ge [sflag:s2], $0x2800  }
0x6d: {  	s6 =	smov.u32 s8;
	[sflag:s2] =	ssyncset.done $0x0  }
0x6e: {  	s5 =	sshra.s32 s5, $0x2;
	[sflag:s2] =	ssyncadd.s32 $0xFFFFD800  }
0x6f: {  	[tilespmem:s1], [sflag:$0x1] =	stream.indirect.gather [hbm4b:s19+s3], $0x80, s5, s3, $0xb8;
	[tilespmem:$0x1E080] =	vst v63  }
0x70: {  	_ =	swait.ge [sflag:s4], $0x2800  }
0x71: {  	[sflag:s4] =	ssyncset.done $0x0  }
0x72: {  	s5 =	sadd.s32 $0x4000, s5;
	[sflag:s4] =	ssyncadd.s32 $0xFFFFD800  }
0x73: {  	[spmem:s20] =	stream.indirect.scatter.add.f32 [tilespmem:s1], [sflag:$0x2], $0x80, s5, s3, $0xb8;
	[tilespmem:$0x1E080] =	vst v63  }
0x74: {  	_ =	swait.ge [sflag:s2], $0x2800  }
0x75: {  	[sflag:s2] =	ssyncset.done $0x0  }
0x76: {  	[sflag:s2] =	ssyncadd.s32 $0xFFFFD800  }
0x77: {  	s5 =	sshll.u32 @!p1 s0, $0x6;
	[bflag:$0x0] =	sbarrier.arrive $0xFFFF  }
0x78: {  	s6 =	sshrl.u32 @!p1 s21, $0x3;
	s5 =	sor.u32 @!p1 $0x1C02, s5;
	s7 =	rddreg [dreg:$0x4]  }
0x79: {  	[hbm:s7], [sflag:s5] =	dma.local @!p1 [spmem:s6], $0x500  }
0x7a: {  	s6 =	simm.s32 @!p1 $0x2  }
0x7b: {  	s7 =	sshll.u32 @p0 s0, $0x6;
	_ =	swait.ge @!p1 [sflag:s6], $0x500  }
0x7c: {  	s8 =	sor.u32 @p0 $0x1C02, s7;
	[sflag:s6] =	ssyncset.done @!p1 $0x0  }
0x7d: {  	s7 =	sshrl.u32 @p0 s21, $0x3;
	s9 =	rddreg [dreg:$0x5];
	[sflag:s6] =	ssyncadd.s32 @!p1 $0xFFFFFB00  }
0x7e: {  	[hbm:s9], [sflag:s8] =	dma.local @p0 [spmem:s7], $0x500  }
0x7f: {  	s7 =	simm.s32 @p0 $0x2  }
0x80: {  	_ =	swait.ge @p0 [sflag:s7], $0x500  }
0x81: {  	[sflag:s7] =	ssyncset.done @p0 $0x0  }
0x82: {  	s9 =	sshrl.u32 @!p1 s22, $0x3;
	s10 =	rddreg [dreg:$0x6];
	[sflag:s7] =	ssyncadd.s32 @p0 $0xFFFFFB00  }
0x83: {  	[hbm:s10], [sflag:s5] =	dma.local @!p1 [spmem:s9], $0x500  }
0x84: {  	_ =	swait.ge @!p1 [sflag:s6], $0x500  }
0x85: {  	[sflag:s6] =	ssyncset.done @!p1 $0x0  }
0x86: {  	s9 =	sshrl.u32 @p0 s22, $0x3;
	s10 =	rddreg [dreg:$0x7];
	[sflag:s6] =	ssyncadd.s32 @!p1 $0xFFFFFB00  }
0x87: {  	[hbm:s10], [sflag:s8] =	dma.local @p0 [spmem:s9], $0x500  }
0x88: {  	_ =	swait.ge @p0 [sflag:s7], $0x500  }
0x89: {  	[sflag:s7] =	ssyncset.done @p0 $0x0  }
0x8a: {  	s9 =	sshrl.u32 @!p1 s23, $0x3;
	s10 =	rddreg [dreg:$0x8];
	[sflag:s7] =	ssyncadd.s32 @p0 $0xFFFFFB00  }
0x8b: {  	[hbm:s10], [sflag:s5] =	dma.local @!p1 [spmem:s9], $0x500  }
0x8c: {  	_ =	swait.ge @!p1 [sflag:s6], $0x500  }
0x8d: {  	[sflag:s6] =	ssyncset.done @!p1 $0x0  }
0x8e: {  	s9 =	sshrl.u32 @p0 s23, $0x3;
	s10 =	rddreg [dreg:$0x9];
	[sflag:s6] =	ssyncadd.s32 @!p1 $0xFFFFFB00  }
0x8f: {  	[hbm:s10], [sflag:s8] =	dma.local @p0 [spmem:s9], $0x500  }
0x90: {  	_ =	swait.ge @p0 [sflag:s7], $0x500  }
0x91: {  	[sflag:s7] =	ssyncset.done @p0 $0x0  }
0x92: {  	s9 =	sshrl.u32 @!p1 s24, $0x3;
	s10 =	rddreg [dreg:$0xa];
	[sflag:s7] =	ssyncadd.s32 @p0 $0xFFFFFB00  }
0x93: {  	[hbm:s10], [sflag:s5] =	dma.local @!p1 [spmem:s9], $0x500  }
0x94: {  	_ =	swait.ge @!p1 [sflag:s6], $0x500  }
0x95: {  	[sflag:s6] =	ssyncset.done @!p1 $0x0  }
0x96: {  	s9 =	sshrl.u32 @p0 s24, $0x3;
	s10 =	rddreg [dreg:$0xb];
	[sflag:s6] =	ssyncadd.s32 @!p1 $0xFFFFFB00  }
0x97: {  	[hbm:s10], [sflag:s8] =	dma.local @p0 [spmem:s9], $0x500  }
0x98: {  	_ =	swait.ge @p0 [sflag:s7], $0x500  }
0x99: {  	[sflag:s7] =	ssyncset.done @p0 $0x0  }
0x9a: {  	s9 =	sshrl.u32 @!p1 s25, $0x3;
	s10 =	rddreg [dreg:$0xc];
	[sflag:s7] =	ssyncadd.s32 @p0 $0xFFFFFB00  }
0x9b: {  	[hbm:s10], [sflag:s5] =	dma.local @!p1 [spmem:s9], $0x500  }
0x9c: {  	_ =	swait.ge @!p1 [sflag:s6], $0x500  }
0x9d: {  	[sflag:s6] =	ssyncset.done @!p1 $0x0  }
0x9e: {  	s9 =	sshrl.u32 @p0 s25, $0x3;
	s10 =	rddreg [dreg:$0xd];
	[sflag:s6] =	ssyncadd.s32 @!p1 $0xFFFFFB00  }
0x9f: {  	[hbm:s10], [sflag:s8] =	dma.local @p0 [spmem:s9], $0x500  }
0xa0: {  	_ =	swait.ge @p0 [sflag:s7], $0x500  }
0xa1: {  	[sflag:s7] =	ssyncset.done @p0 $0x0  }
0xa2: {  	s9 =	sshrl.u32 @!p1 s26, $0x3;
	[sflag:s7] =	ssyncadd.s32 @p0 $0xFFFFFB00  }
0xa3: {  	[hbm:s11], [sflag:s5] =	dma.local @!p1 [spmem:s9], $0x500  }
0xa4: {  	_ =	swait.ge @!p1 [sflag:s6], $0x500  }
0xa5: {  	[sflag:s6] =	ssyncset.done @!p1 $0x0  }
0xa6: {  	s9 =	sshrl.u32 @p0 s26, $0x3;
	[sflag:s6] =	ssyncadd.s32 @!p1 $0xFFFFFB00  }
0xa7: {  	[hbm:s12], [sflag:s8] =	dma.local @p0 [spmem:s9], $0x500  }
0xa8: {  	_ =	swait.ge @p0 [sflag:s7], $0x500  }
0xa9: {  	[sflag:s7] =	ssyncset.done @p0 $0x0  }
0xaa: {  	s9 =	sshrl.u32 @!p1 s28, $0x3;
	[sflag:s7] =	ssyncadd.s32 @p0 $0xFFFFFB00  }
0xab: {  	[hbm:s13], [sflag:s5] =	dma.local @!p1 [spmem:s9], $0x500  }
0xac: {  	_ =	swait.ge @!p1 [sflag:s6], $0x500  }
0xad: {  	[sflag:s6] =	ssyncset.done @!p1 $0x0  }
0xae: {  	s5 =	sshrl.u32 @p0 s28, $0x3;
	[sflag:s6] =	ssyncadd.s32 @!p1 $0xFFFFFB00  }
0xaf: {  	[hbm:s14], [sflag:s8] =	dma.local @p0 [spmem:s5], $0x500  }
0xb0: {  	_ =	swait.ge @p0 [sflag:s7], $0x500  }
0xb1: {  	s5 =	sshll.u32 @p2 s0, $0x6;
	[sflag:s7] =	ssyncset.done @p0 $0x0  }
0xb2: {  	s6 =	sshrl.u32 @p2 s29, $0x3;
	s5 =	sor.u32 @p2 $0x1C02, s5;
	[sflag:s7] =	ssyncadd.s32 @p0 $0xFFFFFB00  }
0xb3: {  	[hbm:s16], [sflag:s5] =	dma.local @p2 [spmem:s6], $0x500  }
0xb4: {  	s5 =	simm.s32 @p2 $0x2  }
0xb5: {  	s15 =	sadd.s32 $0x1, s15;
	_ =	swait.ge @p2 [sflag:s5], $0x500  }
0xb6: {  	p5 =	sne.s32 s15, s18;
	s6 =	sshll.u32 @p3 s0, $0x6;
	[sflag:s5] =	ssyncset.done @p2 $0x0  }
0xb7: {  	[sflag:s5] =	ssyncadd.s32 @p2 $0xFFFFFB00;
	s5 =	sor.u32 @p3 $0x1C02, s6;
	s6 =	sshrl.u32 @p3 s29, $0x3  }
0xb8: {  	[hbm:s17], [sflag:s5] =	dma.local @p3 [spmem:s6], $0x500  }
.Ltmp2:
0xb9: {  	_ = 	snop;
	(pc) =	sbr.rel @p5 .LBB2_1-.Ltmp2, $4  }
0xba: {  	s5 =	simm.s32 @p3 $0x2  }
0xbb: {  	_ =	swait.ge @p3 [sflag:s5], $0x500  }
0xbc: {  	[sflag:s5] =	ssyncset.done @p3 $0x0  }
0xbd: {  	[sflag:s5] =	ssyncadd.s32 @p3 $0xFFFFFB00  }
0xbe: {  	_ =	sfence.sel $0x180000  }
0xbf: {  	[bflag:$0x0] =	sbarrier.arrive $0xFFFF  }
0xc0: {  	_ =	strace $0x9000004D  }
0xc1: {  	[bflag:$0x2] =	sbarrier.arrive $0xFFFF  }
0xc2: {  	p0 =	sne.s32 s0, $0x0;
	s0 =	rddreg [dreg:$0x3]  }
0xc3: {  	s0 =	sadd.s32 @!p0 $0x100000, s0  }
0xc4: {  	[sflag:s0] =	ssyncadd.tile.s32 @!p0 $0x1;
	_ =	shalt  }
.Lfunc_end2:
_tile_overlayer_lowered:
.L_overlay_start_2:
0xc5: {  	(tag) =	ssettag $0x2  }
0xc6: {  	s0 =	rddreg [dreg:$0x0];
	s2 =	stileid.u32  }
0xc7: {  	s1 =	rddreg [dreg:$0x1];
	p0 =	sne.s32 s2, $0x0  }
0xc8: {  	s3 =	rddreg [dreg:$0x2];
	[bflag:$0x3] =	sbarrier.arrive $0xFFFF;
	s2 =	simm.s32 @!p0 $0x1C02  }
0xc9: {  	[timem:s3], [sflag:s2] =	dma.local @!p0 [hbm:s0], s1  }
0xca: {  	s0 =	simm.s32 @!p0 $0x2  }
0xcb: {  	_ =	swait.ge @!p0 [sflag:s0], s1  }
0xcc: {  	s1 =	ssub.s32 @!p0 $0x0, s1;
	[sflag:s0] =	ssyncset.done @!p0 $0x0  }
0xcd: {  	[sflag:s0] =	ssyncadd.s32 @!p0 s1  }
0xce: {  	[bflag:$0x3] =	sbarrier.arrive $0xFFFF  }
0xcf: {  	_ =	shalt  }

// kernel: kernel.19.cloned.1.call-start
scs
__scs_entry_jumppad:
0x0: {  	(pc) =	sbr.rel $0x88, $3  }
0x1: {  	(tag) =	ssettag $0x0;
	lr =	simm.s32 $0x1  }
0x2: {  	[smem:$0x3F97] =	sst lr;
	_ =	strace $0xD0000000  }
0x3: {  	_ = 	snop  }
0x4: {  	_ = 	snop  }
0x5: {  	_ = 	snop  }
0x6: {  	_ = 	snop  }
0x7: {  	_ = 	snop  }
__scs_overlays_trampoline_lowered:
0x8: {  	[smem:$0x3FA6] =	sst s0  }
0x9: {  	[smem:$0x3FA7] =	sst s1  }
0xa: {  	[smem:$0x3FA8] =	sst s2  }
0xb: {  	[smem:$0x3FA9] =	sst s3  }
0xc: {  	[smem:$0x3FAA] =	sst s4  }
0xd: {  	[smem:$0x3FAB] =	sst s5  }
0xe: {  	[smem:$0x3FAC] =	sst s6  }
0xf: {  	[smem:$0x3FAD] =	sst s7  }
0x10: {  	[smem:$0x3FAE] =	sst s8  }
0x11: {  	[smem:$0x3FAF] =	sst s9;
	s0 =	simm.s32 @!p0 $0x0  }
0x12: {  	s1 =	sld [smem:$0x3F95];
	s0 =	simm.s32 @p0 $0x1  }
0x13: {  	[smem:$0x3FB0] =	sst s0;
	s0 =	simm.s32 @!p1 $0x0  }
0x14: {  	s2 =	sld [smem:$0x3F94];
	s0 =	simm.s32 @p1 $0x1  }
0x15: {  	[smem:$0x3FB1] =	sst s0;
	s0 =	simm.s32 @!p2 $0x0  }
0x16: {  	s3 =	sld [smem:$0x3FDB];
	s0 =	simm.s32 @p2 $0x1  }
0x17: {  	s4 =	simm.s32 $0x1BF5;
	[smem:$0x3FB3] =	sst s0  }
0x18: {  	s0 =	sld [smem:$0x3F96];
	_ =	swait.ge [sflag:s4], $0x0  }
0x19: {  	s7 =	sld [smem:$0x3F97]  }
0x1a: {  	s8 =	sadd.s32 $0xFFFFE003, lr  }
0x1b: {  	s9 =	sadd.s32 $0xFFFFFEF7, lr;
	s5 =	simm.s32 $0xFFFFFFFF;
	p2 =	slt.u32 s8, $0xFFFFF086  }
0x1c: {  	p1 =	slt.u32 s9, $0xF7A;
	s5 =	simm.s32 @!p2 $0x0  }
0x1d: {  	s5 =	simm.s32 @p1 $0x1;
	p0 =	seq.s32 s7, s2  }
0x1e: {  	s7 =	smul.u32 @!p0 $0xF7A, s2;
	p2 =	seq.s32 @!p0 s5, $0x0  }
0x1f: {  	s9 =	smul.u32 $0xF7A, s1;
	s8 =	simm.s32 @!p0 $0x1BF5;
	p2 =	por !p2, p0  }
0x20: {  	[sflag:s8] =	ssyncset.s32 @!p0 $0xFFFFF086;
	s6 =	sadd.s32 @!p0 s3, s7;
	s7 =	simm.s32 @!p0 $0x108  }
0x21: {  	s3 =	sadd.s32 s3, s9;
	s6 =	sadd.s32 @!p0 $0x88, s6;
	s7 =	simm.s32 @p2 $0x1082  }
0x22: {  	[simem:s7], [sflag:s8] =	dma.local @!p0 [hbm:s6], $0xF7A  }
0x23: {  	s9 =	sor.u32 $0xD0000000, s2;
	s6 =	simm.s32 $0x108;
	_ =	swait.ge @!p0 [sflag:s8], $0x0  }
0x24: {  	s3 =	sadd.s32 $0x88, s3;
	s6 =	simm.s32 @!p1 $0x1082;
	[sflag:s4] =	ssyncset.s32 $0xFFFFF086  }
0x25: {  	[simem:s6], [sflag:s4] =	dma.local [hbm:s3], $0xF7A  }
0x26: {  	[smem:$0x3F97] =	sst s1;
	(tag) =	ssettag s2;
	_ =	strace s9  }
0x27: {  	s1 =	sld [smem:$0x3FA7]  }
0x28: {  	s2 =	sld [smem:$0x3FA8]  }
0x29: {  	s4 =	sld [smem:$0x3FAA]  }
0x2a: {  	p0 =	seq.s32 s5, $0x0;
	s5 =	sld [smem:$0x3FAB]  }
0x2b: {  	s6 =	sld [smem:$0x3FAC]  }
0x2c: {  	s7 =	sld [smem:$0x3FAD]  }
0x2d: {  	s3 =	simm.s32 $0x108;
	s8 =	sld [smem:$0x3FAE]  }
0x2e: {  	s3 =	simm.s32 @!p0 $0x1082;
	s9 =	sld [smem:$0x3FAF]  }
0x2f: {  	lr =	sadd.s32 s0, s3;
	s0 =	sld [smem:$0x3FA6]  }
0x30: {  	s3 =	sld [smem:$0x3FA9]  }
0x31: {  	[smem:$0x3FB2] =	sst s10  }
0x32: {  	s10 =	sld [smem:$0x3FB0];
	_ =	sdelay $0x3  }
0x33: {  	p0 =	seq.s32 s10, $0x1;
	s10 =	sld [smem:$0x3FB2];
	_ =	sdelay $0x3  }
0x34: {  	[smem:$0x3FB2] =	sst s10  }
0x35: {  	s10 =	sld [smem:$0x3FB1];
	_ =	sdelay $0x3  }
0x36: {  	p1 =	seq.s32 s10, $0x1;
	s10 =	sld [smem:$0x3FB2];
	_ =	sdelay $0x3  }
0x37: {  	[smem:$0x3FB2] =	sst s10  }
0x38: {  	s10 =	sld [smem:$0x3FB3]  }
0x39: {  	_ = 	snop;
	(pc) =	sbr.ind lr, $3  }
0x3a: {  	_ = 	snop  }
0x3b: {  	_ = 	snop  }
0x3c: {  	p2 =	seq.s32 s10, $0x1;
	s10 =	sld [smem:$0x3FB2]  }
0x3d: {  	_ =	shalt  }
0x3e: {  	_ =	shalt  }
0x3f: {  	_ =	shalt  }
0x40: {  	_ =	shalt  }
0x41: {  	_ =	shalt  }
0x42: {  	_ =	shalt  }
0x43: {  	_ =	shalt  }
0x44: {  	_ =	shalt  }
0x45: {  	_ =	shalt  }
0x46: {  	_ =	shalt  }
0x47: {  	_ =	shalt  }
0x48: {  	_ =	shalt  }
0x49: {  	_ =	shalt  }
0x4a: {  	_ =	shalt  }
0x4b: {  	_ =	shalt  }
0x4c: {  	_ =	shalt  }
0x4d: {  	_ =	shalt  }
0x4e: {  	_ =	shalt  }
0x4f: {  	_ =	shalt  }
0x50: {  	_ =	shalt  }
0x51: {  	_ =	shalt  }
0x52: {  	_ =	shalt  }
0x53: {  	_ =	shalt  }
0x54: {  	_ =	shalt  }
0x55: {  	_ =	shalt  }
0x56: {  	_ =	shalt  }
0x57: {  	_ =	shalt  }
0x58: {  	_ =	shalt  }
0x59: {  	_ =	shalt  }
0x5a: {  	_ =	shalt  }
0x5b: {  	_ =	shalt  }
0x5c: {  	_ =	shalt  }
0x5d: {  	_ =	shalt  }
0x5e: {  	_ =	shalt  }
0x5f: {  	_ =	shalt  }
0x60: {  	_ =	shalt  }
0x61: {  	_ =	shalt  }
0x62: {  	_ =	shalt  }
0x63: {  	_ =	shalt  }
0x64: {  	_ =	shalt  }
0x65: {  	_ =	shalt  }
0x66: {  	_ =	shalt  }
0x67: {  	_ =	shalt  }
0x68: {  	_ =	shalt  }
0x69: {  	_ =	shalt  }
0x6a: {  	_ =	shalt  }
0x6b: {  	_ =	shalt  }
0x6c: {  	_ =	shalt  }
0x6d: {  	_ =	shalt  }
0x6e: {  	_ =	shalt  }
0x6f: {  	_ =	shalt  }
0x70: {  	_ =	shalt  }
0x71: {  	_ =	shalt  }
0x72: {  	_ =	shalt  }
0x73: {  	_ =	shalt  }
0x74: {  	_ =	shalt  }
0x75: {  	_ =	shalt  }
0x76: {  	_ =	shalt  }
0x77: {  	_ =	shalt  }
0x78: {  	_ =	shalt  }
0x79: {  	_ =	shalt  }
0x7a: {  	_ =	shalt  }
0x7b: {  	_ =	shalt  }
0x7c: {  	_ =	shalt  }
0x7d: {  	_ =	shalt  }
0x7e: {  	_ =	shalt  }
0x7f: {  	_ =	shalt  }
0x80: {  	_ =	shalt  }
0x81: {  	_ =	shalt  }
0x82: {  	_ =	shalt  }
0x83: {  	_ =	shalt  }
0x84: {  	_ =	shalt  }
0x85: {  	_ =	shalt  }
0x86: {  	_ =	shalt  }
0x87: {  	_ =	shalt  }
.Lfunc_end0:
.L_simem_size_0:
called_computation.3_lowered:
.L_overlay_start_0:
0x88: {  	s2 =	sld [smem:$0x3FD9]  }
0x89: {  	s3 =	sld [smem:$0x3FFE];
	_ =	sdelay $0x1  }
0x8a: {  	s1 =	srdreg.scid  }
0x8b: {  	s0 =	sand.u32 $0x1, s1  }
0x8c: {  	s17 =	sshll.u32 s0, $0xA;
	s2 =	sadd.s32 s3, s2  }
0x8d: {  	s2 =	sadd.s32 s2, s17  }
0x8e: {  	[smem:$0x3FBE] =	sst s2  }
0x8f: {  	_ = 	snop  }
0x90: {  	s2 =	sld [smem:$0x3FD0];
	(tm) =	ssettm $0x1  }
0x91: {  	s18 =	sld [smem:$0x3FFB];
	_ =	sdelay $0x3  }
0x92: {  	_ =	strace s18  }
0x93: {  	s3 =	sld [smem:$0x3FFC];
	_ =	sdelay $0x3  }
0x94: {  	_ =	strace s3  }
0x95: {  	s3 =	sld [smem:$0x3FFD];
	_ =	sdelay $0x3  }
0x96: {  	_ =	strace s3  }
0x97: {  	_ =	strace $0x8FFFFFFF  }
0x98: {  	s19 =	sld [smem:$0x3FDB];
	_ =	sdelay $0x1  }
0x99: {  	s4 =	simm.s32 $_scs_section_size  }
0x9a: {  	s5 =	simm.s32 $_size__tile_overlayer_lowered;
	s6 =	simm.s32 $_tile_overlayer_lowered  }
0x9b: {  	s22 =	simm.s32 $0x1BFF;
	s21 =	sshll.u32 s6, $0x1;
	s3 =	sadd.s32 s4, s19  }
0x9c: {  	s7 =	simm.s32 $0x0;
	s20 =	sshll.u32 s5, $0x1;
	s5 =	sadd.s32 s21, s3  }
0x9d: {  	[timem:s7], [sflag:s22] =	dma.local [hbm:s5], s20  }
0x9e: {  	_ =	swait.ge [sflag:s22], s20  }
0x9f: {  	s4 =	ssub.s32 $0x0, s20;
	[sflag:s22] =	ssyncset.done $0x0  }
0xa0: {  	[sflag:s22] =	ssyncadd.s32 s4;
	_ =	sdelay $0x1  }
0xa1: {  	s23 =	simm.s32 $0x1B8B  }
0xa2: {  	_ =	swait.ge [sflag:s23], $0x1  }
0xa3: {  	[sflag:s23] =	ssyncset.done $0x0  }
0xa4: {  	s25 =	simm.s32 $0x1B8E;
	s24 =	sld [smem:$0x3FFE];
	[sflag:s23] =	ssyncadd.s32 $0xFFFFFFFF  }
0xa5: {  	s26 =	simm.s32 $execute0_lowered;
	[smem:$0x3FD2] =	sst s25  }
0xa6: {  	s5 =	sshll.u32 s26, $0x1;
	_ =	strace $0x8000004F;
	[dreg:$0x1] =	wrdreg $0xFFFFFFFF  }
0xa7: {  	s28 =	simm.s32 $_size_execute0_lowered;
	s3 =	sadd.s32 s3, s5;
	[dreg:$0x0] =	wrdreg $0x0  }
0xa8: {  	s5 =	sshll.u32 s28, $0x1;
	[dreg:$0x2] =	wrdreg s3  }
0xa9: {  	[dreg:$0x3] =	wrdreg s5  }
0xaa: {  	[dreg:$0x4] =	wrdreg $0xC0  }
0xab: {  	_ =	task [dreg:s7], $0x5FFFF  }
0xac: {  	[dreg:$0x1] =	wrdreg $0xFFFFFFFF  }
0xad: {  	[dreg:$0x0] =	wrdreg $0x60  }
0xae: {  	[dreg:$0x2] =	wrdreg s24  }
0xaf: {  	[dreg:$0x3] =	wrdreg s2  }
0xb0: {  	[dreg:$0x4] =	wrdreg $0xA8000  }
0xb1: {  	[dreg:$0x5] =	wrdreg $0x9  }
0xb2: {  	_ =	task.clear_ibuf [dreg:s7], $0x6FFFF;
	_ =	strace $0x9000004F  }
0xb3: {  	s29 =	simm.s32 $0x9;
	_ =	strace $0x80000051  }
0xb4: {  	_ =	swait.ge [sflag:s29], $0x1  }
0xb5: {  	[sflag:s29] =	ssyncadd.s32 $0xFFFFFFFF  }
0xb6: {  	_ =	strace $0x90000051  }
0xb7: {  	_ =	sfence  }
0xb8: {  	s30 =	sld [smem:$0x0];
	_ =	sdelay $0x2  }
0xb9: {  	s31 =	sshll.u32 s1, $0xD;
	s1 =	sshrl.u32 s1, $0x2  }
0xba: {  	s3 =	sand.u32 $0x4000, s31;
	s1 =	sadd.s32 s1, s30  }
0xbb: {  	s0 =	sor.u32 s3, s0;
	s1 =	sshll.u32 s1, $0x11  }
0xbc: {  	s0 =	sor.u32 s1, s0  }
0xbd: {  	s0 =	sadd.s32 $0x8F2B, s0  }
0xbe: {  	[sflag:s0] =	ssyncadd.remote.s32 $0x1  }
0xbf: {  	_ =	sfence.sel $0xFFFF  }
0xc0: {  	[dreg:$0x0] =	wrdreg $0xFFFFFFFF;
	(pc) =	sbr.abs _section_cstart, $3  }
0xc1: {  	[dreg:$0x1] =	wrdreg $0xFFFFFFFF  }
0xc2: {  	_ =	task.clear_ibuf [dreg:s7], $0x2FFFF;
	_ =	strace $0x9FFFFFFF  }
0xc3: {  	(tm) =	ssettm $0x7FFFFFFF  }
tec
execute0_lowered:
.L_overlay_start_1:
0x0: {  	(tag) =	ssettag $0x1  }
0x1: {  	s1 =	srdreg.scid  }
0x2: {  	s0 =	stileid.u32;
	s4 =	rddreg [dreg:$0x0]  }
0x3: {  	s3 =	sand.u32 $0x1, s1;
	s26 =	sor.u32 $0x10, s0;
	s9 =	smul.u32 $0x500, s0  }
0x4: {  	s2 =	sshll.u32 s0, $0xB;
	s7 =	sor.u32 $0x20, s0;
	s10 =	smul.u32 $0x500, s26  }
0x5: {  	s6 =	sadd.s32 $0x9B000, s4;
	s8 =	sor.u32 $0x30, s0;
	s13 =	smul.u32 $0x500, s7  }
0x6: {  	s18 =	sor.u32 $0x40, s0;
	s23 =	sor.u32 $0x50, s0;
	s15 =	smul.u32 $0x500, s8  }
0x7: {  	s24 =	sor.u32 $0x60, s0;
	p3 =	slt.u32 s0, $0xD;
	s17 =	smul.u32 $0x500, s18  }
0x8: {  	p4 =	sgt.u32 s0, $0xC;
	s1 =	sshll.u32 s3, $0xF;
	s12 =	smul.u32 $0x500, s23  }
0x9: {  	s5 =	ssub.s32 $0x2, s3;
	s26 =	smul.u32 $0xA000, s26;
	p2 =	seq.s32 s3, $0x0  }
0xa: {  	p0 =	seq.s32 s3, $0x1;
	p1 =	sne.s32 s3, $0x0;
	s7 =	smul.u32 $0xA000, s7  }
0xb: {  	s8 =	smul.u32 $0xA000, s8;
	s1 =	sor.u32 s2, s1;
	s25 =	sshrl.u32 s5, $0x1  }
0xc: {  	s11 =	sadd.s32 s6, s9;
	p2 =	por !p3, !p2;
	p3 =	por !p3, !p0  }
0xd: {  	s2 =	sadd.s32 s1, s4;
	[dreg:$0x4] =	wrdreg s11;
	s14 =	sadd.s32 s6, s10  }
0xe: {  	s4 =	sadd.s32 $0xC2200, s4;
	s16 =	sadd.s32 s6, s13;
	[dreg:$0x6] =	wrdreg s14  }
0xf: {  	s1 =	ssub.s32 s5, s25;
	s19 =	sadd.s32 s6, s15;
	[dreg:$0x8] =	wrdreg s16  }
0x10: {  	s25 =	sor.u32 $0x70, s0;
	s21 =	sadd.s32 s6, s17;
	[dreg:$0xa] =	wrdreg s19  }
0x11: {  	s11 =	sadd.s32 s6, s12;
	s3 =	sshrl.u32 s7, $0x2;
	[dreg:$0xc] =	wrdreg s21  }
0x12: {  	p2 =	por !p2, !p2;
	s9 =	sadd.s32 s4, s9;
	s19 =	rddreg [dreg:$0x1]  }
0x13: {  	p3 =	por !p3, !p3;
	s10 =	sadd.s32 s4, s10;
	[dreg:$0x5] =	wrdreg s9  }
0x14: {  	s20 =	sadd.s32 s4, s15;
	s22 =	sadd.s32 s4, s17;
	[dreg:$0x7] =	wrdreg s10  }
0x15: {  	s14 =	smul.u32 $0x500, s24;
	s12 =	sadd.s32 s4, s12;
	[dreg:$0xb] =	wrdreg s20  }
0x16: {  	s17 =	smul.u32 $0x500, s25;
	s15 =	simm.s32 $0x0;
	[dreg:$0xd] =	wrdreg s22  }
0x17: {  	s30 =	sadd.s32 $0x3CC00, s2;
	s31 =	sadd.s32 $0x5A00, s2;
	[smem:$0x7FF] =	sst s15  }
0x18: {  	s2 =	simm.s32 $0x2;
	s9 =	sadd.s32 s4, s13;
	s20 =	rddreg [dreg:$0x2]  }
0x19: {  	s10 =	smul.u32 $0xA000, s23;
	[dreg:$0x9] =	wrdreg s9;
	s13 =	sadd.s32 s6, s14  }
0x1a: {  	s14 =	sadd.s32 s4, s14;
	s16 =	sadd.s32 s6, s17;
	s6 =	smul.u32 $0xA000, s0  }
0x1b: {  	s17 =	sadd.s32 s4, s17;
	s4 =	sshrl.u32 s26, $0x2;
	s9 =	smul.u32 $0xA000, s18  }
0x1c: {  	s23 =	sadd.s32 s3, s20;
	s18 =	sshrl.u32 s8, $0x2;
	s26 =	smul.u32 $0xA000, s24  }
0x1d: {  	s8 =	smul.u32 $0xA000, s25;
	s3 =	simm.s32 $0x50;
	_ =	strace $0x80000050  }
0x1e: {  	s22 =	sadd.s32 s4, s20;
	s24 =	sadd.s32 s18, s20;
	s4 =	simm.s32 $0x1  }
0x1f: {  	s5 =	sshrl.u32 s6, $0x2;
	s7 =	sshrl.u32 s9, $0x2;
	s9 =	sshrl.u32 s10, $0x2  }
0x20: {  	s10 =	sshrl.u32 s26, $0x2;
	s18 =	sshrl.u32 s8, $0x2;
	s21 =	sadd.s32 s5, s20  }
0x21: {  	s25 =	sadd.s32 s7, s20;
	s26 =	sadd.s32 s9, s20;
	s28 =	sadd.s32 s10, s20  }
0x22: {  	v0 =	vimm.f32 $0.0e+00;
	s29 =	sadd.s32 s18, s20;
	s18 =	smax.u32 s1, $0x1;
	s1 =	simm.s32 $0x8000  }
.LBB2_1:
0x23: {  	s5 =	simm.s32 $0x0;
	s6 =	simm.s32 $0x200  }
.LBB2_2:
0x24: {  	p5 =	sne.s32 s6, $0x9E00;
	[tilespmem:s5+$0x8070] =	vst v0  }
0x25: {  	[tilespmem:s5+$0x8000] =	vst v0  }
0x26: {  	[tilespmem:s5+$0x8010] =	vst v0  }
.Ltmp0:
0x27: {  	[tilespmem:s5+$0x8020] =	vst v0;
	(pc) =	sbr.rel @p5 .LBB2_2-.Ltmp0, $4  }
0x28: {  	[tilespmem:s5+$0x8030] =	vst v0  }
0x29: {  	[tilespmem:s5+$0x8040] =	vst v0  }
0x2a: {  	[tilespmem:s5+$0x8050] =	vst v0  }
0x2b: {  	[tilespmem:s5+$0x8060] =	vst v0;
	s5 =	sshra.s32 s6, $0x2;
	s6 =	sadd.s32 $0x200, s6  }
0x2c: {  	[tilespmem:s5+$0x8070] =	vst v0  }
0x2d: {  	[tilespmem:s5+$0x8000] =	vst v0  }
0x2e: {  	[tilespmem:s5+$0x8010] =	vst v0  }
0x2f: {  	[tilespmem:s5+$0x8020] =	vst v0  }
0x30: {  	[tilespmem:s5+$0x8030] =	vst v0  }
0x31: {  	[tilespmem:s5+$0x8040] =	vst v0  }
0x32: {  	[tilespmem:s5+$0x8050] =	vst v0  }
0x33: {  	[tilespmem:s5+$0x8060] =	vst v0  }
0x34: {  	[spmem:s21] =	stream.linear.scatter [tilespmem:s1], [sflag:$0x2], $0x2800, $0x38;
	[tilespmem:$0x1E080] =	vst v63  }
0x35: {  	_ =	swait.ge [sflag:s2], $0x2800  }
0x36: {  	[sflag:s2] =	ssyncset.done $0x0  }
0x37: {  	[sflag:s2] =	ssyncadd.s32 $0xFFFFD800  }
0x38: {  	[spmem:s22] =	stream.linear.scatter [tilespmem:s1], [sflag:$0x2], $0x2800, $0x38;
	[tilespmem:$0x1E080] =	vst v63  }
0x39: {  	_ =	swait.ge [sflag:s2], $0x2800  }
0x3a: {  	[sflag:s2] =	ssyncset.done $0x0  }
0x3b: {  	[sflag:s2] =	ssyncadd.s32 $0xFFFFD800  }
0x3c: {  	[spmem:s23] =	stream.linear.scatter [tilespmem:s1], [sflag:$0x2], $0x2800, $0x38;
	[tilespmem:$0x1E080] =	vst v63  }
0x3d: {  	_ =	swait.ge [sflag:s2], $0x2800  }
0x3e: {  	[sflag:s2] =	ssyncset.done $0x0  }
0x3f: {  	[sflag:s2] =	ssyncadd.s32 $0xFFFFD800  }
0x40: {  	[spmem:s24] =	stream.linear.scatter [tilespmem:s1], [sflag:$0x2], $0x2800, $0x38;
	[tilespmem:$0x1E080] =	vst v63  }
0x41: {  	_ =	swait.ge [sflag:s2], $0x2800  }
0x42: {  	[sflag:s2] =	ssyncset.done $0x0  }
0x43: {  	[sflag:s2] =	ssyncadd.s32 $0xFFFFD800  }
0x44: {  	[spmem:s25] =	stream.linear.scatter [tilespmem:s1], [sflag:$0x2], $0x2800, $0x38;
	[tilespmem:$0x1E080] =	vst v63  }
0x45: {  	_ =	swait.ge [sflag:s2], $0x2800  }
0x46: {  	[sflag:s2] =	ssyncset.done $0x0  }
0x47: {  	[sflag:s2] =	ssyncadd.s32 $0xFFFFD800  }
0x48: {  	[spmem:s26] =	stream.linear.scatter [tilespmem:s1], [sflag:$0x2], $0x2800, $0x38;
	[tilespmem:$0x1E080] =	vst v63  }
0x49: {  	_ =	swait.ge [sflag:s2], $0x2800  }
0x4a: {  	[sflag:s2] =	ssyncset.done $0x0  }
0x4b: {  	[sflag:s2] =	ssyncadd.s32 $0xFFFFD800  }
0x4c: {  	[spmem:s28] =	stream.linear.scatter [tilespmem:s1], [sflag:$0x2], $0x2800, $0x38;
	[tilespmem:$0x1E080] =	vst v63  }
0x4d: {  	_ =	swait.ge [sflag:s2], $0x2800  }
0x4e: {  	[sflag:s2] =	ssyncset.done $0x0  }
0x4f: {  	s5 =	simm.s32 @!p4 $0x8000;
	[sflag:s2] =	ssyncadd.s32 $0xFFFFD800  }
0x50: {  	[spmem:s29] =	stream.linear.scatter @!p4 [tilespmem:s5], [sflag:$0x2], $0x2800, $0x38;
	[tilespmem:$0x1E080] =	vst v63  }
0x51: {  	s5 =	simm.s32 @!p4 $0x2  }
0x52: {  	_ =	swait.ge @!p4 [sflag:s5], $0x2800  }
0x53: {  	[sflag:s5] =	ssyncset.done @!p4 $0x0  }
0x54: {  	[sflag:s5] =	ssyncadd.s32 @!p4 $0xFFFFD800  }
0x55: {  	s8 =	simm.s32 $0x0;
	[bflag:$0x0] =	sbarrier.arrive $0xFFFF  }
0x56: {  	[tilespmem:s8], [sflag:$0x2] =	stream.linear.gather [hbm4b:s30+s8], $0x3E80, $0x38;
	[tilespmem:$0x1E080] =	vst v63  }
0x57: {  	_ =	swait.ge [sflag:s2], $0x3E80  }
0x58: {  	[sflag:s2] =	ssyncset.done $0x0  }
0x59: {  	s6 =	simm.s32 $0x4000;
	[sflag:s2] =	ssyncadd.s32 $0xFFFFC180  }
0x5a: {  	[tilespmem:s6], [sflag:$0x2] =	stream.linear.gather [hbm4b:s31+s8], $0x3E80, $0x38;
	[tilespmem:$0x1E080] =	vst v63  }
0x5b: {  	_ =	swait.ge [sflag:s2], $0x3E80  }
0x5c: {  	[sflag:s2] =	ssyncset.done $0x0  }
0x5d: {  	s9 =	simm.s32 $0x0;
	[sflag:s2] =	ssyncadd.s32 $0xFFFFC180  }
0x5e: {  	[tilespmem:s1], [sflag:$0x1] =	stream.indirect.gather [hbm4b:s19+s3], $0x80, s9, s3, $0xb8;
	[tilespmem:$0x1E080] =	vst v63  }
0x5f: {  	_ =	swait.ge [sflag:s4], $0x2800  }
0x60: {  	[sflag:s4] =	ssyncset.done $0x0  }
0x61: {  	s10 =	simm.s32 $0x4000;
	[sflag:s4] =	ssyncadd.s32 $0xFFFFD800  }
0x62: {  	[spmem:s20] =	stream.indirect.scatter.add.f32 [tilespmem:s1], [sflag:$0x2], $0x80, s10, s3, $0xb8;
	[tilespmem:$0x1E080] =	vst v63  }
0x63: {  	_ =	swait.ge [sflag:s2], $0x2800  }
0x64: {  	s5 =	simm.s32 $0x200;
	s6 =	simm.s32 $0x400;
	[sflag:s2] =	ssyncset.done $0x0  }
.LBB2_4:
0x65: {  	s7 =	sshra.s32 s5, $0x2  }
0x66: {  	[sflag:s2] =	ssyncadd.s32 $0xFFFFD800;
	s5 =	smov.u32 s6;
	s8 =	sadd.s32 $0x200, s6  }
0x67: {  	[tilespmem:s1], [sflag:$0x1] =	stream.indirect.gather [hbm4b:s19+s3], $0x80, s7, s3, $0xb8;
	[tilespmem:$0x1E080] =	vst v63  }
0x68: {  	p5 =	sne.s32 s6, $0xF800;
	_ =	swait.ge [sflag:s4], $0x2800  }
.Ltmp1:
0x69: {  	[sflag:s4] =	ssyncset.done $0x0;
	(pc) =	sbr.rel @p5 .LBB2_4-.Ltmp1, $4  }
0x6a: {  	s6 =	sadd.s32 $0x4000, s7;
	[sflag:s4] =	ssyncadd.s32 $0xFFFFD800  }
0x6b: {  	[spmem:s20] =	stream.indirect.scatter.add.f32 [tilespmem:s1], [sflag:$0x2], $0x80, s6, s3, $0xb8;
	[tilespmem:$0x1E080] =	vst v63  }
0x6c: {  	_ =	swait.ge [sflag:s2], $0x2800  }
0x6d: {  	s6 =	smov.u32 s8;
	[sflag:s2] =	ssyncset.done $0x0  }
0x6e: {  	s5 =	sshra.s32 s5, $0x2;
	[sflag:s2] =	ssyncadd.s32 $0xFFFFD800  }
0x6f: {  	[tilespmem:s1], [sflag:$0x1] =	stream.indirect.gather [hbm4b:s19+s3], $0x80, s5, s3, $0xb8;
	[tilespmem:$0x1E080] =	vst v63  }
0x70: {  	_ =	swait.ge [sflag:s4], $0x2800  }
0x71: {  	[sflag:s4] =	ssyncset.done $0x0  }
0x72: {  	s5 =	sadd.s32 $0x4000, s5;
	[sflag:s4] =	ssyncadd.s32 $0xFFFFD800  }
0x73: {  	[spmem:s20] =	stream.indirect.scatter.add.f32 [tilespmem:s1], [sflag:$0x2], $0x80, s5, s3, $0xb8;
	[tilespmem:$0x1E080] =	vst v63  }
0x74: {  	_ =	swait.ge [sflag:s2], $0x2800  }
0x75: {  	[sflag:s2] =	ssyncset.done $0x0  }
0x76: {  	[sflag:s2] =	ssyncadd.s32 $0xFFFFD800  }
0x77: {  	s5 =	sshll.u32 @!p1 s0, $0x6;
	[bflag:$0x0] =	sbarrier.arrive $0xFFFF  }
0x78: {  	s6 =	sshrl.u32 @!p1 s21, $0x3;
	s5 =	sor.u32 @!p1 $0x1C02, s5;
	s7 =	rddreg [dreg:$0x4]  }
0x79: {  	[hbm:s7], [sflag:s5] =	dma.local @!p1 [spmem:s6], $0x500  }
0x7a: {  	s6 =	simm.s32 @!p1 $0x2  }
0x7b: {  	s7 =	sshll.u32 @p0 s0, $0x6;
	_ =	swait.ge @!p1 [sflag:s6], $0x500  }
0x7c: {  	s8 =	sor.u32 @p0 $0x1C02, s7;
	[sflag:s6] =	ssyncset.done @!p1 $0x0  }
0x7d: {  	s7 =	sshrl.u32 @p0 s21, $0x3;
	s9 =	rddreg [dreg:$0x5];
	[sflag:s6] =	ssyncadd.s32 @!p1 $0xFFFFFB00  }
0x7e: {  	[hbm:s9], [sflag:s8] =	dma.local @p0 [spmem:s7], $0x500  }
0x7f: {  	s7 =	simm.s32 @p0 $0x2  }
0x80: {  	_ =	swait.ge @p0 [sflag:s7], $0x500  }
0x81: {  	[sflag:s7] =	ssyncset.done @p0 $0x0  }
0x82: {  	s9 =	sshrl.u32 @!p1 s22, $0x3;
	s10 =	rddreg [dreg:$0x6];
	[sflag:s7] =	ssyncadd.s32 @p0 $0xFFFFFB00  }
0x83: {  	[hbm:s10], [sflag:s5] =	dma.local @!p1 [spmem:s9], $0x500  }
0x84: {  	_ =	swait.ge @!p1 [sflag:s6], $0x500  }
0x85: {  	[sflag:s6] =	ssyncset.done @!p1 $0x0  }
0x86: {  	s9 =	sshrl.u32 @p0 s22, $0x3;
	s10 =	rddreg [dreg:$0x7];
	[sflag:s6] =	ssyncadd.s32 @!p1 $0xFFFFFB00  }
0x87: {  	[hbm:s10], [sflag:s8] =	dma.local @p0 [spmem:s9], $0x500  }
0x88: {  	_ =	swait.ge @p0 [sflag:s7], $0x500  }
0x89: {  	[sflag:s7] =	ssyncset.done @p0 $0x0  }
0x8a: {  	s9 =	sshrl.u32 @!p1 s23, $0x3;
	s10 =	rddreg [dreg:$0x8];
	[sflag:s7] =	ssyncadd.s32 @p0 $0xFFFFFB00  }
0x8b: {  	[hbm:s10], [sflag:s5] =	dma.local @!p1 [spmem:s9], $0x500  }
0x8c: {  	_ =	swait.ge @!p1 [sflag:s6], $0x500  }
0x8d: {  	[sflag:s6] =	ssyncset.done @!p1 $0x0  }
0x8e: {  	s9 =	sshrl.u32 @p0 s23, $0x3;
	s10 =	rddreg [dreg:$0x9];
	[sflag:s6] =	ssyncadd.s32 @!p1 $0xFFFFFB00  }
0x8f: {  	[hbm:s10], [sflag:s8] =	dma.local @p0 [spmem:s9], $0x500  }
0x90: {  	_ =	swait.ge @p0 [sflag:s7], $0x500  }
0x91: {  	[sflag:s7] =	ssyncset.done @p0 $0x0  }
0x92: {  	s9 =	sshrl.u32 @!p1 s24, $0x3;
	s10 =	rddreg [dreg:$0xa];
	[sflag:s7] =	ssyncadd.s32 @p0 $0xFFFFFB00  }
0x93: {  	[hbm:s10], [sflag:s5] =	dma.local @!p1 [spmem:s9], $0x500  }
0x94: {  	_ =	swait.ge @!p1 [sflag:s6], $0x500  }
0x95: {  	[sflag:s6] =	ssyncset.done @!p1 $0x0  }
0x96: {  	s9 =	sshrl.u32 @p0 s24, $0x3;
	s10 =	rddreg [dreg:$0xb];
	[sflag:s6] =	ssyncadd.s32 @!p1 $0xFFFFFB00  }
0x97: {  	[hbm:s10], [sflag:s8] =	dma.local @p0 [spmem:s9], $0x500  }
0x98: {  	_ =	swait.ge @p0 [sflag:s7], $0x500  }
0x99: {  	[sflag:s7] =	ssyncset.done @p0 $0x0  }
0x9a: {  	s9 =	sshrl.u32 @!p1 s25, $0x3;
	s10 =	rddreg [dreg:$0xc];
	[sflag:s7] =	ssyncadd.s32 @p0 $0xFFFFFB00  }
0x9b: {  	[hbm:s10], [sflag:s5] =	dma.local @!p1 [spmem:s9], $0x500  }
0x9c: {  	_ =	swait.ge @!p1 [sflag:s6], $0x500  }
0x9d: {  	[sflag:s6] =	ssyncset.done @!p1 $0x0  }
0x9e: {  	s9 =	sshrl.u32 @p0 s25, $0x3;
	s10 =	rddreg [dreg:$0xd];
	[sflag:s6] =	ssyncadd.s32 @!p1 $0xFFFFFB00  }
0x9f: {  	[hbm:s10], [sflag:s8] =	dma.local @p0 [spmem:s9], $0x500  }
0xa0: {  	_ =	swait.ge @p0 [sflag:s7], $0x500  }
0xa1: {  	[sflag:s7] =	ssyncset.done @p0 $0x0  }
0xa2: {  	s9 =	sshrl.u32 @!p1 s26, $0x3;
	[sflag:s7] =	ssyncadd.s32 @p0 $0xFFFFFB00  }
0xa3: {  	[hbm:s11], [sflag:s5] =	dma.local @!p1 [spmem:s9], $0x500  }
0xa4: {  	_ =	swait.ge @!p1 [sflag:s6], $0x500  }
0xa5: {  	[sflag:s6] =	ssyncset.done @!p1 $0x0  }
0xa6: {  	s9 =	sshrl.u32 @p0 s26, $0x3;
	[sflag:s6] =	ssyncadd.s32 @!p1 $0xFFFFFB00  }
0xa7: {  	[hbm:s12], [sflag:s8] =	dma.local @p0 [spmem:s9], $0x500  }
0xa8: {  	_ =	swait.ge @p0 [sflag:s7], $0x500  }
0xa9: {  	[sflag:s7] =	ssyncset.done @p0 $0x0  }
0xaa: {  	s9 =	sshrl.u32 @!p1 s28, $0x3;
	[sflag:s7] =	ssyncadd.s32 @p0 $0xFFFFFB00  }
0xab: {  	[hbm:s13], [sflag:s5] =	dma.local @!p1 [spmem:s9], $0x500  }
0xac: {  	_ =	swait.ge @!p1 [sflag:s6], $0x500  }
0xad: {  	[sflag:s6] =	ssyncset.done @!p1 $0x0  }
0xae: {  	s5 =	sshrl.u32 @p0 s28, $0x3;
	[sflag:s6] =	ssyncadd.s32 @!p1 $0xFFFFFB00  }
0xaf: {  	[hbm:s14], [sflag:s8] =	dma.local @p0 [spmem:s5], $0x500  }
0xb0: {  	_ =	swait.ge @p0 [sflag:s7], $0x500  }
0xb1: {  	s5 =	sshll.u32 @p2 s0, $0x6;
	[sflag:s7] =	ssyncset.done @p0 $0x0  }
0xb2: {  	s6 =	sshrl.u32 @p2 s29, $0x3;
	s5 =	sor.u32 @p2 $0x1C02, s5;
	[sflag:s7] =	ssyncadd.s32 @p0 $0xFFFFFB00  }
0xb3: {  	[hbm:s16], [sflag:s5] =	dma.local @p2 [spmem:s6], $0x500  }
0xb4: {  	s5 =	simm.s32 @p2 $0x2  }
0xb5: {  	s15 =	sadd.s32 $0x1, s15;
	_ =	swait.ge @p2 [sflag:s5], $0x500  }
0xb6: {  	p5 =	sne.s32 s15, s18;
	s6 =	sshll.u32 @p3 s0, $0x6;
	[sflag:s5] =	ssyncset.done @p2 $0x0  }
0xb7: {  	[sflag:s5] =	ssyncadd.s32 @p2 $0xFFFFFB00;
	s5 =	sor.u32 @p3 $0x1C02, s6;
	s6 =	sshrl.u32 @p3 s29, $0x3  }
0xb8: {  	[hbm:s17], [sflag:s5] =	dma.local @p3 [spmem:s6], $0x500  }
.Ltmp2:
0xb9: {  	_ = 	snop;
	(pc) =	sbr.rel @p5 .LBB2_1-.Ltmp2, $4  }
0xba: {  	s5 =	simm.s32 @p3 $0x2  }
0xbb: {  	_ =	swait.ge @p3 [sflag:s5], $0x500  }
0xbc: {  	[sflag:s5] =	ssyncset.done @p3 $0x0  }
0xbd: {  	[sflag:s5] =	ssyncadd.s32 @p3 $0xFFFFFB00  }
0xbe: {  	_ =	sfence.sel $0x180000  }
0xbf: {  	[bflag:$0x0] =	sbarrier.arrive $0xFFFF  }
0xc0: {  	_ =	strace $0x90000050  }
0xc1: {  	[bflag:$0x2] =	sbarrier.arrive $0xFFFF  }
0xc2: {  	p0 =	sne.s32 s0, $0x0;
	s0 =	rddreg [dreg:$0x3]  }
0xc3: {  	s0 =	sadd.s32 @!p0 $0x100000, s0  }
0xc4: {  	[sflag:s0] =	ssyncadd.tile.s32 @!p0 $0x1;
	_ =	shalt  }
.Lfunc_end2:
_tile_overlayer_lowered:
.L_overlay_start_2:
0xc5: {  	(tag) =	ssettag $0x2  }
0xc6: {  	s0 =	rddreg [dreg:$0x0];
	s2 =	stileid.u32  }
0xc7: {  	s1 =	rddreg [dreg:$0x1];
	p0 =	sne.s32 s2, $0x0  }
0xc8: {  	s3 =	rddreg [dreg:$0x2];
	[bflag:$0x3] =	sbarrier.arrive $0xFFFF;
	s2 =	simm.s32 @!p0 $0x1C02  }
0xc9: {  	[timem:s3], [sflag:s2] =	dma.local @!p0 [hbm:s0], s1  }
0xca: {  	s0 =	simm.s32 @!p0 $0x2  }
0xcb: {  	_ =	swait.ge @!p0 [sflag:s0], s1  }
0xcc: {  	s1 =	ssub.s32 @!p0 $0x0, s1;
	[sflag:s0] =	ssyncset.done @!p0 $0x0  }
0xcd: {  	[sflag:s0] =	ssyncadd.s32 @!p0 s1  }
0xce: {  	[bflag:$0x3] =	sbarrier.arrive $0xFFFF  }
0xcf: {  	_ =	shalt  }

</sc_bundles>
